<compile_context>
chip_gen: v7x
topology: tpu7x:2x2x1
jax: 0.10.2.dev20260603
libtpu: 0.0.44.dev20260713+nightly
codegen_flags: <defaults>
</compile_context>

<pallas_src>
import functools

import jax
import jax.numpy as jnp
from jax import lax
from jax.experimental import pallas as pl
from jax.experimental.pallas import tpu as pltpu
from jax.experimental.pallas import tpu_sc as plsc

N = 100000
E = 1600000
IN_DIM = 128
OUT = 32
H = 16
NS = 16
NPAD = 100352
RPT = NPAD // NS
RCH = 128
ECH = 256
NCH = 392
EPAD = NS * ECH * NCH
SUB = 128


def _rsqrt16(d):
    s = jnp.float32(0.25) * d + jnp.float32(1.0)
    for _ in range(8):
        s = jnp.float32(0.5) * (s + d / s)
    return jnp.float32(1.0) / s


def _sc_body(h2, rall, call, wall,
             cat6, g,
             acc, deg,
             ebuf_r, ebuf_c, ebuf_w,
             gidx2, sidx2, wsub2,
             grows2,
             dense2, dslice2, vones,
             semstage, semg, sems, semd, semdr, semdw):
    c = lax.axis_index("c")
    s = lax.axis_index("s")
    row0 = s * RPT
    goff = c * NPAD
    NSUB = ECH // SUB
    NQ = RPT // RCH

    for j in range(RCH // 16):
        vones[pl.ds(j * 16, 16)] = jnp.full((16,), 1.0, jnp.float32)

    def _issue_stage(st, b):
        pltpu.async_copy(rall.at[pl.ds(st, ECH)], ebuf_r.at[b], semstage)
        pltpu.async_copy(call.at[pl.ds(st, ECH)], ebuf_c.at[b], semstage)
        pltpu.async_copy(wall.at[pl.ds(st, ECH)], ebuf_w.at[b], semstage)

    def _drain_stage():
        pltpu.make_async_copy(rall.at[pl.ds(0, ECH)], ebuf_r.at[0], semstage).wait()
        pltpu.make_async_copy(call.at[pl.ds(0, ECH)], ebuf_c.at[0], semstage).wait()
        pltpu.make_async_copy(wall.at[pl.ds(0, ECH)], ebuf_w.at[0], semstage).wait()

    def _compute_idx(b, sub, need_gidx):
        for gq in range(SUB // 16):
            o = sub * SUB + gq * 16
            rv = ebuf_r[b, pl.ds(o, 16)]
            cv = ebuf_c[b, pl.ds(o, 16)]
            wv = ebuf_w[b, pl.ds(o, 16)]
            w1 = jnp.where(rv == cv, jnp.float32(0.0), wv)
            wsub2[b, sub, pl.ds(gq * 16, 16)] = w1
            sidx2[b, sub, pl.ds(gq * 16, 16)] = cv
            if need_gidx:
                gidx2[b, sub, pl.ds(gq * 16, 16)] = rv + goff

    def _drain_deg_scatters(p):
        for _ in range(NSUB):
            pltpu.make_async_copy(wsub2.at[0, 0], deg.at[sidx2.at[0, 0]],
                                  semd.at[p]).wait()

    def _drain_gathers(p):
        for _ in range(NSUB):
            pltpu.make_async_copy(g.at[gidx2.at[0, 0]], grows2.at[0, 0],
                                  semg.at[p]).wait()

    def _drain_acc_scatters(p):
        for _ in range(NSUB):
            pltpu.make_async_copy(grows2.at[0, 0], acc.at[sidx2.at[0, 0]],
                                  sems.at[p]).wait()

    def _set(k, _):
        ebase = k * EPAD + s * (ECH * NCH)

        def _p0(q, _):
            pltpu.sync_copy(vones, deg.at[pl.ds(row0 + q * RCH, RCH)])
            return 0
        lax.fori_loop(0, NQ, _p0, 0)
        plsc.subcore_barrier()

        _issue_stage(ebase, 0)

        def _p1(i, _):
            b = i % 2
            _drain_stage()

            @pl.when(i + 1 < NCH)
            def _():
                _issue_stage(ebase + (i + 1) * ECH, 1 - b)

            @pl.when(i >= 2)
            def _():
                _drain_deg_scatters(b)

            def _p1s(sub, _):
                _compute_idx(b, sub, False)
                pltpu.async_copy(wsub2.at[b, sub], deg.at[sidx2.at[b, sub]],
                                 semd.at[b], add=True)
                return 0
            lax.fori_loop(0, NSUB, _p1s, 0)
            return 0
        lax.fori_loop(0, NCH, _p1, 0)
        _drain_deg_scatters(0)
        _drain_deg_scatters(1)
        plsc.subcore_barrier()

        pltpu.async_copy(h2.at[c, pl.ds(row0, RCH), :], dense2.at[0], semdr)

        def _p2(q, _):
            b = q % 2
            pltpu.make_async_copy(h2.at[0, pl.ds(0, RCH), :], dense2.at[0],
                                  semdr).wait()

            @pl.when(q >= 1)
            def _():
                pltpu.make_async_copy(dense2.at[0], g.at[pl.ds(0, RCH), :],
                                      semdw).wait()

            @pl.when(q + 1 < NQ)
            def _():
                pltpu.async_copy(h2.at[c, pl.ds(row0 + (q + 1) * RCH, RCH), :],
                                 dense2.at[1 - b], semdr)

            r0 = row0 + q * RCH
            pltpu.sync_copy(deg.at[pl.ds(r0, RCH)], dslice2.at[b])
            for j in range(RCH // 16):
                d = dslice2[b, pl.ds(j * 16, 16)]
                dslice2[b, pl.ds(j * 16, 16)] = _rsqrt16(d)
            pltpu.sync_copy(dslice2.at[b], deg.at[pl.ds(r0, RCH)])

            def _rs(m, _):
                dv = dslice2[b, pl.ds(m * 16, 16)]
                for j in range(16):
                    n = m * 16 + j
                    dense2[b, n, :] = dense2[b, n, :] * dv[j]
                return 0
            lax.fori_loop(0, RCH // 16, _rs, 0)

            pltpu.async_copy(dense2.at[b], g.at[pl.ds(goff + r0, RCH), :],
                             semdw)
            pltpu.sync_copy(dense2.at[b], acc.at[pl.ds(r0, RCH), :])
            return 0
        lax.fori_loop(0, NQ, _p2, 0)
        pltpu.make_async_copy(dense2.at[0], g.at[pl.ds(0, RCH), :],
                              semdw).wait()
        plsc.subcore_barrier()

        _issue_stage(ebase, 0)

        def _p3(i, _):
            b = i % 2

            @pl.when(i < NCH)
            def _():
                _drain_stage()

                @pl.when(i + 1 < NCH)
                def _():
                    _issue_stage(ebase + (i + 1) * ECH, 1 - b)

                @pl.when(i >= 2)
                def _():
                    _drain_acc_scatters(b)

                def _p3a(sub, _):
                    _compute_idx(b, sub, True)
                    pltpu.async_copy(g.at[gidx2.at[b, sub]],
                                     grows2.at[b, sub], semg.at[b])
                    return 0
                lax.fori_loop(0, NSUB, _p3a, 0)

            @pl.when(i > 0)
            def _():
                pb = 1 - b
                _drain_gathers(pb)

                def _p3b(sub, _):
                    def _sc(q, _):
                        wv = wsub2[pb, sub, pl.ds(q * 16, 16)]
                        for u in range(16):
                            brow = q * 16 + u
                            grows2[pb, sub, brow, :] = (
                                grows2[pb, sub, brow, :] * wv[u])
                        return 0
                    lax.fori_loop(0, SUB // 16, _sc, 0)
                    pltpu.async_copy(grows2.at[pb, sub],
                                     acc.at[sidx2.at[pb, sub]],
                                     sems.at[pb], add=True)
                    return 0
                lax.fori_loop(0, NSUB, _p3b, 0)
            return 0
        lax.fori_loop(0, NCH + 1, _p3, 0)
        _drain_acc_scatters(0)
        _drain_acc_scatters(1)
        plsc.subcore_barrier()

        def _p4(q, _):
            b = q % 2
            r0 = row0 + q * RCH

            @pl.when(q >= 2)
            def _():
                pltpu.make_async_copy(dense2.at[0],
                                      cat6.at[pl.ds(0, RCH), pl.ds(0, H)],
                                      semdw).wait()

            pltpu.sync_copy(acc.at[pl.ds(r0, RCH), :], dense2.at[b])
            pltpu.sync_copy(deg.at[pl.ds(r0, RCH)], dslice2.at[b])

            def _rs(m, _):
                dv = dslice2[b, pl.ds(m * 16, 16)]
                for j in range(16):
                    n = m * 16 + j
                    dense2[b, n, :] = dense2[b, n, :] * dv[j]
                return 0
            lax.fori_loop(0, RCH // 16, _rs, 0)
            pltpu.async_copy(dense2.at[b],
                             cat6.at[pl.ds(r0, RCH),
                                     pl.ds(k * 32 + c * H, H)], semdw)
            return 0
        lax.fori_loop(0, NQ, _p4, 0)
        pltpu.make_async_copy(dense2.at[0],
                              cat6.at[pl.ds(0, RCH), pl.ds(0, H)],
                              semdw).wait()
        pltpu.make_async_copy(dense2.at[0],
                              cat6.at[pl.ds(0, RCH), pl.ds(0, H)],
                              semdw).wait()
        plsc.subcore_barrier()
        return 0

    lax.fori_loop(0, 3, _set, 0)


def _sc_call(h2, rall, call, wall):
    mesh = plsc.VectorSubcoreMesh(core_axis_name="c", subcore_axis_name="s")
    f = pl.kernel(
        _sc_body,
        out_type=(jax.ShapeDtypeStruct((NPAD, 3 * OUT), jnp.float32),
                  jax.ShapeDtypeStruct((2 * NPAD, H), jnp.float32)),
        mesh=mesh,
        compiler_params=pltpu.CompilerParams(use_tc_tiling_on_sc=False),
        scratch_types=[
            pltpu.VMEM_SHARED((NPAD, H), jnp.float32),
            pltpu.VMEM_SHARED((NPAD,), jnp.float32),
            pltpu.VMEM((2, ECH), jnp.int32),
            pltpu.VMEM((2, ECH), jnp.int32),
            pltpu.VMEM((2, ECH), jnp.float32),
            pltpu.VMEM((2, ECH // SUB, SUB), jnp.int32),
            pltpu.VMEM((2, ECH // SUB, SUB), jnp.int32),
            pltpu.VMEM((2, ECH // SUB, SUB), jnp.float32),
            pltpu.VMEM((2, ECH // SUB, SUB, H), jnp.float32),
            pltpu.VMEM((2, RCH, H), jnp.float32),
            pltpu.VMEM((2, RCH), jnp.float32),
            pltpu.VMEM((RCH,), jnp.float32),
            pltpu.SemaphoreType.DMA,
            pltpu.SemaphoreType.DMA((2,)),
            pltpu.SemaphoreType.DMA((2,)),
            pltpu.SemaphoreType.DMA((2,)),
            pltpu.SemaphoreType.DMA,
            pltpu.SemaphoreType.DMA,
        ],
    )
    return f(h2, rall, call, wall)


def _mm1_body(x_ref, w_ref, o_ref):
    x = x_ref[...]
    o_ref[0] = jnp.dot(x, w_ref[0], preferred_element_type=jnp.float32)
    o_ref[1] = jnp.dot(x, w_ref[1], preferred_element_type=jnp.float32)


def _mm1(xp, W1h):
    blk = 2048
    return pl.pallas_call(
        _mm1_body,
        grid=(NPAD // blk,),
        in_specs=[pl.BlockSpec((blk, IN_DIM), lambda i: (i, 0)),
                  pl.BlockSpec((2, IN_DIM, H), lambda i: (0, 0, 0))],
        out_specs=pl.BlockSpec((2, blk, H), lambda i: (0, i, 0)),
        out_shape=jax.ShapeDtypeStruct((2, NPAD, H), jnp.float32),
    )(xp, W1h)


def _fin_body(cat_ref, w_ref, b_ref, o_ref):
    o_ref[...] = jnp.dot(cat_ref[...], w_ref[...],
                         preferred_element_type=jnp.float32) + b_ref[...]


def _final(cat, WcT, bc2):
    blk = 2048
    return pl.pallas_call(
        _fin_body,
        grid=(NPAD // blk,),
        in_specs=[pl.BlockSpec((blk, 3 * OUT), lambda i: (i, 0)),
                  pl.BlockSpec((3 * OUT, OUT), lambda i: (0, 0)),
                  pl.BlockSpec((1, OUT), lambda i: (0, 0))],
        out_specs=pl.BlockSpec((blk, OUT), lambda i: (i, 0)),
        out_shape=jax.ShapeDtypeStruct((NPAD, OUT), jnp.float32),
    )(cat, WcT, bc2)


def kernel(x, edge_index, edge_in, in_w, edge_out, out_w, W1, bias1, Wc, bc):
    xp = jnp.pad(x, ((0, NPAD - N), (0, 0)))
    W1h = W1.T.reshape(2, H, IN_DIM).transpose(0, 2, 1)
    h2 = _mm1(xp, W1h)

    ez = jnp.zeros((EPAD - E,), jnp.int32)
    wz = jnp.zeros((EPAD - E,), jnp.float32)
    rall = jnp.concatenate([edge_index[0], ez, edge_in[0], ez, edge_out[0], ez])
    call = jnp.concatenate([edge_index[1], ez, edge_in[1], ez, edge_out[1], ez])
    wall = jnp.concatenate([jnp.ones((E,), jnp.float32), wz, in_w, wz, out_w, wz])

    cat, _ = _sc_call(h2, rall, call, wall)

    bc2 = (bc + jnp.tile(bias1[0], 3) @ Wc.T)[None, :]
    out = _final(cat, Wc.T, bc2)
    return out[:N]

# --- scband reference (transcript-rebuilt; emitter-appended) ---
"""Pipeline reference for scband-sym-reg-layer1-39926015983921 (READ-ONLY COPY).

The authoritative reference and input builder live on the scoring server;
editing this copy changes nothing except your own understanding.
"""

import jax, jax.numpy as jnp
import numpy as np

N = 100000
E = 1600000
IN_DIM = 128
OUT_DIM = 32


def _gcn_prop(x, edge_index, edge_weight, num_nodes):
    # Faithful to torch_geometric gcn_norm(add_self_loops=True) + add-aggregation.
    row = edge_index[0]
    col = edge_index[1]
    e = row.shape[0]
    if edge_weight is None:
        edge_weight = jnp.ones((e,), dtype=x.dtype)
    # add_remaining_self_loops removes existing self loops then appends all
    # loops with weight 1.0; zeroing the weight of existing self-loop edges is
    # mathematically equivalent to removing them.
    w = jnp.where(row == col, jnp.zeros_like(edge_weight), edge_weight)
    loop = jnp.arange(num_nodes, dtype=row.dtype)
    row2 = jnp.concatenate([row, loop])
    col2 = jnp.concatenate([col, loop])
    w2 = jnp.concatenate([w, jnp.ones((num_nodes,), dtype=x.dtype)])
    deg = jax.ops.segment_sum(w2, col2, num_segments=num_nodes)
    deg_inv_sqrt = jnp.where(deg == 0, jnp.zeros_like(deg), deg ** -0.5)
    norm = deg_inv_sqrt[row2] * w2 * deg_inv_sqrt[col2]
    msg = norm[:, None] * x[row2]
    return jax.ops.segment_sum(msg, col2, num_segments=num_nodes)


def setup_inputs(seed: int = 0) -> dict:
    key = jax.random.key(seed)
    ks = jax.random.split(key, 10)
    x = jax.random.normal(ks[0], (N, IN_DIM), dtype=jnp.float32)
    edge_index = jax.random.randint(ks[1], (2, E), 0, N)
    edge_in = jax.random.randint(ks[2], (2, E), 0, N)
    in_w = jax.random.uniform(ks[3], (E,), dtype=jnp.float32)
    edge_out = jax.random.randint(ks[4], (2, E), 0, N)
    out_w = jax.random.uniform(ks[5], (E,), dtype=jnp.float32)
    # lin1: Linear(input_dim, out_dim, bias=False); store as [in, out]
    W1 = jax.random.normal(ks[6], (IN_DIM, OUT_DIM), dtype=jnp.float32) * 0.05
    bias1 = jnp.zeros((1, OUT_DIM), dtype=jnp.float32)
    # Conv1d(out_dim*3, out_dim, kernel_size=1) == linear [out, 3*out]
    Wc = jax.random.normal(ks[7], (OUT_DIM, 3 * OUT_DIM), dtype=jnp.float32) * 0.05
    bc = jnp.zeros((OUT_DIM,), dtype=jnp.float32)
    return {"x": x, "edge_index": edge_index, "edge_in": edge_in,
            "in_w": in_w, "edge_out": edge_out, "out_w": out_w,
            "W1": W1, "bias1": bias1, "Wc": Wc, "bc": bc}


def reference(x, edge_index, edge_in, in_w, edge_out, out_w, W1, bias1, Wc, bc):
    h = x @ W1
    x1 = _gcn_prop(h, edge_index, None, N) + bias1
    x2 = _gcn_prop(h, edge_in, in_w, N) + bias1
    x3 = _gcn_prop(h, edge_out, out_w, N) + bias1
    cat = jnp.concatenate([x1, x2, x3], axis=-1)  # [N, 3*out_dim]
    # Conv1d with kernel_size=1 over sequence dim == pointwise linear
    out = cat @ Wc.T + bc  # [N, out_dim]
    return out

if __name__ == "__main__":
    import jax
    _d = setup_inputs()
    print(jax.jit(kernel)(*tuple(_d.values())))

</pallas_src>

<mosaic_0001>
#map = affine_map<(d0, d1) -> (0, 0, 0)>
#map1 = affine_map<(d0, d1) -> (0)>
#map2 = affine_map<(d0, d1) -> (0, 0)>
module attributes {stable_mosaic.version = 14 : i64} {
  func.func @_sc_body(%arg0: i32, %arg1: i32, %arg2: memref<2x100352x16xf32, #tpu.memory_space<hbm>>, %arg3: memref<4816896xi32, #tpu.memory_space<hbm>>, %arg4: memref<4816896xi32, #tpu.memory_space<hbm>>, %arg5: memref<4816896xf32, #tpu.memory_space<hbm>>, %arg6: memref<100352x96xf32, #tpu.memory_space<hbm>>, %arg7: memref<200704x16xf32, #tpu.memory_space<hbm>>, %arg8: memref<100352x16xf32, #tpu.memory_space<vmem_shared>>, %arg9: memref<100352xf32, #tpu.memory_space<vmem_shared>>, %arg10: memref<2x256xi32, #tpu.memory_space<vmem>>, %arg11: memref<2x256xi32, #tpu.memory_space<vmem>>, %arg12: memref<2x256xf32, #tpu.memory_space<vmem>>, %arg13: memref<2x2x128xi32, #tpu.memory_space<vmem>>, %arg14: memref<2x2x128xi32, #tpu.memory_space<vmem>>, %arg15: memref<2x2x128xf32, #tpu.memory_space<vmem>>, %arg16: memref<2x2x128x16xf32, #tpu.memory_space<vmem>>, %arg17: memref<2x128x16xf32, #tpu.memory_space<vmem>>, %arg18: memref<2x128xf32, #tpu.memory_space<vmem>>, %arg19: memref<128xf32, #tpu.memory_space<vmem>>, %arg20: memref<!tpu.dma_semaphore, #tpu.memory_space<semaphore_mem>>, %arg21: memref<2x!tpu.dma_semaphore, #tpu.memory_space<semaphore_mem>>, %arg22: memref<2x!tpu.dma_semaphore, #tpu.memory_space<semaphore_mem>>, %arg23: memref<2x!tpu.dma_semaphore, #tpu.memory_space<semaphore_mem>>, %arg24: memref<!tpu.dma_semaphore, #tpu.memory_space<semaphore_mem>>, %arg25: memref<!tpu.dma_semaphore, #tpu.memory_space<semaphore_mem>>) attributes {dimension_semantics = [#tpu.dimension_semantics<core_parallel>, #tpu.dimension_semantics<subcore_parallel>], iteration_bounds = array<i64: 2, 16>, scalar_prefetch = 0 : i64, scratch_operands = 18 : i64, tpu.core_type = #tpu.core_type<sc_vector_subcore>, window_params = [{transform_indices = #map}, {transform_indices = #map1}, {transform_indices = #map1}, {transform_indices = #map1}, {transform_indices = #map2}, {transform_indices = #map2}]} {
    %mul3A = arith.constant 6272 : i32
    %mul3A_0 = arith.muli %arg1, %mul3A : i32
    %mul3A_1 = arith.constant 100352 : i32
    %mul3A_2 = arith.muli %arg0, %mul3A_1 : i32
    %broadcast_in_dim3A = arith.constant 1.000000e+00 : f32
    %broadcast_in_dim3A_3 = vector.broadcast %broadcast_in_dim3A : f32 to vector<16xf32>
    %swap3A = arith.constant 0 : index
    %swap3A_4 = tpu.vector_load %arg19[%swap3A] {strides = array<i32>} : memref<128xf32, #tpu.memory_space<vmem>>, vector<16xf32>,
    %swap3A_5 = vector.shape_cast %swap3A_4 : vector<16xf32> to vector<16xf32>
    %swap3A_6 = vector.shape_cast %broadcast_in_dim3A_3 : vector<16xf32> to vector<16xf32>
    tpu.vector_store %arg19[%swap3A], %swap3A_6 {strides = array<i32>} : memref<128xf32, #tpu.memory_space<vmem>>, vector<16xf32>,
    %broadcast_in_dim3A_7 = arith.constant 1.000000e+00 : f32
    %broadcast_in_dim3A_8 = vector.broadcast %broadcast_in_dim3A_7 : f32 to vector<16xf32>
    %swap3A_9 = arith.constant 16 : index
    %swap3A_10 = tpu.vector_load %arg19[%swap3A_9] {strides = array<i32>} : memref<128xf32, #tpu.memory_space<vmem>>, vector<16xf32>,
    %swap3A_11 = vector.shape_cast %swap3A_10 : vector<16xf32> to vector<16xf32>
    %swap3A_12 = vector.shape_cast %broadcast_in_dim3A_8 : vector<16xf32> to vector<16xf32>
    tpu.vector_store %arg19[%swap3A_9], %swap3A_12 {strides = array<i32>} : memref<128xf32, #tpu.memory_space<vmem>>, vector<16xf32>,
    %broadcast_in_dim3A_13 = arith.constant 1.000000e+00 : f32
    %broadcast_in_dim3A_14 = vector.broadcast %broadcast_in_dim3A_13 : f32 to vector<16xf32>
    %swap3A_15 = arith.constant 32 : index
    %swap3A_16 = tpu.vector_load %arg19[%swap3A_15] {strides = array<i32>} : memref<128xf32, #tpu.memory_space<vmem>>, vector<16xf32>,
    %swap3A_17 = vector.shape_cast %swap3A_16 : vector<16xf32> to vector<16xf32>
    %swap3A_18 = vector.shape_cast %broadcast_in_dim3A_14 : vector<16xf32> to vector<16xf32>
    tpu.vector_store %arg19[%swap3A_15], %swap3A_18 {strides = array<i32>} : memref<128xf32, #tpu.memory_space<vmem>>, vector<16xf32>,
    %broadcast_in_dim3A_19 = arith.constant 1.000000e+00 : f32
    %broadcast_in_dim3A_20 = vector.broadcast %broadcast_in_dim3A_19 : f32 to vector<16xf32>
    %swap3A_21 = arith.constant 48 : index
    %swap3A_22 = tpu.vector_load %arg19[%swap3A_21] {strides = array<i32>} : memref<128xf32, #tpu.memory_space<vmem>>, vector<16xf32>,
    %swap3A_23 = vector.shape_cast %swap3A_22 : vector<16xf32> to vector<16xf32>
    %swap3A_24 = vector.shape_cast %broadcast_in_dim3A_20 : vector<16xf32> to vector<16xf32>
    tpu.vector_store %arg19[%swap3A_21], %swap3A_24 {strides = array<i32>} : memref<128xf32, #tpu.memory_space<vmem>>, vector<16xf32>,
    %broadcast_in_dim3A_25 = arith.constant 1.000000e+00 : f32
    %broadcast_in_dim3A_26 = vector.broadcast %broadcast_in_dim3A_25 : f32 to vector<16xf32>
    %swap3A_27 = arith.constant 64 : index
    %swap3A_28 = tpu.vector_load %arg19[%swap3A_27] {strides = array<i32>} : memref<128xf32, #tpu.memory_space<vmem>>, vector<16xf32>,
    %swap3A_29 = vector.shape_cast %swap3A_28 : vector<16xf32> to vector<16xf32>
    %swap3A_30 = vector.shape_cast %broadcast_in_dim3A_26 : vector<16xf32> to vector<16xf32>
    tpu.vector_store %arg19[%swap3A_27], %swap3A_30 {strides = array<i32>} : memref<128xf32, #tpu.memory_space<vmem>>, vector<16xf32>,
    %broadcast_in_dim3A_31 = arith.constant 1.000000e+00 : f32
    %broadcast_in_dim3A_32 = vector.broadcast %broadcast_in_dim3A_31 : f32 to vector<16xf32>
    %swap3A_33 = arith.constant 80 : index
    %swap3A_34 = tpu.vector_load %arg19[%swap3A_33] {strides = array<i32>} : memref<128xf32, #tpu.memory_space<vmem>>, vector<16xf32>,
    %swap3A_35 = vector.shape_cast %swap3A_34 : vector<16xf32> to vector<16xf32>
    %swap3A_36 = vector.shape_cast %broadcast_in_dim3A_32 : vector<16xf32> to vector<16xf32>
    tpu.vector_store %arg19[%swap3A_33], %swap3A_36 {strides = array<i32>} : memref<128xf32, #tpu.memory_space<vmem>>, vector<16xf32>,
    %broadcast_in_dim3A_37 = arith.constant 1.000000e+00 : f32
    %broadcast_in_dim3A_38 = vector.broadcast %broadcast_in_dim3A_37 : f32 to vector<16xf32>
    %swap3A_39 = arith.constant 96 : index
    %swap3A_40 = tpu.vector_load %arg19[%swap3A_39] {strides = array<i32>} : memref<128xf32, #tpu.memory_space<vmem>>, vector<16xf32>,
    %swap3A_41 = vector.shape_cast %swap3A_40 : vector<16xf32> to vector<16xf32>
    %swap3A_42 = vector.shape_cast %broadcast_in_dim3A_38 : vector<16xf32> to vector<16xf32>
    tpu.vector_store %arg19[%swap3A_39], %swap3A_42 {strides = array<i32>} : memref<128xf32, #tpu.memory_space<vmem>>, vector<16xf32>,
    %broadcast_in_dim3A_43 = arith.constant 1.000000e+00 : f32
    %broadcast_in_dim3A_44 = vector.broadcast %broadcast_in_dim3A_43 : f32 to vector<16xf32>
    %swap3A_45 = arith.constant 112 : index
    %swap3A_46 = tpu.vector_load %arg19[%swap3A_45] {strides = array<i32>} : memref<128xf32, #tpu.memory_space<vmem>>, vector<16xf32>,
    %swap3A_47 = vector.shape_cast %swap3A_46 : vector<16xf32> to vector<16xf32>
    %swap3A_48 = vector.shape_cast %broadcast_in_dim3A_44 : vector<16xf32> to vector<16xf32>
    tpu.vector_store %arg19[%swap3A_45], %swap3A_48 {strides = array<i32>} : memref<128xf32, #tpu.memory_space<vmem>>, vector<16xf32>,
    %scan3A = arith.constant 0 : i32
    %scan3A_49 = arith.constant 0 : i32
    %scan3A_50 = arith.constant 3 : i32
    %scan3A_51 = arith.addi %scan3A_49, %scan3A_50 : i32
    %scan3A_52 = arith.constant 1 : i32
    %scan3A_53 = scf.for %scan3A_55 = %scan3A_49 to %scan3A_51 step %scan3A_52 iter_args(%scan3A_56 = %scan3A) -> (i32)  : i32 {
      %mul3A_57 = arith.constant 1605632 : i32
      %mul3A_58 = arith.muli %scan3A_55, %mul3A_57 : i32
      %mul3A_59 = arith.constant 100352 : i32
      %mul3A_60 = arith.muli %arg1, %mul3A_59 : i32
      %add3A = arith.addi %mul3A_58, %mul3A_60 : i32
      %scan3A_61 = arith.constant 0 : i32
      %scan3A_62 = arith.constant 0 : i32
      %scan3A_63 = arith.constant 49 : i32
      %scan3A_64 = arith.addi %scan3A_62, %scan3A_63 : i32
      %scan3A_65 = arith.constant 1 : i32
      %scan3A_66 = scf.for %scan3A_341 = %scan3A_62 to %scan3A_64 step %scan3A_65 iter_args(%scan3A_342 = %scan3A_61) -> (i32)  : i32 {
        %mul3A_343 = arith.constant 128 : i32
        %mul3A_344 = arith.muli %scan3A_341, %mul3A_343 : i32
        %add3A_345 = arith.addi %mul3A_0, %mul3A_344 : i32
        "tpu.region"() ({
          %run_scoped3A = tpu.sem_alloc : memref<!tpu.dma_semaphore, #tpu.memory_space<semaphore_mem>>
          %dma_start3A_347 = tpu.memref_slice %arg9[%add3A_345] : memref<100352xf32, #tpu.memory_space<vmem_shared>> -> memref<128xf32, #tpu.memory_space<vmem_shared>>
          %dma_start3A_348 = tpu.memref_slice %arg9[%add3A_345] : memref<100352xf32, #tpu.memory_space<vmem_shared>> -> memref<128xf32, #tpu.memory_space<vmem_shared>>
          tpu.enqueue_dma source(%arg19 : memref<128xf32, #tpu.memory_space<vmem>>) target(%dma_start3A_348 : memref<128xf32, #tpu.memory_space<vmem_shared>>) target_semaphore(%run_scoped3A : memref<!tpu.dma_semaphore, #tpu.memory_space<semaphore_mem>>)
          %dma_wait3A_349 = tpu.memref_slice %arg9[%add3A_345] : memref<100352xf32, #tpu.memory_space<vmem_shared>> -> memref<128xf32, #tpu.memory_space<vmem_shared>>
          %dma_wait3A_350 = tpu.memref_slice %arg9[%add3A_345] : memref<100352xf32, #tpu.memory_space<vmem_shared>> -> memref<128xf32, #tpu.memory_space<vmem_shared>>
          tpu.wait_dma2 semaphore(%run_scoped3A : memref<!tpu.dma_semaphore, #tpu.memory_space<semaphore_mem>>) src(%arg19 : memref<128xf32, #tpu.memory_space<vmem>>) dst(%dma_wait3A_350 : memref<128xf32, #tpu.memory_space<vmem_shared>>)
          tpu.yield
        }) : () -> ()
        %scan3A_346 = arith.constant 0 : i32
        scf.yield %scan3A_346 : i32
      }
      %scan3A_67 = arith.constant 49 : i32
      %barrier3A = arith.constant 0 : index
      tpu.barrier barrier_id(%barrier3A)
      %dma_start3A = arith.constant 0 : i32
      %dma_start3A_68 = arith.constant 0 : i32
      %dma_start3A_69 = tpu.memref_slice %arg10[%dma_start3A, %dma_start3A_68] : memref<2x256xi32, #tpu.memory_space<vmem>> -> memref<1x256xi32, #tpu.memory_space<vmem>>
      %dma_start3A_70 = tpu.memref_squeeze %dma_start3A_69 : memref<1x256xi32, #tpu.memory_space<vmem>> -> memref<256xi32, #tpu.memory_space<vmem>>
      %dma_start3A_71 = tpu.memref_slice %arg3[%add3A] : memref<4816896xi32, #tpu.memory_space<hbm>> -> memref<256xi32, #tpu.memory_space<hbm>>
      %dma_start3A_72 = arith.constant 0 : i32
      %dma_start3A_73 = tpu.memref_slice %arg10[%dma_start3A, %dma_start3A_72] : memref<2x256xi32, #tpu.memory_space<vmem>> -> memref<1x256xi32, #tpu.memory_space<vmem>>
      %dma_start3A_74 = tpu.memref_squeeze %dma_start3A_73 : memref<1x256xi32, #tpu.memory_space<vmem>> -> memref<256xi32, #tpu.memory_space<vmem>>
      %dma_start3A_75 = tpu.memref_slice %arg3[%add3A] : memref<4816896xi32, #tpu.memory_space<hbm>> -> memref<256xi32, #tpu.memory_space<hbm>>
      tpu.enqueue_dma source(%dma_start3A_75 : memref<256xi32, #tpu.memory_space<hbm>>) target(%dma_start3A_74 : memref<256xi32, #tpu.memory_space<vmem>>) target_semaphore(%arg20 : memref<!tpu.dma_semaphore, #tpu.memory_space<semaphore_mem>>)
      %dma_start3A_76 = arith.constant 0 : i32
      %dma_start3A_77 = arith.constant 0 : i32
      %dma_start3A_78 = tpu.memref_slice %arg11[%dma_start3A_76, %dma_start3A_77] : memref<2x256xi32, #tpu.memory_space<vmem>> -> memref<1x256xi32, #tpu.memory_space<vmem>>
      %dma_start3A_79 = tpu.memref_squeeze %dma_start3A_78 : memref<1x256xi32, #tpu.memory_space<vmem>> -> memref<256xi32, #tpu.memory_space<vmem>>
      %dma_start3A_80 = tpu.memref_slice %arg4[%add3A] : memref<4816896xi32, #tpu.memory_space<hbm>> -> memref<256xi32, #tpu.memory_space<hbm>>
      %dma_start3A_81 = arith.constant 0 : i32
      %dma_start3A_82 = tpu.memref_slice %arg11[%dma_start3A_76, %dma_start3A_81] : memref<2x256xi32, #tpu.memory_space<vmem>> -> memref<1x256xi32, #tpu.memory_space<vmem>>
      %dma_start3A_83 = tpu.memref_squeeze %dma_start3A_82 : memref<1x256xi32, #tpu.memory_space<vmem>> -> memref<256xi32, #tpu.memory_space<vmem>>
      %dma_start3A_84 = tpu.memref_slice %arg4[%add3A] : memref<4816896xi32, #tpu.memory_space<hbm>> -> memref<256xi32, #tpu.memory_space<hbm>>
      tpu.enqueue_dma source(%dma_start3A_84 : memref<256xi32, #tpu.memory_space<hbm>>) target(%dma_start3A_83 : memref<256xi32, #tpu.memory_space<vmem>>) target_semaphore(%arg20 : memref<!tpu.dma_semaphore, #tpu.memory_space<semaphore_mem>>)
      %dma_start3A_85 = arith.constant 0 : i32
      %dma_start3A_86 = arith.constant 0 : i32
      %dma_start3A_87 = tpu.memref_slice %arg12[%dma_start3A_85, %dma_start3A_86] : memref<2x256xf32, #tpu.memory_space<vmem>> -> memref<1x256xf32, #tpu.memory_space<vmem>>
      %dma_start3A_88 = tpu.memref_squeeze %dma_start3A_87 : memref<1x256xf32, #tpu.memory_space<vmem>> -> memref<256xf32, #tpu.memory_space<vmem>>
      %dma_start3A_89 = tpu.memref_slice %arg5[%add3A] : memref<4816896xf32, #tpu.memory_space<hbm>> -> memref<256xf32, #tpu.memory_space<hbm>>
      %dma_start3A_90 = arith.constant 0 : i32
      %dma_start3A_91 = tpu.memref_slice %arg12[%dma_start3A_85, %dma_start3A_90] : memref<2x256xf32, #tpu.memory_space<vmem>> -> memref<1x256xf32, #tpu.memory_space<vmem>>
      %dma_start3A_92 = tpu.memref_squeeze %dma_start3A_91 : memref<1x256xf32, #tpu.memory_space<vmem>> -> memref<256xf32, #tpu.memory_space<vmem>>
      %dma_start3A_93 = tpu.memref_slice %arg5[%add3A] : memref<4816896xf32, #tpu.memory_space<hbm>> -> memref<256xf32, #tpu.memory_space<hbm>>
      tpu.enqueue_dma source(%dma_start3A_93 : memref<256xf32, #tpu.memory_space<hbm>>) target(%dma_start3A_92 : memref<256xf32, #tpu.memory_space<vmem>>) target_semaphore(%arg20 : memref<!tpu.dma_semaphore, #tpu.memory_space<semaphore_mem>>)
      %scan3A_94 = arith.constant 0 : i32
      %scan3A_95 = arith.constant 0 : i32
      %scan3A_96 = arith.constant 392 : i32
      %scan3A_97 = arith.addi %scan3A_95, %scan3A_96 : i32
      %scan3A_98 = arith.constant 1 : i32
      %scan3A_99 = scf.for %scan3A_341 = %scan3A_95 to %scan3A_97 step %scan3A_98 iter_args(%scan3A_342 = %scan3A_94) -> (i32)  : i32 {
        %jit3A = arith.constant 2 : i32
        %eq3A = arith.constant 0 : i32
        %eq3A_343 = arith.cmpi eq, %jit3A, %eq3A : i32
        %jit3A_344 = arith.constant 1 : i32
        %select_n3A = arith.select %eq3A_343, %jit3A_344, %jit3A : i32
        %rem3A = arith.remsi %scan3A_341, %select_n3A : i32
        %ne3A = arith.constant 0 : i32
        %ne3A_345 = arith.cmpi ne, %rem3A, %ne3A : i32
        %lt3A = arith.constant 0 : i32
        %lt3A_346 = arith.cmpi slt, %rem3A, %lt3A : i32
        %lt3A_347 = arith.constant 0 : i32
        %lt3A_348 = arith.cmpi slt, %select_n3A, %lt3A_347 : i32
        %ne3A_349 = arith.xori %lt3A_346, %lt3A_348 : i1
        %and3A = arith.andi %ne3A_349, %ne3A_345 : i1
        %add3A_350 = arith.addi %rem3A, %select_n3A : i32
        %select_n3A_351 = arith.select %and3A, %add3A_350, %rem3A : i32
        %dma_wait3A_352 = arith.constant 0 : i32
        %dma_wait3A_353 = arith.constant 0 : i32
        %dma_wait3A_354 = tpu.memref_slice %arg10[%dma_wait3A_352, %dma_wait3A_353] : memref<2x256xi32, #tpu.memory_space<vmem>> -> memref<1x256xi32, #tpu.memory_space<vmem>>
        %dma_wait3A_355 = tpu.memref_squeeze %dma_wait3A_354 : memref<1x256xi32, #tpu.memory_space<vmem>> -> memref<256xi32, #tpu.memory_space<vmem>>
        %dma_wait3A_356 = arith.constant 0 : i32
        %dma_wait3A_357 = tpu.memref_slice %arg3[%dma_wait3A_356] : memref<4816896xi32, #tpu.memory_space<hbm>> -> memref<256xi32, #tpu.memory_space<hbm>>
        %dma_wait3A_358 = arith.constant 0 : i32
        %dma_wait3A_359 = tpu.memref_slice %arg10[%dma_wait3A_352, %dma_wait3A_358] : memref<2x256xi32, #tpu.memory_space<vmem>> -> memref<1x256xi32, #tpu.memory_space<vmem>>
        %dma_wait3A_360 = tpu.memref_squeeze %dma_wait3A_359 : memref<1x256xi32, #tpu.memory_space<vmem>> -> memref<256xi32, #tpu.memory_space<vmem>>
        %dma_wait3A_361 = arith.constant 0 : i32
        %dma_wait3A_362 = tpu.memref_slice %arg3[%dma_wait3A_361] : memref<4816896xi32, #tpu.memory_space<hbm>> -> memref<256xi32, #tpu.memory_space<hbm>>
        tpu.wait_dma2 semaphore(%arg20 : memref<!tpu.dma_semaphore, #tpu.memory_space<semaphore_mem>>) src(%dma_wait3A_362 : memref<256xi32, #tpu.memory_space<hbm>>) dst(%dma_wait3A_360 : memref<256xi32, #tpu.memory_space<vmem>>)
        %dma_wait3A_363 = arith.constant 0 : i32
        %dma_wait3A_364 = arith.constant 0 : i32
        %dma_wait3A_365 = tpu.memref_slice %arg11[%dma_wait3A_363, %dma_wait3A_364] : memref<2x256xi32, #tpu.memory_space<vmem>> -> memref<1x256xi32, #tpu.memory_space<vmem>>
        %dma_wait3A_366 = tpu.memref_squeeze %dma_wait3A_365 : memref<1x256xi32, #tpu.memory_space<vmem>> -> memref<256xi32, #tpu.memory_space<vmem>>
        %dma_wait3A_367 = arith.constant 0 : i32
        %dma_wait3A_368 = tpu.memref_slice %arg4[%dma_wait3A_367] : memref<4816896xi32, #tpu.memory_space<hbm>> -> memref<256xi32, #tpu.memory_space<hbm>>
        %dma_wait3A_369 = arith.constant 0 : i32
        %dma_wait3A_370 = tpu.memref_slice %arg11[%dma_wait3A_363, %dma_wait3A_369] : memref<2x256xi32, #tpu.memory_space<vmem>> -> memref<1x256xi32, #tpu.memory_space<vmem>>
        %dma_wait3A_371 = tpu.memref_squeeze %dma_wait3A_370 : memref<1x256xi32, #tpu.memory_space<vmem>> -> memref<256xi32, #tpu.memory_space<vmem>>
        %dma_wait3A_372 = arith.constant 0 : i32
        %dma_wait3A_373 = tpu.memref_slice %arg4[%dma_wait3A_372] : memref<4816896xi32, #tpu.memory_space<hbm>> -> memref<256xi32, #tpu.memory_space<hbm>>
        tpu.wait_dma2 semaphore(%arg20 : memref<!tpu.dma_semaphore, #tpu.memory_space<semaphore_mem>>) src(%dma_wait3A_373 : memref<256xi32, #tpu.memory_space<hbm>>) dst(%dma_wait3A_371 : memref<256xi32, #tpu.memory_space<vmem>>)
        %dma_wait3A_374 = arith.constant 0 : i32
        %dma_wait3A_375 = arith.constant 0 : i32
        %dma_wait3A_376 = tpu.memref_slice %arg12[%dma_wait3A_374, %dma_wait3A_375] : memref<2x256xf32, #tpu.memory_space<vmem>> -> memref<1x256xf32, #tpu.memory_space<vmem>>
        %dma_wait3A_377 = tpu.memref_squeeze %dma_wait3A_376 : memref<1x256xf32, #tpu.memory_space<vmem>> -> memref<256xf32, #tpu.memory_space<vmem>>
        %dma_wait3A_378 = arith.constant 0 : i32
        %dma_wait3A_379 = tpu.memref_slice %arg5[%dma_wait3A_378] : memref<4816896xf32, #tpu.memory_space<hbm>> -> memref<256xf32, #tpu.memory_space<hbm>>
        %dma_wait3A_380 = arith.constant 0 : i32
        %dma_wait3A_381 = tpu.memref_slice %arg12[%dma_wait3A_374, %dma_wait3A_380] : memref<2x256xf32, #tpu.memory_space<vmem>> -> memref<1x256xf32, #tpu.memory_space<vmem>>
        %dma_wait3A_382 = tpu.memref_squeeze %dma_wait3A_381 : memref<1x256xf32, #tpu.memory_space<vmem>> -> memref<256xf32, #tpu.memory_space<vmem>>
        %dma_wait3A_383 = arith.constant 0 : i32
        %dma_wait3A_384 = tpu.memref_slice %arg5[%dma_wait3A_383] : memref<4816896xf32, #tpu.memory_space<hbm>> -> memref<256xf32, #tpu.memory_space<hbm>>
        tpu.wait_dma2 semaphore(%arg20 : memref<!tpu.dma_semaphore, #tpu.memory_space<semaphore_mem>>) src(%dma_wait3A_384 : memref<256xf32, #tpu.memory_space<hbm>>) dst(%dma_wait3A_382 : memref<256xf32, #tpu.memory_space<vmem>>)
        %add3A_385 = arith.constant 1 : i32
        %add3A_386 = arith.addi %scan3A_341, %add3A_385 : i32
        %lt3A_387 = arith.constant 392 : i32
        %lt3A_388 = arith.cmpi slt, %add3A_386, %lt3A_387 : i32
        %convert_element_type3A = arith.extui %lt3A_388 : i1 to i32
        %cond3A = arith.constant 0 : i32
        %cond3A_389 = arith.cmpi ne, %convert_element_type3A, %cond3A : i32
        scf.if %cond3A_389 {
          %add3A_402 = arith.constant 1 : i32
          %add3A_403 = arith.addi %scan3A_341, %add3A_402 : i32
          %mul3A_404 = arith.constant 256 : i32
          %mul3A_405 = arith.muli %add3A_403, %mul3A_404 : i32
          %add3A_406 = arith.addi %add3A, %mul3A_405 : i32
          %sub3A = arith.constant 1 : i32
          %sub3A_407 = arith.subi %sub3A, %select_n3A_351 : i32
          %dma_start3A_408 = arith.constant 0 : i32
          %dma_start3A_409 = tpu.memref_slice %arg10[%sub3A_407, %dma_start3A_408] : memref<2x256xi32, #tpu.memory_space<vmem>> -> memref<1x256xi32, #tpu.memory_space<vmem>>
          %dma_start3A_410 = tpu.memref_squeeze %dma_start3A_409 : memref<1x256xi32, #tpu.memory_space<vmem>> -> memref<256xi32, #tpu.memory_space<vmem>>
          %dma_start3A_411 = tpu.memref_slice %arg3[%add3A_406] : memref<4816896xi32, #tpu.memory_space<hbm>> -> memref<256xi32, #tpu.memory_space<hbm>>
          %dma_start3A_412 = arith.constant 0 : i32
          %dma_start3A_413 = tpu.memref_slice %arg10[%sub3A_407, %dma_start3A_412] : memref<2x256xi32, #tpu.memory_space<vmem>> -> memref<1x256xi32, #tpu.memory_space<vmem>>
          %dma_start3A_414 = tpu.memref_squeeze %dma_start3A_413 : memref<1x256xi32, #tpu.memory_space<vmem>> -> memref<256xi32, #tpu.memory_space<vmem>>
          %dma_start3A_415 = tpu.memref_slice %arg3[%add3A_406] : memref<4816896xi32, #tpu.memory_space<hbm>> -> memref<256xi32, #tpu.memory_space<hbm>>
          tpu.enqueue_dma source(%dma_start3A_415 : memref<256xi32, #tpu.memory_space<hbm>>) target(%dma_start3A_414 : memref<256xi32, #tpu.memory_space<vmem>>) target_semaphore(%arg20 : memref<!tpu.dma_semaphore, #tpu.memory_space<semaphore_mem>>)
          %dma_start3A_416 = arith.constant 0 : i32
          %dma_start3A_417 = tpu.memref_slice %arg11[%sub3A_407, %dma_start3A_416] : memref<2x256xi32, #tpu.memory_space<vmem>> -> memref<1x256xi32, #tpu.memory_space<vmem>>
          %dma_start3A_418 = tpu.memref_squeeze %dma_start3A_417 : memref<1x256xi32, #tpu.memory_space<vmem>> -> memref<256xi32, #tpu.memory_space<vmem>>
          %dma_start3A_419 = tpu.memref_slice %arg4[%add3A_406] : memref<4816896xi32, #tpu.memory_space<hbm>> -> memref<256xi32, #tpu.memory_space<hbm>>
          %dma_start3A_420 = arith.constant 0 : i32
          %dma_start3A_421 = tpu.memref_slice %arg11[%sub3A_407, %dma_start3A_420] : memref<2x256xi32, #tpu.memory_space<vmem>> -> memref<1x256xi32, #tpu.memory_space<vmem>>
          %dma_start3A_422 = tpu.memref_squeeze %dma_start3A_421 : memref<1x256xi32, #tpu.memory_space<vmem>> -> memref<256xi32, #tpu.memory_space<vmem>>
          %dma_start3A_423 = tpu.memref_slice %arg4[%add3A_406] : memref<4816896xi32, #tpu.memory_space<hbm>> -> memref<256xi32, #tpu.memory_space<hbm>>
          tpu.enqueue_dma source(%dma_start3A_423 : memref<256xi32, #tpu.memory_space<hbm>>) target(%dma_start3A_422 : memref<256xi32, #tpu.memory_space<vmem>>) target_semaphore(%arg20 : memref<!tpu.dma_semaphore, #tpu.memory_space<semaphore_mem>>)
          %dma_start3A_424 = arith.constant 0 : i32
          %dma_start3A_425 = tpu.memref_slice %arg12[%sub3A_407, %dma_start3A_424] : memref<2x256xf32, #tpu.memory_space<vmem>> -> memref<1x256xf32, #tpu.memory_space<vmem>>
          %dma_start3A_426 = tpu.memref_squeeze %dma_start3A_425 : memref<1x256xf32, #tpu.memory_space<vmem>> -> memref<256xf32, #tpu.memory_space<vmem>>
          %dma_start3A_427 = tpu.memref_slice %arg5[%add3A_406] : memref<4816896xf32, #tpu.memory_space<hbm>> -> memref<256xf32, #tpu.memory_space<hbm>>
          %dma_start3A_428 = arith.constant 0 : i32
          %dma_start3A_429 = tpu.memref_slice %arg12[%sub3A_407, %dma_start3A_428] : memref<2x256xf32, #tpu.memory_space<vmem>> -> memref<1x256xf32, #tpu.memory_space<vmem>>
          %dma_start3A_430 = tpu.memref_squeeze %dma_start3A_429 : memref<1x256xf32, #tpu.memory_space<vmem>> -> memref<256xf32, #tpu.memory_space<vmem>>
          %dma_start3A_431 = tpu.memref_slice %arg5[%add3A_406] : memref<4816896xf32, #tpu.memory_space<hbm>> -> memref<256xf32, #tpu.memory_space<hbm>>
          tpu.enqueue_dma source(%dma_start3A_431 : memref<256xf32, #tpu.memory_space<hbm>>) target(%dma_start3A_430 : memref<256xf32, #tpu.memory_space<vmem>>) target_semaphore(%arg20 : memref<!tpu.dma_semaphore, #tpu.memory_space<semaphore_mem>>)
        } else {
        }
        %ge3A = arith.constant 2 : i32
        %ge3A_390 = arith.cmpi sge, %scan3A_341, %ge3A : i32
        %convert_element_type3A_391 = arith.extui %ge3A_390 : i1 to i32
        %cond3A_392 = arith.constant 0 : i32
        %cond3A_393 = arith.cmpi ne, %convert_element_type3A_391, %cond3A_392 : i32
        scf.if %cond3A_393 {
          %dma_wait3A_402 = arith.constant 0 : i32
          %dma_wait3A_403 = arith.constant 0 : i32
          %dma_wait3A_404 = arith.constant 0 : i32
          %dma_wait3A_405 = arith.constant 0 : i32
          %dma_wait3A_406 = arith.constant 0 : i32
          %dma_wait3A_407 = tpu.memref_slice %arg15[%dma_wait3A_402, %dma_wait3A_403, %dma_wait3A_406] : memref<2x2x128xf32, #tpu.memory_space<vmem>> -> memref<1x1x128xf32, #tpu.memory_space<vmem>>
          %dma_wait3A_408 = tpu.memref_squeeze %dma_wait3A_407 : memref<1x1x128xf32, #tpu.memory_space<vmem>> -> memref<128xf32, #tpu.memory_space<vmem>>
          %dma_wait3A_409 = arith.constant 0 : i32
          %dma_wait3A_410 = tpu.memref_slice %arg14[%dma_wait3A_404, %dma_wait3A_405, %dma_wait3A_409] : memref<2x2x128xi32, #tpu.memory_space<vmem>> -> memref<1x1x128xi32, #tpu.memory_space<vmem>>
          %dma_wait3A_411 = tpu.memref_squeeze %dma_wait3A_410 : memref<1x1x128xi32, #tpu.memory_space<vmem>> -> memref<128xi32, #tpu.memory_space<vmem>>
          %dma_wait3A_412 = arith.constant 0 : i32
          %dma_wait3A_413 = tpu.memref_slice %arg9[%dma_wait3A_412] : memref<100352xf32, #tpu.memory_space<vmem_shared>> -> memref<100352xf32, #tpu.memory_space<vmem_shared>>
          %dma_wait3A_414 = tpu.memref_slice %arg23[%select_n3A_351] : memref<2x!tpu.dma_semaphore, #tpu.memory_space<semaphore_mem>> -> memref<1x!tpu.dma_semaphore, #tpu.memory_space<semaphore_mem>>
          %dma_wait3A_415 = tpu.memref_squeeze %dma_wait3A_414 : memref<1x!tpu.dma_semaphore, #tpu.memory_space<semaphore_mem>> -> memref<!tpu.dma_semaphore, #tpu.memory_space<semaphore_mem>>
          tpu.wait_indirect_dma semaphore(%dma_wait3A_415 : memref<!tpu.dma_semaphore, #tpu.memory_space<semaphore_mem>>) src(%dma_wait3A_408 : memref<128xf32, #tpu.memory_space<vmem>>) dst(%dma_wait3A_413 : memref<100352xf32, #tpu.memory_space<vmem_shared>>)
          %dma_wait3A_416 = arith.constant 0 : i32
          %dma_wait3A_417 = arith.constant 0 : i32
          %dma_wait3A_418 = arith.constant 0 : i32
          %dma_wait3A_419 = arith.constant 0 : i32
          %dma_wait3A_420 = arith.constant 0 : i32
          %dma_wait3A_421 = tpu.memref_slice %arg15[%dma_wait3A_416, %dma_wait3A_417, %dma_wait3A_420] : memref<2x2x128xf32, #tpu.memory_space<vmem>> -> memref<1x1x128xf32, #tpu.memory_space<vmem>>
          %dma_wait3A_422 = tpu.memref_squeeze %dma_wait3A_421 : memref<1x1x128xf32, #tpu.memory_space<vmem>> -> memref<128xf32, #tpu.memory_space<vmem>>
          %dma_wait3A_423 = arith.constant 0 : i32
          %dma_wait3A_424 = tpu.memref_slice %arg14[%dma_wait3A_418, %dma_wait3A_419, %dma_wait3A_423] : memref<2x2x128xi32, #tpu.memory_space<vmem>> -> memref<1x1x128xi32, #tpu.memory_space<vmem>>
          %dma_wait3A_425 = tpu.memref_squeeze %dma_wait3A_424 : memref<1x1x128xi32, #tpu.memory_space<vmem>> -> memref<128xi32, #tpu.memory_space<vmem>>
          %dma_wait3A_426 = arith.constant 0 : i32
          %dma_wait3A_427 = tpu.memref_slice %arg9[%dma_wait3A_426] : memref<100352xf32, #tpu.memory_space<vmem_shared>> -> memref<100352xf32, #tpu.memory_space<vmem_shared>>
          %dma_wait3A_428 = tpu.memref_slice %arg23[%select_n3A_351] : memref<2x!tpu.dma_semaphore, #tpu.memory_space<semaphore_mem>> -> memref<1x!tpu.dma_semaphore, #tpu.memory_space<semaphore_mem>>
          %dma_wait3A_429 = tpu.memref_squeeze %dma_wait3A_428 : memref<1x!tpu.dma_semaphore, #tpu.memory_space<semaphore_mem>> -> memref<!tpu.dma_semaphore, #tpu.memory_space<semaphore_mem>>
          tpu.wait_indirect_dma semaphore(%dma_wait3A_429 : memref<!tpu.dma_semaphore, #tpu.memory_space<semaphore_mem>>) src(%dma_wait3A_422 : memref<128xf32, #tpu.memory_space<vmem>>) dst(%dma_wait3A_427 : memref<100352xf32, #tpu.memory_space<vmem_shared>>)
        } else {
        }
        %scan3A_394 = arith.constant 0 : i32
        %scan3A_395 = arith.constant 0 : i32
        %scan3A_396 = arith.constant 2 : i32
        %scan3A_397 = arith.addi %scan3A_395, %scan3A_396 : i32
        %scan3A_398 = arith.constant 1 : i32
        %scan3A_399 = scf.for %scan3A_402 = %scan3A_395 to %scan3A_397 step %scan3A_398 iter_args(%scan3A_403 = %scan3A_394) -> (i32)  : i32 {
          %mul3A_404 = arith.constant 128 : i32
          %mul3A_405 = arith.muli %scan3A_402, %mul3A_404 : i32
          %add3A_406 = arith.constant 0 : i32
          %add3A_407 = arith.addi %mul3A_405, %add3A_406 : i32
          %get3A = arith.index_cast %select_n3A_351 : i32 to index
          %get3A_408 = arith.index_cast %add3A_407 : i32 to index
          %get3A_409 = tpu.vector_load %arg10[%get3A, %get3A_408] {strides = array<i32>} : memref<2x256xi32, #tpu.memory_space<vmem>>, vector<1x16xi32>,
          %get3A_410 = vector.shape_cast %get3A_409 : vector<1x16xi32> to vector<16xi32>
          %get3A_411 = arith.index_cast %select_n3A_351 : i32 to index
          %get3A_412 = arith.index_cast %add3A_407 : i32 to index
          %get3A_413 = tpu.vector_load %arg11[%get3A_411, %get3A_412] {strides = array<i32>} : memref<2x256xi32, #tpu.memory_space<vmem>>, vector<1x16xi32>,
          %get3A_414 = vector.shape_cast %get3A_413 : vector<1x16xi32> to vector<16xi32>
          %get3A_415 = arith.index_cast %select_n3A_351 : i32 to index
          %get3A_416 = arith.index_cast %add3A_407 : i32 to index
          %get3A_417 = tpu.vector_load %arg12[%get3A_415, %get3A_416] {strides = array<i32>} : memref<2x256xf32, #tpu.memory_space<vmem>>, vector<1x16xf32>,
          %get3A_418 = vector.shape_cast %get3A_417 : vector<1x16xf32> to vector<16xf32>
          %eq3A_419 = arith.cmpi eq, %get3A_410, %get3A_414 : vector<16xi32>
          %jit3A_420 = arith.constant 0.000000e+00 : f32
          %broadcast_in_dim3A_421 = vector.broadcast %jit3A_420 : f32 to vector<16xf32>
          %select_n3A_422 = arith.select %eq3A_419, %broadcast_in_dim3A_421, %get3A_418 : vector<16xi1>, vector<16xf32>
          %swap3A_423 = arith.index_cast %select_n3A_351 : i32 to index
          %swap3A_424 = arith.index_cast %scan3A_402 : i32 to index
          %swap3A_425 = arith.constant 0 : index
          %swap3A_426 = tpu.vector_load %arg15[%swap3A_423, %swap3A_424, %swap3A_425] {strides = array<i32>} : memref<2x2x128xf32, #tpu.memory_space<vmem>>, vector<1x1x16xf32>,
          %swap3A_427 = vector.shape_cast %swap3A_426 : vector<1x1x16xf32> to vector<16xf32>
          %swap3A_428 = vector.shape_cast %select_n3A_422 : vector<16xf32> to vector<1x1x16xf32>
          tpu.vector_store %arg15[%swap3A_423, %swap3A_424, %swap3A_425], %swap3A_428 {strides = array<i32>} : memref<2x2x128xf32, #tpu.memory_space<vmem>>, vector<1x1x16xf32>,
          %swap3A_429 = arith.index_cast %select_n3A_351 : i32 to index
          %swap3A_430 = arith.index_cast %scan3A_402 : i32 to index
          %swap3A_431 = arith.constant 0 : index
          %swap3A_432 = tpu.vector_load %arg14[%swap3A_429, %swap3A_430, %swap3A_431] {strides = array<i32>} : memref<2x2x128xi32, #tpu.memory_space<vmem>>, vector<1x1x16xi32>,
          %swap3A_433 = vector.shape_cast %swap3A_432 : vector<1x1x16xi32> to vector<16xi32>
          %swap3A_434 = vector.shape_cast %get3A_414 : vector<16xi32> to vector<1x1x16xi32>
          tpu.vector_store %arg14[%swap3A_429, %swap3A_430, %swap3A_431], %swap3A_434 {strides = array<i32>} : memref<2x2x128xi32, #tpu.memory_space<vmem>>, vector<1x1x16xi32>,
          %mul3A_435 = arith.constant 128 : i32
          %mul3A_436 = arith.muli %scan3A_402, %mul3A_435 : i32
          %add3A_437 = arith.constant 16 : i32
          %add3A_438 = arith.addi %mul3A_436, %add3A_437 : i32
          %get3A_439 = arith.index_cast %select_n3A_351 : i32 to index
          %get3A_440 = arith.index_cast %add3A_438 : i32 to index
          %get3A_441 = tpu.vector_load %arg10[%get3A_439, %get3A_440] {strides = array<i32>} : memref<2x256xi32, #tpu.memory_space<vmem>>, vector<1x16xi32>,
          %get3A_442 = vector.shape_cast %get3A_441 : vector<1x16xi32> to vector<16xi32>
          %get3A_443 = arith.index_cast %select_n3A_351 : i32 to index
          %get3A_444 = arith.index_cast %add3A_438 : i32 to index
          %get3A_445 = tpu.vector_load %arg11[%get3A_443, %get3A_444] {strides = array<i32>} : memref<2x256xi32, #tpu.memory_space<vmem>>, vector<1x16xi32>,
          %get3A_446 = vector.shape_cast %get3A_445 : vector<1x16xi32> to vector<16xi32>
          %get3A_447 = arith.index_cast %select_n3A_351 : i32 to index
          %get3A_448 = arith.index_cast %add3A_438 : i32 to index
          %get3A_449 = tpu.vector_load %arg12[%get3A_447, %get3A_448] {strides = array<i32>} : memref<2x256xf32, #tpu.memory_space<vmem>>, vector<1x16xf32>,
          %get3A_450 = vector.shape_cast %get3A_449 : vector<1x16xf32> to vector<16xf32>
          %eq3A_451 = arith.cmpi eq, %get3A_442, %get3A_446 : vector<16xi32>
          %jit3A_452 = arith.constant 0.000000e+00 : f32
          %broadcast_in_dim3A_453 = vector.broadcast %jit3A_452 : f32 to vector<16xf32>
          %select_n3A_454 = arith.select %eq3A_451, %broadcast_in_dim3A_453, %get3A_450 : vector<16xi1>, vector<16xf32>
          %swap3A_455 = arith.index_cast %select_n3A_351 : i32 to index
          %swap3A_456 = arith.index_cast %scan3A_402 : i32 to index
          %swap3A_457 = arith.constant 16 : index
          %swap3A_458 = tpu.vector_load %arg15[%swap3A_455, %swap3A_456, %swap3A_457] {strides = array<i32>} : memref<2x2x128xf32, #tpu.memory_space<vmem>>, vector<1x1x16xf32>,
          %swap3A_459 = vector.shape_cast %swap3A_458 : vector<1x1x16xf32> to vector<16xf32>
          %swap3A_460 = vector.shape_cast %select_n3A_454 : vector<16xf32> to vector<1x1x16xf32>
          tpu.vector_store %arg15[%swap3A_455, %swap3A_456, %swap3A_457], %swap3A_460 {strides = array<i32>} : memref<2x2x128xf32, #tpu.memory_space<vmem>>, vector<1x1x16xf32>,
          %swap3A_461 = arith.index_cast %select_n3A_351 : i32 to index
          %swap3A_462 = arith.index_cast %scan3A_402 : i32 to index
          %swap3A_463 = arith.constant 16 : index
          %swap3A_464 = tpu.vector_load %arg14[%swap3A_461, %swap3A_462, %swap3A_463] {strides = array<i32>} : memref<2x2x128xi32, #tpu.memory_space<vmem>>, vector<1x1x16xi32>,
          %swap3A_465 = vector.shape_cast %swap3A_464 : vector<1x1x16xi32> to vector<16xi32>
          %swap3A_466 = vector.shape_cast %get3A_446 : vector<16xi32> to vector<1x1x16xi32>
          tpu.vector_store %arg14[%swap3A_461, %swap3A_462, %swap3A_463], %swap3A_466 {strides = array<i32>} : memref<2x2x128xi32, #tpu.memory_space<vmem>>, vector<1x1x16xi32>,
          %mul3A_467 = arith.constant 128 : i32
          %mul3A_468 = arith.muli %scan3A_402, %mul3A_467 : i32
          %add3A_469 = arith.constant 32 : i32
          %add3A_470 = arith.addi %mul3A_468, %add3A_469 : i32
          %get3A_471 = arith.index_cast %select_n3A_351 : i32 to index
          %get3A_472 = arith.index_cast %add3A_470 : i32 to index
          %get3A_473 = tpu.vector_load %arg10[%get3A_471, %get3A_472] {strides = array<i32>} : memref<2x256xi32, #tpu.memory_space<vmem>>, vector<1x16xi32>,
          %get3A_474 = vector.shape_cast %get3A_473 : vector<1x16xi32> to vector<16xi32>
          %get3A_475 = arith.index_cast %select_n3A_351 : i32 to index
          %get3A_476 = arith.index_cast %add3A_470 : i32 to index
          %get3A_477 = tpu.vector_load %arg11[%get3A_475, %get3A_476] {strides = array<i32>} : memref<2x256xi32, #tpu.memory_space<vmem>>, vector<1x16xi32>,
          %get3A_478 = vector.shape_cast %get3A_477 : vector<1x16xi32> to vector<16xi32>
          %get3A_479 = arith.index_cast %select_n3A_351 : i32 to index
          %get3A_480 = arith.index_cast %add3A_470 : i32 to index
          %get3A_481 = tpu.vector_load %arg12[%get3A_479, %get3A_480] {strides = array<i32>} : memref<2x256xf32, #tpu.memory_space<vmem>>, vector<1x16xf32>,
          %get3A_482 = vector.shape_cast %get3A_481 : vector<1x16xf32> to vector<16xf32>
          %eq3A_483 = arith.cmpi eq, %get3A_474, %get3A_478 : vector<16xi32>
          %jit3A_484 = arith.constant 0.000000e+00 : f32
          %broadcast_in_dim3A_485 = vector.broadcast %jit3A_484 : f32 to vector<16xf32>
          %select_n3A_486 = arith.select %eq3A_483, %broadcast_in_dim3A_485, %get3A_482 : vector<16xi1>, vector<16xf32>
          %swap3A_487 = arith.index_cast %select_n3A_351 : i32 to index
          %swap3A_488 = arith.index_cast %scan3A_402 : i32 to index
          %swap3A_489 = arith.constant 32 : index
          %swap3A_490 = tpu.vector_load %arg15[%swap3A_487, %swap3A_488, %swap3A_489] {strides = array<i32>} : memref<2x2x128xf32, #tpu.memory_space<vmem>>, vector<1x1x16xf32>,
          %swap3A_491 = vector.shape_cast %swap3A_490 : vector<1x1x16xf32> to vector<16xf32>
          %swap3A_492 = vector.shape_cast %select_n3A_486 : vector<16xf32> to vector<1x1x16xf32>
          tpu.vector_store %arg15[%swap3A_487, %swap3A_488, %swap3A_489], %swap3A_492 {strides = array<i32>} : memref<2x2x128xf32, #tpu.memory_space<vmem>>, vector<1x1x16xf32>,
          %swap3A_493 = arith.index_cast %select_n3A_351 : i32 to index
          %swap3A_494 = arith.index_cast %scan3A_402 : i32 to index
          %swap3A_495 = arith.constant 32 : index
          %swap3A_496 = tpu.vector_load %arg14[%swap3A_493, %swap3A_494, %swap3A_495] {strides = array<i32>} : memref<2x2x128xi32, #tpu.memory_space<vmem>>, vector<1x1x16xi32>,
          %swap3A_497 = vector.shape_cast %swap3A_496 : vector<1x1x16xi32> to vector<16xi32>
          %swap3A_498 = vector.shape_cast %get3A_478 : vector<16xi32> to vector<1x1x16xi32>
          tpu.vector_store %arg14[%swap3A_493, %swap3A_494, %swap3A_495], %swap3A_498 {strides = array<i32>} : memref<2x2x128xi32, #tpu.memory_space<vmem>>, vector<1x1x16xi32>,
          %mul3A_499 = arith.constant 128 : i32
          %mul3A_500 = arith.muli %scan3A_402, %mul3A_499 : i32
          %add3A_501 = arith.constant 48 : i32
          %add3A_502 = arith.addi %mul3A_500, %add3A_501 : i32
          %get3A_503 = arith.index_cast %select_n3A_351 : i32 to index
          %get3A_504 = arith.index_cast %add3A_502 : i32 to index
          %get3A_505 = tpu.vector_load %arg10[%get3A_503, %get3A_504] {strides = array<i32>} : memref<2x256xi32, #tpu.memory_space<vmem>>, vector<1x16xi32>,
          %get3A_506 = vector.shape_cast %get3A_505 : vector<1x16xi32> to vector<16xi32>
          %get3A_507 = arith.index_cast %select_n3A_351 : i32 to index
          %get3A_508 = arith.index_cast %add3A_502 : i32 to index
          %get3A_509 = tpu.vector_load %arg11[%get3A_507, %get3A_508] {strides = array<i32>} : memref<2x256xi32, #tpu.memory_space<vmem>>, vector<1x16xi32>,
          %get3A_510 = vector.shape_cast %get3A_509 : vector<1x16xi32> to vector<16xi32>
          %get3A_511 = arith.index_cast %select_n3A_351 : i32 to index
          %get3A_512 = arith.index_cast %add3A_502 : i32 to index
          %get3A_513 = tpu.vector_load %arg12[%get3A_511, %get3A_512] {strides = array<i32>} : memref<2x256xf32, #tpu.memory_space<vmem>>, vector<1x16xf32>,
          %get3A_514 = vector.shape_cast %get3A_513 : vector<1x16xf32> to vector<16xf32>
          %eq3A_515 = arith.cmpi eq, %get3A_506, %get3A_510 : vector<16xi32>
          %jit3A_516 = arith.constant 0.000000e+00 : f32
          %broadcast_in_dim3A_517 = vector.broadcast %jit3A_516 : f32 to vector<16xf32>
          %select_n3A_518 = arith.select %eq3A_515, %broadcast_in_dim3A_517, %get3A_514 : vector<16xi1>, vector<16xf32>
          %swap3A_519 = arith.index_cast %select_n3A_351 : i32 to index
          %swap3A_520 = arith.index_cast %scan3A_402 : i32 to index
          %swap3A_521 = arith.constant 48 : index
          %swap3A_522 = tpu.vector_load %arg15[%swap3A_519, %swap3A_520, %swap3A_521] {strides = array<i32>} : memref<2x2x128xf32, #tpu.memory_space<vmem>>, vector<1x1x16xf32>,
          %swap3A_523 = vector.shape_cast %swap3A_522 : vector<1x1x16xf32> to vector<16xf32>
          %swap3A_524 = vector.shape_cast %select_n3A_518 : vector<16xf32> to vector<1x1x16xf32>
          tpu.vector_store %arg15[%swap3A_519, %swap3A_520, %swap3A_521], %swap3A_524 {strides = array<i32>} : memref<2x2x128xf32, #tpu.memory_space<vmem>>, vector<1x1x16xf32>,
          %swap3A_525 = arith.index_cast %select_n3A_351 : i32 to index
          %swap3A_526 = arith.index_cast %scan3A_402 : i32 to index
          %swap3A_527 = arith.constant 48 : index
          %swap3A_528 = tpu.vector_load %arg14[%swap3A_525, %swap3A_526, %swap3A_527] {strides = array<i32>} : memref<2x2x128xi32, #tpu.memory_space<vmem>>, vector<1x1x16xi32>,
          %swap3A_529 = vector.shape_cast %swap3A_528 : vector<1x1x16xi32> to vector<16xi32>
          %swap3A_530 = vector.shape_cast %get3A_510 : vector<16xi32> to vector<1x1x16xi32>
          tpu.vector_store %arg14[%swap3A_525, %swap3A_526, %swap3A_527], %swap3A_530 {strides = array<i32>} : memref<2x2x128xi32, #tpu.memory_space<vmem>>, vector<1x1x16xi32>,
          %mul3A_531 = arith.constant 128 : i32
          %mul3A_532 = arith.muli %scan3A_402, %mul3A_531 : i32
          %add3A_533 = arith.constant 64 : i32
          %add3A_534 = arith.addi %mul3A_532, %add3A_533 : i32
          %get3A_535 = arith.index_cast %select_n3A_351 : i32 to index
          %get3A_536 = arith.index_cast %add3A_534 : i32 to index
          %get3A_537 = tpu.vector_load %arg10[%get3A_535, %get3A_536] {strides = array<i32>} : memref<2x256xi32, #tpu.memory_space<vmem>>, vector<1x16xi32>,
          %get3A_538 = vector.shape_cast %get3A_537 : vector<1x16xi32> to vector<16xi32>
          %get3A_539 = arith.index_cast %select_n3A_351 : i32 to index
          %get3A_540 = arith.index_cast %add3A_534 : i32 to index
          %get3A_541 = tpu.vector_load %arg11[%get3A_539, %get3A_540] {strides = array<i32>} : memref<2x256xi32, #tpu.memory_space<vmem>>, vector<1x16xi32>,
          %get3A_542 = vector.shape_cast %get3A_541 : vector<1x16xi32> to vector<16xi32>
          %get3A_543 = arith.index_cast %select_n3A_351 : i32 to index
          %get3A_544 = arith.index_cast %add3A_534 : i32 to index
          %get3A_545 = tpu.vector_load %arg12[%get3A_543, %get3A_544] {strides = array<i32>} : memref<2x256xf32, #tpu.memory_space<vmem>>, vector<1x16xf32>,
          %get3A_546 = vector.shape_cast %get3A_545 : vector<1x16xf32> to vector<16xf32>
          %eq3A_547 = arith.cmpi eq, %get3A_538, %get3A_542 : vector<16xi32>
          %jit3A_548 = arith.constant 0.000000e+00 : f32
          %broadcast_in_dim3A_549 = vector.broadcast %jit3A_548 : f32 to vector<16xf32>
          %select_n3A_550 = arith.select %eq3A_547, %broadcast_in_dim3A_549, %get3A_546 : vector<16xi1>, vector<16xf32>
          %swap3A_551 = arith.index_cast %select_n3A_351 : i32 to index
          %swap3A_552 = arith.index_cast %scan3A_402 : i32 to index
          %swap3A_553 = arith.constant 64 : index
          %swap3A_554 = tpu.vector_load %arg15[%swap3A_551, %swap3A_552, %swap3A_553] {strides = array<i32>} : memref<2x2x128xf32, #tpu.memory_space<vmem>>, vector<1x1x16xf32>,
          %swap3A_555 = vector.shape_cast %swap3A_554 : vector<1x1x16xf32> to vector<16xf32>
          %swap3A_556 = vector.shape_cast %select_n3A_550 : vector<16xf32> to vector<1x1x16xf32>
          tpu.vector_store %arg15[%swap3A_551, %swap3A_552, %swap3A_553], %swap3A_556 {strides = array<i32>} : memref<2x2x128xf32, #tpu.memory_space<vmem>>, vector<1x1x16xf32>,
          %swap3A_557 = arith.index_cast %select_n3A_351 : i32 to index
          %swap3A_558 = arith.index_cast %scan3A_402 : i32 to index
          %swap3A_559 = arith.constant 64 : index
          %swap3A_560 = tpu.vector_load %arg14[%swap3A_557, %swap3A_558, %swap3A_559] {strides = array<i32>} : memref<2x2x128xi32, #tpu.memory_space<vmem>>, vector<1x1x16xi32>,
          %swap3A_561 = vector.shape_cast %swap3A_560 : vector<1x1x16xi32> to vector<16xi32>
          %swap3A_562 = vector.shape_cast %get3A_542 : vector<16xi32> to vector<1x1x16xi32>
          tpu.vector_store %arg14[%swap3A_557, %swap3A_558, %swap3A_559], %swap3A_562 {strides = array<i32>} : memref<2x2x128xi32, #tpu.memory_space<vmem>>, vector<1x1x16xi32>,
          %mul3A_563 = arith.constant 128 : i32
          %mul3A_564 = arith.muli %scan3A_402, %mul3A_563 : i32
          %add3A_565 = arith.constant 80 : i32
          %add3A_566 = arith.addi %mul3A_564, %add3A_565 : i32
          %get3A_567 = arith.index_cast %select_n3A_351 : i32 to index
          %get3A_568 = arith.index_cast %add3A_566 : i32 to index
          %get3A_569 = tpu.vector_load %arg10[%get3A_567, %get3A_568] {strides = array<i32>} : memref<2x256xi32, #tpu.memory_space<vmem>>, vector<1x16xi32>,
          %get3A_570 = vector.shape_cast %get3A_569 : vector<1x16xi32> to vector<16xi32>
          %get3A_571 = arith.index_cast %select_n3A_351 : i32 to index
          %get3A_572 = arith.index_cast %add3A_566 : i32 to index
          %get3A_573 = tpu.vector_load %arg11[%get3A_571, %get3A_572] {strides = array<i32>} : memref<2x256xi32, #tpu.memory_space<vmem>>, vector<1x16xi32>,
          %get3A_574 = vector.shape_cast %get3A_573 : vector<1x16xi32> to vector<16xi32>
          %get3A_575 = arith.index_cast %select_n3A_351 : i32 to index
          %get3A_576 = arith.index_cast %add3A_566 : i32 to index
          %get3A_577 = tpu.vector_load %arg12[%get3A_575, %get3A_576] {strides = array<i32>} : memref<2x256xf32, #tpu.memory_space<vmem>>, vector<1x16xf32>,
          %get3A_578 = vector.shape_cast %get3A_577 : vector<1x16xf32> to vector<16xf32>
          %eq3A_579 = arith.cmpi eq, %get3A_570, %get3A_574 : vector<16xi32>
          %jit3A_580 = arith.constant 0.000000e+00 : f32
          %broadcast_in_dim3A_581 = vector.broadcast %jit3A_580 : f32 to vector<16xf32>
          %select_n3A_582 = arith.select %eq3A_579, %broadcast_in_dim3A_581, %get3A_578 : vector<16xi1>, vector<16xf32>
          %swap3A_583 = arith.index_cast %select_n3A_351 : i32 to index
          %swap3A_584 = arith.index_cast %scan3A_402 : i32 to index
          %swap3A_585 = arith.constant 80 : index
          %swap3A_586 = tpu.vector_load %arg15[%swap3A_583, %swap3A_584, %swap3A_585] {strides = array<i32>} : memref<2x2x128xf32, #tpu.memory_space<vmem>>, vector<1x1x16xf32>,
          %swap3A_587 = vector.shape_cast %swap3A_586 : vector<1x1x16xf32> to vector<16xf32>
          %swap3A_588 = vector.shape_cast %select_n3A_582 : vector<16xf32> to vector<1x1x16xf32>
          tpu.vector_store %arg15[%swap3A_583, %swap3A_584, %swap3A_585], %swap3A_588 {strides = array<i32>} : memref<2x2x128xf32, #tpu.memory_space<vmem>>, vector<1x1x16xf32>,
          %swap3A_589 = arith.index_cast %select_n3A_351 : i32 to index
          %swap3A_590 = arith.index_cast %scan3A_402 : i32 to index
          %swap3A_591 = arith.constant 80 : index
          %swap3A_592 = tpu.vector_load %arg14[%swap3A_589, %swap3A_590, %swap3A_591] {strides = array<i32>} : memref<2x2x128xi32, #tpu.memory_space<vmem>>, vector<1x1x16xi32>,
          %swap3A_593 = vector.shape_cast %swap3A_592 : vector<1x1x16xi32> to vector<16xi32>
          %swap3A_594 = vector.shape_cast %get3A_574 : vector<16xi32> to vector<1x1x16xi32>
          tpu.vector_store %arg14[%swap3A_589, %swap3A_590, %swap3A_591], %swap3A_594 {strides = array<i32>} : memref<2x2x128xi32, #tpu.memory_space<vmem>>, vector<1x1x16xi32>,
          %mul3A_595 = arith.constant 128 : i32
          %mul3A_596 = arith.muli %scan3A_402, %mul3A_595 : i32
          %add3A_597 = arith.constant 96 : i32
          %add3A_598 = arith.addi %mul3A_596, %add3A_597 : i32
          %get3A_599 = arith.index_cast %select_n3A_351 : i32 to index
          %get3A_600 = arith.index_cast %add3A_598 : i32 to index
          %get3A_601 = tpu.vector_load %arg10[%get3A_599, %get3A_600] {strides = array<i32>} : memref<2x256xi32, #tpu.memory_space<vmem>>, vector<1x16xi32>,
          %get3A_602 = vector.shape_cast %get3A_601 : vector<1x16xi32> to vector<16xi32>
          %get3A_603 = arith.index_cast %select_n3A_351 : i32 to index
          %get3A_604 = arith.index_cast %add3A_598 : i32 to index
          %get3A_605 = tpu.vector_load %arg11[%get3A_603, %get3A_604] {strides = array<i32>} : memref<2x256xi32, #tpu.memory_space<vmem>>, vector<1x16xi32>,
          %get3A_606 = vector.shape_cast %get3A_605 : vector<1x16xi32> to vector<16xi32>
          %get3A_607 = arith.index_cast %select_n3A_351 : i32 to index
          %get3A_608 = arith.index_cast %add3A_598 : i32 to index
          %get3A_609 = tpu.vector_load %arg12[%get3A_607, %get3A_608] {strides = array<i32>} : memref<2x256xf32, #tpu.memory_space<vmem>>, vector<1x16xf32>,
          %get3A_610 = vector.shape_cast %get3A_609 : vector<1x16xf32> to vector<16xf32>
          %eq3A_611 = arith.cmpi eq, %get3A_602, %get3A_606 : vector<16xi32>
          %jit3A_612 = arith.constant 0.000000e+00 : f32
          %broadcast_in_dim3A_613 = vector.broadcast %jit3A_612 : f32 to vector<16xf32>
          %select_n3A_614 = arith.select %eq3A_611, %broadcast_in_dim3A_613, %get3A_610 : vector<16xi1>, vector<16xf32>
          %swap3A_615 = arith.index_cast %select_n3A_351 : i32 to index
          %swap3A_616 = arith.index_cast %scan3A_402 : i32 to index
          %swap3A_617 = arith.constant 96 : index
          %swap3A_618 = tpu.vector_load %arg15[%swap3A_615, %swap3A_616, %swap3A_617] {strides = array<i32>} : memref<2x2x128xf32, #tpu.memory_space<vmem>>, vector<1x1x16xf32>,
          %swap3A_619 = vector.shape_cast %swap3A_618 : vector<1x1x16xf32> to vector<16xf32>
          %swap3A_620 = vector.shape_cast %select_n3A_614 : vector<16xf32> to vector<1x1x16xf32>
          tpu.vector_store %arg15[%swap3A_615, %swap3A_616, %swap3A_617], %swap3A_620 {strides = array<i32>} : memref<2x2x128xf32, #tpu.memory_space<vmem>>, vector<1x1x16xf32>,
          %swap3A_621 = arith.index_cast %select_n3A_351 : i32 to index
          %swap3A_622 = arith.index_cast %scan3A_402 : i32 to index
          %swap3A_623 = arith.constant 96 : index
          %swap3A_624 = tpu.vector_load %arg14[%swap3A_621, %swap3A_622, %swap3A_623] {strides = array<i32>} : memref<2x2x128xi32, #tpu.memory_space<vmem>>, vector<1x1x16xi32>,
          %swap3A_625 = vector.shape_cast %swap3A_624 : vector<1x1x16xi32> to vector<16xi32>
          %swap3A_626 = vector.shape_cast %get3A_606 : vector<16xi32> to vector<1x1x16xi32>
          tpu.vector_store %arg14[%swap3A_621, %swap3A_622, %swap3A_623], %swap3A_626 {strides = array<i32>} : memref<2x2x128xi32, #tpu.memory_space<vmem>>, vector<1x1x16xi32>,
          %mul3A_627 = arith.constant 128 : i32
          %mul3A_628 = arith.muli %scan3A_402, %mul3A_627 : i32
          %add3A_629 = arith.constant 112 : i32
          %add3A_630 = arith.addi %mul3A_628, %add3A_629 : i32
          %get3A_631 = arith.index_cast %select_n3A_351 : i32 to index
          %get3A_632 = arith.index_cast %add3A_630 : i32 to index
          %get3A_633 = tpu.vector_load %arg10[%get3A_631, %get3A_632] {strides = array<i32>} : memref<2x256xi32, #tpu.memory_space<vmem>>, vector<1x16xi32>,
          %get3A_634 = vector.shape_cast %get3A_633 : vector<1x16xi32> to vector<16xi32>
          %get3A_635 = arith.index_cast %select_n3A_351 : i32 to index
          %get3A_636 = arith.index_cast %add3A_630 : i32 to index
          %get3A_637 = tpu.vector_load %arg11[%get3A_635, %get3A_636] {strides = array<i32>} : memref<2x256xi32, #tpu.memory_space<vmem>>, vector<1x16xi32>,
          %get3A_638 = vector.shape_cast %get3A_637 : vector<1x16xi32> to vector<16xi32>
          %get3A_639 = arith.index_cast %select_n3A_351 : i32 to index
          %get3A_640 = arith.index_cast %add3A_630 : i32 to index
          %get3A_641 = tpu.vector_load %arg12[%get3A_639, %get3A_640] {strides = array<i32>} : memref<2x256xf32, #tpu.memory_space<vmem>>, vector<1x16xf32>,
          %get3A_642 = vector.shape_cast %get3A_641 : vector<1x16xf32> to vector<16xf32>
          %eq3A_643 = arith.cmpi eq, %get3A_634, %get3A_638 : vector<16xi32>
          %jit3A_644 = arith.constant 0.000000e+00 : f32
          %broadcast_in_dim3A_645 = vector.broadcast %jit3A_644 : f32 to vector<16xf32>
          %select_n3A_646 = arith.select %eq3A_643, %broadcast_in_dim3A_645, %get3A_642 : vector<16xi1>, vector<16xf32>
          %swap3A_647 = arith.index_cast %select_n3A_351 : i32 to index
          %swap3A_648 = arith.index_cast %scan3A_402 : i32 to index
          %swap3A_649 = arith.constant 112 : index
          %swap3A_650 = tpu.vector_load %arg15[%swap3A_647, %swap3A_648, %swap3A_649] {strides = array<i32>} : memref<2x2x128xf32, #tpu.memory_space<vmem>>, vector<1x1x16xf32>,
          %swap3A_651 = vector.shape_cast %swap3A_650 : vector<1x1x16xf32> to vector<16xf32>
          %swap3A_652 = vector.shape_cast %select_n3A_646 : vector<16xf32> to vector<1x1x16xf32>
          tpu.vector_store %arg15[%swap3A_647, %swap3A_648, %swap3A_649], %swap3A_652 {strides = array<i32>} : memref<2x2x128xf32, #tpu.memory_space<vmem>>, vector<1x1x16xf32>,
          %swap3A_653 = arith.index_cast %select_n3A_351 : i32 to index
          %swap3A_654 = arith.index_cast %scan3A_402 : i32 to index
          %swap3A_655 = arith.constant 112 : index
          %swap3A_656 = tpu.vector_load %arg14[%swap3A_653, %swap3A_654, %swap3A_655] {strides = array<i32>} : memref<2x2x128xi32, #tpu.memory_space<vmem>>, vector<1x1x16xi32>,
          %swap3A_657 = vector.shape_cast %swap3A_656 : vector<1x1x16xi32> to vector<16xi32>
          %swap3A_658 = vector.shape_cast %get3A_638 : vector<16xi32> to vector<1x1x16xi32>
          tpu.vector_store %arg14[%swap3A_653, %swap3A_654, %swap3A_655], %swap3A_658 {strides = array<i32>} : memref<2x2x128xi32, #tpu.memory_space<vmem>>, vector<1x1x16xi32>,
          %dma_start3A_659 = arith.constant 0 : i32
          %dma_start3A_660 = tpu.memref_slice %arg15[%select_n3A_351, %scan3A_402, %dma_start3A_659] : memref<2x2x128xf32, #tpu.memory_space<vmem>> -> memref<1x1x128xf32, #tpu.memory_space<vmem>>
          %dma_start3A_661 = tpu.memref_squeeze %dma_start3A_660 : memref<1x1x128xf32, #tpu.memory_space<vmem>> -> memref<128xf32, #tpu.memory_space<vmem>>
          %dma_start3A_662 = arith.constant 0 : i32
          %dma_start3A_663 = tpu.memref_slice %arg14[%select_n3A_351, %scan3A_402, %dma_start3A_662] : memref<2x2x128xi32, #tpu.memory_space<vmem>> -> memref<1x1x128xi32, #tpu.memory_space<vmem>>
          %dma_start3A_664 = tpu.memref_squeeze %dma_start3A_663 : memref<1x1x128xi32, #tpu.memory_space<vmem>> -> memref<128xi32, #tpu.memory_space<vmem>>
          %dma_start3A_665 = arith.constant 0 : i32
          %dma_start3A_666 = tpu.memref_slice %arg9[%dma_start3A_665] : memref<100352xf32, #tpu.memory_space<vmem_shared>> -> memref<100352xf32, #tpu.memory_space<vmem_shared>>
          %dma_start3A_667 = tpu.memref_slice %arg23[%select_n3A_351] : memref<2x!tpu.dma_semaphore, #tpu.memory_space<semaphore_mem>> -> memref<1x!tpu.dma_semaphore, #tpu.memory_space<semaphore_mem>>
          %dma_start3A_668 = tpu.memref_squeeze %dma_start3A_667 : memref<1x!tpu.dma_semaphore, #tpu.memory_space<semaphore_mem>> -> memref<!tpu.dma_semaphore, #tpu.memory_space<semaphore_mem>>
          tpu.enqueue_indirect_dma source(%dma_start3A_661 : memref<128xf32, #tpu.memory_space<vmem>>) target(%dma_start3A_666 : memref<100352xf32, #tpu.memory_space<vmem_shared>>) offsets(%dma_start3A_664 : memref<128xi32, #tpu.memory_space<vmem>>) semaphore(%dma_start3A_668 : memref<!tpu.dma_semaphore, #tpu.memory_space<semaphore_mem>>) {add = true}
          %scan3A_669 = arith.constant 0 : i32
          scf.yield %scan3A_669 : i32
        }
        %scan3A_400 = arith.constant 2 : i32
        %scan3A_401 = arith.constant 0 : i32
        scf.yield %scan3A_401 : i32
      }
      %scan3A_100 = arith.constant 392 : i32
      %dma_wait3A = arith.constant 0 : i32
      %dma_wait3A_101 = arith.constant 0 : i32
      %dma_wait3A_102 = arith.constant 0 : i32
      %dma_wait3A_103 = arith.constant 0 : i32
      %dma_wait3A_104 = arith.constant 0 : i32
      %dma_wait3A_105 = arith.constant 0 : i32
      %dma_wait3A_106 = tpu.memref_slice %arg15[%dma_wait3A, %dma_wait3A_101, %dma_wait3A_105] : memref<2x2x128xf32, #tpu.memory_space<vmem>> -> memref<1x1x128xf32, #tpu.memory_space<vmem>>
      %dma_wait3A_107 = tpu.memref_squeeze %dma_wait3A_106 : memref<1x1x128xf32, #tpu.memory_space<vmem>> -> memref<128xf32, #tpu.memory_space<vmem>>
      %dma_wait3A_108 = arith.constant 0 : i32
      %dma_wait3A_109 = tpu.memref_slice %arg14[%dma_wait3A_102, %dma_wait3A_103, %dma_wait3A_108] : memref<2x2x128xi32, #tpu.memory_space<vmem>> -> memref<1x1x128xi32, #tpu.memory_space<vmem>>
      %dma_wait3A_110 = tpu.memref_squeeze %dma_wait3A_109 : memref<1x1x128xi32, #tpu.memory_space<vmem>> -> memref<128xi32, #tpu.memory_space<vmem>>
      %dma_wait3A_111 = arith.constant 0 : i32
      %dma_wait3A_112 = tpu.memref_slice %arg9[%dma_wait3A_111] : memref<100352xf32, #tpu.memory_space<vmem_shared>> -> memref<100352xf32, #tpu.memory_space<vmem_shared>>
      %dma_wait3A_113 = tpu.memref_slice %arg23[%dma_wait3A_104] : memref<2x!tpu.dma_semaphore, #tpu.memory_space<semaphore_mem>> -> memref<1x!tpu.dma_semaphore, #tpu.memory_space<semaphore_mem>>
      %dma_wait3A_114 = tpu.memref_squeeze %dma_wait3A_113 : memref<1x!tpu.dma_semaphore, #tpu.memory_space<semaphore_mem>> -> memref<!tpu.dma_semaphore, #tpu.memory_space<semaphore_mem>>
      tpu.wait_indirect_dma semaphore(%dma_wait3A_114 : memref<!tpu.dma_semaphore, #tpu.memory_space<semaphore_mem>>) src(%dma_wait3A_107 : memref<128xf32, #tpu.memory_space<vmem>>) dst(%dma_wait3A_112 : memref<100352xf32, #tpu.memory_space<vmem_shared>>)
      %dma_wait3A_115 = arith.constant 0 : i32
      %dma_wait3A_116 = arith.constant 0 : i32
      %dma_wait3A_117 = arith.constant 0 : i32
      %dma_wait3A_118 = arith.constant 0 : i32
      %dma_wait3A_119 = arith.constant 0 : i32
      %dma_wait3A_120 = arith.constant 0 : i32
      %dma_wait3A_121 = tpu.memref_slice %arg15[%dma_wait3A_115, %dma_wait3A_116, %dma_wait3A_120] : memref<2x2x128xf32, #tpu.memory_space<vmem>> -> memref<1x1x128xf32, #tpu.memory_space<vmem>>
      %dma_wait3A_122 = tpu.memref_squeeze %dma_wait3A_121 : memref<1x1x128xf32, #tpu.memory_space<vmem>> -> memref<128xf32, #tpu.memory_space<vmem>>
      %dma_wait3A_123 = arith.constant 0 : i32
      %dma_wait3A_124 = tpu.memref_slice %arg14[%dma_wait3A_117, %dma_wait3A_118, %dma_wait3A_123] : memref<2x2x128xi32, #tpu.memory_space<vmem>> -> memref<1x1x128xi32, #tpu.memory_space<vmem>>
      %dma_wait3A_125 = tpu.memref_squeeze %dma_wait3A_124 : memref<1x1x128xi32, #tpu.memory_space<vmem>> -> memref<128xi32, #tpu.memory_space<vmem>>
      %dma_wait3A_126 = arith.constant 0 : i32
      %dma_wait3A_127 = tpu.memref_slice %arg9[%dma_wait3A_126] : memref<100352xf32, #tpu.memory_space<vmem_shared>> -> memref<100352xf32, #tpu.memory_space<vmem_shared>>
      %dma_wait3A_128 = tpu.memref_slice %arg23[%dma_wait3A_119] : memref<2x!tpu.dma_semaphore, #tpu.memory_space<semaphore_mem>> -> memref<1x!tpu.dma_semaphore, #tpu.memory_space<semaphore_mem>>
      %dma_wait3A_129 = tpu.memref_squeeze %dma_wait3A_128 : memref<1x!tpu.dma_semaphore, #tpu.memory_space<semaphore_mem>> -> memref<!tpu.dma_semaphore, #tpu.memory_space<semaphore_mem>>
      tpu.wait_indirect_dma semaphore(%dma_wait3A_129 : memref<!tpu.dma_semaphore, #tpu.memory_space<semaphore_mem>>) src(%dma_wait3A_122 : memref<128xf32, #tpu.memory_space<vmem>>) dst(%dma_wait3A_127 : memref<100352xf32, #tpu.memory_space<vmem_shared>>)
      %dma_wait3A_130 = arith.constant 0 : i32
      %dma_wait3A_131 = arith.constant 0 : i32
      %dma_wait3A_132 = arith.constant 0 : i32
      %dma_wait3A_133 = arith.constant 0 : i32
      %dma_wait3A_134 = arith.constant 1 : i32
      %dma_wait3A_135 = arith.constant 0 : i32
      %dma_wait3A_136 = tpu.memref_slice %arg15[%dma_wait3A_130, %dma_wait3A_131, %dma_wait3A_135] : memref<2x2x128xf32, #tpu.memory_space<vmem>> -> memref<1x1x128xf32, #tpu.memory_space<vmem>>
      %dma_wait3A_137 = tpu.memref_squeeze %dma_wait3A_136 : memref<1x1x128xf32, #tpu.memory_space<vmem>> -> memref<128xf32, #tpu.memory_space<vmem>>
      %dma_wait3A_138 = arith.constant 0 : i32
      %dma_wait3A_139 = tpu.memref_slice %arg14[%dma_wait3A_132, %dma_wait3A_133, %dma_wait3A_138] : memref<2x2x128xi32, #tpu.memory_space<vmem>> -> memref<1x1x128xi32, #tpu.memory_space<vmem>>
      %dma_wait3A_140 = tpu.memref_squeeze %dma_wait3A_139 : memref<1x1x128xi32, #tpu.memory_space<vmem>> -> memref<128xi32, #tpu.memory_space<vmem>>
      %dma_wait3A_141 = arith.constant 0 : i32
      %dma_wait3A_142 = tpu.memref_slice %arg9[%dma_wait3A_141] : memref<100352xf32, #tpu.memory_space<vmem_shared>> -> memref<100352xf32, #tpu.memory_space<vmem_shared>>
      %dma_wait3A_143 = tpu.memref_slice %arg23[%dma_wait3A_134] : memref<2x!tpu.dma_semaphore, #tpu.memory_space<semaphore_mem>> -> memref<1x!tpu.dma_semaphore, #tpu.memory_space<semaphore_mem>>
      %dma_wait3A_144 = tpu.memref_squeeze %dma_wait3A_143 : memref<1x!tpu.dma_semaphore, #tpu.memory_space<semaphore_mem>> -> memref<!tpu.dma_semaphore, #tpu.memory_space<semaphore_mem>>
      tpu.wait_indirect_dma semaphore(%dma_wait3A_144 : memref<!tpu.dma_semaphore, #tpu.memory_space<semaphore_mem>>) src(%dma_wait3A_137 : memref<128xf32, #tpu.memory_space<vmem>>) dst(%dma_wait3A_142 : memref<100352xf32, #tpu.memory_space<vmem_shared>>)
      %dma_wait3A_145 = arith.constant 0 : i32
      %dma_wait3A_146 = arith.constant 0 : i32
      %dma_wait3A_147 = arith.constant 0 : i32
      %dma_wait3A_148 = arith.constant 0 : i32
      %dma_wait3A_149 = arith.constant 1 : i32
      %dma_wait3A_150 = arith.constant 0 : i32
      %dma_wait3A_151 = tpu.memref_slice %arg15[%dma_wait3A_145, %dma_wait3A_146, %dma_wait3A_150] : memref<2x2x128xf32, #tpu.memory_space<vmem>> -> memref<1x1x128xf32, #tpu.memory_space<vmem>>
      %dma_wait3A_152 = tpu.memref_squeeze %dma_wait3A_151 : memref<1x1x128xf32, #tpu.memory_space<vmem>> -> memref<128xf32, #tpu.memory_space<vmem>>
      %dma_wait3A_153 = arith.constant 0 : i32
      %dma_wait3A_154 = tpu.memref_slice %arg14[%dma_wait3A_147, %dma_wait3A_148, %dma_wait3A_153] : memref<2x2x128xi32, #tpu.memory_space<vmem>> -> memref<1x1x128xi32, #tpu.memory_space<vmem>>
      %dma_wait3A_155 = tpu.memref_squeeze %dma_wait3A_154 : memref<1x1x128xi32, #tpu.memory_space<vmem>> -> memref<128xi32, #tpu.memory_space<vmem>>
      %dma_wait3A_156 = arith.constant 0 : i32
      %dma_wait3A_157 = tpu.memref_slice %arg9[%dma_wait3A_156] : memref<100352xf32, #tpu.memory_space<vmem_shared>> -> memref<100352xf32, #tpu.memory_space<vmem_shared>>
      %dma_wait3A_158 = tpu.memref_slice %arg23[%dma_wait3A_149] : memref<2x!tpu.dma_semaphore, #tpu.memory_space<semaphore_mem>> -> memref<1x!tpu.dma_semaphore, #tpu.memory_space<semaphore_mem>>
      %dma_wait3A_159 = tpu.memref_squeeze %dma_wait3A_158 : memref<1x!tpu.dma_semaphore, #tpu.memory_space<semaphore_mem>> -> memref<!tpu.dma_semaphore, #tpu.memory_space<semaphore_mem>>
      tpu.wait_indirect_dma semaphore(%dma_wait3A_159 : memref<!tpu.dma_semaphore, #tpu.memory_space<semaphore_mem>>) src(%dma_wait3A_152 : memref<128xf32, #tpu.memory_space<vmem>>) dst(%dma_wait3A_157 : memref<100352xf32, #tpu.memory_space<vmem_shared>>)
      %barrier3A_160 = arith.constant 0 : index
      tpu.barrier barrier_id(%barrier3A_160)
      %dma_start3A_161 = arith.constant 0 : i32
      %dma_start3A_162 = arith.constant 0 : i32
      %dma_start3A_163 = arith.constant 0 : i32
      %dma_start3A_164 = tpu.memref_slice %arg17[%dma_start3A_161, %dma_start3A_162, %dma_start3A_163] : memref<2x128x16xf32, #tpu.memory_space<vmem>> -> memref<1x128x16xf32, #tpu.memory_space<vmem>>
      %dma_start3A_165 = tpu.memref_squeeze %dma_start3A_164 : memref<1x128x16xf32, #tpu.memory_space<vmem>> -> memref<128x16xf32, #tpu.memory_space<vmem>>
      %dma_start3A_166 = arith.constant 0 : i32
      %dma_start3A_167 = tpu.memref_slice %arg2[%arg0, %mul3A_0, %dma_start3A_166] : memref<2x100352x16xf32, #tpu.memory_space<hbm>> -> memref<1x128x16xf32, #tpu.memory_space<hbm>>
      %dma_start3A_168 = tpu.memref_squeeze %dma_start3A_167 : memref<1x128x16xf32, #tpu.memory_space<hbm>> -> memref<128x16xf32, #tpu.memory_space<hbm>>
      %dma_start3A_169 = arith.constant 0 : i32
      %dma_start3A_170 = arith.constant 0 : i32
      %dma_start3A_171 = tpu.memref_slice %arg17[%dma_start3A_161, %dma_start3A_169, %dma_start3A_170] : memref<2x128x16xf32, #tpu.memory_space<vmem>> -> memref<1x128x16xf32, #tpu.memory_space<vmem>>
      %dma_start3A_172 = tpu.memref_squeeze %dma_start3A_171 : memref<1x128x16xf32, #tpu.memory_space<vmem>> -> memref<128x16xf32, #tpu.memory_space<vmem>>
      %dma_start3A_173 = arith.constant 0 : i32
      %dma_start3A_174 = tpu.memref_slice %arg2[%arg0, %mul3A_0, %dma_start3A_173] : memref<2x100352x16xf32, #tpu.memory_space<hbm>> -> memref<1x128x16xf32, #tpu.memory_space<hbm>>
      %dma_start3A_175 = tpu.memref_squeeze %dma_start3A_174 : memref<1x128x16xf32, #tpu.memory_space<hbm>> -> memref<128x16xf32, #tpu.memory_space<hbm>>
      tpu.enqueue_dma source(%dma_start3A_175 : memref<128x16xf32, #tpu.memory_space<hbm>>) target(%dma_start3A_172 : memref<128x16xf32, #tpu.memory_space<vmem>>) target_semaphore(%arg24 : memref<!tpu.dma_semaphore, #tpu.memory_space<semaphore_mem>>)
      %scan3A_176 = arith.constant 0 : i32
      %scan3A_177 = arith.constant 0 : i32
      %scan3A_178 = arith.constant 49 : i32
      %scan3A_179 = arith.addi %scan3A_177, %scan3A_178 : i32
      %scan3A_180 = arith.constant 1 : i32
      %scan3A_181 = scf.for %scan3A_341 = %scan3A_177 to %scan3A_179 step %scan3A_180 iter_args(%scan3A_342 = %scan3A_176) -> (i32)  : i32 {
        %jit3A = arith.constant 2 : i32
        %eq3A = arith.constant 0 : i32
        %eq3A_343 = arith.cmpi eq, %jit3A, %eq3A : i32
        %jit3A_344 = arith.constant 1 : i32
        %select_n3A = arith.select %eq3A_343, %jit3A_344, %jit3A : i32
        %rem3A = arith.remsi %scan3A_341, %select_n3A : i32
        %ne3A = arith.constant 0 : i32
        %ne3A_345 = arith.cmpi ne, %rem3A, %ne3A : i32
        %lt3A = arith.constant 0 : i32
        %lt3A_346 = arith.cmpi slt, %rem3A, %lt3A : i32
        %lt3A_347 = arith.constant 0 : i32
        %lt3A_348 = arith.cmpi slt, %select_n3A, %lt3A_347 : i32
        %ne3A_349 = arith.xori %lt3A_346, %lt3A_348 : i1
        %and3A = arith.andi %ne3A_349, %ne3A_345 : i1
        %add3A_350 = arith.addi %rem3A, %select_n3A : i32
        %select_n3A_351 = arith.select %and3A, %add3A_350, %rem3A : i32
        %dma_wait3A_352 = arith.constant 0 : i32
        %dma_wait3A_353 = arith.constant 0 : i32
        %dma_wait3A_354 = arith.constant 0 : i32
        %dma_wait3A_355 = arith.constant 0 : i32
        %dma_wait3A_356 = tpu.memref_slice %arg17[%dma_wait3A_353, %dma_wait3A_354, %dma_wait3A_355] : memref<2x128x16xf32, #tpu.memory_space<vmem>> -> memref<1x128x16xf32, #tpu.memory_space<vmem>>
        %dma_wait3A_357 = tpu.memref_squeeze %dma_wait3A_356 : memref<1x128x16xf32, #tpu.memory_space<vmem>> -> memref<128x16xf32, #tpu.memory_space<vmem>>
        %dma_wait3A_358 = arith.constant 0 : i32
        %dma_wait3A_359 = arith.constant 0 : i32
        %dma_wait3A_360 = tpu.memref_slice %arg2[%dma_wait3A_352, %dma_wait3A_358, %dma_wait3A_359] : memref<2x100352x16xf32, #tpu.memory_space<hbm>> -> memref<1x128x16xf32, #tpu.memory_space<hbm>>
        %dma_wait3A_361 = tpu.memref_squeeze %dma_wait3A_360 : memref<1x128x16xf32, #tpu.memory_space<hbm>> -> memref<128x16xf32, #tpu.memory_space<hbm>>
        %dma_wait3A_362 = arith.constant 0 : i32
        %dma_wait3A_363 = arith.constant 0 : i32
        %dma_wait3A_364 = tpu.memref_slice %arg17[%dma_wait3A_353, %dma_wait3A_362, %dma_wait3A_363] : memref<2x128x16xf32, #tpu.memory_space<vmem>> -> memref<1x128x16xf32, #tpu.memory_space<vmem>>
        %dma_wait3A_365 = tpu.memref_squeeze %dma_wait3A_364 : memref<1x128x16xf32, #tpu.memory_space<vmem>> -> memref<128x16xf32, #tpu.memory_space<vmem>>
        %dma_wait3A_366 = arith.constant 0 : i32
        %dma_wait3A_367 = arith.constant 0 : i32
        %dma_wait3A_368 = tpu.memref_slice %arg2[%dma_wait3A_352, %dma_wait3A_366, %dma_wait3A_367] : memref<2x100352x16xf32, #tpu.memory_space<hbm>> -> memref<1x128x16xf32, #tpu.memory_space<hbm>>
        %dma_wait3A_369 = tpu.memref_squeeze %dma_wait3A_368 : memref<1x128x16xf32, #tpu.memory_space<hbm>> -> memref<128x16xf32, #tpu.memory_space<hbm>>
        tpu.wait_dma2 semaphore(%arg24 : memref<!tpu.dma_semaphore, #tpu.memory_space<semaphore_mem>>) src(%dma_wait3A_369 : memref<128x16xf32, #tpu.memory_space<hbm>>) dst(%dma_wait3A_365 : memref<128x16xf32, #tpu.memory_space<vmem>>)
        %ge3A = arith.constant 1 : i32
        %ge3A_370 = arith.cmpi sge, %scan3A_341, %ge3A : i32
        %convert_element_type3A = arith.extui %ge3A_370 : i1 to i32
        %cond3A = arith.constant 0 : i32
        %cond3A_371 = arith.cmpi ne, %convert_element_type3A, %cond3A : i32
        scf.if %cond3A_371 {
          %dma_wait3A_865 = arith.constant 0 : i32
          %dma_wait3A_866 = arith.constant 0 : i32
          %dma_wait3A_867 = arith.constant 0 : i32
          %dma_wait3A_868 = tpu.memref_slice %arg17[%dma_wait3A_865, %dma_wait3A_866, %dma_wait3A_867] : memref<2x128x16xf32, #tpu.memory_space<vmem>> -> memref<1x128x16xf32, #tpu.memory_space<vmem>>
          %dma_wait3A_869 = tpu.memref_squeeze %dma_wait3A_868 : memref<1x128x16xf32, #tpu.memory_space<vmem>> -> memref<128x16xf32, #tpu.memory_space<vmem>>
          %dma_wait3A_870 = arith.constant 0 : i32
          %dma_wait3A_871 = arith.constant 0 : i32
          %dma_wait3A_872 = tpu.memref_slice %arg7[%dma_wait3A_870, %dma_wait3A_871] : memref<200704x16xf32, #tpu.memory_space<hbm>> -> memref<128x16xf32, #tpu.memory_space<hbm>>
          %dma_wait3A_873 = arith.constant 0 : i32
          %dma_wait3A_874 = arith.constant 0 : i32
          %dma_wait3A_875 = tpu.memref_slice %arg7[%dma_wait3A_873, %dma_wait3A_874] : memref<200704x16xf32, #tpu.memory_space<hbm>> -> memref<128x16xf32, #tpu.memory_space<hbm>>
          %dma_wait3A_876 = arith.constant 0 : i32
          %dma_wait3A_877 = arith.constant 0 : i32
          %dma_wait3A_878 = tpu.memref_slice %arg17[%dma_wait3A_865, %dma_wait3A_876, %dma_wait3A_877] : memref<2x128x16xf32, #tpu.memory_space<vmem>> -> memref<1x128x16xf32, #tpu.memory_space<vmem>>
          %dma_wait3A_879 = tpu.memref_squeeze %dma_wait3A_878 : memref<1x128x16xf32, #tpu.memory_space<vmem>> -> memref<128x16xf32, #tpu.memory_space<vmem>>
          tpu.wait_dma2 semaphore(%arg25 : memref<!tpu.dma_semaphore, #tpu.memory_space<semaphore_mem>>) src(%dma_wait3A_879 : memref<128x16xf32, #tpu.memory_space<vmem>>) dst(%dma_wait3A_875 : memref<128x16xf32, #tpu.memory_space<hbm>>)
        } else {
        }
        %add3A_372 = arith.constant 1 : i32
        %add3A_373 = arith.addi %scan3A_341, %add3A_372 : i32
        %lt3A_374 = arith.constant 49 : i32
        %lt3A_375 = arith.cmpi slt, %add3A_373, %lt3A_374 : i32
        %convert_element_type3A_376 = arith.extui %lt3A_375 : i1 to i32
        %cond3A_377 = arith.constant 0 : i32
        %cond3A_378 = arith.cmpi ne, %convert_element_type3A_376, %cond3A_377 : i32
        scf.if %cond3A_378 {
          %add3A_865 = arith.constant 1 : i32
          %add3A_866 = arith.addi %scan3A_341, %add3A_865 : i32
          %mul3A_867 = arith.constant 128 : i32
          %mul3A_868 = arith.muli %add3A_866, %mul3A_867 : i32
          %add3A_869 = arith.addi %mul3A_0, %mul3A_868 : i32
          %sub3A = arith.constant 1 : i32
          %sub3A_870 = arith.subi %sub3A, %select_n3A_351 : i32
          %dma_start3A_871 = arith.constant 0 : i32
          %dma_start3A_872 = arith.constant 0 : i32
          %dma_start3A_873 = tpu.memref_slice %arg17[%sub3A_870, %dma_start3A_871, %dma_start3A_872] : memref<2x128x16xf32, #tpu.memory_space<vmem>> -> memref<1x128x16xf32, #tpu.memory_space<vmem>>
          %dma_start3A_874 = tpu.memref_squeeze %dma_start3A_873 : memref<1x128x16xf32, #tpu.memory_space<vmem>> -> memref<128x16xf32, #tpu.memory_space<vmem>>
          %dma_start3A_875 = arith.constant 0 : i32
          %dma_start3A_876 = tpu.memref_slice %arg2[%arg0, %add3A_869, %dma_start3A_875] : memref<2x100352x16xf32, #tpu.memory_space<hbm>> -> memref<1x128x16xf32, #tpu.memory_space<hbm>>
          %dma_start3A_877 = tpu.memref_squeeze %dma_start3A_876 : memref<1x128x16xf32, #tpu.memory_space<hbm>> -> memref<128x16xf32, #tpu.memory_space<hbm>>
          %dma_start3A_878 = arith.constant 0 : i32
          %dma_start3A_879 = arith.constant 0 : i32
          %dma_start3A_880 = tpu.memref_slice %arg17[%sub3A_870, %dma_start3A_878, %dma_start3A_879] : memref<2x128x16xf32, #tpu.memory_space<vmem>> -> memref<1x128x16xf32, #tpu.memory_space<vmem>>
          %dma_start3A_881 = tpu.memref_squeeze %dma_start3A_880 : memref<1x128x16xf32, #tpu.memory_space<vmem>> -> memref<128x16xf32, #tpu.memory_space<vmem>>
          %dma_start3A_882 = arith.constant 0 : i32
          %dma_start3A_883 = tpu.memref_slice %arg2[%arg0, %add3A_869, %dma_start3A_882] : memref<2x100352x16xf32, #tpu.memory_space<hbm>> -> memref<1x128x16xf32, #tpu.memory_space<hbm>>
          %dma_start3A_884 = tpu.memref_squeeze %dma_start3A_883 : memref<1x128x16xf32, #tpu.memory_space<hbm>> -> memref<128x16xf32, #tpu.memory_space<hbm>>
          tpu.enqueue_dma source(%dma_start3A_884 : memref<128x16xf32, #tpu.memory_space<hbm>>) target(%dma_start3A_881 : memref<128x16xf32, #tpu.memory_space<vmem>>) target_semaphore(%arg24 : memref<!tpu.dma_semaphore, #tpu.memory_space<semaphore_mem>>)
        } else {
        }
        %mul3A_379 = arith.constant 128 : i32
        %mul3A_380 = arith.muli %scan3A_341, %mul3A_379 : i32
        %add3A_381 = arith.addi %mul3A_0, %mul3A_380 : i32
        "tpu.region"() ({
          %run_scoped3A = tpu.sem_alloc : memref<!tpu.dma_semaphore, #tpu.memory_space<semaphore_mem>>
          %dma_start3A_865 = arith.constant 0 : i32
          %dma_start3A_866 = tpu.memref_slice %arg18[%select_n3A_351, %dma_start3A_865] : memref<2x128xf32, #tpu.memory_space<vmem>> -> memref<1x128xf32, #tpu.memory_space<vmem>>
          %dma_start3A_867 = tpu.memref_squeeze %dma_start3A_866 : memref<1x128xf32, #tpu.memory_space<vmem>> -> memref<128xf32, #tpu.memory_space<vmem>>
          %dma_start3A_868 = tpu.memref_slice %arg9[%add3A_381] : memref<100352xf32, #tpu.memory_space<vmem_shared>> -> memref<128xf32, #tpu.memory_space<vmem_shared>>
          %dma_start3A_869 = arith.constant 0 : i32
          %dma_start3A_870 = tpu.memref_slice %arg18[%select_n3A_351, %dma_start3A_869] : memref<2x128xf32, #tpu.memory_space<vmem>> -> memref<1x128xf32, #tpu.memory_space<vmem>>
          %dma_start3A_871 = tpu.memref_squeeze %dma_start3A_870 : memref<1x128xf32, #tpu.memory_space<vmem>> -> memref<128xf32, #tpu.memory_space<vmem>>
          %dma_start3A_872 = tpu.memref_slice %arg9[%add3A_381] : memref<100352xf32, #tpu.memory_space<vmem_shared>> -> memref<128xf32, #tpu.memory_space<vmem_shared>>
          tpu.enqueue_dma source(%dma_start3A_872 : memref<128xf32, #tpu.memory_space<vmem_shared>>) target(%dma_start3A_871 : memref<128xf32, #tpu.memory_space<vmem>>) target_semaphore(%run_scoped3A : memref<!tpu.dma_semaphore, #tpu.memory_space<semaphore_mem>>)
          %dma_wait3A_873 = arith.constant 0 : i32
          %dma_wait3A_874 = tpu.memref_slice %arg18[%select_n3A_351, %dma_wait3A_873] : memref<2x128xf32, #tpu.memory_space<vmem>> -> memref<1x128xf32, #tpu.memory_space<vmem>>
          %dma_wait3A_875 = tpu.memref_squeeze %dma_wait3A_874 : memref<1x128xf32, #tpu.memory_space<vmem>> -> memref<128xf32, #tpu.memory_space<vmem>>
          %dma_wait3A_876 = tpu.memref_slice %arg9[%add3A_381] : memref<100352xf32, #tpu.memory_space<vmem_shared>> -> memref<128xf32, #tpu.memory_space<vmem_shared>>
          %dma_wait3A_877 = arith.constant 0 : i32
          %dma_wait3A_878 = tpu.memref_slice %arg18[%select_n3A_351, %dma_wait3A_877] : memref<2x128xf32, #tpu.memory_space<vmem>> -> memref<1x128xf32, #tpu.memory_space<vmem>>
          %dma_wait3A_879 = tpu.memref_squeeze %dma_wait3A_878 : memref<1x128xf32, #tpu.memory_space<vmem>> -> memref<128xf32, #tpu.memory_space<vmem>>
          %dma_wait3A_880 = tpu.memref_slice %arg9[%add3A_381] : memref<100352xf32, #tpu.memory_space<vmem_shared>> -> memref<128xf32, #tpu.memory_space<vmem_shared>>
          tpu.wait_dma2 semaphore(%run_scoped3A : memref<!tpu.dma_semaphore, #tpu.memory_space<semaphore_mem>>) src(%dma_wait3A_880 : memref<128xf32, #tpu.memory_space<vmem_shared>>) dst(%dma_wait3A_879 : memref<128xf32, #tpu.memory_space<vmem>>)
          tpu.yield
        }) : () -> ()
        %get3A = arith.index_cast %select_n3A_351 : i32 to index
        %get3A_382 = arith.constant 0 : index
        %get3A_383 = tpu.vector_load %arg18[%get3A, %get3A_382] {strides = array<i32>} : memref<2x128xf32, #tpu.memory_space<vmem>>, vector<1x16xf32>,
        %get3A_384 = vector.shape_cast %get3A_383 : vector<1x16xf32> to vector<16xf32>
        %mul3A_385 = arith.constant 2.500000e-01 : f32
        %mul3A_386 = vector.broadcast %mul3A_385 : f32 to vector<16xf32>
        %mul3A_387 = arith.mulf %mul3A_386, %get3A_384 : vector<16xf32>
        %add3A_388 = arith.constant 1.000000e+00 : f32
        %add3A_389 = vector.broadcast %add3A_388 : f32 to vector<16xf32>
        %add3A_390 = arith.addf %mul3A_387, %add3A_389 : vector<16xf32>
        %div3A = arith.divf %get3A_384, %add3A_390 : vector<16xf32>
        %add3A_391 = arith.addf %add3A_390, %div3A : vector<16xf32>
        %mul3A_392 = arith.constant 5.000000e-01 : f32
        %mul3A_393 = vector.broadcast %mul3A_392 : f32 to vector<16xf32>
        %mul3A_394 = arith.mulf %mul3A_393, %add3A_391 : vector<16xf32>
        %div3A_395 = arith.divf %get3A_384, %mul3A_394 : vector<16xf32>
        %add3A_396 = arith.addf %mul3A_394, %div3A_395 : vector<16xf32>
        %mul3A_397 = arith.constant 5.000000e-01 : f32
        %mul3A_398 = vector.broadcast %mul3A_397 : f32 to vector<16xf32>
        %mul3A_399 = arith.mulf %mul3A_398, %add3A_396 : vector<16xf32>
        %div3A_400 = arith.divf %get3A_384, %mul3A_399 : vector<16xf32>
        %add3A_401 = arith.addf %mul3A_399, %div3A_400 : vector<16xf32>
        %mul3A_402 = arith.constant 5.000000e-01 : f32
        %mul3A_403 = vector.broadcast %mul3A_402 : f32 to vector<16xf32>
        %mul3A_404 = arith.mulf %mul3A_403, %add3A_401 : vector<16xf32>
        %div3A_405 = arith.divf %get3A_384, %mul3A_404 : vector<16xf32>
        %add3A_406 = arith.addf %mul3A_404, %div3A_405 : vector<16xf32>
        %mul3A_407 = arith.constant 5.000000e-01 : f32
        %mul3A_408 = vector.broadcast %mul3A_407 : f32 to vector<16xf32>
        %mul3A_409 = arith.mulf %mul3A_408, %add3A_406 : vector<16xf32>
        %div3A_410 = arith.divf %get3A_384, %mul3A_409 : vector<16xf32>
        %add3A_411 = arith.addf %mul3A_409, %div3A_410 : vector<16xf32>
        %mul3A_412 = arith.constant 5.000000e-01 : f32
        %mul3A_413 = vector.broadcast %mul3A_412 : f32 to vector<16xf32>
        %mul3A_414 = arith.mulf %mul3A_413, %add3A_411 : vector<16xf32>
        %div3A_415 = arith.divf %get3A_384, %mul3A_414 : vector<16xf32>
        %add3A_416 = arith.addf %mul3A_414, %div3A_415 : vector<16xf32>
        %mul3A_417 = arith.constant 5.000000e-01 : f32
        %mul3A_418 = vector.broadcast %mul3A_417 : f32 to vector<16xf32>
        %mul3A_419 = arith.mulf %mul3A_418, %add3A_416 : vector<16xf32>
        %div3A_420 = arith.divf %get3A_384, %mul3A_419 : vector<16xf32>
        %add3A_421 = arith.addf %mul3A_419, %div3A_420 : vector<16xf32>
        %mul3A_422 = arith.constant 5.000000e-01 : f32
        %mul3A_423 = vector.broadcast %mul3A_422 : f32 to vector<16xf32>
        %mul3A_424 = arith.mulf %mul3A_423, %add3A_421 : vector<16xf32>
        %div3A_425 = arith.divf %get3A_384, %mul3A_424 : vector<16xf32>
        %add3A_426 = arith.addf %mul3A_424, %div3A_425 : vector<16xf32>
        %mul3A_427 = arith.constant 5.000000e-01 : f32
        %mul3A_428 = vector.broadcast %mul3A_427 : f32 to vector<16xf32>
        %mul3A_429 = arith.mulf %mul3A_428, %add3A_426 : vector<16xf32>
        %div3A_430 = arith.constant 1.000000e+00 : f32
        %div3A_431 = vector.broadcast %div3A_430 : f32 to vector<16xf32>
        %div3A_432 = arith.divf %div3A_431, %mul3A_429 : vector<16xf32>
        %swap3A_433 = arith.index_cast %select_n3A_351 : i32 to index
        %swap3A_434 = arith.constant 0 : index
        %swap3A_435 = tpu.vector_load %arg18[%swap3A_433, %swap3A_434] {strides = array<i32>} : memref<2x128xf32, #tpu.memory_space<vmem>>, vector<1x16xf32>,
        %swap3A_436 = vector.shape_cast %swap3A_435 : vector<1x16xf32> to vector<16xf32>
        %swap3A_437 = vector.shape_cast %div3A_432 : vector<16xf32> to vector<1x16xf32>
        tpu.vector_store %arg18[%swap3A_433, %swap3A_434], %swap3A_437 {strides = array<i32>} : memref<2x128xf32, #tpu.memory_space<vmem>>, vector<1x16xf32>,
        %get3A_438 = arith.index_cast %select_n3A_351 : i32 to index
        %get3A_439 = arith.constant 16 : index
        %get3A_440 = tpu.vector_load %arg18[%get3A_438, %get3A_439] {strides = array<i32>} : memref<2x128xf32, #tpu.memory_space<vmem>>, vector<1x16xf32>,
        %get3A_441 = vector.shape_cast %get3A_440 : vector<1x16xf32> to vector<16xf32>
        %mul3A_442 = arith.constant 2.500000e-01 : f32
        %mul3A_443 = vector.broadcast %mul3A_442 : f32 to vector<16xf32>
        %mul3A_444 = arith.mulf %mul3A_443, %get3A_441 : vector<16xf32>
        %add3A_445 = arith.constant 1.000000e+00 : f32
        %add3A_446 = vector.broadcast %add3A_445 : f32 to vector<16xf32>
        %add3A_447 = arith.addf %mul3A_444, %add3A_446 : vector<16xf32>
        %div3A_448 = arith.divf %get3A_441, %add3A_447 : vector<16xf32>
        %add3A_449 = arith.addf %add3A_447, %div3A_448 : vector<16xf32>
        %mul3A_450 = arith.constant 5.000000e-01 : f32
        %mul3A_451 = vector.broadcast %mul3A_450 : f32 to vector<16xf32>
        %mul3A_452 = arith.mulf %mul3A_451, %add3A_449 : vector<16xf32>
        %div3A_453 = arith.divf %get3A_441, %mul3A_452 : vector<16xf32>
        %add3A_454 = arith.addf %mul3A_452, %div3A_453 : vector<16xf32>
        %mul3A_455 = arith.constant 5.000000e-01 : f32
        %mul3A_456 = vector.broadcast %mul3A_455 : f32 to vector<16xf32>
        %mul3A_457 = arith.mulf %mul3A_456, %add3A_454 : vector<16xf32>
        %div3A_458 = arith.divf %get3A_441, %mul3A_457 : vector<16xf32>
        %add3A_459 = arith.addf %mul3A_457, %div3A_458 : vector<16xf32>
        %mul3A_460 = arith.constant 5.000000e-01 : f32
        %mul3A_461 = vector.broadcast %mul3A_460 : f32 to vector<16xf32>
        %mul3A_462 = arith.mulf %mul3A_461, %add3A_459 : vector<16xf32>
        %div3A_463 = arith.divf %get3A_441, %mul3A_462 : vector<16xf32>
        %add3A_464 = arith.addf %mul3A_462, %div3A_463 : vector<16xf32>
        %mul3A_465 = arith.constant 5.000000e-01 : f32
        %mul3A_466 = vector.broadcast %mul3A_465 : f32 to vector<16xf32>
        %mul3A_467 = arith.mulf %mul3A_466, %add3A_464 : vector<16xf32>
        %div3A_468 = arith.divf %get3A_441, %mul3A_467 : vector<16xf32>
        %add3A_469 = arith.addf %mul3A_467, %div3A_468 : vector<16xf32>
        %mul3A_470 = arith.constant 5.000000e-01 : f32
        %mul3A_471 = vector.broadcast %mul3A_470 : f32 to vector<16xf32>
        %mul3A_472 = arith.mulf %mul3A_471, %add3A_469 : vector<16xf32>
        %div3A_473 = arith.divf %get3A_441, %mul3A_472 : vector<16xf32>
        %add3A_474 = arith.addf %mul3A_472, %div3A_473 : vector<16xf32>
        %mul3A_475 = arith.constant 5.000000e-01 : f32
        %mul3A_476 = vector.broadcast %mul3A_475 : f32 to vector<16xf32>
        %mul3A_477 = arith.mulf %mul3A_476, %add3A_474 : vector<16xf32>
        %div3A_478 = arith.divf %get3A_441, %mul3A_477 : vector<16xf32>
        %add3A_479 = arith.addf %mul3A_477, %div3A_478 : vector<16xf32>
        %mul3A_480 = arith.constant 5.000000e-01 : f32
        %mul3A_481 = vector.broadcast %mul3A_480 : f32 to vector<16xf32>
        %mul3A_482 = arith.mulf %mul3A_481, %add3A_479 : vector<16xf32>
        %div3A_483 = arith.divf %get3A_441, %mul3A_482 : vector<16xf32>
        %add3A_484 = arith.addf %mul3A_482, %div3A_483 : vector<16xf32>
        %mul3A_485 = arith.constant 5.000000e-01 : f32
        %mul3A_486 = vector.broadcast %mul3A_485 : f32 to vector<16xf32>
        %mul3A_487 = arith.mulf %mul3A_486, %add3A_484 : vector<16xf32>
        %div3A_488 = arith.constant 1.000000e+00 : f32
        %div3A_489 = vector.broadcast %div3A_488 : f32 to vector<16xf32>
        %div3A_490 = arith.divf %div3A_489, %mul3A_487 : vector<16xf32>
        %swap3A_491 = arith.index_cast %select_n3A_351 : i32 to index
        %swap3A_492 = arith.constant 16 : index
        %swap3A_493 = tpu.vector_load %arg18[%swap3A_491, %swap3A_492] {strides = array<i32>} : memref<2x128xf32, #tpu.memory_space<vmem>>, vector<1x16xf32>,
        %swap3A_494 = vector.shape_cast %swap3A_493 : vector<1x16xf32> to vector<16xf32>
        %swap3A_495 = vector.shape_cast %div3A_490 : vector<16xf32> to vector<1x16xf32>
        tpu.vector_store %arg18[%swap3A_491, %swap3A_492], %swap3A_495 {strides = array<i32>} : memref<2x128xf32, #tpu.memory_space<vmem>>, vector<1x16xf32>,
        %get3A_496 = arith.index_cast %select_n3A_351 : i32 to index
        %get3A_497 = arith.constant 32 : index
        %get3A_498 = tpu.vector_load %arg18[%get3A_496, %get3A_497] {strides = array<i32>} : memref<2x128xf32, #tpu.memory_space<vmem>>, vector<1x16xf32>,
        %get3A_499 = vector.shape_cast %get3A_498 : vector<1x16xf32> to vector<16xf32>
        %mul3A_500 = arith.constant 2.500000e-01 : f32
        %mul3A_501 = vector.broadcast %mul3A_500 : f32 to vector<16xf32>
        %mul3A_502 = arith.mulf %mul3A_501, %get3A_499 : vector<16xf32>
        %add3A_503 = arith.constant 1.000000e+00 : f32
        %add3A_504 = vector.broadcast %add3A_503 : f32 to vector<16xf32>
        %add3A_505 = arith.addf %mul3A_502, %add3A_504 : vector<16xf32>
        %div3A_506 = arith.divf %get3A_499, %add3A_505 : vector<16xf32>
        %add3A_507 = arith.addf %add3A_505, %div3A_506 : vector<16xf32>
        %mul3A_508 = arith.constant 5.000000e-01 : f32
        %mul3A_509 = vector.broadcast %mul3A_508 : f32 to vector<16xf32>
        %mul3A_510 = arith.mulf %mul3A_509, %add3A_507 : vector<16xf32>
        %div3A_511 = arith.divf %get3A_499, %mul3A_510 : vector<16xf32>
        %add3A_512 = arith.addf %mul3A_510, %div3A_511 : vector<16xf32>
        %mul3A_513 = arith.constant 5.000000e-01 : f32
        %mul3A_514 = vector.broadcast %mul3A_513 : f32 to vector<16xf32>
        %mul3A_515 = arith.mulf %mul3A_514, %add3A_512 : vector<16xf32>
        %div3A_516 = arith.divf %get3A_499, %mul3A_515 : vector<16xf32>
        %add3A_517 = arith.addf %mul3A_515, %div3A_516 : vector<16xf32>
        %mul3A_518 = arith.constant 5.000000e-01 : f32
        %mul3A_519 = vector.broadcast %mul3A_518 : f32 to vector<16xf32>
        %mul3A_520 = arith.mulf %mul3A_519, %add3A_517 : vector<16xf32>
        %div3A_521 = arith.divf %get3A_499, %mul3A_520 : vector<16xf32>
        %add3A_522 = arith.addf %mul3A_520, %div3A_521 : vector<16xf32>
        %mul3A_523 = arith.constant 5.000000e-01 : f32
        %mul3A_524 = vector.broadcast %mul3A_523 : f32 to vector<16xf32>
        %mul3A_525 = arith.mulf %mul3A_524, %add3A_522 : vector<16xf32>
        %div3A_526 = arith.divf %get3A_499, %mul3A_525 : vector<16xf32>
        %add3A_527 = arith.addf %mul3A_525, %div3A_526 : vector<16xf32>
        %mul3A_528 = arith.constant 5.000000e-01 : f32
        %mul3A_529 = vector.broadcast %mul3A_528 : f32 to vector<16xf32>
        %mul3A_530 = arith.mulf %mul3A_529, %add3A_527 : vector<16xf32>
        %div3A_531 = arith.divf %get3A_499, %mul3A_530 : vector<16xf32>
        %add3A_532 = arith.addf %mul3A_530, %div3A_531 : vector<16xf32>
        %mul3A_533 = arith.constant 5.000000e-01 : f32
        %mul3A_534 = vector.broadcast %mul3A_533 : f32 to vector<16xf32>
        %mul3A_535 = arith.mulf %mul3A_534, %add3A_532 : vector<16xf32>
        %div3A_536 = arith.divf %get3A_499, %mul3A_535 : vector<16xf32>
        %add3A_537 = arith.addf %mul3A_535, %div3A_536 : vector<16xf32>
        %mul3A_538 = arith.constant 5.000000e-01 : f32
        %mul3A_539 = vector.broadcast %mul3A_538 : f32 to vector<16xf32>
        %mul3A_540 = arith.mulf %mul3A_539, %add3A_537 : vector<16xf32>
        %div3A_541 = arith.divf %get3A_499, %mul3A_540 : vector<16xf32>
        %add3A_542 = arith.addf %mul3A_540, %div3A_541 : vector<16xf32>
        %mul3A_543 = arith.constant 5.000000e-01 : f32
        %mul3A_544 = vector.broadcast %mul3A_543 : f32 to vector<16xf32>
        %mul3A_545 = arith.mulf %mul3A_544, %add3A_542 : vector<16xf32>
        %div3A_546 = arith.constant 1.000000e+00 : f32
        %div3A_547 = vector.broadcast %div3A_546 : f32 to vector<16xf32>
        %div3A_548 = arith.divf %div3A_547, %mul3A_545 : vector<16xf32>
        %swap3A_549 = arith.index_cast %select_n3A_351 : i32 to index
        %swap3A_550 = arith.constant 32 : index
        %swap3A_551 = tpu.vector_load %arg18[%swap3A_549, %swap3A_550] {strides = array<i32>} : memref<2x128xf32, #tpu.memory_space<vmem>>, vector<1x16xf32>,
        %swap3A_552 = vector.shape_cast %swap3A_551 : vector<1x16xf32> to vector<16xf32>
        %swap3A_553 = vector.shape_cast %div3A_548 : vector<16xf32> to vector<1x16xf32>
        tpu.vector_store %arg18[%swap3A_549, %swap3A_550], %swap3A_553 {strides = array<i32>} : memref<2x128xf32, #tpu.memory_space<vmem>>, vector<1x16xf32>,
        %get3A_554 = arith.index_cast %select_n3A_351 : i32 to index
        %get3A_555 = arith.constant 48 : index
        %get3A_556 = tpu.vector_load %arg18[%get3A_554, %get3A_555] {strides = array<i32>} : memref<2x128xf32, #tpu.memory_space<vmem>>, vector<1x16xf32>,
        %get3A_557 = vector.shape_cast %get3A_556 : vector<1x16xf32> to vector<16xf32>
        %mul3A_558 = arith.constant 2.500000e-01 : f32
        %mul3A_559 = vector.broadcast %mul3A_558 : f32 to vector<16xf32>
        %mul3A_560 = arith.mulf %mul3A_559, %get3A_557 : vector<16xf32>
        %add3A_561 = arith.constant 1.000000e+00 : f32
        %add3A_562 = vector.broadcast %add3A_561 : f32 to vector<16xf32>
        %add3A_563 = arith.addf %mul3A_560, %add3A_562 : vector<16xf32>
        %div3A_564 = arith.divf %get3A_557, %add3A_563 : vector<16xf32>
        %add3A_565 = arith.addf %add3A_563, %div3A_564 : vector<16xf32>
        %mul3A_566 = arith.constant 5.000000e-01 : f32
        %mul3A_567 = vector.broadcast %mul3A_566 : f32 to vector<16xf32>
        %mul3A_568 = arith.mulf %mul3A_567, %add3A_565 : vector<16xf32>
        %div3A_569 = arith.divf %get3A_557, %mul3A_568 : vector<16xf32>
        %add3A_570 = arith.addf %mul3A_568, %div3A_569 : vector<16xf32>
        %mul3A_571 = arith.constant 5.000000e-01 : f32
        %mul3A_572 = vector.broadcast %mul3A_571 : f32 to vector<16xf32>
        %mul3A_573 = arith.mulf %mul3A_572, %add3A_570 : vector<16xf32>
        %div3A_574 = arith.divf %get3A_557, %mul3A_573 : vector<16xf32>
        %add3A_575 = arith.addf %mul3A_573, %div3A_574 : vector<16xf32>
        %mul3A_576 = arith.constant 5.000000e-01 : f32
        %mul3A_577 = vector.broadcast %mul3A_576 : f32 to vector<16xf32>
        %mul3A_578 = arith.mulf %mul3A_577, %add3A_575 : vector<16xf32>
        %div3A_579 = arith.divf %get3A_557, %mul3A_578 : vector<16xf32>
        %add3A_580 = arith.addf %mul3A_578, %div3A_579 : vector<16xf32>
        %mul3A_581 = arith.constant 5.000000e-01 : f32
        %mul3A_582 = vector.broadcast %mul3A_581 : f32 to vector<16xf32>
        %mul3A_583 = arith.mulf %mul3A_582, %add3A_580 : vector<16xf32>
        %div3A_584 = arith.divf %get3A_557, %mul3A_583 : vector<16xf32>
        %add3A_585 = arith.addf %mul3A_583, %div3A_584 : vector<16xf32>
        %mul3A_586 = arith.constant 5.000000e-01 : f32
        %mul3A_587 = vector.broadcast %mul3A_586 : f32 to vector<16xf32>
        %mul3A_588 = arith.mulf %mul3A_587, %add3A_585 : vector<16xf32>
        %div3A_589 = arith.divf %get3A_557, %mul3A_588 : vector<16xf32>
        %add3A_590 = arith.addf %mul3A_588, %div3A_589 : vector<16xf32>
        %mul3A_591 = arith.constant 5.000000e-01 : f32
        %mul3A_592 = vector.broadcast %mul3A_591 : f32 to vector<16xf32>
        %mul3A_593 = arith.mulf %mul3A_592, %add3A_590 : vector<16xf32>
        %div3A_594 = arith.divf %get3A_557, %mul3A_593 : vector<16xf32>
        %add3A_595 = arith.addf %mul3A_593, %div3A_594 : vector<16xf32>
        %mul3A_596 = arith.constant 5.000000e-01 : f32
        %mul3A_597 = vector.broadcast %mul3A_596 : f32 to vector<16xf32>
        %mul3A_598 = arith.mulf %mul3A_597, %add3A_595 : vector<16xf32>
        %div3A_599 = arith.divf %get3A_557, %mul3A_598 : vector<16xf32>
        %add3A_600 = arith.addf %mul3A_598, %div3A_599 : vector<16xf32>
        %mul3A_601 = arith.constant 5.000000e-01 : f32
        %mul3A_602 = vector.broadcast %mul3A_601 : f32 to vector<16xf32>
        %mul3A_603 = arith.mulf %mul3A_602, %add3A_600 : vector<16xf32>
        %div3A_604 = arith.constant 1.000000e+00 : f32
        %div3A_605 = vector.broadcast %div3A_604 : f32 to vector<16xf32>
        %div3A_606 = arith.divf %div3A_605, %mul3A_603 : vector<16xf32>
        %swap3A_607 = arith.index_cast %select_n3A_351 : i32 to index
        %swap3A_608 = arith.constant 48 : index
        %swap3A_609 = tpu.vector_load %arg18[%swap3A_607, %swap3A_608] {strides = array<i32>} : memref<2x128xf32, #tpu.memory_space<vmem>>, vector<1x16xf32>,
        %swap3A_610 = vector.shape_cast %swap3A_609 : vector<1x16xf32> to vector<16xf32>
        %swap3A_611 = vector.shape_cast %div3A_606 : vector<16xf32> to vector<1x16xf32>
        tpu.vector_store %arg18[%swap3A_607, %swap3A_608], %swap3A_611 {strides = array<i32>} : memref<2x128xf32, #tpu.memory_space<vmem>>, vector<1x16xf32>,
        %get3A_612 = arith.index_cast %select_n3A_351 : i32 to index
        %get3A_613 = arith.constant 64 : index
        %get3A_614 = tpu.vector_load %arg18[%get3A_612, %get3A_613] {strides = array<i32>} : memref<2x128xf32, #tpu.memory_space<vmem>>, vector<1x16xf32>,
        %get3A_615 = vector.shape_cast %get3A_614 : vector<1x16xf32> to vector<16xf32>
        %mul3A_616 = arith.constant 2.500000e-01 : f32
        %mul3A_617 = vector.broadcast %mul3A_616 : f32 to vector<16xf32>
        %mul3A_618 = arith.mulf %mul3A_617, %get3A_615 : vector<16xf32>
        %add3A_619 = arith.constant 1.000000e+00 : f32
        %add3A_620 = vector.broadcast %add3A_619 : f32 to vector<16xf32>
        %add3A_621 = arith.addf %mul3A_618, %add3A_620 : vector<16xf32>
        %div3A_622 = arith.divf %get3A_615, %add3A_621 : vector<16xf32>
        %add3A_623 = arith.addf %add3A_621, %div3A_622 : vector<16xf32>
        %mul3A_624 = arith.constant 5.000000e-01 : f32
        %mul3A_625 = vector.broadcast %mul3A_624 : f32 to vector<16xf32>
        %mul3A_626 = arith.mulf %mul3A_625, %add3A_623 : vector<16xf32>
        %div3A_627 = arith.divf %get3A_615, %mul3A_626 : vector<16xf32>
        %add3A_628 = arith.addf %mul3A_626, %div3A_627 : vector<16xf32>
        %mul3A_629 = arith.constant 5.000000e-01 : f32
        %mul3A_630 = vector.broadcast %mul3A_629 : f32 to vector<16xf32>
        %mul3A_631 = arith.mulf %mul3A_630, %add3A_628 : vector<16xf32>
        %div3A_632 = arith.divf %get3A_615, %mul3A_631 : vector<16xf32>
        %add3A_633 = arith.addf %mul3A_631, %div3A_632 : vector<16xf32>
        %mul3A_634 = arith.constant 5.000000e-01 : f32
        %mul3A_635 = vector.broadcast %mul3A_634 : f32 to vector<16xf32>
        %mul3A_636 = arith.mulf %mul3A_635, %add3A_633 : vector<16xf32>
        %div3A_637 = arith.divf %get3A_615, %mul3A_636 : vector<16xf32>
        %add3A_638 = arith.addf %mul3A_636, %div3A_637 : vector<16xf32>
        %mul3A_639 = arith.constant 5.000000e-01 : f32
        %mul3A_640 = vector.broadcast %mul3A_639 : f32 to vector<16xf32>
        %mul3A_641 = arith.mulf %mul3A_640, %add3A_638 : vector<16xf32>
        %div3A_642 = arith.divf %get3A_615, %mul3A_641 : vector<16xf32>
        %add3A_643 = arith.addf %mul3A_641, %div3A_642 : vector<16xf32>
        %mul3A_644 = arith.constant 5.000000e-01 : f32
        %mul3A_645 = vector.broadcast %mul3A_644 : f32 to vector<16xf32>
        %mul3A_646 = arith.mulf %mul3A_645, %add3A_643 : vector<16xf32>
        %div3A_647 = arith.divf %get3A_615, %mul3A_646 : vector<16xf32>
        %add3A_648 = arith.addf %mul3A_646, %div3A_647 : vector<16xf32>
        %mul3A_649 = arith.constant 5.000000e-01 : f32
        %mul3A_650 = vector.broadcast %mul3A_649 : f32 to vector<16xf32>
        %mul3A_651 = arith.mulf %mul3A_650, %add3A_648 : vector<16xf32>
        %div3A_652 = arith.divf %get3A_615, %mul3A_651 : vector<16xf32>
        %add3A_653 = arith.addf %mul3A_651, %div3A_652 : vector<16xf32>
        %mul3A_654 = arith.constant 5.000000e-01 : f32
        %mul3A_655 = vector.broadcast %mul3A_654 : f32 to vector<16xf32>
        %mul3A_656 = arith.mulf %mul3A_655, %add3A_653 : vector<16xf32>
        %div3A_657 = arith.divf %get3A_615, %mul3A_656 : vector<16xf32>
        %add3A_658 = arith.addf %mul3A_656, %div3A_657 : vector<16xf32>
        %mul3A_659 = arith.constant 5.000000e-01 : f32
        %mul3A_660 = vector.broadcast %mul3A_659 : f32 to vector<16xf32>
        %mul3A_661 = arith.mulf %mul3A_660, %add3A_658 : vector<16xf32>
        %div3A_662 = arith.constant 1.000000e+00 : f32
        %div3A_663 = vector.broadcast %div3A_662 : f32 to vector<16xf32>
        %div3A_664 = arith.divf %div3A_663, %mul3A_661 : vector<16xf32>
        %swap3A_665 = arith.index_cast %select_n3A_351 : i32 to index
        %swap3A_666 = arith.constant 64 : index
        %swap3A_667 = tpu.vector_load %arg18[%swap3A_665, %swap3A_666] {strides = array<i32>} : memref<2x128xf32, #tpu.memory_space<vmem>>, vector<1x16xf32>,
        %swap3A_668 = vector.shape_cast %swap3A_667 : vector<1x16xf32> to vector<16xf32>
        %swap3A_669 = vector.shape_cast %div3A_664 : vector<16xf32> to vector<1x16xf32>
        tpu.vector_store %arg18[%swap3A_665, %swap3A_666], %swap3A_669 {strides = array<i32>} : memref<2x128xf32, #tpu.memory_space<vmem>>, vector<1x16xf32>,
        %get3A_670 = arith.index_cast %select_n3A_351 : i32 to index
        %get3A_671 = arith.constant 80 : index
        %get3A_672 = tpu.vector_load %arg18[%get3A_670, %get3A_671] {strides = array<i32>} : memref<2x128xf32, #tpu.memory_space<vmem>>, vector<1x16xf32>,
        %get3A_673 = vector.shape_cast %get3A_672 : vector<1x16xf32> to vector<16xf32>
        %mul3A_674 = arith.constant 2.500000e-01 : f32
        %mul3A_675 = vector.broadcast %mul3A_674 : f32 to vector<16xf32>
        %mul3A_676 = arith.mulf %mul3A_675, %get3A_673 : vector<16xf32>
        %add3A_677 = arith.constant 1.000000e+00 : f32
        %add3A_678 = vector.broadcast %add3A_677 : f32 to vector<16xf32>
        %add3A_679 = arith.addf %mul3A_676, %add3A_678 : vector<16xf32>
        %div3A_680 = arith.divf %get3A_673, %add3A_679 : vector<16xf32>
        %add3A_681 = arith.addf %add3A_679, %div3A_680 : vector<16xf32>
        %mul3A_682 = arith.constant 5.000000e-01 : f32
        %mul3A_683 = vector.broadcast %mul3A_682 : f32 to vector<16xf32>
        %mul3A_684 = arith.mulf %mul3A_683, %add3A_681 : vector<16xf32>
        %div3A_685 = arith.divf %get3A_673, %mul3A_684 : vector<16xf32>
        %add3A_686 = arith.addf %mul3A_684, %div3A_685 : vector<16xf32>
        %mul3A_687 = arith.constant 5.000000e-01 : f32
        %mul3A_688 = vector.broadcast %mul3A_687 : f32 to vector<16xf32>
        %mul3A_689 = arith.mulf %mul3A_688, %add3A_686 : vector<16xf32>
        %div3A_690 = arith.divf %get3A_673, %mul3A_689 : vector<16xf32>
        %add3A_691 = arith.addf %mul3A_689, %div3A_690 : vector<16xf32>
        %mul3A_692 = arith.constant 5.000000e-01 : f32
        %mul3A_693 = vector.broadcast %mul3A_692 : f32 to vector<16xf32>
        %mul3A_694 = arith.mulf %mul3A_693, %add3A_691 : vector<16xf32>
        %div3A_695 = arith.divf %get3A_673, %mul3A_694 : vector<16xf32>
        %add3A_696 = arith.addf %mul3A_694, %div3A_695 : vector<16xf32>
        %mul3A_697 = arith.constant 5.000000e-01 : f32
        %mul3A_698 = vector.broadcast %mul3A_697 : f32 to vector<16xf32>
        %mul3A_699 = arith.mulf %mul3A_698, %add3A_696 : vector<16xf32>
        %div3A_700 = arith.divf %get3A_673, %mul3A_699 : vector<16xf32>
        %add3A_701 = arith.addf %mul3A_699, %div3A_700 : vector<16xf32>
        %mul3A_702 = arith.constant 5.000000e-01 : f32
        %mul3A_703 = vector.broadcast %mul3A_702 : f32 to vector<16xf32>
        %mul3A_704 = arith.mulf %mul3A_703, %add3A_701 : vector<16xf32>
        %div3A_705 = arith.divf %get3A_673, %mul3A_704 : vector<16xf32>
        %add3A_706 = arith.addf %mul3A_704, %div3A_705 : vector<16xf32>
        %mul3A_707 = arith.constant 5.000000e-01 : f32
        %mul3A_708 = vector.broadcast %mul3A_707 : f32 to vector<16xf32>
        %mul3A_709 = arith.mulf %mul3A_708, %add3A_706 : vector<16xf32>
        %div3A_710 = arith.divf %get3A_673, %mul3A_709 : vector<16xf32>
        %add3A_711 = arith.addf %mul3A_709, %div3A_710 : vector<16xf32>
        %mul3A_712 = arith.constant 5.000000e-01 : f32
        %mul3A_713 = vector.broadcast %mul3A_712 : f32 to vector<16xf32>
        %mul3A_714 = arith.mulf %mul3A_713, %add3A_711 : vector<16xf32>
        %div3A_715 = arith.divf %get3A_673, %mul3A_714 : vector<16xf32>
        %add3A_716 = arith.addf %mul3A_714, %div3A_715 : vector<16xf32>
        %mul3A_717 = arith.constant 5.000000e-01 : f32
        %mul3A_718 = vector.broadcast %mul3A_717 : f32 to vector<16xf32>
        %mul3A_719 = arith.mulf %mul3A_718, %add3A_716 : vector<16xf32>
        %div3A_720 = arith.constant 1.000000e+00 : f32
        %div3A_721 = vector.broadcast %div3A_720 : f32 to vector<16xf32>
        %div3A_722 = arith.divf %div3A_721, %mul3A_719 : vector<16xf32>
        %swap3A_723 = arith.index_cast %select_n3A_351 : i32 to index
        %swap3A_724 = arith.constant 80 : index
        %swap3A_725 = tpu.vector_load %arg18[%swap3A_723, %swap3A_724] {strides = array<i32>} : memref<2x128xf32, #tpu.memory_space<vmem>>, vector<1x16xf32>,
        %swap3A_726 = vector.shape_cast %swap3A_725 : vector<1x16xf32> to vector<16xf32>
        %swap3A_727 = vector.shape_cast %div3A_722 : vector<16xf32> to vector<1x16xf32>
        tpu.vector_store %arg18[%swap3A_723, %swap3A_724], %swap3A_727 {strides = array<i32>} : memref<2x128xf32, #tpu.memory_space<vmem>>, vector<1x16xf32>,
        %get3A_728 = arith.index_cast %select_n3A_351 : i32 to index
        %get3A_729 = arith.constant 96 : index
        %get3A_730 = tpu.vector_load %arg18[%get3A_728, %get3A_729] {strides = array<i32>} : memref<2x128xf32, #tpu.memory_space<vmem>>, vector<1x16xf32>,
        %get3A_731 = vector.shape_cast %get3A_730 : vector<1x16xf32> to vector<16xf32>
        %mul3A_732 = arith.constant 2.500000e-01 : f32
        %mul3A_733 = vector.broadcast %mul3A_732 : f32 to vector<16xf32>
        %mul3A_734 = arith.mulf %mul3A_733, %get3A_731 : vector<16xf32>
        %add3A_735 = arith.constant 1.000000e+00 : f32
        %add3A_736 = vector.broadcast %add3A_735 : f32 to vector<16xf32>
        %add3A_737 = arith.addf %mul3A_734, %add3A_736 : vector<16xf32>
        %div3A_738 = arith.divf %get3A_731, %add3A_737 : vector<16xf32>
        %add3A_739 = arith.addf %add3A_737, %div3A_738 : vector<16xf32>
        %mul3A_740 = arith.constant 5.000000e-01 : f32
        %mul3A_741 = vector.broadcast %mul3A_740 : f32 to vector<16xf32>
        %mul3A_742 = arith.mulf %mul3A_741, %add3A_739 : vector<16xf32>
        %div3A_743 = arith.divf %get3A_731, %mul3A_742 : vector<16xf32>
        %add3A_744 = arith.addf %mul3A_742, %div3A_743 : vector<16xf32>
        %mul3A_745 = arith.constant 5.000000e-01 : f32
        %mul3A_746 = vector.broadcast %mul3A_745 : f32 to vector<16xf32>
        %mul3A_747 = arith.mulf %mul3A_746, %add3A_744 : vector<16xf32>
        %div3A_748 = arith.divf %get3A_731, %mul3A_747 : vector<16xf32>
        %add3A_749 = arith.addf %mul3A_747, %div3A_748 : vector<16xf32>
        %mul3A_750 = arith.constant 5.000000e-01 : f32
        %mul3A_751 = vector.broadcast %mul3A_750 : f32 to vector<16xf32>
        %mul3A_752 = arith.mulf %mul3A_751, %add3A_749 : vector<16xf32>
        %div3A_753 = arith.divf %get3A_731, %mul3A_752 : vector<16xf32>
        %add3A_754 = arith.addf %mul3A_752, %div3A_753 : vector<16xf32>
        %mul3A_755 = arith.constant 5.000000e-01 : f32
        %mul3A_756 = vector.broadcast %mul3A_755 : f32 to vector<16xf32>
        %mul3A_757 = arith.mulf %mul3A_756, %add3A_754 : vector<16xf32>
        %div3A_758 = arith.divf %get3A_731, %mul3A_757 : vector<16xf32>
        %add3A_759 = arith.addf %mul3A_757, %div3A_758 : vector<16xf32>
        %mul3A_760 = arith.constant 5.000000e-01 : f32
        %mul3A_761 = vector.broadcast %mul3A_760 : f32 to vector<16xf32>
        %mul3A_762 = arith.mulf %mul3A_761, %add3A_759 : vector<16xf32>
        %div3A_763 = arith.divf %get3A_731, %mul3A_762 : vector<16xf32>
        %add3A_764 = arith.addf %mul3A_762, %div3A_763 : vector<16xf32>
        %mul3A_765 = arith.constant 5.000000e-01 : f32
        %mul3A_766 = vector.broadcast %mul3A_765 : f32 to vector<16xf32>
        %mul3A_767 = arith.mulf %mul3A_766, %add3A_764 : vector<16xf32>
        %div3A_768 = arith.divf %get3A_731, %mul3A_767 : vector<16xf32>
        %add3A_769 = arith.addf %mul3A_767, %div3A_768 : vector<16xf32>
        %mul3A_770 = arith.constant 5.000000e-01 : f32
        %mul3A_771 = vector.broadcast %mul3A_770 : f32 to vector<16xf32>
        %mul3A_772 = arith.mulf %mul3A_771, %add3A_769 : vector<16xf32>
        %div3A_773 = arith.divf %get3A_731, %mul3A_772 : vector<16xf32>
        %add3A_774 = arith.addf %mul3A_772, %div3A_773 : vector<16xf32>
        %mul3A_775 = arith.constant 5.000000e-01 : f32
        %mul3A_776 = vector.broadcast %mul3A_775 : f32 to vector<16xf32>
        %mul3A_777 = arith.mulf %mul3A_776, %add3A_774 : vector<16xf32>
        %div3A_778 = arith.constant 1.000000e+00 : f32
        %div3A_779 = vector.broadcast %div3A_778 : f32 to vector<16xf32>
        %div3A_780 = arith.divf %div3A_779, %mul3A_777 : vector<16xf32>
        %swap3A_781 = arith.index_cast %select_n3A_351 : i32 to index
        %swap3A_782 = arith.constant 96 : index
        %swap3A_783 = tpu.vector_load %arg18[%swap3A_781, %swap3A_782] {strides = array<i32>} : memref<2x128xf32, #tpu.memory_space<vmem>>, vector<1x16xf32>,
        %swap3A_784 = vector.shape_cast %swap3A_783 : vector<1x16xf32> to vector<16xf32>
        %swap3A_785 = vector.shape_cast %div3A_780 : vector<16xf32> to vector<1x16xf32>
        tpu.vector_store %arg18[%swap3A_781, %swap3A_782], %swap3A_785 {strides = array<i32>} : memref<2x128xf32, #tpu.memory_space<vmem>>, vector<1x16xf32>,
        %get3A_786 = arith.index_cast %select_n3A_351 : i32 to index
        %get3A_787 = arith.constant 112 : index
        %get3A_788 = tpu.vector_load %arg18[%get3A_786, %get3A_787] {strides = array<i32>} : memref<2x128xf32, #tpu.memory_space<vmem>>, vector<1x16xf32>,
        %get3A_789 = vector.shape_cast %get3A_788 : vector<1x16xf32> to vector<16xf32>
        %mul3A_790 = arith.constant 2.500000e-01 : f32
        %mul3A_791 = vector.broadcast %mul3A_790 : f32 to vector<16xf32>
        %mul3A_792 = arith.mulf %mul3A_791, %get3A_789 : vector<16xf32>
        %add3A_793 = arith.constant 1.000000e+00 : f32
        %add3A_794 = vector.broadcast %add3A_793 : f32 to vector<16xf32>
        %add3A_795 = arith.addf %mul3A_792, %add3A_794 : vector<16xf32>
        %div3A_796 = arith.divf %get3A_789, %add3A_795 : vector<16xf32>
        %add3A_797 = arith.addf %add3A_795, %div3A_796 : vector<16xf32>
        %mul3A_798 = arith.constant 5.000000e-01 : f32
        %mul3A_799 = vector.broadcast %mul3A_798 : f32 to vector<16xf32>
        %mul3A_800 = arith.mulf %mul3A_799, %add3A_797 : vector<16xf32>
        %div3A_801 = arith.divf %get3A_789, %mul3A_800 : vector<16xf32>
        %add3A_802 = arith.addf %mul3A_800, %div3A_801 : vector<16xf32>
        %mul3A_803 = arith.constant 5.000000e-01 : f32
        %mul3A_804 = vector.broadcast %mul3A_803 : f32 to vector<16xf32>
        %mul3A_805 = arith.mulf %mul3A_804, %add3A_802 : vector<16xf32>
        %div3A_806 = arith.divf %get3A_789, %mul3A_805 : vector<16xf32>
        %add3A_807 = arith.addf %mul3A_805, %div3A_806 : vector<16xf32>
        %mul3A_808 = arith.constant 5.000000e-01 : f32
        %mul3A_809 = vector.broadcast %mul3A_808 : f32 to vector<16xf32>
        %mul3A_810 = arith.mulf %mul3A_809, %add3A_807 : vector<16xf32>
        %div3A_811 = arith.divf %get3A_789, %mul3A_810 : vector<16xf32>
        %add3A_812 = arith.addf %mul3A_810, %div3A_811 : vector<16xf32>
        %mul3A_813 = arith.constant 5.000000e-01 : f32
        %mul3A_814 = vector.broadcast %mul3A_813 : f32 to vector<16xf32>
        %mul3A_815 = arith.mulf %mul3A_814, %add3A_812 : vector<16xf32>
        %div3A_816 = arith.divf %get3A_789, %mul3A_815 : vector<16xf32>
        %add3A_817 = arith.addf %mul3A_815, %div3A_816 : vector<16xf32>
        %mul3A_818 = arith.constant 5.000000e-01 : f32
        %mul3A_819 = vector.broadcast %mul3A_818 : f32 to vector<16xf32>
        %mul3A_820 = arith.mulf %mul3A_819, %add3A_817 : vector<16xf32>
        %div3A_821 = arith.divf %get3A_789, %mul3A_820 : vector<16xf32>
        %add3A_822 = arith.addf %mul3A_820, %div3A_821 : vector<16xf32>
        %mul3A_823 = arith.constant 5.000000e-01 : f32
        %mul3A_824 = vector.broadcast %mul3A_823 : f32 to vector<16xf32>
        %mul3A_825 = arith.mulf %mul3A_824, %add3A_822 : vector<16xf32>
        %div3A_826 = arith.divf %get3A_789, %mul3A_825 : vector<16xf32>
        %add3A_827 = arith.addf %mul3A_825, %div3A_826 : vector<16xf32>
        %mul3A_828 = arith.constant 5.000000e-01 : f32
        %mul3A_829 = vector.broadcast %mul3A_828 : f32 to vector<16xf32>
        %mul3A_830 = arith.mulf %mul3A_829, %add3A_827 : vector<16xf32>
        %div3A_831 = arith.divf %get3A_789, %mul3A_830 : vector<16xf32>
        %add3A_832 = arith.addf %mul3A_830, %div3A_831 : vector<16xf32>
        %mul3A_833 = arith.constant 5.000000e-01 : f32
        %mul3A_834 = vector.broadcast %mul3A_833 : f32 to vector<16xf32>
        %mul3A_835 = arith.mulf %mul3A_834, %add3A_832 : vector<16xf32>
        %div3A_836 = arith.constant 1.000000e+00 : f32
        %div3A_837 = vector.broadcast %div3A_836 : f32 to vector<16xf32>
        %div3A_838 = arith.divf %div3A_837, %mul3A_835 : vector<16xf32>
        %swap3A_839 = arith.index_cast %select_n3A_351 : i32 to index
        %swap3A_840 = arith.constant 112 : index
        %swap3A_841 = tpu.vector_load %arg18[%swap3A_839, %swap3A_840] {strides = array<i32>} : memref<2x128xf32, #tpu.memory_space<vmem>>, vector<1x16xf32>,
        %swap3A_842 = vector.shape_cast %swap3A_841 : vector<1x16xf32> to vector<16xf32>
        %swap3A_843 = vector.shape_cast %div3A_838 : vector<16xf32> to vector<1x16xf32>
        tpu.vector_store %arg18[%swap3A_839, %swap3A_840], %swap3A_843 {strides = array<i32>} : memref<2x128xf32, #tpu.memory_space<vmem>>, vector<1x16xf32>,
        "tpu.region"() ({
          %run_scoped3A = tpu.sem_alloc : memref<!tpu.dma_semaphore, #tpu.memory_space<semaphore_mem>>
          %dma_start3A_865 = arith.constant 0 : i32
          %dma_start3A_866 = tpu.memref_slice %arg18[%select_n3A_351, %dma_start3A_865] : memref<2x128xf32, #tpu.memory_space<vmem>> -> memref<1x128xf32, #tpu.memory_space<vmem>>
          %dma_start3A_867 = tpu.memref_squeeze %dma_start3A_866 : memref<1x128xf32, #tpu.memory_space<vmem>> -> memref<128xf32, #tpu.memory_space<vmem>>
          %dma_start3A_868 = tpu.memref_slice %arg9[%add3A_381] : memref<100352xf32, #tpu.memory_space<vmem_shared>> -> memref<128xf32, #tpu.memory_space<vmem_shared>>
          %dma_start3A_869 = tpu.memref_slice %arg9[%add3A_381] : memref<100352xf32, #tpu.memory_space<vmem_shared>> -> memref<128xf32, #tpu.memory_space<vmem_shared>>
          %dma_start3A_870 = arith.constant 0 : i32
          %dma_start3A_871 = tpu.memref_slice %arg18[%select_n3A_351, %dma_start3A_870] : memref<2x128xf32, #tpu.memory_space<vmem>> -> memref<1x128xf32, #tpu.memory_space<vmem>>
          %dma_start3A_872 = tpu.memref_squeeze %dma_start3A_871 : memref<1x128xf32, #tpu.memory_space<vmem>> -> memref<128xf32, #tpu.memory_space<vmem>>
          tpu.enqueue_dma source(%dma_start3A_872 : memref<128xf32, #tpu.memory_space<vmem>>) target(%dma_start3A_869 : memref<128xf32, #tpu.memory_space<vmem_shared>>) target_semaphore(%run_scoped3A : memref<!tpu.dma_semaphore, #tpu.memory_space<semaphore_mem>>)
          %dma_wait3A_873 = arith.constant 0 : i32
          %dma_wait3A_874 = tpu.memref_slice %arg18[%select_n3A_351, %dma_wait3A_873] : memref<2x128xf32, #tpu.memory_space<vmem>> -> memref<1x128xf32, #tpu.memory_space<vmem>>
          %dma_wait3A_875 = tpu.memref_squeeze %dma_wait3A_874 : memref<1x128xf32, #tpu.memory_space<vmem>> -> memref<128xf32, #tpu.memory_space<vmem>>
          %dma_wait3A_876 = tpu.memref_slice %arg9[%add3A_381] : memref<100352xf32, #tpu.memory_space<vmem_shared>> -> memref<128xf32, #tpu.memory_space<vmem_shared>>
          %dma_wait3A_877 = tpu.memref_slice %arg9[%add3A_381] : memref<100352xf32, #tpu.memory_space<vmem_shared>> -> memref<128xf32, #tpu.memory_space<vmem_shared>>
          %dma_wait3A_878 = arith.constant 0 : i32
          %dma_wait3A_879 = tpu.memref_slice %arg18[%select_n3A_351, %dma_wait3A_878] : memref<2x128xf32, #tpu.memory_space<vmem>> -> memref<1x128xf32, #tpu.memory_space<vmem>>
          %dma_wait3A_880 = tpu.memref_squeeze %dma_wait3A_879 : memref<1x128xf32, #tpu.memory_space<vmem>> -> memref<128xf32, #tpu.memory_space<vmem>>
          tpu.wait_dma2 semaphore(%run_scoped3A : memref<!tpu.dma_semaphore, #tpu.memory_space<semaphore_mem>>) src(%dma_wait3A_880 : memref<128xf32, #tpu.memory_space<vmem>>) dst(%dma_wait3A_877 : memref<128xf32, #tpu.memory_space<vmem_shared>>)
          tpu.yield
        }) : () -> ()
        %scan3A_844 = arith.constant 0 : i32
        %scan3A_845 = arith.constant 0 : i32
        %scan3A_846 = arith.constant 8 : i32
        %scan3A_847 = arith.addi %scan3A_845, %scan3A_846 : i32
        %scan3A_848 = arith.constant 1 : i32
        %scan3A_849 = scf.for %scan3A_865 = %scan3A_845 to %scan3A_847 step %scan3A_848 iter_args(%scan3A_866 = %scan3A_844) -> (i32)  : i32 {
          %mul3A_867 = arith.constant 16 : i32
          %mul3A_868 = arith.muli %scan3A_865, %mul3A_867 : i32
          %get3A_869 = arith.index_cast %select_n3A_351 : i32 to index
          %get3A_870 = arith.index_cast %mul3A_868 : i32 to index
          %get3A_871 = tpu.vector_load %arg18[%get3A_869, %get3A_870] {strides = array<i32>} : memref<2x128xf32, #tpu.memory_space<vmem>>, vector<1x16xf32>,
          %get3A_872 = vector.shape_cast %get3A_871 : vector<1x16xf32> to vector<16xf32>
          %mul3A_873 = arith.constant 16 : i32
          %mul3A_874 = arith.muli %scan3A_865, %mul3A_873 : i32
          %add3A_875 = arith.constant 0 : i32
          %add3A_876 = arith.addi %mul3A_874, %add3A_875 : i32
          %get3A_877 = arith.index_cast %select_n3A_351 : i32 to index
          %get3A_878 = arith.index_cast %add3A_876 : i32 to index
          %get3A_879 = arith.constant 0 : index
          %get3A_880 = tpu.vector_load %arg17[%get3A_877, %get3A_878, %get3A_879] {strides = array<i32>} : memref<2x128x16xf32, #tpu.memory_space<vmem>>, vector<1x1x16xf32>,
          %get3A_881 = vector.shape_cast %get3A_880 : vector<1x1x16xf32> to vector<16xf32>
          %slice3A = vector.extract_strided_slice %get3A_872 {offsets = [0], sizes = [1], strides = [1]} : vector<16xf32> to vector<1xf32>
          %squeeze3A = vector.extract %slice3A[0] : f32 from vector<1xf32>
          %mul3A_882 = vector.broadcast %squeeze3A : f32 to vector<16xf32>
          %mul3A_883 = arith.mulf %get3A_881, %mul3A_882 : vector<16xf32>
          %swap3A_884 = arith.index_cast %select_n3A_351 : i32 to index
          %swap3A_885 = arith.index_cast %add3A_876 : i32 to index
          %swap3A_886 = arith.constant 0 : index
          %swap3A_887 = tpu.vector_load %arg17[%swap3A_884, %swap3A_885, %swap3A_886] {strides = array<i32>} : memref<2x128x16xf32, #tpu.memory_space<vmem>>, vector<1x1x16xf32>,
          %swap3A_888 = vector.shape_cast %swap3A_887 : vector<1x1x16xf32> to vector<16xf32>
          %swap3A_889 = vector.shape_cast %mul3A_883 : vector<16xf32> to vector<1x1x16xf32>
          tpu.vector_store %arg17[%swap3A_884, %swap3A_885, %swap3A_886], %swap3A_889 {strides = array<i32>} : memref<2x128x16xf32, #tpu.memory_space<vmem>>, vector<1x1x16xf32>,
          %mul3A_890 = arith.constant 16 : i32
          %mul3A_891 = arith.muli %scan3A_865, %mul3A_890 : i32
          %add3A_892 = arith.constant 1 : i32
          %add3A_893 = arith.addi %mul3A_891, %add3A_892 : i32
          %get3A_894 = arith.index_cast %select_n3A_351 : i32 to index
          %get3A_895 = arith.index_cast %add3A_893 : i32 to index
          %get3A_896 = arith.constant 0 : index
          %get3A_897 = tpu.vector_load %arg17[%get3A_894, %get3A_895, %get3A_896] {strides = array<i32>} : memref<2x128x16xf32, #tpu.memory_space<vmem>>, vector<1x1x16xf32>,
          %get3A_898 = vector.shape_cast %get3A_897 : vector<1x1x16xf32> to vector<16xf32>
          %slice3A_899 = vector.extract_strided_slice %get3A_872 {offsets = [1], sizes = [1], strides = [1]} : vector<16xf32> to vector<1xf32>
          %squeeze3A_900 = vector.extract %slice3A_899[0] : f32 from vector<1xf32>
          %mul3A_901 = vector.broadcast %squeeze3A_900 : f32 to vector<16xf32>
          %mul3A_902 = arith.mulf %get3A_898, %mul3A_901 : vector<16xf32>
          %swap3A_903 = arith.index_cast %select_n3A_351 : i32 to index
          %swap3A_904 = arith.index_cast %add3A_893 : i32 to index
          %swap3A_905 = arith.constant 0 : index
          %swap3A_906 = tpu.vector_load %arg17[%swap3A_903, %swap3A_904, %swap3A_905] {strides = array<i32>} : memref<2x128x16xf32, #tpu.memory_space<vmem>>, vector<1x1x16xf32>,
          %swap3A_907 = vector.shape_cast %swap3A_906 : vector<1x1x16xf32> to vector<16xf32>
          %swap3A_908 = vector.shape_cast %mul3A_902 : vector<16xf32> to vector<1x1x16xf32>
          tpu.vector_store %arg17[%swap3A_903, %swap3A_904, %swap3A_905], %swap3A_908 {strides = array<i32>} : memref<2x128x16xf32, #tpu.memory_space<vmem>>, vector<1x1x16xf32>,
          %mul3A_909 = arith.constant 16 : i32
          %mul3A_910 = arith.muli %scan3A_865, %mul3A_909 : i32
          %add3A_911 = arith.constant 2 : i32
          %add3A_912 = arith.addi %mul3A_910, %add3A_911 : i32
          %get3A_913 = arith.index_cast %select_n3A_351 : i32 to index
          %get3A_914 = arith.index_cast %add3A_912 : i32 to index
          %get3A_915 = arith.constant 0 : index
          %get3A_916 = tpu.vector_load %arg17[%get3A_913, %get3A_914, %get3A_915] {strides = array<i32>} : memref<2x128x16xf32, #tpu.memory_space<vmem>>, vector<1x1x16xf32>,
          %get3A_917 = vector.shape_cast %get3A_916 : vector<1x1x16xf32> to vector<16xf32>
          %slice3A_918 = vector.extract_strided_slice %get3A_872 {offsets = [2], sizes = [1], strides = [1]} : vector<16xf32> to vector<1xf32>
          %squeeze3A_919 = vector.extract %slice3A_918[0] : f32 from vector<1xf32>
          %mul3A_920 = vector.broadcast %squeeze3A_919 : f32 to vector<16xf32>
          %mul3A_921 = arith.mulf %get3A_917, %mul3A_920 : vector<16xf32>
          %swap3A_922 = arith.index_cast %select_n3A_351 : i32 to index
          %swap3A_923 = arith.index_cast %add3A_912 : i32 to index
          %swap3A_924 = arith.constant 0 : index
          %swap3A_925 = tpu.vector_load %arg17[%swap3A_922, %swap3A_923, %swap3A_924] {strides = array<i32>} : memref<2x128x16xf32, #tpu.memory_space<vmem>>, vector<1x1x16xf32>,
          %swap3A_926 = vector.shape_cast %swap3A_925 : vector<1x1x16xf32> to vector<16xf32>
          %swap3A_927 = vector.shape_cast %mul3A_921 : vector<16xf32> to vector<1x1x16xf32>
          tpu.vector_store %arg17[%swap3A_922, %swap3A_923, %swap3A_924], %swap3A_927 {strides = array<i32>} : memref<2x128x16xf32, #tpu.memory_space<vmem>>, vector<1x1x16xf32>,
          %mul3A_928 = arith.constant 16 : i32
          %mul3A_929 = arith.muli %scan3A_865, %mul3A_928 : i32
          %add3A_930 = arith.constant 3 : i32
          %add3A_931 = arith.addi %mul3A_929, %add3A_930 : i32
          %get3A_932 = arith.index_cast %select_n3A_351 : i32 to index
          %get3A_933 = arith.index_cast %add3A_931 : i32 to index
          %get3A_934 = arith.constant 0 : index
          %get3A_935 = tpu.vector_load %arg17[%get3A_932, %get3A_933, %get3A_934] {strides = array<i32>} : memref<2x128x16xf32, #tpu.memory_space<vmem>>, vector<1x1x16xf32>,
          %get3A_936 = vector.shape_cast %get3A_935 : vector<1x1x16xf32> to vector<16xf32>
          %slice3A_937 = vector.extract_strided_slice %get3A_872 {offsets = [3], sizes = [1], strides = [1]} : vector<16xf32> to vector<1xf32>
          %squeeze3A_938 = vector.extract %slice3A_937[0] : f32 from vector<1xf32>
          %mul3A_939 = vector.broadcast %squeeze3A_938 : f32 to vector<16xf32>
          %mul3A_940 = arith.mulf %get3A_936, %mul3A_939 : vector<16xf32>
          %swap3A_941 = arith.index_cast %select_n3A_351 : i32 to index
          %swap3A_942 = arith.index_cast %add3A_931 : i32 to index
          %swap3A_943 = arith.constant 0 : index
          %swap3A_944 = tpu.vector_load %arg17[%swap3A_941, %swap3A_942, %swap3A_943] {strides = array<i32>} : memref<2x128x16xf32, #tpu.memory_space<vmem>>, vector<1x1x16xf32>,
          %swap3A_945 = vector.shape_cast %swap3A_944 : vector<1x1x16xf32> to vector<16xf32>
          %swap3A_946 = vector.shape_cast %mul3A_940 : vector<16xf32> to vector<1x1x16xf32>
          tpu.vector_store %arg17[%swap3A_941, %swap3A_942, %swap3A_943], %swap3A_946 {strides = array<i32>} : memref<2x128x16xf32, #tpu.memory_space<vmem>>, vector<1x1x16xf32>,
          %mul3A_947 = arith.constant 16 : i32
          %mul3A_948 = arith.muli %scan3A_865, %mul3A_947 : i32
          %add3A_949 = arith.constant 4 : i32
          %add3A_950 = arith.addi %mul3A_948, %add3A_949 : i32
          %get3A_951 = arith.index_cast %select_n3A_351 : i32 to index
          %get3A_952 = arith.index_cast %add3A_950 : i32 to index
          %get3A_953 = arith.constant 0 : index
          %get3A_954 = tpu.vector_load %arg17[%get3A_951, %get3A_952, %get3A_953] {strides = array<i32>} : memref<2x128x16xf32, #tpu.memory_space<vmem>>, vector<1x1x16xf32>,
          %get3A_955 = vector.shape_cast %get3A_954 : vector<1x1x16xf32> to vector<16xf32>
          %slice3A_956 = vector.extract_strided_slice %get3A_872 {offsets = [4], sizes = [1], strides = [1]} : vector<16xf32> to vector<1xf32>
          %squeeze3A_957 = vector.extract %slice3A_956[0] : f32 from vector<1xf32>
          %mul3A_958 = vector.broadcast %squeeze3A_957 : f32 to vector<16xf32>
          %mul3A_959 = arith.mulf %get3A_955, %mul3A_958 : vector<16xf32>
          %swap3A_960 = arith.index_cast %select_n3A_351 : i32 to index
          %swap3A_961 = arith.index_cast %add3A_950 : i32 to index
          %swap3A_962 = arith.constant 0 : index
          %swap3A_963 = tpu.vector_load %arg17[%swap3A_960, %swap3A_961, %swap3A_962] {strides = array<i32>} : memref<2x128x16xf32, #tpu.memory_space<vmem>>, vector<1x1x16xf32>,
          %swap3A_964 = vector.shape_cast %swap3A_963 : vector<1x1x16xf32> to vector<16xf32>
          %swap3A_965 = vector.shape_cast %mul3A_959 : vector<16xf32> to vector<1x1x16xf32>
          tpu.vector_store %arg17[%swap3A_960, %swap3A_961, %swap3A_962], %swap3A_965 {strides = array<i32>} : memref<2x128x16xf32, #tpu.memory_space<vmem>>, vector<1x1x16xf32>,
          %mul3A_966 = arith.constant 16 : i32
          %mul3A_967 = arith.muli %scan3A_865, %mul3A_966 : i32
          %add3A_968 = arith.constant 5 : i32
          %add3A_969 = arith.addi %mul3A_967, %add3A_968 : i32
          %get3A_970 = arith.index_cast %select_n3A_351 : i32 to index
          %get3A_971 = arith.index_cast %add3A_969 : i32 to index
          %get3A_972 = arith.constant 0 : index
          %get3A_973 = tpu.vector_load %arg17[%get3A_970, %get3A_971, %get3A_972] {strides = array<i32>} : memref<2x128x16xf32, #tpu.memory_space<vmem>>, vector<1x1x16xf32>,
          %get3A_974 = vector.shape_cast %get3A_973 : vector<1x1x16xf32> to vector<16xf32>
          %slice3A_975 = vector.extract_strided_slice %get3A_872 {offsets = [5], sizes = [1], strides = [1]} : vector<16xf32> to vector<1xf32>
          %squeeze3A_976 = vector.extract %slice3A_975[0] : f32 from vector<1xf32>
          %mul3A_977 = vector.broadcast %squeeze3A_976 : f32 to vector<16xf32>
          %mul3A_978 = arith.mulf %get3A_974, %mul3A_977 : vector<16xf32>
          %swap3A_979 = arith.index_cast %select_n3A_351 : i32 to index
          %swap3A_980 = arith.index_cast %add3A_969 : i32 to index
          %swap3A_981 = arith.constant 0 : index
          %swap3A_982 = tpu.vector_load %arg17[%swap3A_979, %swap3A_980, %swap3A_981] {strides = array<i32>} : memref<2x128x16xf32, #tpu.memory_space<vmem>>, vector<1x1x16xf32>,
          %swap3A_983 = vector.shape_cast %swap3A_982 : vector<1x1x16xf32> to vector<16xf32>
          %swap3A_984 = vector.shape_cast %mul3A_978 : vector<16xf32> to vector<1x1x16xf32>
          tpu.vector_store %arg17[%swap3A_979, %swap3A_980, %swap3A_981], %swap3A_984 {strides = array<i32>} : memref<2x128x16xf32, #tpu.memory_space<vmem>>, vector<1x1x16xf32>,
          %mul3A_985 = arith.constant 16 : i32
          %mul3A_986 = arith.muli %scan3A_865, %mul3A_985 : i32
          %add3A_987 = arith.constant 6 : i32
          %add3A_988 = arith.addi %mul3A_986, %add3A_987 : i32
          %get3A_989 = arith.index_cast %select_n3A_351 : i32 to index
          %get3A_990 = arith.index_cast %add3A_988 : i32 to index
          %get3A_991 = arith.constant 0 : index
          %get3A_992 = tpu.vector_load %arg17[%get3A_989, %get3A_990, %get3A_991] {strides = array<i32>} : memref<2x128x16xf32, #tpu.memory_space<vmem>>, vector<1x1x16xf32>,
          %get3A_993 = vector.shape_cast %get3A_992 : vector<1x1x16xf32> to vector<16xf32>
          %slice3A_994 = vector.extract_strided_slice %get3A_872 {offsets = [6], sizes = [1], strides = [1]} : vector<16xf32> to vector<1xf32>
          %squeeze3A_995 = vector.extract %slice3A_994[0] : f32 from vector<1xf32>
          %mul3A_996 = vector.broadcast %squeeze3A_995 : f32 to vector<16xf32>
          %mul3A_997 = arith.mulf %get3A_993, %mul3A_996 : vector<16xf32>
          %swap3A_998 = arith.index_cast %select_n3A_351 : i32 to index
          %swap3A_999 = arith.index_cast %add3A_988 : i32 to index
          %swap3A_1000 = arith.constant 0 : index
          %swap3A_1001 = tpu.vector_load %arg17[%swap3A_998, %swap3A_999, %swap3A_1000] {strides = array<i32>} : memref<2x128x16xf32, #tpu.memory_space<vmem>>, vector<1x1x16xf32>,
          %swap3A_1002 = vector.shape_cast %swap3A_1001 : vector<1x1x16xf32> to vector<16xf32>
          %swap3A_1003 = vector.shape_cast %mul3A_997 : vector<16xf32> to vector<1x1x16xf32>
          tpu.vector_store %arg17[%swap3A_998, %swap3A_999, %swap3A_1000], %swap3A_1003 {strides = array<i32>} : memref<2x128x16xf32, #tpu.memory_space<vmem>>, vector<1x1x16xf32>,
          %mul3A_1004 = arith.constant 16 : i32
          %mul3A_1005 = arith.muli %scan3A_865, %mul3A_1004 : i32
          %add3A_1006 = arith.constant 7 : i32
          %add3A_1007 = arith.addi %mul3A_1005, %add3A_1006 : i32
          %get3A_1008 = arith.index_cast %select_n3A_351 : i32 to index
          %get3A_1009 = arith.index_cast %add3A_1007 : i32 to index
          %get3A_1010 = arith.constant 0 : index
          %get3A_1011 = tpu.vector_load %arg17[%get3A_1008, %get3A_1009, %get3A_1010] {strides = array<i32>} : memref<2x128x16xf32, #tpu.memory_space<vmem>>, vector<1x1x16xf32>,
          %get3A_1012 = vector.shape_cast %get3A_1011 : vector<1x1x16xf32> to vector<16xf32>
          %slice3A_1013 = vector.extract_strided_slice %get3A_872 {offsets = [7], sizes = [1], strides = [1]} : vector<16xf32> to vector<1xf32>
          %squeeze3A_1014 = vector.extract %slice3A_1013[0] : f32 from vector<1xf32>
          %mul3A_1015 = vector.broadcast %squeeze3A_1014 : f32 to vector<16xf32>
          %mul3A_1016 = arith.mulf %get3A_1012, %mul3A_1015 : vector<16xf32>
          %swap3A_1017 = arith.index_cast %select_n3A_351 : i32 to index
          %swap3A_1018 = arith.index_cast %add3A_1007 : i32 to index
          %swap3A_1019 = arith.constant 0 : index
          %swap3A_1020 = tpu.vector_load %arg17[%swap3A_1017, %swap3A_1018, %swap3A_1019] {strides = array<i32>} : memref<2x128x16xf32, #tpu.memory_space<vmem>>, vector<1x1x16xf32>,
          %swap3A_1021 = vector.shape_cast %swap3A_1020 : vector<1x1x16xf32> to vector<16xf32>
          %swap3A_1022 = vector.shape_cast %mul3A_1016 : vector<16xf32> to vector<1x1x16xf32>
          tpu.vector_store %arg17[%swap3A_1017, %swap3A_1018, %swap3A_1019], %swap3A_1022 {strides = array<i32>} : memref<2x128x16xf32, #tpu.memory_space<vmem>>, vector<1x1x16xf32>,
          %mul3A_1023 = arith.constant 16 : i32
          %mul3A_1024 = arith.muli %scan3A_865, %mul3A_1023 : i32
          %add3A_1025 = arith.constant 8 : i32
          %add3A_1026 = arith.addi %mul3A_1024, %add3A_1025 : i32
          %get3A_1027 = arith.index_cast %select_n3A_351 : i32 to index
          %get3A_1028 = arith.index_cast %add3A_1026 : i32 to index
          %get3A_1029 = arith.constant 0 : index
          %get3A_1030 = tpu.vector_load %arg17[%get3A_1027, %get3A_1028, %get3A_1029] {strides = array<i32>} : memref<2x128x16xf32, #tpu.memory_space<vmem>>, vector<1x1x16xf32>,
          %get3A_1031 = vector.shape_cast %get3A_1030 : vector<1x1x16xf32> to vector<16xf32>
          %slice3A_1032 = vector.extract_strided_slice %get3A_872 {offsets = [8], sizes = [1], strides = [1]} : vector<16xf32> to vector<1xf32>
          %squeeze3A_1033 = vector.extract %slice3A_1032[0] : f32 from vector<1xf32>
          %mul3A_1034 = vector.broadcast %squeeze3A_1033 : f32 to vector<16xf32>
          %mul3A_1035 = arith.mulf %get3A_1031, %mul3A_1034 : vector<16xf32>
          %swap3A_1036 = arith.index_cast %select_n3A_351 : i32 to index
          %swap3A_1037 = arith.index_cast %add3A_1026 : i32 to index
          %swap3A_1038 = arith.constant 0 : index
          %swap3A_1039 = tpu.vector_load %arg17[%swap3A_1036, %swap3A_1037, %swap3A_1038] {strides = array<i32>} : memref<2x128x16xf32, #tpu.memory_space<vmem>>, vector<1x1x16xf32>,
          %swap3A_1040 = vector.shape_cast %swap3A_1039 : vector<1x1x16xf32> to vector<16xf32>
          %swap3A_1041 = vector.shape_cast %mul3A_1035 : vector<16xf32> to vector<1x1x16xf32>
          tpu.vector_store %arg17[%swap3A_1036, %swap3A_1037, %swap3A_1038], %swap3A_1041 {strides = array<i32>} : memref<2x128x16xf32, #tpu.memory_space<vmem>>, vector<1x1x16xf32>,
          %mul3A_1042 = arith.constant 16 : i32
          %mul3A_1043 = arith.muli %scan3A_865, %mul3A_1042 : i32
          %add3A_1044 = arith.constant 9 : i32
          %add3A_1045 = arith.addi %mul3A_1043, %add3A_1044 : i32
          %get3A_1046 = arith.index_cast %select_n3A_351 : i32 to index
          %get3A_1047 = arith.index_cast %add3A_1045 : i32 to index
          %get3A_1048 = arith.constant 0 : index
          %get3A_1049 = tpu.vector_load %arg17[%get3A_1046, %get3A_1047, %get3A_1048] {strides = array<i32>} : memref<2x128x16xf32, #tpu.memory_space<vmem>>, vector<1x1x16xf32>,
          %get3A_1050 = vector.shape_cast %get3A_1049 : vector<1x1x16xf32> to vector<16xf32>
          %slice3A_1051 = vector.extract_strided_slice %get3A_872 {offsets = [9], sizes = [1], strides = [1]} : vector<16xf32> to vector<1xf32>
          %squeeze3A_1052 = vector.extract %slice3A_1051[0] : f32 from vector<1xf32>
          %mul3A_1053 = vector.broadcast %squeeze3A_1052 : f32 to vector<16xf32>
          %mul3A_1054 = arith.mulf %get3A_1050, %mul3A_1053 : vector<16xf32>
          %swap3A_1055 = arith.index_cast %select_n3A_351 : i32 to index
          %swap3A_1056 = arith.index_cast %add3A_1045 : i32 to index
          %swap3A_1057 = arith.constant 0 : index
          %swap3A_1058 = tpu.vector_load %arg17[%swap3A_1055, %swap3A_1056, %swap3A_1057] {strides = array<i32>} : memref<2x128x16xf32, #tpu.memory_space<vmem>>, vector<1x1x16xf32>,
          %swap3A_1059 = vector.shape_cast %swap3A_1058 : vector<1x1x16xf32> to vector<16xf32>
          %swap3A_1060 = vector.shape_cast %mul3A_1054 : vector<16xf32> to vector<1x1x16xf32>
          tpu.vector_store %arg17[%swap3A_1055, %swap3A_1056, %swap3A_1057], %swap3A_1060 {strides = array<i32>} : memref<2x128x16xf32, #tpu.memory_space<vmem>>, vector<1x1x16xf32>,
          %mul3A_1061 = arith.constant 16 : i32
          %mul3A_1062 = arith.muli %scan3A_865, %mul3A_1061 : i32
          %add3A_1063 = arith.constant 10 : i32
          %add3A_1064 = arith.addi %mul3A_1062, %add3A_1063 : i32
          %get3A_1065 = arith.index_cast %select_n3A_351 : i32 to index
          %get3A_1066 = arith.index_cast %add3A_1064 : i32 to index
          %get3A_1067 = arith.constant 0 : index
          %get3A_1068 = tpu.vector_load %arg17[%get3A_1065, %get3A_1066, %get3A_1067] {strides = array<i32>} : memref<2x128x16xf32, #tpu.memory_space<vmem>>, vector<1x1x16xf32>,
          %get3A_1069 = vector.shape_cast %get3A_1068 : vector<1x1x16xf32> to vector<16xf32>
          %slice3A_1070 = vector.extract_strided_slice %get3A_872 {offsets = [10], sizes = [1], strides = [1]} : vector<16xf32> to vector<1xf32>
          %squeeze3A_1071 = vector.extract %slice3A_1070[0] : f32 from vector<1xf32>
          %mul3A_1072 = vector.broadcast %squeeze3A_1071 : f32 to vector<16xf32>
          %mul3A_1073 = arith.mulf %get3A_1069, %mul3A_1072 : vector<16xf32>
          %swap3A_1074 = arith.index_cast %select_n3A_351 : i32 to index
          %swap3A_1075 = arith.index_cast %add3A_1064 : i32 to index
          %swap3A_1076 = arith.constant 0 : index
          %swap3A_1077 = tpu.vector_load %arg17[%swap3A_1074, %swap3A_1075, %swap3A_1076] {strides = array<i32>} : memref<2x128x16xf32, #tpu.memory_space<vmem>>, vector<1x1x16xf32>,
          %swap3A_1078 = vector.shape_cast %swap3A_1077 : vector<1x1x16xf32> to vector<16xf32>
          %swap3A_1079 = vector.shape_cast %mul3A_1073 : vector<16xf32> to vector<1x1x16xf32>
          tpu.vector_store %arg17[%swap3A_1074, %swap3A_1075, %swap3A_1076], %swap3A_1079 {strides = array<i32>} : memref<2x128x16xf32, #tpu.memory_space<vmem>>, vector<1x1x16xf32>,
          %mul3A_1080 = arith.constant 16 : i32
          %mul3A_1081 = arith.muli %scan3A_865, %mul3A_1080 : i32
          %add3A_1082 = arith.constant 11 : i32
          %add3A_1083 = arith.addi %mul3A_1081, %add3A_1082 : i32
          %get3A_1084 = arith.index_cast %select_n3A_351 : i32 to index
          %get3A_1085 = arith.index_cast %add3A_1083 : i32 to index
          %get3A_1086 = arith.constant 0 : index
          %get3A_1087 = tpu.vector_load %arg17[%get3A_1084, %get3A_1085, %get3A_1086] {strides = array<i32>} : memref<2x128x16xf32, #tpu.memory_space<vmem>>, vector<1x1x16xf32>,
          %get3A_1088 = vector.shape_cast %get3A_1087 : vector<1x1x16xf32> to vector<16xf32>
          %slice3A_1089 = vector.extract_strided_slice %get3A_872 {offsets = [11], sizes = [1], strides = [1]} : vector<16xf32> to vector<1xf32>
          %squeeze3A_1090 = vector.extract %slice3A_1089[0] : f32 from vector<1xf32>
          %mul3A_1091 = vector.broadcast %squeeze3A_1090 : f32 to vector<16xf32>
          %mul3A_1092 = arith.mulf %get3A_1088, %mul3A_1091 : vector<16xf32>
          %swap3A_1093 = arith.index_cast %select_n3A_351 : i32 to index
          %swap3A_1094 = arith.index_cast %add3A_1083 : i32 to index
          %swap3A_1095 = arith.constant 0 : index
          %swap3A_1096 = tpu.vector_load %arg17[%swap3A_1093, %swap3A_1094, %swap3A_1095] {strides = array<i32>} : memref<2x128x16xf32, #tpu.memory_space<vmem>>, vector<1x1x16xf32>,
          %swap3A_1097 = vector.shape_cast %swap3A_1096 : vector<1x1x16xf32> to vector<16xf32>
          %swap3A_1098 = vector.shape_cast %mul3A_1092 : vector<16xf32> to vector<1x1x16xf32>
          tpu.vector_store %arg17[%swap3A_1093, %swap3A_1094, %swap3A_1095], %swap3A_1098 {strides = array<i32>} : memref<2x128x16xf32, #tpu.memory_space<vmem>>, vector<1x1x16xf32>,
          %mul3A_1099 = arith.constant 16 : i32
          %mul3A_1100 = arith.muli %scan3A_865, %mul3A_1099 : i32
          %add3A_1101 = arith.constant 12 : i32
          %add3A_1102 = arith.addi %mul3A_1100, %add3A_1101 : i32
          %get3A_1103 = arith.index_cast %select_n3A_351 : i32 to index
          %get3A_1104 = arith.index_cast %add3A_1102 : i32 to index
          %get3A_1105 = arith.constant 0 : index
          %get3A_1106 = tpu.vector_load %arg17[%get3A_1103, %get3A_1104, %get3A_1105] {strides = array<i32>} : memref<2x128x16xf32, #tpu.memory_space<vmem>>, vector<1x1x16xf32>,
          %get3A_1107 = vector.shape_cast %get3A_1106 : vector<1x1x16xf32> to vector<16xf32>
          %slice3A_1108 = vector.extract_strided_slice %get3A_872 {offsets = [12], sizes = [1], strides = [1]} : vector<16xf32> to vector<1xf32>
          %squeeze3A_1109 = vector.extract %slice3A_1108[0] : f32 from vector<1xf32>
          %mul3A_1110 = vector.broadcast %squeeze3A_1109 : f32 to vector<16xf32>
          %mul3A_1111 = arith.mulf %get3A_1107, %mul3A_1110 : vector<16xf32>
          %swap3A_1112 = arith.index_cast %select_n3A_351 : i32 to index
          %swap3A_1113 = arith.index_cast %add3A_1102 : i32 to index
          %swap3A_1114 = arith.constant 0 : index
          %swap3A_1115 = tpu.vector_load %arg17[%swap3A_1112, %swap3A_1113, %swap3A_1114] {strides = array<i32>} : memref<2x128x16xf32, #tpu.memory_space<vmem>>, vector<1x1x16xf32>,
          %swap3A_1116 = vector.shape_cast %swap3A_1115 : vector<1x1x16xf32> to vector<16xf32>
          %swap3A_1117 = vector.shape_cast %mul3A_1111 : vector<16xf32> to vector<1x1x16xf32>
          tpu.vector_store %arg17[%swap3A_1112, %swap3A_1113, %swap3A_1114], %swap3A_1117 {strides = array<i32>} : memref<2x128x16xf32, #tpu.memory_space<vmem>>, vector<1x1x16xf32>,
          %mul3A_1118 = arith.constant 16 : i32
          %mul3A_1119 = arith.muli %scan3A_865, %mul3A_1118 : i32
          %add3A_1120 = arith.constant 13 : i32
          %add3A_1121 = arith.addi %mul3A_1119, %add3A_1120 : i32
          %get3A_1122 = arith.index_cast %select_n3A_351 : i32 to index
          %get3A_1123 = arith.index_cast %add3A_1121 : i32 to index
          %get3A_1124 = arith.constant 0 : index
          %get3A_1125 = tpu.vector_load %arg17[%get3A_1122, %get3A_1123, %get3A_1124] {strides = array<i32>} : memref<2x128x16xf32, #tpu.memory_space<vmem>>, vector<1x1x16xf32>,
          %get3A_1126 = vector.shape_cast %get3A_1125 : vector<1x1x16xf32> to vector<16xf32>
          %slice3A_1127 = vector.extract_strided_slice %get3A_872 {offsets = [13], sizes = [1], strides = [1]} : vector<16xf32> to vector<1xf32>
          %squeeze3A_1128 = vector.extract %slice3A_1127[0] : f32 from vector<1xf32>
          %mul3A_1129 = vector.broadcast %squeeze3A_1128 : f32 to vector<16xf32>
          %mul3A_1130 = arith.mulf %get3A_1126, %mul3A_1129 : vector<16xf32>
          %swap3A_1131 = arith.index_cast %select_n3A_351 : i32 to index
          %swap3A_1132 = arith.index_cast %add3A_1121 : i32 to index
          %swap3A_1133 = arith.constant 0 : index
          %swap3A_1134 = tpu.vector_load %arg17[%swap3A_1131, %swap3A_1132, %swap3A_1133] {strides = array<i32>} : memref<2x128x16xf32, #tpu.memory_space<vmem>>, vector<1x1x16xf32>,
          %swap3A_1135 = vector.shape_cast %swap3A_1134 : vector<1x1x16xf32> to vector<16xf32>
          %swap3A_1136 = vector.shape_cast %mul3A_1130 : vector<16xf32> to vector<1x1x16xf32>
          tpu.vector_store %arg17[%swap3A_1131, %swap3A_1132, %swap3A_1133], %swap3A_1136 {strides = array<i32>} : memref<2x128x16xf32, #tpu.memory_space<vmem>>, vector<1x1x16xf32>,
          %mul3A_1137 = arith.constant 16 : i32
          %mul3A_1138 = arith.muli %scan3A_865, %mul3A_1137 : i32
          %add3A_1139 = arith.constant 14 : i32
          %add3A_1140 = arith.addi %mul3A_1138, %add3A_1139 : i32
          %get3A_1141 = arith.index_cast %select_n3A_351 : i32 to index
          %get3A_1142 = arith.index_cast %add3A_1140 : i32 to index
          %get3A_1143 = arith.constant 0 : index
          %get3A_1144 = tpu.vector_load %arg17[%get3A_1141, %get3A_1142, %get3A_1143] {strides = array<i32>} : memref<2x128x16xf32, #tpu.memory_space<vmem>>, vector<1x1x16xf32>,
          %get3A_1145 = vector.shape_cast %get3A_1144 : vector<1x1x16xf32> to vector<16xf32>
          %slice3A_1146 = vector.extract_strided_slice %get3A_872 {offsets = [14], sizes = [1], strides = [1]} : vector<16xf32> to vector<1xf32>
          %squeeze3A_1147 = vector.extract %slice3A_1146[0] : f32 from vector<1xf32>
          %mul3A_1148 = vector.broadcast %squeeze3A_1147 : f32 to vector<16xf32>
          %mul3A_1149 = arith.mulf %get3A_1145, %mul3A_1148 : vector<16xf32>
          %swap3A_1150 = arith.index_cast %select_n3A_351 : i32 to index
          %swap3A_1151 = arith.index_cast %add3A_1140 : i32 to index
          %swap3A_1152 = arith.constant 0 : index
          %swap3A_1153 = tpu.vector_load %arg17[%swap3A_1150, %swap3A_1151, %swap3A_1152] {strides = array<i32>} : memref<2x128x16xf32, #tpu.memory_space<vmem>>, vector<1x1x16xf32>,
          %swap3A_1154 = vector.shape_cast %swap3A_1153 : vector<1x1x16xf32> to vector<16xf32>
          %swap3A_1155 = vector.shape_cast %mul3A_1149 : vector<16xf32> to vector<1x1x16xf32>
          tpu.vector_store %arg17[%swap3A_1150, %swap3A_1151, %swap3A_1152], %swap3A_1155 {strides = array<i32>} : memref<2x128x16xf32, #tpu.memory_space<vmem>>, vector<1x1x16xf32>,
          %mul3A_1156 = arith.constant 16 : i32
          %mul3A_1157 = arith.muli %scan3A_865, %mul3A_1156 : i32
          %add3A_1158 = arith.constant 15 : i32
          %add3A_1159 = arith.addi %mul3A_1157, %add3A_1158 : i32
          %get3A_1160 = arith.index_cast %select_n3A_351 : i32 to index
          %get3A_1161 = arith.index_cast %add3A_1159 : i32 to index
          %get3A_1162 = arith.constant 0 : index
          %get3A_1163 = tpu.vector_load %arg17[%get3A_1160, %get3A_1161, %get3A_1162] {strides = array<i32>} : memref<2x128x16xf32, #tpu.memory_space<vmem>>, vector<1x1x16xf32>,
          %get3A_1164 = vector.shape_cast %get3A_1163 : vector<1x1x16xf32> to vector<16xf32>
          %slice3A_1165 = vector.extract_strided_slice %get3A_872 {offsets = [15], sizes = [1], strides = [1]} : vector<16xf32> to vector<1xf32>
          %squeeze3A_1166 = vector.extract %slice3A_1165[0] : f32 from vector<1xf32>
          %mul3A_1167 = vector.broadcast %squeeze3A_1166 : f32 to vector<16xf32>
          %mul3A_1168 = arith.mulf %get3A_1164, %mul3A_1167 : vector<16xf32>
          %swap3A_1169 = arith.index_cast %select_n3A_351 : i32 to index
          %swap3A_1170 = arith.index_cast %add3A_1159 : i32 to index
          %swap3A_1171 = arith.constant 0 : index
          %swap3A_1172 = tpu.vector_load %arg17[%swap3A_1169, %swap3A_1170, %swap3A_1171] {strides = array<i32>} : memref<2x128x16xf32, #tpu.memory_space<vmem>>, vector<1x1x16xf32>,
          %swap3A_1173 = vector.shape_cast %swap3A_1172 : vector<1x1x16xf32> to vector<16xf32>
          %swap3A_1174 = vector.shape_cast %mul3A_1168 : vector<16xf32> to vector<1x1x16xf32>
          tpu.vector_store %arg17[%swap3A_1169, %swap3A_1170, %swap3A_1171], %swap3A_1174 {strides = array<i32>} : memref<2x128x16xf32, #tpu.memory_space<vmem>>, vector<1x1x16xf32>,
          %scan3A_1175 = arith.constant 0 : i32
          scf.yield %scan3A_1175 : i32
        }
        %scan3A_850 = arith.constant 8 : i32
        %add3A_851 = arith.addi %mul3A_2, %add3A_381 : i32
        %dma_start3A_852 = arith.constant 0 : i32
        %dma_start3A_853 = arith.constant 0 : i32
        %dma_start3A_854 = tpu.memref_slice %arg17[%select_n3A_351, %dma_start3A_852, %dma_start3A_853] : memref<2x128x16xf32, #tpu.memory_space<vmem>> -> memref<1x128x16xf32, #tpu.memory_space<vmem>>
        %dma_start3A_855 = tpu.memref_squeeze %dma_start3A_854 : memref<1x128x16xf32, #tpu.memory_space<vmem>> -> memref<128x16xf32, #tpu.memory_space<vmem>>
        %dma_start3A_856 = arith.constant 0 : i32
        %dma_start3A_857 = tpu.memref_slice %arg7[%add3A_851, %dma_start3A_856] : memref<200704x16xf32, #tpu.memory_space<hbm>> -> memref<128x16xf32, #tpu.memory_space<hbm>>
        %dma_start3A_858 = arith.constant 0 : i32
        %dma_start3A_859 = tpu.memref_slice %arg7[%add3A_851, %dma_start3A_858] : memref<200704x16xf32, #tpu.memory_space<hbm>> -> memref<128x16xf32, #tpu.memory_space<hbm>>
        %dma_start3A_860 = arith.constant 0 : i32
        %dma_start3A_861 = arith.constant 0 : i32
        %dma_start3A_862 = tpu.memref_slice %arg17[%select_n3A_351, %dma_start3A_860, %dma_start3A_861] : memref<2x128x16xf32, #tpu.memory_space<vmem>> -> memref<1x128x16xf32, #tpu.memory_space<vmem>>
        %dma_start3A_863 = tpu.memref_squeeze %dma_start3A_862 : memref<1x128x16xf32, #tpu.memory_space<vmem>> -> memref<128x16xf32, #tpu.memory_space<vmem>>
        tpu.enqueue_dma source(%dma_start3A_863 : memref<128x16xf32, #tpu.memory_space<vmem>>) target(%dma_start3A_859 : memref<128x16xf32, #tpu.memory_space<hbm>>) target_semaphore(%arg25 : memref<!tpu.dma_semaphore, #tpu.memory_space<semaphore_mem>>)
        "tpu.region"() ({
          %run_scoped3A = tpu.sem_alloc : memref<!tpu.dma_semaphore, #tpu.memory_space<semaphore_mem>>
          %dma_start3A_865 = arith.constant 0 : i32
          %dma_start3A_866 = arith.constant 0 : i32
          %dma_start3A_867 = tpu.memref_slice %arg17[%select_n3A_351, %dma_start3A_865, %dma_start3A_866] : memref<2x128x16xf32, #tpu.memory_space<vmem>> -> memref<1x128x16xf32, #tpu.memory_space<vmem>>
          %dma_start3A_868 = tpu.memref_squeeze %dma_start3A_867 : memref<1x128x16xf32, #tpu.memory_space<vmem>> -> memref<128x16xf32, #tpu.memory_space<vmem>>
          %dma_start3A_869 = arith.constant 0 : i32
          %dma_start3A_870 = tpu.memref_slice %arg8[%add3A_381, %dma_start3A_869] : memref<100352x16xf32, #tpu.memory_space<vmem_shared>> -> memref<128x16xf32, #tpu.memory_space<vmem_shared>>
          %dma_start3A_871 = arith.constant 0 : i32
          %dma_start3A_872 = tpu.memref_slice %arg8[%add3A_381, %dma_start3A_871] : memref<100352x16xf32, #tpu.memory_space<vmem_shared>> -> memref<128x16xf32, #tpu.memory_space<vmem_shared>>
          %dma_start3A_873 = arith.constant 0 : i32
          %dma_start3A_874 = arith.constant 0 : i32
          %dma_start3A_875 = tpu.memref_slice %arg17[%select_n3A_351, %dma_start3A_873, %dma_start3A_874] : memref<2x128x16xf32, #tpu.memory_space<vmem>> -> memref<1x128x16xf32, #tpu.memory_space<vmem>>
          %dma_start3A_876 = tpu.memref_squeeze %dma_start3A_875 : memref<1x128x16xf32, #tpu.memory_space<vmem>> -> memref<128x16xf32, #tpu.memory_space<vmem>>
          tpu.enqueue_dma source(%dma_start3A_876 : memref<128x16xf32, #tpu.memory_space<vmem>>) target(%dma_start3A_872 : memref<128x16xf32, #tpu.memory_space<vmem_shared>>) target_semaphore(%run_scoped3A : memref<!tpu.dma_semaphore, #tpu.memory_space<semaphore_mem>>)
          %dma_wait3A_877 = arith.constant 0 : i32
          %dma_wait3A_878 = arith.constant 0 : i32
          %dma_wait3A_879 = tpu.memref_slice %arg17[%select_n3A_351, %dma_wait3A_877, %dma_wait3A_878] : memref<2x128x16xf32, #tpu.memory_space<vmem>> -> memref<1x128x16xf32, #tpu.memory_space<vmem>>
          %dma_wait3A_880 = tpu.memref_squeeze %dma_wait3A_879 : memref<1x128x16xf32, #tpu.memory_space<vmem>> -> memref<128x16xf32, #tpu.memory_space<vmem>>
          %dma_wait3A_881 = arith.constant 0 : i32
          %dma_wait3A_882 = tpu.memref_slice %arg8[%add3A_381, %dma_wait3A_881] : memref<100352x16xf32, #tpu.memory_space<vmem_shared>> -> memref<128x16xf32, #tpu.memory_space<vmem_shared>>
          %dma_wait3A_883 = arith.constant 0 : i32
          %dma_wait3A_884 = tpu.memref_slice %arg8[%add3A_381, %dma_wait3A_883] : memref<100352x16xf32, #tpu.memory_space<vmem_shared>> -> memref<128x16xf32, #tpu.memory_space<vmem_shared>>
          %dma_wait3A_885 = arith.constant 0 : i32
          %dma_wait3A_886 = arith.constant 0 : i32
          %dma_wait3A_887 = tpu.memref_slice %arg17[%select_n3A_351, %dma_wait3A_885, %dma_wait3A_886] : memref<2x128x16xf32, #tpu.memory_space<vmem>> -> memref<1x128x16xf32, #tpu.memory_space<vmem>>
          %dma_wait3A_888 = tpu.memref_squeeze %dma_wait3A_887 : memref<1x128x16xf32, #tpu.memory_space<vmem>> -> memref<128x16xf32, #tpu.memory_space<vmem>>
          tpu.wait_dma2 semaphore(%run_scoped3A : memref<!tpu.dma_semaphore, #tpu.memory_space<semaphore_mem>>) src(%dma_wait3A_888 : memref<128x16xf32, #tpu.memory_space<vmem>>) dst(%dma_wait3A_884 : memref<128x16xf32, #tpu.memory_space<vmem_shared>>)
          tpu.yield
        }) : () -> ()
        %scan3A_864 = arith.constant 0 : i32
        scf.yield %scan3A_864 : i32
      }
      %scan3A_182 = arith.constant 49 : i32
      %dma_wait3A_183 = arith.constant 0 : i32
      %dma_wait3A_184 = arith.constant 0 : i32
      %dma_wait3A_185 = arith.constant 0 : i32
      %dma_wait3A_186 = tpu.memref_slice %arg17[%dma_wait3A_183, %dma_wait3A_184, %dma_wait3A_185] : memref<2x128x16xf32, #tpu.memory_space<vmem>> -> memref<1x128x16xf32, #tpu.memory_space<vmem>>
      %dma_wait3A_187 = tpu.memref_squeeze %dma_wait3A_186 : memref<1x128x16xf32, #tpu.memory_space<vmem>> -> memref<128x16xf32, #tpu.memory_space<vmem>>
      %dma_wait3A_188 = arith.constant 0 : i32
      %dma_wait3A_189 = arith.constant 0 : i32
      %dma_wait3A_190 = tpu.memref_slice %arg7[%dma_wait3A_188, %dma_wait3A_189] : memref<200704x16xf32, #tpu.memory_space<hbm>> -> memref<128x16xf32, #tpu.memory_space<hbm>>
      %dma_wait3A_191 = arith.constant 0 : i32
      %dma_wait3A_192 = arith.constant 0 : i32
      %dma_wait3A_193 = tpu.memref_slice %arg7[%dma_wait3A_191, %dma_wait3A_192] : memref<200704x16xf32, #tpu.memory_space<hbm>> -> memref<128x16xf32, #tpu.memory_space<hbm>>
      %dma_wait3A_194 = arith.constant 0 : i32
      %dma_wait3A_195 = arith.constant 0 : i32
      %dma_wait3A_196 = tpu.memref_slice %arg17[%dma_wait3A_183, %dma_wait3A_194, %dma_wait3A_195] : memref<2x128x16xf32, #tpu.memory_space<vmem>> -> memref<1x128x16xf32, #tpu.memory_space<vmem>>
      %dma_wait3A_197 = tpu.memref_squeeze %dma_wait3A_196 : memref<1x128x16xf32, #tpu.memory_space<vmem>> -> memref<128x16xf32, #tpu.memory_space<vmem>>
      tpu.wait_dma2 semaphore(%arg25 : memref<!tpu.dma_semaphore, #tpu.memory_space<semaphore_mem>>) src(%dma_wait3A_197 : memref<128x16xf32, #tpu.memory_space<vmem>>) dst(%dma_wait3A_193 : memref<128x16xf32, #tpu.memory_space<hbm>>)
      %barrier3A_198 = arith.constant 0 : index
      tpu.barrier barrier_id(%barrier3A_198)
      %dma_start3A_199 = arith.constant 0 : i32
      %dma_start3A_200 = arith.constant 0 : i32
      %dma_start3A_201 = tpu.memref_slice %arg10[%dma_start3A_199, %dma_start3A_200] : memref<2x256xi32, #tpu.memory_space<vmem>> -> memref<1x256xi32, #tpu.memory_space<vmem>>
      %dma_start3A_202 = tpu.memref_squeeze %dma_start3A_201 : memref<1x256xi32, #tpu.memory_space<vmem>> -> memref<256xi32, #tpu.memory_space<vmem>>
      %dma_start3A_203 = tpu.memref_slice %arg3[%add3A] : memref<4816896xi32, #tpu.memory_space<hbm>> -> memref<256xi32, #tpu.memory_space<hbm>>
      %dma_start3A_204 = arith.constant 0 : i32
      %dma_start3A_205 = tpu.memref_slice %arg10[%dma_start3A_199, %dma_start3A_204] : memref<2x256xi32, #tpu.memory_space<vmem>> -> memref<1x256xi32, #tpu.memory_space<vmem>>
      %dma_start3A_206 = tpu.memref_squeeze %dma_start3A_205 : memref<1x256xi32, #tpu.memory_space<vmem>> -> memref<256xi32, #tpu.memory_space<vmem>>
      %dma_start3A_207 = tpu.memref_slice %arg3[%add3A] : memref<4816896xi32, #tpu.memory_space<hbm>> -> memref<256xi32, #tpu.memory_space<hbm>>
      tpu.enqueue_dma source(%dma_start3A_207 : memref<256xi32, #tpu.memory_space<hbm>>) target(%dma_start3A_206 : memref<256xi32, #tpu.memory_space<vmem>>) target_semaphore(%arg20 : memref<!tpu.dma_semaphore, #tpu.memory_space<semaphore_mem>>)
      %dma_start3A_208 = arith.constant 0 : i32
      %dma_start3A_209 = arith.constant 0 : i32
      %dma_start3A_210 = tpu.memref_slice %arg11[%dma_start3A_208, %dma_start3A_209] : memref<2x256xi32, #tpu.memory_space<vmem>> -> memref<1x256xi32, #tpu.memory_space<vmem>>
      %dma_start3A_211 = tpu.memref_squeeze %dma_start3A_210 : memref<1x256xi32, #tpu.memory_space<vmem>> -> memref<256xi32, #tpu.memory_space<vmem>>
      %dma_start3A_212 = tpu.memref_slice %arg4[%add3A] : memref<4816896xi32, #tpu.memory_space<hbm>> -> memref<256xi32, #tpu.memory_space<hbm>>
      %dma_start3A_213 = arith.constant 0 : i32
      %dma_start3A_214 = tpu.memref_slice %arg11[%dma_start3A_208, %dma_start3A_213] : memref<2x256xi32, #tpu.memory_space<vmem>> -> memref<1x256xi32, #tpu.memory_space<vmem>>
      %dma_start3A_215 = tpu.memref_squeeze %dma_start3A_214 : memref<1x256xi32, #tpu.memory_space<vmem>> -> memref<256xi32, #tpu.memory_space<vmem>>
      %dma_start3A_216 = tpu.memref_slice %arg4[%add3A] : memref<4816896xi32, #tpu.memory_space<hbm>> -> memref<256xi32, #tpu.memory_space<hbm>>
      tpu.enqueue_dma source(%dma_start3A_216 : memref<256xi32, #tpu.memory_space<hbm>>) target(%dma_start3A_215 : memref<256xi32, #tpu.memory_space<vmem>>) target_semaphore(%arg20 : memref<!tpu.dma_semaphore, #tpu.memory_space<semaphore_mem>>)
      %dma_start3A_217 = arith.constant 0 : i32
      %dma_start3A_218 = arith.constant 0 : i32
      %dma_start3A_219 = tpu.memref_slice %arg12[%dma_start3A_217, %dma_start3A_218] : memref<2x256xf32, #tpu.memory_space<vmem>> -> memref<1x256xf32, #tpu.memory_space<vmem>>
      %dma_start3A_220 = tpu.memref_squeeze %dma_start3A_219 : memref<1x256xf32, #tpu.memory_space<vmem>> -> memref<256xf32, #tpu.memory_space<vmem>>
      %dma_start3A_221 = tpu.memref_slice %arg5[%add3A] : memref<4816896xf32, #tpu.memory_space<hbm>> -> memref<256xf32, #tpu.memory_space<hbm>>
      %dma_start3A_222 = arith.constant 0 : i32
      %dma_start3A_223 = tpu.memref_slice %arg12[%dma_start3A_217, %dma_start3A_222] : memref<2x256xf32, #tpu.memory_space<vmem>> -> memref<1x256xf32, #tpu.memory_space<vmem>>
      %dma_start3A_224 = tpu.memref_squeeze %dma_start3A_223 : memref<1x256xf32, #tpu.memory_space<vmem>> -> memref<256xf32, #tpu.memory_space<vmem>>
      %dma_start3A_225 = tpu.memref_slice %arg5[%add3A] : memref<4816896xf32, #tpu.memory_space<hbm>> -> memref<256xf32, #tpu.memory_space<hbm>>
      tpu.enqueue_dma source(%dma_start3A_225 : memref<256xf32, #tpu.memory_space<hbm>>) target(%dma_start3A_224 : memref<256xf32, #tpu.memory_space<vmem>>) target_semaphore(%arg20 : memref<!tpu.dma_semaphore, #tpu.memory_space<semaphore_mem>>)
      %scan3A_226 = arith.constant 0 : i32
      %scan3A_227 = arith.constant 0 : i32
      %scan3A_228 = arith.constant 393 : i32
      %scan3A_229 = arith.addi %scan3A_227, %scan3A_228 : i32
      %scan3A_230 = arith.constant 1 : i32
      %scan3A_231 = scf.for %scan3A_341 = %scan3A_227 to %scan3A_229 step %scan3A_230 iter_args(%scan3A_342 = %scan3A_226) -> (i32)  : i32 {
        %jit3A = arith.constant 2 : i32
        %eq3A = arith.constant 0 : i32
        %eq3A_343 = arith.cmpi eq, %jit3A, %eq3A : i32
        %jit3A_344 = arith.constant 1 : i32
        %select_n3A = arith.select %eq3A_343, %jit3A_344, %jit3A : i32
        %rem3A = arith.remsi %scan3A_341, %select_n3A : i32
        %ne3A = arith.constant 0 : i32
        %ne3A_345 = arith.cmpi ne, %rem3A, %ne3A : i32
        %lt3A = arith.constant 0 : i32
        %lt3A_346 = arith.cmpi slt, %rem3A, %lt3A : i32
        %lt3A_347 = arith.constant 0 : i32
        %lt3A_348 = arith.cmpi slt, %select_n3A, %lt3A_347 : i32
        %ne3A_349 = arith.xori %lt3A_346, %lt3A_348 : i1
        %and3A = arith.andi %ne3A_349, %ne3A_345 : i1
        %add3A_350 = arith.addi %rem3A, %select_n3A : i32
        %select_n3A_351 = arith.select %and3A, %add3A_350, %rem3A : i32
        %lt3A_352 = arith.constant 392 : i32
        %lt3A_353 = arith.cmpi slt, %scan3A_341, %lt3A_352 : i32
        %convert_element_type3A = arith.extui %lt3A_353 : i1 to i32
        %cond3A = arith.constant 0 : i32
        %cond3A_354 = arith.cmpi ne, %convert_element_type3A, %cond3A : i32
        scf.if %cond3A_354 {
          %dma_wait3A_360 = arith.constant 0 : i32
          %dma_wait3A_361 = arith.constant 0 : i32
          %dma_wait3A_362 = tpu.memref_slice %arg10[%dma_wait3A_360, %dma_wait3A_361] : memref<2x256xi32, #tpu.memory_space<vmem>> -> memref<1x256xi32, #tpu.memory_space<vmem>>
          %dma_wait3A_363 = tpu.memref_squeeze %dma_wait3A_362 : memref<1x256xi32, #tpu.memory_space<vmem>> -> memref<256xi32, #tpu.memory_space<vmem>>
          %dma_wait3A_364 = arith.constant 0 : i32
          %dma_wait3A_365 = tpu.memref_slice %arg3[%dma_wait3A_364] : memref<4816896xi32, #tpu.memory_space<hbm>> -> memref<256xi32, #tpu.memory_space<hbm>>
          %dma_wait3A_366 = arith.constant 0 : i32
          %dma_wait3A_367 = tpu.memref_slice %arg10[%dma_wait3A_360, %dma_wait3A_366] : memref<2x256xi32, #tpu.memory_space<vmem>> -> memref<1x256xi32, #tpu.memory_space<vmem>>
          %dma_wait3A_368 = tpu.memref_squeeze %dma_wait3A_367 : memref<1x256xi32, #tpu.memory_space<vmem>> -> memref<256xi32, #tpu.memory_space<vmem>>
          %dma_wait3A_369 = arith.constant 0 : i32
          %dma_wait3A_370 = tpu.memref_slice %arg3[%dma_wait3A_369] : memref<4816896xi32, #tpu.memory_space<hbm>> -> memref<256xi32, #tpu.memory_space<hbm>>
          tpu.wait_dma2 semaphore(%arg20 : memref<!tpu.dma_semaphore, #tpu.memory_space<semaphore_mem>>) src(%dma_wait3A_370 : memref<256xi32, #tpu.memory_space<hbm>>) dst(%dma_wait3A_368 : memref<256xi32, #tpu.memory_space<vmem>>)
          %dma_wait3A_371 = arith.constant 0 : i32
          %dma_wait3A_372 = arith.constant 0 : i32
          %dma_wait3A_373 = tpu.memref_slice %arg11[%dma_wait3A_371, %dma_wait3A_372] : memref<2x256xi32, #tpu.memory_space<vmem>> -> memref<1x256xi32, #tpu.memory_space<vmem>>
          %dma_wait3A_374 = tpu.memref_squeeze %dma_wait3A_373 : memref<1x256xi32, #tpu.memory_space<vmem>> -> memref<256xi32, #tpu.memory_space<vmem>>
          %dma_wait3A_375 = arith.constant 0 : i32
          %dma_wait3A_376 = tpu.memref_slice %arg4[%dma_wait3A_375] : memref<4816896xi32, #tpu.memory_space<hbm>> -> memref<256xi32, #tpu.memory_space<hbm>>
          %dma_wait3A_377 = arith.constant 0 : i32
          %dma_wait3A_378 = tpu.memref_slice %arg11[%dma_wait3A_371, %dma_wait3A_377] : memref<2x256xi32, #tpu.memory_space<vmem>> -> memref<1x256xi32, #tpu.memory_space<vmem>>
          %dma_wait3A_379 = tpu.memref_squeeze %dma_wait3A_378 : memref<1x256xi32, #tpu.memory_space<vmem>> -> memref<256xi32, #tpu.memory_space<vmem>>
          %dma_wait3A_380 = arith.constant 0 : i32
          %dma_wait3A_381 = tpu.memref_slice %arg4[%dma_wait3A_380] : memref<4816896xi32, #tpu.memory_space<hbm>> -> memref<256xi32, #tpu.memory_space<hbm>>
          tpu.wait_dma2 semaphore(%arg20 : memref<!tpu.dma_semaphore, #tpu.memory_space<semaphore_mem>>) src(%dma_wait3A_381 : memref<256xi32, #tpu.memory_space<hbm>>) dst(%dma_wait3A_379 : memref<256xi32, #tpu.memory_space<vmem>>)
          %dma_wait3A_382 = arith.constant 0 : i32
          %dma_wait3A_383 = arith.constant 0 : i32
          %dma_wait3A_384 = tpu.memref_slice %arg12[%dma_wait3A_382, %dma_wait3A_383] : memref<2x256xf32, #tpu.memory_space<vmem>> -> memref<1x256xf32, #tpu.memory_space<vmem>>
          %dma_wait3A_385 = tpu.memref_squeeze %dma_wait3A_384 : memref<1x256xf32, #tpu.memory_space<vmem>> -> memref<256xf32, #tpu.memory_space<vmem>>
          %dma_wait3A_386 = arith.constant 0 : i32
          %dma_wait3A_387 = tpu.memref_slice %arg5[%dma_wait3A_386] : memref<4816896xf32, #tpu.memory_space<hbm>> -> memref<256xf32, #tpu.memory_space<hbm>>
          %dma_wait3A_388 = arith.constant 0 : i32
          %dma_wait3A_389 = tpu.memref_slice %arg12[%dma_wait3A_382, %dma_wait3A_388] : memref<2x256xf32, #tpu.memory_space<vmem>> -> memref<1x256xf32, #tpu.memory_space<vmem>>
          %dma_wait3A_390 = tpu.memref_squeeze %dma_wait3A_389 : memref<1x256xf32, #tpu.memory_space<vmem>> -> memref<256xf32, #tpu.memory_space<vmem>>
          %dma_wait3A_391 = arith.constant 0 : i32
          %dma_wait3A_392 = tpu.memref_slice %arg5[%dma_wait3A_391] : memref<4816896xf32, #tpu.memory_space<hbm>> -> memref<256xf32, #tpu.memory_space<hbm>>
          tpu.wait_dma2 semaphore(%arg20 : memref<!tpu.dma_semaphore, #tpu.memory_space<semaphore_mem>>) src(%dma_wait3A_392 : memref<256xf32, #tpu.memory_space<hbm>>) dst(%dma_wait3A_390 : memref<256xf32, #tpu.memory_space<vmem>>)
          %add3A_393 = arith.constant 1 : i32
          %add3A_394 = arith.addi %scan3A_341, %add3A_393 : i32
          %lt3A_395 = arith.constant 392 : i32
          %lt3A_396 = arith.cmpi slt, %add3A_394, %lt3A_395 : i32
          %convert_element_type3A_397 = arith.extui %lt3A_396 : i1 to i32
          %cond3A_398 = arith.constant 0 : i32
          %cond3A_399 = arith.cmpi ne, %convert_element_type3A_397, %cond3A_398 : i32
          scf.if %cond3A_399 {
            %add3A_411 = arith.constant 1 : i32
            %add3A_412 = arith.addi %scan3A_341, %add3A_411 : i32
            %mul3A_413 = arith.constant 256 : i32
            %mul3A_414 = arith.muli %add3A_412, %mul3A_413 : i32
            %add3A_415 = arith.addi %add3A, %mul3A_414 : i32
            %sub3A = arith.constant 1 : i32
            %sub3A_416 = arith.subi %sub3A, %select_n3A_351 : i32
            %dma_start3A_417 = arith.constant 0 : i32
            %dma_start3A_418 = tpu.memref_slice %arg10[%sub3A_416, %dma_start3A_417] : memref<2x256xi32, #tpu.memory_space<vmem>> -> memref<1x256xi32, #tpu.memory_space<vmem>>
            %dma_start3A_419 = tpu.memref_squeeze %dma_start3A_418 : memref<1x256xi32, #tpu.memory_space<vmem>> -> memref<256xi32, #tpu.memory_space<vmem>>
            %dma_start3A_420 = tpu.memref_slice %arg3[%add3A_415] : memref<4816896xi32, #tpu.memory_space<hbm>> -> memref<256xi32, #tpu.memory_space<hbm>>
            %dma_start3A_421 = arith.constant 0 : i32
            %dma_start3A_422 = tpu.memref_slice %arg10[%sub3A_416, %dma_start3A_421] : memref<2x256xi32, #tpu.memory_space<vmem>> -> memref<1x256xi32, #tpu.memory_space<vmem>>
            %dma_start3A_423 = tpu.memref_squeeze %dma_start3A_422 : memref<1x256xi32, #tpu.memory_space<vmem>> -> memref<256xi32, #tpu.memory_space<vmem>>
            %dma_start3A_424 = tpu.memref_slice %arg3[%add3A_415] : memref<4816896xi32, #tpu.memory_space<hbm>> -> memref<256xi32, #tpu.memory_space<hbm>>
            tpu.enqueue_dma source(%dma_start3A_424 : memref<256xi32, #tpu.memory_space<hbm>>) target(%dma_start3A_423 : memref<256xi32, #tpu.memory_space<vmem>>) target_semaphore(%arg20 : memref<!tpu.dma_semaphore, #tpu.memory_space<semaphore_mem>>)
            %dma_start3A_425 = arith.constant 0 : i32
            %dma_start3A_426 = tpu.memref_slice %arg11[%sub3A_416, %dma_start3A_425] : memref<2x256xi32, #tpu.memory_space<vmem>> -> memref<1x256xi32, #tpu.memory_space<vmem>>
            %dma_start3A_427 = tpu.memref_squeeze %dma_start3A_426 : memref<1x256xi32, #tpu.memory_space<vmem>> -> memref<256xi32, #tpu.memory_space<vmem>>
            %dma_start3A_428 = tpu.memref_slice %arg4[%add3A_415] : memref<4816896xi32, #tpu.memory_space<hbm>> -> memref<256xi32, #tpu.memory_space<hbm>>
            %dma_start3A_429 = arith.constant 0 : i32
            %dma_start3A_430 = tpu.memref_slice %arg11[%sub3A_416, %dma_start3A_429] : memref<2x256xi32, #tpu.memory_space<vmem>> -> memref<1x256xi32, #tpu.memory_space<vmem>>
            %dma_start3A_431 = tpu.memref_squeeze %dma_start3A_430 : memref<1x256xi32, #tpu.memory_space<vmem>> -> memref<256xi32, #tpu.memory_space<vmem>>
            %dma_start3A_432 = tpu.memref_slice %arg4[%add3A_415] : memref<4816896xi32, #tpu.memory_space<hbm>> -> memref<256xi32, #tpu.memory_space<hbm>>
            tpu.enqueue_dma source(%dma_start3A_432 : memref<256xi32, #tpu.memory_space<hbm>>) target(%dma_start3A_431 : memref<256xi32, #tpu.memory_space<vmem>>) target_semaphore(%arg20 : memref<!tpu.dma_semaphore, #tpu.memory_space<semaphore_mem>>)
            %dma_start3A_433 = arith.constant 0 : i32
            %dma_start3A_434 = tpu.memref_slice %arg12[%sub3A_416, %dma_start3A_433] : memref<2x256xf32, #tpu.memory_space<vmem>> -> memref<1x256xf32, #tpu.memory_space<vmem>>
            %dma_start3A_435 = tpu.memref_squeeze %dma_start3A_434 : memref<1x256xf32, #tpu.memory_space<vmem>> -> memref<256xf32, #tpu.memory_space<vmem>>
            %dma_start3A_436 = tpu.memref_slice %arg5[%add3A_415] : memref<4816896xf32, #tpu.memory_space<hbm>> -> memref<256xf32, #tpu.memory_space<hbm>>
            %dma_start3A_437 = arith.constant 0 : i32
            %dma_start3A_438 = tpu.memref_slice %arg12[%sub3A_416, %dma_start3A_437] : memref<2x256xf32, #tpu.memory_space<vmem>> -> memref<1x256xf32, #tpu.memory_space<vmem>>
            %dma_start3A_439 = tpu.memref_squeeze %dma_start3A_438 : memref<1x256xf32, #tpu.memory_space<vmem>> -> memref<256xf32, #tpu.memory_space<vmem>>
            %dma_start3A_440 = tpu.memref_slice %arg5[%add3A_415] : memref<4816896xf32, #tpu.memory_space<hbm>> -> memref<256xf32, #tpu.memory_space<hbm>>
            tpu.enqueue_dma source(%dma_start3A_440 : memref<256xf32, #tpu.memory_space<hbm>>) target(%dma_start3A_439 : memref<256xf32, #tpu.memory_space<vmem>>) target_semaphore(%arg20 : memref<!tpu.dma_semaphore, #tpu.memory_space<semaphore_mem>>)
          } else {
          }
          %ge3A = arith.constant 2 : i32
          %ge3A_400 = arith.cmpi sge, %scan3A_341, %ge3A : i32
          %convert_element_type3A_401 = arith.extui %ge3A_400 : i1 to i32
          %cond3A_402 = arith.constant 0 : i32
          %cond3A_403 = arith.cmpi ne, %convert_element_type3A_401, %cond3A_402 : i32
          scf.if %cond3A_403 {
            %dma_wait3A_411 = arith.constant 0 : i32
            %dma_wait3A_412 = arith.constant 0 : i32
            %dma_wait3A_413 = arith.constant 0 : i32
            %dma_wait3A_414 = arith.constant 0 : i32
            %dma_wait3A_415 = arith.constant 0 : i32
            %dma_wait3A_416 = arith.constant 0 : i32
            %dma_wait3A_417 = tpu.memref_slice %arg16[%dma_wait3A_411, %dma_wait3A_412, %dma_wait3A_415, %dma_wait3A_416] : memref<2x2x128x16xf32, #tpu.memory_space<vmem>> -> memref<1x1x128x16xf32, #tpu.memory_space<vmem>>
            %dma_wait3A_418 = tpu.memref_squeeze %dma_wait3A_417 : memref<1x1x128x16xf32, #tpu.memory_space<vmem>> -> memref<128x16xf32, #tpu.memory_space<vmem>>
            %dma_wait3A_419 = arith.constant 0 : i32
            %dma_wait3A_420 = tpu.memref_slice %arg14[%dma_wait3A_413, %dma_wait3A_414, %dma_wait3A_419] : memref<2x2x128xi32, #tpu.memory_space<vmem>> -> memref<1x1x128xi32, #tpu.memory_space<vmem>>
            %dma_wait3A_421 = tpu.memref_squeeze %dma_wait3A_420 : memref<1x1x128xi32, #tpu.memory_space<vmem>> -> memref<128xi32, #tpu.memory_space<vmem>>
            %dma_wait3A_422 = arith.constant 0 : i32
            %dma_wait3A_423 = arith.constant 0 : i32
            %dma_wait3A_424 = tpu.memref_slice %arg8[%dma_wait3A_422, %dma_wait3A_423] : memref<100352x16xf32, #tpu.memory_space<vmem_shared>> -> memref<100352x16xf32, #tpu.memory_space<vmem_shared>>
            %dma_wait3A_425 = tpu.memref_slice %arg22[%select_n3A_351] : memref<2x!tpu.dma_semaphore, #tpu.memory_space<semaphore_mem>> -> memref<1x!tpu.dma_semaphore, #tpu.memory_space<semaphore_mem>>
            %dma_wait3A_426 = tpu.memref_squeeze %dma_wait3A_425 : memref<1x!tpu.dma_semaphore, #tpu.memory_space<semaphore_mem>> -> memref<!tpu.dma_semaphore, #tpu.memory_space<semaphore_mem>>
            tpu.wait_indirect_dma semaphore(%dma_wait3A_426 : memref<!tpu.dma_semaphore, #tpu.memory_space<semaphore_mem>>) src(%dma_wait3A_418 : memref<128x16xf32, #tpu.memory_space<vmem>>) dst(%dma_wait3A_424 : memref<100352x16xf32, #tpu.memory_space<vmem_shared>>)
            %dma_wait3A_427 = arith.constant 0 : i32
            %dma_wait3A_428 = arith.constant 0 : i32
            %dma_wait3A_429 = arith.constant 0 : i32
            %dma_wait3A_430 = arith.constant 0 : i32
            %dma_wait3A_431 = arith.constant 0 : i32
            %dma_wait3A_432 = arith.constant 0 : i32
            %dma_wait3A_433 = tpu.memref_slice %arg16[%dma_wait3A_427, %dma_wait3A_428, %dma_wait3A_431, %dma_wait3A_432] : memref<2x2x128x16xf32, #tpu.memory_space<vmem>> -> memref<1x1x128x16xf32, #tpu.memory_space<vmem>>
            %dma_wait3A_434 = tpu.memref_squeeze %dma_wait3A_433 : memref<1x1x128x16xf32, #tpu.memory_space<vmem>> -> memref<128x16xf32, #tpu.memory_space<vmem>>
            %dma_wait3A_435 = arith.constant 0 : i32
            %dma_wait3A_436 = tpu.memref_slice %arg14[%dma_wait3A_429, %dma_wait3A_430, %dma_wait3A_435] : memref<2x2x128xi32, #tpu.memory_space<vmem>> -> memref<1x1x128xi32, #tpu.memory_space<vmem>>
            %dma_wait3A_437 = tpu.memref_squeeze %dma_wait3A_436 : memref<1x1x128xi32, #tpu.memory_space<vmem>> -> memref<128xi32, #tpu.memory_space<vmem>>
            %dma_wait3A_438 = arith.constant 0 : i32
            %dma_wait3A_439 = arith.constant 0 : i32
            %dma_wait3A_440 = tpu.memref_slice %arg8[%dma_wait3A_438, %dma_wait3A_439] : memref<100352x16xf32, #tpu.memory_space<vmem_shared>> -> memref<100352x16xf32, #tpu.memory_space<vmem_shared>>
            %dma_wait3A_441 = tpu.memref_slice %arg22[%select_n3A_351] : memref<2x!tpu.dma_semaphore, #tpu.memory_space<semaphore_mem>> -> memref<1x!tpu.dma_semaphore, #tpu.memory_space<semaphore_mem>>
            %dma_wait3A_442 = tpu.memref_squeeze %dma_wait3A_441 : memref<1x!tpu.dma_semaphore, #tpu.memory_space<semaphore_mem>> -> memref<!tpu.dma_semaphore, #tpu.memory_space<semaphore_mem>>
            tpu.wait_indirect_dma semaphore(%dma_wait3A_442 : memref<!tpu.dma_semaphore, #tpu.memory_space<semaphore_mem>>) src(%dma_wait3A_434 : memref<128x16xf32, #tpu.memory_space<vmem>>) dst(%dma_wait3A_440 : memref<100352x16xf32, #tpu.memory_space<vmem_shared>>)
          } else {
          }
          %scan3A_404 = arith.constant 0 : i32
          %scan3A_405 = arith.constant 0 : i32
          %scan3A_406 = arith.constant 2 : i32
          %scan3A_407 = arith.addi %scan3A_405, %scan3A_406 : i32
          %scan3A_408 = arith.constant 1 : i32
          %scan3A_409 = scf.for %scan3A_411 = %scan3A_405 to %scan3A_407 step %scan3A_408 iter_args(%scan3A_412 = %scan3A_404) -> (i32)  : i32 {
            %mul3A_413 = arith.constant 128 : i32
            %mul3A_414 = arith.muli %scan3A_411, %mul3A_413 : i32
            %add3A_415 = arith.constant 0 : i32
            %add3A_416 = arith.addi %mul3A_414, %add3A_415 : i32
            %get3A = arith.index_cast %select_n3A_351 : i32 to index
            %get3A_417 = arith.index_cast %add3A_416 : i32 to index
            %get3A_418 = tpu.vector_load %arg10[%get3A, %get3A_417] {strides = array<i32>} : memref<2x256xi32, #tpu.memory_space<vmem>>, vector<1x16xi32>,
            %get3A_419 = vector.shape_cast %get3A_418 : vector<1x16xi32> to vector<16xi32>
            %get3A_420 = arith.index_cast %select_n3A_351 : i32 to index
            %get3A_421 = arith.index_cast %add3A_416 : i32 to index
            %get3A_422 = tpu.vector_load %arg11[%get3A_420, %get3A_421] {strides = array<i32>} : memref<2x256xi32, #tpu.memory_space<vmem>>, vector<1x16xi32>,
            %get3A_423 = vector.shape_cast %get3A_422 : vector<1x16xi32> to vector<16xi32>
            %get3A_424 = arith.index_cast %select_n3A_351 : i32 to index
            %get3A_425 = arith.index_cast %add3A_416 : i32 to index
            %get3A_426 = tpu.vector_load %arg12[%get3A_424, %get3A_425] {strides = array<i32>} : memref<2x256xf32, #tpu.memory_space<vmem>>, vector<1x16xf32>,
            %get3A_427 = vector.shape_cast %get3A_426 : vector<1x16xf32> to vector<16xf32>
            %eq3A_428 = arith.cmpi eq, %get3A_419, %get3A_423 : vector<16xi32>
            %jit3A_429 = arith.constant 0.000000e+00 : f32
            %broadcast_in_dim3A_430 = vector.broadcast %jit3A_429 : f32 to vector<16xf32>
            %select_n3A_431 = arith.select %eq3A_428, %broadcast_in_dim3A_430, %get3A_427 : vector<16xi1>, vector<16xf32>
            %swap3A_432 = arith.index_cast %select_n3A_351 : i32 to index
            %swap3A_433 = arith.index_cast %scan3A_411 : i32 to index
            %swap3A_434 = arith.constant 0 : index
            %swap3A_435 = tpu.vector_load %arg15[%swap3A_432, %swap3A_433, %swap3A_434] {strides = array<i32>} : memref<2x2x128xf32, #tpu.memory_space<vmem>>, vector<1x1x16xf32>,
            %swap3A_436 = vector.shape_cast %swap3A_435 : vector<1x1x16xf32> to vector<16xf32>
            %swap3A_437 = vector.shape_cast %select_n3A_431 : vector<16xf32> to vector<1x1x16xf32>
            tpu.vector_store %arg15[%swap3A_432, %swap3A_433, %swap3A_434], %swap3A_437 {strides = array<i32>} : memref<2x2x128xf32, #tpu.memory_space<vmem>>, vector<1x1x16xf32>,
            %swap3A_438 = arith.index_cast %select_n3A_351 : i32 to index
            %swap3A_439 = arith.index_cast %scan3A_411 : i32 to index
            %swap3A_440 = arith.constant 0 : index
            %swap3A_441 = tpu.vector_load %arg14[%swap3A_438, %swap3A_439, %swap3A_440] {strides = array<i32>} : memref<2x2x128xi32, #tpu.memory_space<vmem>>, vector<1x1x16xi32>,
            %swap3A_442 = vector.shape_cast %swap3A_441 : vector<1x1x16xi32> to vector<16xi32>
            %swap3A_443 = vector.shape_cast %get3A_423 : vector<16xi32> to vector<1x1x16xi32>
            tpu.vector_store %arg14[%swap3A_438, %swap3A_439, %swap3A_440], %swap3A_443 {strides = array<i32>} : memref<2x2x128xi32, #tpu.memory_space<vmem>>, vector<1x1x16xi32>,
            %add3A_444 = vector.broadcast %mul3A_2 : i32 to vector<16xi32>
            %add3A_445 = arith.addi %get3A_419, %add3A_444 : vector<16xi32>
            %swap3A_446 = arith.index_cast %select_n3A_351 : i32 to index
            %swap3A_447 = arith.index_cast %scan3A_411 : i32 to index
            %swap3A_448 = arith.constant 0 : index
            %swap3A_449 = tpu.vector_load %arg13[%swap3A_446, %swap3A_447, %swap3A_448] {strides = array<i32>} : memref<2x2x128xi32, #tpu.memory_space<vmem>>, vector<1x1x16xi32>,
            %swap3A_450 = vector.shape_cast %swap3A_449 : vector<1x1x16xi32> to vector<16xi32>
            %swap3A_451 = vector.shape_cast %add3A_445 : vector<16xi32> to vector<1x1x16xi32>
            tpu.vector_store %arg13[%swap3A_446, %swap3A_447, %swap3A_448], %swap3A_451 {strides = array<i32>} : memref<2x2x128xi32, #tpu.memory_space<vmem>>, vector<1x1x16xi32>,
            %mul3A_452 = arith.constant 128 : i32
            %mul3A_453 = arith.muli %scan3A_411, %mul3A_452 : i32
            %add3A_454 = arith.constant 16 : i32
            %add3A_455 = arith.addi %mul3A_453, %add3A_454 : i32
            %get3A_456 = arith.index_cast %select_n3A_351 : i32 to index
            %get3A_457 = arith.index_cast %add3A_455 : i32 to index
            %get3A_458 = tpu.vector_load %arg10[%get3A_456, %get3A_457] {strides = array<i32>} : memref<2x256xi32, #tpu.memory_space<vmem>>, vector<1x16xi32>,
            %get3A_459 = vector.shape_cast %get3A_458 : vector<1x16xi32> to vector<16xi32>
            %get3A_460 = arith.index_cast %select_n3A_351 : i32 to index
            %get3A_461 = arith.index_cast %add3A_455 : i32 to index
            %get3A_462 = tpu.vector_load %arg11[%get3A_460, %get3A_461] {strides = array<i32>} : memref<2x256xi32, #tpu.memory_space<vmem>>, vector<1x16xi32>,
            %get3A_463 = vector.shape_cast %get3A_462 : vector<1x16xi32> to vector<16xi32>
            %get3A_464 = arith.index_cast %select_n3A_351 : i32 to index
            %get3A_465 = arith.index_cast %add3A_455 : i32 to index
            %get3A_466 = tpu.vector_load %arg12[%get3A_464, %get3A_465] {strides = array<i32>} : memref<2x256xf32, #tpu.memory_space<vmem>>, vector<1x16xf32>,
            %get3A_467 = vector.shape_cast %get3A_466 : vector<1x16xf32> to vector<16xf32>
            %eq3A_468 = arith.cmpi eq, %get3A_459, %get3A_463 : vector<16xi32>
            %jit3A_469 = arith.constant 0.000000e+00 : f32
            %broadcast_in_dim3A_470 = vector.broadcast %jit3A_469 : f32 to vector<16xf32>
            %select_n3A_471 = arith.select %eq3A_468, %broadcast_in_dim3A_470, %get3A_467 : vector<16xi1>, vector<16xf32>
            %swap3A_472 = arith.index_cast %select_n3A_351 : i32 to index
            %swap3A_473 = arith.index_cast %scan3A_411 : i32 to index
            %swap3A_474 = arith.constant 16 : index
            %swap3A_475 = tpu.vector_load %arg15[%swap3A_472, %swap3A_473, %swap3A_474] {strides = array<i32>} : memref<2x2x128xf32, #tpu.memory_space<vmem>>, vector<1x1x16xf32>,
            %swap3A_476 = vector.shape_cast %swap3A_475 : vector<1x1x16xf32> to vector<16xf32>
            %swap3A_477 = vector.shape_cast %select_n3A_471 : vector<16xf32> to vector<1x1x16xf32>
            tpu.vector_store %arg15[%swap3A_472, %swap3A_473, %swap3A_474], %swap3A_477 {strides = array<i32>} : memref<2x2x128xf32, #tpu.memory_space<vmem>>, vector<1x1x16xf32>,
            %swap3A_478 = arith.index_cast %select_n3A_351 : i32 to index
            %swap3A_479 = arith.index_cast %scan3A_411 : i32 to index
            %swap3A_480 = arith.constant 16 : index
            %swap3A_481 = tpu.vector_load %arg14[%swap3A_478, %swap3A_479, %swap3A_480] {strides = array<i32>} : memref<2x2x128xi32, #tpu.memory_space<vmem>>, vector<1x1x16xi32>,
            %swap3A_482 = vector.shape_cast %swap3A_481 : vector<1x1x16xi32> to vector<16xi32>
            %swap3A_483 = vector.shape_cast %get3A_463 : vector<16xi32> to vector<1x1x16xi32>
            tpu.vector_store %arg14[%swap3A_478, %swap3A_479, %swap3A_480], %swap3A_483 {strides = array<i32>} : memref<2x2x128xi32, #tpu.memory_space<vmem>>, vector<1x1x16xi32>,
            %add3A_484 = vector.broadcast %mul3A_2 : i32 to vector<16xi32>
            %add3A_485 = arith.addi %get3A_459, %add3A_484 : vector<16xi32>
            %swap3A_486 = arith.index_cast %select_n3A_351 : i32 to index
            %swap3A_487 = arith.index_cast %scan3A_411 : i32 to index
            %swap3A_488 = arith.constant 16 : index
            %swap3A_489 = tpu.vector_load %arg13[%swap3A_486, %swap3A_487, %swap3A_488] {strides = array<i32>} : memref<2x2x128xi32, #tpu.memory_space<vmem>>, vector<1x1x16xi32>,
            %swap3A_490 = vector.shape_cast %swap3A_489 : vector<1x1x16xi32> to vector<16xi32>
            %swap3A_491 = vector.shape_cast %add3A_485 : vector<16xi32> to vector<1x1x16xi32>
            tpu.vector_store %arg13[%swap3A_486, %swap3A_487, %swap3A_488], %swap3A_491 {strides = array<i32>} : memref<2x2x128xi32, #tpu.memory_space<vmem>>, vector<1x1x16xi32>,
            %mul3A_492 = arith.constant 128 : i32
            %mul3A_493 = arith.muli %scan3A_411, %mul3A_492 : i32
            %add3A_494 = arith.constant 32 : i32
            %add3A_495 = arith.addi %mul3A_493, %add3A_494 : i32
            %get3A_496 = arith.index_cast %select_n3A_351 : i32 to index
            %get3A_497 = arith.index_cast %add3A_495 : i32 to index
            %get3A_498 = tpu.vector_load %arg10[%get3A_496, %get3A_497] {strides = array<i32>} : memref<2x256xi32, #tpu.memory_space<vmem>>, vector<1x16xi32>,
            %get3A_499 = vector.shape_cast %get3A_498 : vector<1x16xi32> to vector<16xi32>
            %get3A_500 = arith.index_cast %select_n3A_351 : i32 to index
            %get3A_501 = arith.index_cast %add3A_495 : i32 to index
            %get3A_502 = tpu.vector_load %arg11[%get3A_500, %get3A_501] {strides = array<i32>} : memref<2x256xi32, #tpu.memory_space<vmem>>, vector<1x16xi32>,
            %get3A_503 = vector.shape_cast %get3A_502 : vector<1x16xi32> to vector<16xi32>
            %get3A_504 = arith.index_cast %select_n3A_351 : i32 to index
            %get3A_505 = arith.index_cast %add3A_495 : i32 to index
            %get3A_506 = tpu.vector_load %arg12[%get3A_504, %get3A_505] {strides = array<i32>} : memref<2x256xf32, #tpu.memory_space<vmem>>, vector<1x16xf32>,
            %get3A_507 = vector.shape_cast %get3A_506 : vector<1x16xf32> to vector<16xf32>
            %eq3A_508 = arith.cmpi eq, %get3A_499, %get3A_503 : vector<16xi32>
            %jit3A_509 = arith.constant 0.000000e+00 : f32
            %broadcast_in_dim3A_510 = vector.broadcast %jit3A_509 : f32 to vector<16xf32>
            %select_n3A_511 = arith.select %eq3A_508, %broadcast_in_dim3A_510, %get3A_507 : vector<16xi1>, vector<16xf32>
            %swap3A_512 = arith.index_cast %select_n3A_351 : i32 to index
            %swap3A_513 = arith.index_cast %scan3A_411 : i32 to index
            %swap3A_514 = arith.constant 32 : index
            %swap3A_515 = tpu.vector_load %arg15[%swap3A_512, %swap3A_513, %swap3A_514] {strides = array<i32>} : memref<2x2x128xf32, #tpu.memory_space<vmem>>, vector<1x1x16xf32>,
            %swap3A_516 = vector.shape_cast %swap3A_515 : vector<1x1x16xf32> to vector<16xf32>
            %swap3A_517 = vector.shape_cast %select_n3A_511 : vector<16xf32> to vector<1x1x16xf32>
            tpu.vector_store %arg15[%swap3A_512, %swap3A_513, %swap3A_514], %swap3A_517 {strides = array<i32>} : memref<2x2x128xf32, #tpu.memory_space<vmem>>, vector<1x1x16xf32>,
            %swap3A_518 = arith.index_cast %select_n3A_351 : i32 to index
            %swap3A_519 = arith.index_cast %scan3A_411 : i32 to index
            %swap3A_520 = arith.constant 32 : index
            %swap3A_521 = tpu.vector_load %arg14[%swap3A_518, %swap3A_519, %swap3A_520] {strides = array<i32>} : memref<2x2x128xi32, #tpu.memory_space<vmem>>, vector<1x1x16xi32>,
            %swap3A_522 = vector.shape_cast %swap3A_521 : vector<1x1x16xi32> to vector<16xi32>
            %swap3A_523 = vector.shape_cast %get3A_503 : vector<16xi32> to vector<1x1x16xi32>
            tpu.vector_store %arg14[%swap3A_518, %swap3A_519, %swap3A_520], %swap3A_523 {strides = array<i32>} : memref<2x2x128xi32, #tpu.memory_space<vmem>>, vector<1x1x16xi32>,
            %add3A_524 = vector.broadcast %mul3A_2 : i32 to vector<16xi32>
            %add3A_525 = arith.addi %get3A_499, %add3A_524 : vector<16xi32>
            %swap3A_526 = arith.index_cast %select_n3A_351 : i32 to index
            %swap3A_527 = arith.index_cast %scan3A_411 : i32 to index
            %swap3A_528 = arith.constant 32 : index
            %swap3A_529 = tpu.vector_load %arg13[%swap3A_526, %swap3A_527, %swap3A_528] {strides = array<i32>} : memref<2x2x128xi32, #tpu.memory_space<vmem>>, vector<1x1x16xi32>,
            %swap3A_530 = vector.shape_cast %swap3A_529 : vector<1x1x16xi32> to vector<16xi32>
            %swap3A_531 = vector.shape_cast %add3A_525 : vector<16xi32> to vector<1x1x16xi32>
            tpu.vector_store %arg13[%swap3A_526, %swap3A_527, %swap3A_528], %swap3A_531 {strides = array<i32>} : memref<2x2x128xi32, #tpu.memory_space<vmem>>, vector<1x1x16xi32>,
            %mul3A_532 = arith.constant 128 : i32
            %mul3A_533 = arith.muli %scan3A_411, %mul3A_532 : i32
            %add3A_534 = arith.constant 48 : i32
            %add3A_535 = arith.addi %mul3A_533, %add3A_534 : i32
            %get3A_536 = arith.index_cast %select_n3A_351 : i32 to index
            %get3A_537 = arith.index_cast %add3A_535 : i32 to index
            %get3A_538 = tpu.vector_load %arg10[%get3A_536, %get3A_537] {strides = array<i32>} : memref<2x256xi32, #tpu.memory_space<vmem>>, vector<1x16xi32>,
            %get3A_539 = vector.shape_cast %get3A_538 : vector<1x16xi32> to vector<16xi32>
            %get3A_540 = arith.index_cast %select_n3A_351 : i32 to index
            %get3A_541 = arith.index_cast %add3A_535 : i32 to index
            %get3A_542 = tpu.vector_load %arg11[%get3A_540, %get3A_541] {strides = array<i32>} : memref<2x256xi32, #tpu.memory_space<vmem>>, vector<1x16xi32>,
            %get3A_543 = vector.shape_cast %get3A_542 : vector<1x16xi32> to vector<16xi32>
            %get3A_544 = arith.index_cast %select_n3A_351 : i32 to index
            %get3A_545 = arith.index_cast %add3A_535 : i32 to index
            %get3A_546 = tpu.vector_load %arg12[%get3A_544, %get3A_545] {strides = array<i32>} : memref<2x256xf32, #tpu.memory_space<vmem>>, vector<1x16xf32>,
            %get3A_547 = vector.shape_cast %get3A_546 : vector<1x16xf32> to vector<16xf32>
            %eq3A_548 = arith.cmpi eq, %get3A_539, %get3A_543 : vector<16xi32>
            %jit3A_549 = arith.constant 0.000000e+00 : f32
            %broadcast_in_dim3A_550 = vector.broadcast %jit3A_549 : f32 to vector<16xf32>
            %select_n3A_551 = arith.select %eq3A_548, %broadcast_in_dim3A_550, %get3A_547 : vector<16xi1>, vector<16xf32>
            %swap3A_552 = arith.index_cast %select_n3A_351 : i32 to index
            %swap3A_553 = arith.index_cast %scan3A_411 : i32 to index
            %swap3A_554 = arith.constant 48 : index
            %swap3A_555 = tpu.vector_load %arg15[%swap3A_552, %swap3A_553, %swap3A_554] {strides = array<i32>} : memref<2x2x128xf32, #tpu.memory_space<vmem>>, vector<1x1x16xf32>,
            %swap3A_556 = vector.shape_cast %swap3A_555 : vector<1x1x16xf32> to vector<16xf32>
            %swap3A_557 = vector.shape_cast %select_n3A_551 : vector<16xf32> to vector<1x1x16xf32>
            tpu.vector_store %arg15[%swap3A_552, %swap3A_553, %swap3A_554], %swap3A_557 {strides = array<i32>} : memref<2x2x128xf32, #tpu.memory_space<vmem>>, vector<1x1x16xf32>,
            %swap3A_558 = arith.index_cast %select_n3A_351 : i32 to index
            %swap3A_559 = arith.index_cast %scan3A_411 : i32 to index
            %swap3A_560 = arith.constant 48 : index
            %swap3A_561 = tpu.vector_load %arg14[%swap3A_558, %swap3A_559, %swap3A_560] {strides = array<i32>} : memref<2x2x128xi32, #tpu.memory_space<vmem>>, vector<1x1x16xi32>,
            %swap3A_562 = vector.shape_cast %swap3A_561 : vector<1x1x16xi32> to vector<16xi32>
            %swap3A_563 = vector.shape_cast %get3A_543 : vector<16xi32> to vector<1x1x16xi32>
            tpu.vector_store %arg14[%swap3A_558, %swap3A_559, %swap3A_560], %swap3A_563 {strides = array<i32>} : memref<2x2x128xi32, #tpu.memory_space<vmem>>, vector<1x1x16xi32>,
            %add3A_564 = vector.broadcast %mul3A_2 : i32 to vector<16xi32>
            %add3A_565 = arith.addi %get3A_539, %add3A_564 : vector<16xi32>
            %swap3A_566 = arith.index_cast %select_n3A_351 : i32 to index
            %swap3A_567 = arith.index_cast %scan3A_411 : i32 to index
            %swap3A_568 = arith.constant 48 : index
            %swap3A_569 = tpu.vector_load %arg13[%swap3A_566, %swap3A_567, %swap3A_568] {strides = array<i32>} : memref<2x2x128xi32, #tpu.memory_space<vmem>>, vector<1x1x16xi32>,
            %swap3A_570 = vector.shape_cast %swap3A_569 : vector<1x1x16xi32> to vector<16xi32>
            %swap3A_571 = vector.shape_cast %add3A_565 : vector<16xi32> to vector<1x1x16xi32>
            tpu.vector_store %arg13[%swap3A_566, %swap3A_567, %swap3A_568], %swap3A_571 {strides = array<i32>} : memref<2x2x128xi32, #tpu.memory_space<vmem>>, vector<1x1x16xi32>,
            %mul3A_572 = arith.constant 128 : i32
            %mul3A_573 = arith.muli %scan3A_411, %mul3A_572 : i32
            %add3A_574 = arith.constant 64 : i32
            %add3A_575 = arith.addi %mul3A_573, %add3A_574 : i32
            %get3A_576 = arith.index_cast %select_n3A_351 : i32 to index
            %get3A_577 = arith.index_cast %add3A_575 : i32 to index
            %get3A_578 = tpu.vector_load %arg10[%get3A_576, %get3A_577] {strides = array<i32>} : memref<2x256xi32, #tpu.memory_space<vmem>>, vector<1x16xi32>,
            %get3A_579 = vector.shape_cast %get3A_578 : vector<1x16xi32> to vector<16xi32>
            %get3A_580 = arith.index_cast %select_n3A_351 : i32 to index
            %get3A_581 = arith.index_cast %add3A_575 : i32 to index
            %get3A_582 = tpu.vector_load %arg11[%get3A_580, %get3A_581] {strides = array<i32>} : memref<2x256xi32, #tpu.memory_space<vmem>>, vector<1x16xi32>,
            %get3A_583 = vector.shape_cast %get3A_582 : vector<1x16xi32> to vector<16xi32>
            %get3A_584 = arith.index_cast %select_n3A_351 : i32 to index
            %get3A_585 = arith.index_cast %add3A_575 : i32 to index
            %get3A_586 = tpu.vector_load %arg12[%get3A_584, %get3A_585] {strides = array<i32>} : memref<2x256xf32, #tpu.memory_space<vmem>>, vector<1x16xf32>,
            %get3A_587 = vector.shape_cast %get3A_586 : vector<1x16xf32> to vector<16xf32>
            %eq3A_588 = arith.cmpi eq, %get3A_579, %get3A_583 : vector<16xi32>
            %jit3A_589 = arith.constant 0.000000e+00 : f32
            %broadcast_in_dim3A_590 = vector.broadcast %jit3A_589 : f32 to vector<16xf32>
            %select_n3A_591 = arith.select %eq3A_588, %broadcast_in_dim3A_590, %get3A_587 : vector<16xi1>, vector<16xf32>
            %swap3A_592 = arith.index_cast %select_n3A_351 : i32 to index
            %swap3A_593 = arith.index_cast %scan3A_411 : i32 to index
            %swap3A_594 = arith.constant 64 : index
            %swap3A_595 = tpu.vector_load %arg15[%swap3A_592, %swap3A_593, %swap3A_594] {strides = array<i32>} : memref<2x2x128xf32, #tpu.memory_space<vmem>>, vector<1x1x16xf32>,
            %swap3A_596 = vector.shape_cast %swap3A_595 : vector<1x1x16xf32> to vector<16xf32>
            %swap3A_597 = vector.shape_cast %select_n3A_591 : vector<16xf32> to vector<1x1x16xf32>
            tpu.vector_store %arg15[%swap3A_592, %swap3A_593, %swap3A_594], %swap3A_597 {strides = array<i32>} : memref<2x2x128xf32, #tpu.memory_space<vmem>>, vector<1x1x16xf32>,
            %swap3A_598 = arith.index_cast %select_n3A_351 : i32 to index
            %swap3A_599 = arith.index_cast %scan3A_411 : i32 to index
            %swap3A_600 = arith.constant 64 : index
            %swap3A_601 = tpu.vector_load %arg14[%swap3A_598, %swap3A_599, %swap3A_600] {strides = array<i32>} : memref<2x2x128xi32, #tpu.memory_space<vmem>>, vector<1x1x16xi32>,
            %swap3A_602 = vector.shape_cast %swap3A_601 : vector<1x1x16xi32> to vector<16xi32>
            %swap3A_603 = vector.shape_cast %get3A_583 : vector<16xi32> to vector<1x1x16xi32>
            tpu.vector_store %arg14[%swap3A_598, %swap3A_599, %swap3A_600], %swap3A_603 {strides = array<i32>} : memref<2x2x128xi32, #tpu.memory_space<vmem>>, vector<1x1x16xi32>,
            %add3A_604 = vector.broadcast %mul3A_2 : i32 to vector<16xi32>
            %add3A_605 = arith.addi %get3A_579, %add3A_604 : vector<16xi32>
            %swap3A_606 = arith.index_cast %select_n3A_351 : i32 to index
            %swap3A_607 = arith.index_cast %scan3A_411 : i32 to index
            %swap3A_608 = arith.constant 64 : index
            %swap3A_609 = tpu.vector_load %arg13[%swap3A_606, %swap3A_607, %swap3A_608] {strides = array<i32>} : memref<2x2x128xi32, #tpu.memory_space<vmem>>, vector<1x1x16xi32>,
            %swap3A_610 = vector.shape_cast %swap3A_609 : vector<1x1x16xi32> to vector<16xi32>
            %swap3A_611 = vector.shape_cast %add3A_605 : vector<16xi32> to vector<1x1x16xi32>
            tpu.vector_store %arg13[%swap3A_606, %swap3A_607, %swap3A_608], %swap3A_611 {strides = array<i32>} : memref<2x2x128xi32, #tpu.memory_space<vmem>>, vector<1x1x16xi32>,
            %mul3A_612 = arith.constant 128 : i32
            %mul3A_613 = arith.muli %scan3A_411, %mul3A_612 : i32
            %add3A_614 = arith.constant 80 : i32
            %add3A_615 = arith.addi %mul3A_613, %add3A_614 : i32
            %get3A_616 = arith.index_cast %select_n3A_351 : i32 to index
            %get3A_617 = arith.index_cast %add3A_615 : i32 to index
            %get3A_618 = tpu.vector_load %arg10[%get3A_616, %get3A_617] {strides = array<i32>} : memref<2x256xi32, #tpu.memory_space<vmem>>, vector<1x16xi32>,
            %get3A_619 = vector.shape_cast %get3A_618 : vector<1x16xi32> to vector<16xi32>
            %get3A_620 = arith.index_cast %select_n3A_351 : i32 to index
            %get3A_621 = arith.index_cast %add3A_615 : i32 to index
            %get3A_622 = tpu.vector_load %arg11[%get3A_620, %get3A_621] {strides = array<i32>} : memref<2x256xi32, #tpu.memory_space<vmem>>, vector<1x16xi32>,
            %get3A_623 = vector.shape_cast %get3A_622 : vector<1x16xi32> to vector<16xi32>
            %get3A_624 = arith.index_cast %select_n3A_351 : i32 to index
            %get3A_625 = arith.index_cast %add3A_615 : i32 to index
            %get3A_626 = tpu.vector_load %arg12[%get3A_624, %get3A_625] {strides = array<i32>} : memref<2x256xf32, #tpu.memory_space<vmem>>, vector<1x16xf32>,
            %get3A_627 = vector.shape_cast %get3A_626 : vector<1x16xf32> to vector<16xf32>
            %eq3A_628 = arith.cmpi eq, %get3A_619, %get3A_623 : vector<16xi32>
            %jit3A_629 = arith.constant 0.000000e+00 : f32
            %broadcast_in_dim3A_630 = vector.broadcast %jit3A_629 : f32 to vector<16xf32>
            %select_n3A_631 = arith.select %eq3A_628, %broadcast_in_dim3A_630, %get3A_627 : vector<16xi1>, vector<16xf32>
            %swap3A_632 = arith.index_cast %select_n3A_351 : i32 to index
            %swap3A_633 = arith.index_cast %scan3A_411 : i32 to index
            %swap3A_634 = arith.constant 80 : index
            %swap3A_635 = tpu.vector_load %arg15[%swap3A_632, %swap3A_633, %swap3A_634] {strides = array<i32>} : memref<2x2x128xf32, #tpu.memory_space<vmem>>, vector<1x1x16xf32>,
            %swap3A_636 = vector.shape_cast %swap3A_635 : vector<1x1x16xf32> to vector<16xf32>
            %swap3A_637 = vector.shape_cast %select_n3A_631 : vector<16xf32> to vector<1x1x16xf32>
            tpu.vector_store %arg15[%swap3A_632, %swap3A_633, %swap3A_634], %swap3A_637 {strides = array<i32>} : memref<2x2x128xf32, #tpu.memory_space<vmem>>, vector<1x1x16xf32>,
            %swap3A_638 = arith.index_cast %select_n3A_351 : i32 to index
            %swap3A_639 = arith.index_cast %scan3A_411 : i32 to index
            %swap3A_640 = arith.constant 80 : index
            %swap3A_641 = tpu.vector_load %arg14[%swap3A_638, %swap3A_639, %swap3A_640] {strides = array<i32>} : memref<2x2x128xi32, #tpu.memory_space<vmem>>, vector<1x1x16xi32>,
            %swap3A_642 = vector.shape_cast %swap3A_641 : vector<1x1x16xi32> to vector<16xi32>
            %swap3A_643 = vector.shape_cast %get3A_623 : vector<16xi32> to vector<1x1x16xi32>
            tpu.vector_store %arg14[%swap3A_638, %swap3A_639, %swap3A_640], %swap3A_643 {strides = array<i32>} : memref<2x2x128xi32, #tpu.memory_space<vmem>>, vector<1x1x16xi32>,
            %add3A_644 = vector.broadcast %mul3A_2 : i32 to vector<16xi32>
            %add3A_645 = arith.addi %get3A_619, %add3A_644 : vector<16xi32>
            %swap3A_646 = arith.index_cast %select_n3A_351 : i32 to index
            %swap3A_647 = arith.index_cast %scan3A_411 : i32 to index
            %swap3A_648 = arith.constant 80 : index
            %swap3A_649 = tpu.vector_load %arg13[%swap3A_646, %swap3A_647, %swap3A_648] {strides = array<i32>} : memref<2x2x128xi32, #tpu.memory_space<vmem>>, vector<1x1x16xi32>,
            %swap3A_650 = vector.shape_cast %swap3A_649 : vector<1x1x16xi32> to vector<16xi32>
            %swap3A_651 = vector.shape_cast %add3A_645 : vector<16xi32> to vector<1x1x16xi32>
            tpu.vector_store %arg13[%swap3A_646, %swap3A_647, %swap3A_648], %swap3A_651 {strides = array<i32>} : memref<2x2x128xi32, #tpu.memory_space<vmem>>, vector<1x1x16xi32>,
            %mul3A_652 = arith.constant 128 : i32
            %mul3A_653 = arith.muli %scan3A_411, %mul3A_652 : i32
            %add3A_654 = arith.constant 96 : i32
            %add3A_655 = arith.addi %mul3A_653, %add3A_654 : i32
            %get3A_656 = arith.index_cast %select_n3A_351 : i32 to index
            %get3A_657 = arith.index_cast %add3A_655 : i32 to index
            %get3A_658 = tpu.vector_load %arg10[%get3A_656, %get3A_657] {strides = array<i32>} : memref<2x256xi32, #tpu.memory_space<vmem>>, vector<1x16xi32>,
            %get3A_659 = vector.shape_cast %get3A_658 : vector<1x16xi32> to vector<16xi32>
            %get3A_660 = arith.index_cast %select_n3A_351 : i32 to index
            %get3A_661 = arith.index_cast %add3A_655 : i32 to index
            %get3A_662 = tpu.vector_load %arg11[%get3A_660, %get3A_661] {strides = array<i32>} : memref<2x256xi32, #tpu.memory_space<vmem>>, vector<1x16xi32>,
            %get3A_663 = vector.shape_cast %get3A_662 : vector<1x16xi32> to vector<16xi32>
            %get3A_664 = arith.index_cast %select_n3A_351 : i32 to index
            %get3A_665 = arith.index_cast %add3A_655 : i32 to index
            %get3A_666 = tpu.vector_load %arg12[%get3A_664, %get3A_665] {strides = array<i32>} : memref<2x256xf32, #tpu.memory_space<vmem>>, vector<1x16xf32>,
            %get3A_667 = vector.shape_cast %get3A_666 : vector<1x16xf32> to vector<16xf32>
            %eq3A_668 = arith.cmpi eq, %get3A_659, %get3A_663 : vector<16xi32>
            %jit3A_669 = arith.constant 0.000000e+00 : f32
            %broadcast_in_dim3A_670 = vector.broadcast %jit3A_669 : f32 to vector<16xf32>
            %select_n3A_671 = arith.select %eq3A_668, %broadcast_in_dim3A_670, %get3A_667 : vector<16xi1>, vector<16xf32>
            %swap3A_672 = arith.index_cast %select_n3A_351 : i32 to index
            %swap3A_673 = arith.index_cast %scan3A_411 : i32 to index
            %swap3A_674 = arith.constant 96 : index
            %swap3A_675 = tpu.vector_load %arg15[%swap3A_672, %swap3A_673, %swap3A_674] {strides = array<i32>} : memref<2x2x128xf32, #tpu.memory_space<vmem>>, vector<1x1x16xf32>,
            %swap3A_676 = vector.shape_cast %swap3A_675 : vector<1x1x16xf32> to vector<16xf32>
            %swap3A_677 = vector.shape_cast %select_n3A_671 : vector<16xf32> to vector<1x1x16xf32>
            tpu.vector_store %arg15[%swap3A_672, %swap3A_673, %swap3A_674], %swap3A_677 {strides = array<i32>} : memref<2x2x128xf32, #tpu.memory_space<vmem>>, vector<1x1x16xf32>,
            %swap3A_678 = arith.index_cast %select_n3A_351 : i32 to index
            %swap3A_679 = arith.index_cast %scan3A_411 : i32 to index
            %swap3A_680 = arith.constant 96 : index
            %swap3A_681 = tpu.vector_load %arg14[%swap3A_678, %swap3A_679, %swap3A_680] {strides = array<i32>} : memref<2x2x128xi32, #tpu.memory_space<vmem>>, vector<1x1x16xi32>,
            %swap3A_682 = vector.shape_cast %swap3A_681 : vector<1x1x16xi32> to vector<16xi32>
            %swap3A_683 = vector.shape_cast %get3A_663 : vector<16xi32> to vector<1x1x16xi32>
            tpu.vector_store %arg14[%swap3A_678, %swap3A_679, %swap3A_680], %swap3A_683 {strides = array<i32>} : memref<2x2x128xi32, #tpu.memory_space<vmem>>, vector<1x1x16xi32>,
            %add3A_684 = vector.broadcast %mul3A_2 : i32 to vector<16xi32>
            %add3A_685 = arith.addi %get3A_659, %add3A_684 : vector<16xi32>
            %swap3A_686 = arith.index_cast %select_n3A_351 : i32 to index
            %swap3A_687 = arith.index_cast %scan3A_411 : i32 to index
            %swap3A_688 = arith.constant 96 : index
            %swap3A_689 = tpu.vector_load %arg13[%swap3A_686, %swap3A_687, %swap3A_688] {strides = array<i32>} : memref<2x2x128xi32, #tpu.memory_space<vmem>>, vector<1x1x16xi32>,
            %swap3A_690 = vector.shape_cast %swap3A_689 : vector<1x1x16xi32> to vector<16xi32>
            %swap3A_691 = vector.shape_cast %add3A_685 : vector<16xi32> to vector<1x1x16xi32>
            tpu.vector_store %arg13[%swap3A_686, %swap3A_687, %swap3A_688], %swap3A_691 {strides = array<i32>} : memref<2x2x128xi32, #tpu.memory_space<vmem>>, vector<1x1x16xi32>,
            %mul3A_692 = arith.constant 128 : i32
            %mul3A_693 = arith.muli %scan3A_411, %mul3A_692 : i32
            %add3A_694 = arith.constant 112 : i32
            %add3A_695 = arith.addi %mul3A_693, %add3A_694 : i32
            %get3A_696 = arith.index_cast %select_n3A_351 : i32 to index
            %get3A_697 = arith.index_cast %add3A_695 : i32 to index
            %get3A_698 = tpu.vector_load %arg10[%get3A_696, %get3A_697] {strides = array<i32>} : memref<2x256xi32, #tpu.memory_space<vmem>>, vector<1x16xi32>,
            %get3A_699 = vector.shape_cast %get3A_698 : vector<1x16xi32> to vector<16xi32>
            %get3A_700 = arith.index_cast %select_n3A_351 : i32 to index
            %get3A_701 = arith.index_cast %add3A_695 : i32 to index
            %get3A_702 = tpu.vector_load %arg11[%get3A_700, %get3A_701] {strides = array<i32>} : memref<2x256xi32, #tpu.memory_space<vmem>>, vector<1x16xi32>,
            %get3A_703 = vector.shape_cast %get3A_702 : vector<1x16xi32> to vector<16xi32>
            %get3A_704 = arith.index_cast %select_n3A_351 : i32 to index
            %get3A_705 = arith.index_cast %add3A_695 : i32 to index
            %get3A_706 = tpu.vector_load %arg12[%get3A_704, %get3A_705] {strides = array<i32>} : memref<2x256xf32, #tpu.memory_space<vmem>>, vector<1x16xf32>,
            %get3A_707 = vector.shape_cast %get3A_706 : vector<1x16xf32> to vector<16xf32>
            %eq3A_708 = arith.cmpi eq, %get3A_699, %get3A_703 : vector<16xi32>
            %jit3A_709 = arith.constant 0.000000e+00 : f32
            %broadcast_in_dim3A_710 = vector.broadcast %jit3A_709 : f32 to vector<16xf32>
            %select_n3A_711 = arith.select %eq3A_708, %broadcast_in_dim3A_710, %get3A_707 : vector<16xi1>, vector<16xf32>
            %swap3A_712 = arith.index_cast %select_n3A_351 : i32 to index
            %swap3A_713 = arith.index_cast %scan3A_411 : i32 to index
            %swap3A_714 = arith.constant 112 : index
            %swap3A_715 = tpu.vector_load %arg15[%swap3A_712, %swap3A_713, %swap3A_714] {strides = array<i32>} : memref<2x2x128xf32, #tpu.memory_space<vmem>>, vector<1x1x16xf32>,
            %swap3A_716 = vector.shape_cast %swap3A_715 : vector<1x1x16xf32> to vector<16xf32>
            %swap3A_717 = vector.shape_cast %select_n3A_711 : vector<16xf32> to vector<1x1x16xf32>
            tpu.vector_store %arg15[%swap3A_712, %swap3A_713, %swap3A_714], %swap3A_717 {strides = array<i32>} : memref<2x2x128xf32, #tpu.memory_space<vmem>>, vector<1x1x16xf32>,
            %swap3A_718 = arith.index_cast %select_n3A_351 : i32 to index
            %swap3A_719 = arith.index_cast %scan3A_411 : i32 to index
            %swap3A_720 = arith.constant 112 : index
            %swap3A_721 = tpu.vector_load %arg14[%swap3A_718, %swap3A_719, %swap3A_720] {strides = array<i32>} : memref<2x2x128xi32, #tpu.memory_space<vmem>>, vector<1x1x16xi32>,
            %swap3A_722 = vector.shape_cast %swap3A_721 : vector<1x1x16xi32> to vector<16xi32>
            %swap3A_723 = vector.shape_cast %get3A_703 : vector<16xi32> to vector<1x1x16xi32>
            tpu.vector_store %arg14[%swap3A_718, %swap3A_719, %swap3A_720], %swap3A_723 {strides = array<i32>} : memref<2x2x128xi32, #tpu.memory_space<vmem>>, vector<1x1x16xi32>,
            %add3A_724 = vector.broadcast %mul3A_2 : i32 to vector<16xi32>
            %add3A_725 = arith.addi %get3A_699, %add3A_724 : vector<16xi32>
            %swap3A_726 = arith.index_cast %select_n3A_351 : i32 to index
            %swap3A_727 = arith.index_cast %scan3A_411 : i32 to index
            %swap3A_728 = arith.constant 112 : index
            %swap3A_729 = tpu.vector_load %arg13[%swap3A_726, %swap3A_727, %swap3A_728] {strides = array<i32>} : memref<2x2x128xi32, #tpu.memory_space<vmem>>, vector<1x1x16xi32>,
            %swap3A_730 = vector.shape_cast %swap3A_729 : vector<1x1x16xi32> to vector<16xi32>
            %swap3A_731 = vector.shape_cast %add3A_725 : vector<16xi32> to vector<1x1x16xi32>
            tpu.vector_store %arg13[%swap3A_726, %swap3A_727, %swap3A_728], %swap3A_731 {strides = array<i32>} : memref<2x2x128xi32, #tpu.memory_space<vmem>>, vector<1x1x16xi32>,
            %dma_start3A_732 = arith.constant 0 : i32
            %dma_start3A_733 = arith.constant 0 : i32
            %dma_start3A_734 = tpu.memref_slice %arg16[%select_n3A_351, %scan3A_411, %dma_start3A_732, %dma_start3A_733] : memref<2x2x128x16xf32, #tpu.memory_space<vmem>> -> memref<1x1x128x16xf32, #tpu.memory_space<vmem>>
            %dma_start3A_735 = tpu.memref_squeeze %dma_start3A_734 : memref<1x1x128x16xf32, #tpu.memory_space<vmem>> -> memref<128x16xf32, #tpu.memory_space<vmem>>
            %dma_start3A_736 = arith.constant 0 : i32
            %dma_start3A_737 = tpu.memref_slice %arg13[%select_n3A_351, %scan3A_411, %dma_start3A_736] : memref<2x2x128xi32, #tpu.memory_space<vmem>> -> memref<1x1x128xi32, #tpu.memory_space<vmem>>
            %dma_start3A_738 = tpu.memref_squeeze %dma_start3A_737 : memref<1x1x128xi32, #tpu.memory_space<vmem>> -> memref<128xi32, #tpu.memory_space<vmem>>
            %dma_start3A_739 = arith.constant 0 : i32
            %dma_start3A_740 = arith.constant 0 : i32
            %dma_start3A_741 = tpu.memref_slice %arg7[%dma_start3A_739, %dma_start3A_740] : memref<200704x16xf32, #tpu.memory_space<hbm>> -> memref<200704x16xf32, #tpu.memory_space<hbm>>
            %dma_start3A_742 = tpu.memref_slice %arg21[%select_n3A_351] : memref<2x!tpu.dma_semaphore, #tpu.memory_space<semaphore_mem>> -> memref<1x!tpu.dma_semaphore, #tpu.memory_space<semaphore_mem>>
            %dma_start3A_743 = tpu.memref_squeeze %dma_start3A_742 : memref<1x!tpu.dma_semaphore, #tpu.memory_space<semaphore_mem>> -> memref<!tpu.dma_semaphore, #tpu.memory_space<semaphore_mem>>
            tpu.enqueue_indirect_dma source(%dma_start3A_741 : memref<200704x16xf32, #tpu.memory_space<hbm>>) target(%dma_start3A_735 : memref<128x16xf32, #tpu.memory_space<vmem>>) offsets(%dma_start3A_738 : memref<128xi32, #tpu.memory_space<vmem>>) semaphore(%dma_start3A_743 : memref<!tpu.dma_semaphore, #tpu.memory_space<semaphore_mem>>)
            %scan3A_744 = arith.constant 0 : i32
            scf.yield %scan3A_744 : i32
          }
          %scan3A_410 = arith.constant 2 : i32
        } else {
        }
        %gt3A = arith.constant 0 : i32
        %gt3A_355 = arith.cmpi sgt, %scan3A_341, %gt3A : i32
        %convert_element_type3A_356 = arith.extui %gt3A_355 : i1 to i32
        %cond3A_357 = arith.constant 0 : i32
        %cond3A_358 = arith.cmpi ne, %convert_element_type3A_356, %cond3A_357 : i32
        scf.if %cond3A_358 {
          %sub3A = arith.constant 1 : i32
          %sub3A_360 = arith.subi %sub3A, %select_n3A_351 : i32
          %dma_wait3A_361 = arith.constant 0 : i32
          %dma_wait3A_362 = arith.constant 0 : i32
          %dma_wait3A_363 = arith.constant 0 : i32
          %dma_wait3A_364 = arith.constant 0 : i32
          %dma_wait3A_365 = arith.constant 0 : i32
          %dma_wait3A_366 = arith.constant 0 : i32
          %dma_wait3A_367 = tpu.memref_slice %arg16[%dma_wait3A_363, %dma_wait3A_364, %dma_wait3A_365, %dma_wait3A_366] : memref<2x2x128x16xf32, #tpu.memory_space<vmem>> -> memref<1x1x128x16xf32, #tpu.memory_space<vmem>>
          %dma_wait3A_368 = tpu.memref_squeeze %dma_wait3A_367 : memref<1x1x128x16xf32, #tpu.memory_space<vmem>> -> memref<128x16xf32, #tpu.memory_space<vmem>>
          %dma_wait3A_369 = arith.constant 0 : i32
          %dma_wait3A_370 = tpu.memref_slice %arg13[%dma_wait3A_361, %dma_wait3A_362, %dma_wait3A_369] : memref<2x2x128xi32, #tpu.memory_space<vmem>> -> memref<1x1x128xi32, #tpu.memory_space<vmem>>
          %dma_wait3A_371 = tpu.memref_squeeze %dma_wait3A_370 : memref<1x1x128xi32, #tpu.memory_space<vmem>> -> memref<128xi32, #tpu.memory_space<vmem>>
          %dma_wait3A_372 = arith.constant 0 : i32
          %dma_wait3A_373 = arith.constant 0 : i32
          %dma_wait3A_374 = tpu.memref_slice %arg7[%dma_wait3A_372, %dma_wait3A_373] : memref<200704x16xf32, #tpu.memory_space<hbm>> -> memref<200704x16xf32, #tpu.memory_space<hbm>>
          %dma_wait3A_375 = tpu.memref_slice %arg21[%sub3A_360] : memref<2x!tpu.dma_semaphore, #tpu.memory_space<semaphore_mem>> -> memref<1x!tpu.dma_semaphore, #tpu.memory_space<semaphore_mem>>
          %dma_wait3A_376 = tpu.memref_squeeze %dma_wait3A_375 : memref<1x!tpu.dma_semaphore, #tpu.memory_space<semaphore_mem>> -> memref<!tpu.dma_semaphore, #tpu.memory_space<semaphore_mem>>
          tpu.wait_indirect_dma semaphore(%dma_wait3A_376 : memref<!tpu.dma_semaphore, #tpu.memory_space<semaphore_mem>>) src(%dma_wait3A_374 : memref<200704x16xf32, #tpu.memory_space<hbm>>) dst(%dma_wait3A_368 : memref<128x16xf32, #tpu.memory_space<vmem>>)
          %dma_wait3A_377 = arith.constant 0 : i32
          %dma_wait3A_378 = arith.constant 0 : i32
          %dma_wait3A_379 = arith.constant 0 : i32
          %dma_wait3A_380 = arith.constant 0 : i32
          %dma_wait3A_381 = arith.constant 0 : i32
          %dma_wait3A_382 = arith.constant 0 : i32
          %dma_wait3A_383 = tpu.memref_slice %arg16[%dma_wait3A_379, %dma_wait3A_380, %dma_wait3A_381, %dma_wait3A_382] : memref<2x2x128x16xf32, #tpu.memory_space<vmem>> -> memref<1x1x128x16xf32, #tpu.memory_space<vmem>>
          %dma_wait3A_384 = tpu.memref_squeeze %dma_wait3A_383 : memref<1x1x128x16xf32, #tpu.memory_space<vmem>> -> memref<128x16xf32, #tpu.memory_space<vmem>>
          %dma_wait3A_385 = arith.constant 0 : i32
          %dma_wait3A_386 = tpu.memref_slice %arg13[%dma_wait3A_377, %dma_wait3A_378, %dma_wait3A_385] : memref<2x2x128xi32, #tpu.memory_space<vmem>> -> memref<1x1x128xi32, #tpu.memory_space<vmem>>
          %dma_wait3A_387 = tpu.memref_squeeze %dma_wait3A_386 : memref<1x1x128xi32, #tpu.memory_space<vmem>> -> memref<128xi32, #tpu.memory_space<vmem>>
          %dma_wait3A_388 = arith.constant 0 : i32
          %dma_wait3A_389 = arith.constant 0 : i32
          %dma_wait3A_390 = tpu.memref_slice %arg7[%dma_wait3A_388, %dma_wait3A_389] : memref<200704x16xf32, #tpu.memory_space<hbm>> -> memref<200704x16xf32, #tpu.memory_space<hbm>>
          %dma_wait3A_391 = tpu.memref_slice %arg21[%sub3A_360] : memref<2x!tpu.dma_semaphore, #tpu.memory_space<semaphore_mem>> -> memref<1x!tpu.dma_semaphore, #tpu.memory_space<semaphore_mem>>
          %dma_wait3A_392 = tpu.memref_squeeze %dma_wait3A_391 : memref<1x!tpu.dma_semaphore, #tpu.memory_space<semaphore_mem>> -> memref<!tpu.dma_semaphore, #tpu.memory_space<semaphore_mem>>
          tpu.wait_indirect_dma semaphore(%dma_wait3A_392 : memref<!tpu.dma_semaphore, #tpu.memory_space<semaphore_mem>>) src(%dma_wait3A_390 : memref<200704x16xf32, #tpu.memory_space<hbm>>) dst(%dma_wait3A_384 : memref<128x16xf32, #tpu.memory_space<vmem>>)
          %scan3A_393 = arith.constant 0 : i32
          %scan3A_394 = arith.constant 0 : i32
          %scan3A_395 = arith.constant 2 : i32
          %scan3A_396 = arith.addi %scan3A_394, %scan3A_395 : i32
          %scan3A_397 = arith.constant 1 : i32
          %scan3A_398 = scf.for %scan3A_400 = %scan3A_394 to %scan3A_396 step %scan3A_397 iter_args(%scan3A_401 = %scan3A_393) -> (i32)  : i32 {
            %scan3A_402 = arith.constant 0 : i32
            %scan3A_403 = arith.constant 0 : i32
            %scan3A_404 = arith.constant 8 : i32
            %scan3A_405 = arith.addi %scan3A_403, %scan3A_404 : i32
            %scan3A_406 = arith.constant 1 : i32
            %scan3A_407 = scf.for %scan3A_422 = %scan3A_403 to %scan3A_405 step %scan3A_406 iter_args(%scan3A_423 = %scan3A_402) -> (i32)  : i32 {
              %mul3A_424 = arith.constant 16 : i32
              %mul3A_425 = arith.muli %scan3A_422, %mul3A_424 : i32
              %get3A = arith.index_cast %sub3A_360 : i32 to index
              %get3A_426 = arith.index_cast %scan3A_400 : i32 to index
              %get3A_427 = arith.index_cast %mul3A_425 : i32 to index
              %get3A_428 = tpu.vector_load %arg15[%get3A, %get3A_426, %get3A_427] {strides = array<i32>} : memref<2x2x128xf32, #tpu.memory_space<vmem>>, vector<1x1x16xf32>,
              %get3A_429 = vector.shape_cast %get3A_428 : vector<1x1x16xf32> to vector<16xf32>
              %mul3A_430 = arith.constant 16 : i32
              %mul3A_431 = arith.muli %scan3A_422, %mul3A_430 : i32
              %add3A_432 = arith.constant 0 : i32
              %add3A_433 = arith.addi %mul3A_431, %add3A_432 : i32
              %get3A_434 = arith.index_cast %sub3A_360 : i32 to index
              %get3A_435 = arith.index_cast %scan3A_400 : i32 to index
              %get3A_436 = arith.index_cast %add3A_433 : i32 to index
              %get3A_437 = arith.constant 0 : index
              %get3A_438 = tpu.vector_load %arg16[%get3A_434, %get3A_435, %get3A_436, %get3A_437] {strides = array<i32>} : memref<2x2x128x16xf32, #tpu.memory_space<vmem>>, vector<1x1x1x16xf32>,
              %get3A_439 = vector.shape_cast %get3A_438 : vector<1x1x1x16xf32> to vector<16xf32>
              %slice3A = vector.extract_strided_slice %get3A_429 {offsets = [0], sizes = [1], strides = [1]} : vector<16xf32> to vector<1xf32>
              %squeeze3A = vector.extract %slice3A[0] : f32 from vector<1xf32>
              %mul3A_440 = vector.broadcast %squeeze3A : f32 to vector<16xf32>
              %mul3A_441 = arith.mulf %get3A_439, %mul3A_440 : vector<16xf32>
              %swap3A_442 = arith.index_cast %sub3A_360 : i32 to index
              %swap3A_443 = arith.index_cast %scan3A_400 : i32 to index
              %swap3A_444 = arith.index_cast %add3A_433 : i32 to index
              %swap3A_445 = arith.constant 0 : index
              %swap3A_446 = tpu.vector_load %arg16[%swap3A_442, %swap3A_443, %swap3A_444, %swap3A_445] {strides = array<i32>} : memref<2x2x128x16xf32, #tpu.memory_space<vmem>>, vector<1x1x1x16xf32>,
              %swap3A_447 = vector.shape_cast %swap3A_446 : vector<1x1x1x16xf32> to vector<16xf32>
              %swap3A_448 = vector.shape_cast %mul3A_441 : vector<16xf32> to vector<1x1x1x16xf32>
              tpu.vector_store %arg16[%swap3A_442, %swap3A_443, %swap3A_444, %swap3A_445], %swap3A_448 {strides = array<i32>} : memref<2x2x128x16xf32, #tpu.memory_space<vmem>>, vector<1x1x1x16xf32>,
              %mul3A_449 = arith.constant 16 : i32
              %mul3A_450 = arith.muli %scan3A_422, %mul3A_449 : i32
              %add3A_451 = arith.constant 1 : i32
              %add3A_452 = arith.addi %mul3A_450, %add3A_451 : i32
              %get3A_453 = arith.index_cast %sub3A_360 : i32 to index
              %get3A_454 = arith.index_cast %scan3A_400 : i32 to index
              %get3A_455 = arith.index_cast %add3A_452 : i32 to index
              %get3A_456 = arith.constant 0 : index
              %get3A_457 = tpu.vector_load %arg16[%get3A_453, %get3A_454, %get3A_455, %get3A_456] {strides = array<i32>} : memref<2x2x128x16xf32, #tpu.memory_space<vmem>>, vector<1x1x1x16xf32>,
              %get3A_458 = vector.shape_cast %get3A_457 : vector<1x1x1x16xf32> to vector<16xf32>
              %slice3A_459 = vector.extract_strided_slice %get3A_429 {offsets = [1], sizes = [1], strides = [1]} : vector<16xf32> to vector<1xf32>
              %squeeze3A_460 = vector.extract %slice3A_459[0] : f32 from vector<1xf32>
              %mul3A_461 = vector.broadcast %squeeze3A_460 : f32 to vector<16xf32>
              %mul3A_462 = arith.mulf %get3A_458, %mul3A_461 : vector<16xf32>
              %swap3A_463 = arith.index_cast %sub3A_360 : i32 to index
              %swap3A_464 = arith.index_cast %scan3A_400 : i32 to index
              %swap3A_465 = arith.index_cast %add3A_452 : i32 to index
              %swap3A_466 = arith.constant 0 : index
              %swap3A_467 = tpu.vector_load %arg16[%swap3A_463, %swap3A_464, %swap3A_465, %swap3A_466] {strides = array<i32>} : memref<2x2x128x16xf32, #tpu.memory_space<vmem>>, vector<1x1x1x16xf32>,
              %swap3A_468 = vector.shape_cast %swap3A_467 : vector<1x1x1x16xf32> to vector<16xf32>
              %swap3A_469 = vector.shape_cast %mul3A_462 : vector<16xf32> to vector<1x1x1x16xf32>
              tpu.vector_store %arg16[%swap3A_463, %swap3A_464, %swap3A_465, %swap3A_466], %swap3A_469 {strides = array<i32>} : memref<2x2x128x16xf32, #tpu.memory_space<vmem>>, vector<1x1x1x16xf32>,
              %mul3A_470 = arith.constant 16 : i32
              %mul3A_471 = arith.muli %scan3A_422, %mul3A_470 : i32
              %add3A_472 = arith.constant 2 : i32
              %add3A_473 = arith.addi %mul3A_471, %add3A_472 : i32
              %get3A_474 = arith.index_cast %sub3A_360 : i32 to index
              %get3A_475 = arith.index_cast %scan3A_400 : i32 to index
              %get3A_476 = arith.index_cast %add3A_473 : i32 to index
              %get3A_477 = arith.constant 0 : index
              %get3A_478 = tpu.vector_load %arg16[%get3A_474, %get3A_475, %get3A_476, %get3A_477] {strides = array<i32>} : memref<2x2x128x16xf32, #tpu.memory_space<vmem>>, vector<1x1x1x16xf32>,
              %get3A_479 = vector.shape_cast %get3A_478 : vector<1x1x1x16xf32> to vector<16xf32>
              %slice3A_480 = vector.extract_strided_slice %get3A_429 {offsets = [2], sizes = [1], strides = [1]} : vector<16xf32> to vector<1xf32>
              %squeeze3A_481 = vector.extract %slice3A_480[0] : f32 from vector<1xf32>
              %mul3A_482 = vector.broadcast %squeeze3A_481 : f32 to vector<16xf32>
              %mul3A_483 = arith.mulf %get3A_479, %mul3A_482 : vector<16xf32>
              %swap3A_484 = arith.index_cast %sub3A_360 : i32 to index
              %swap3A_485 = arith.index_cast %scan3A_400 : i32 to index
              %swap3A_486 = arith.index_cast %add3A_473 : i32 to index
              %swap3A_487 = arith.constant 0 : index
              %swap3A_488 = tpu.vector_load %arg16[%swap3A_484, %swap3A_485, %swap3A_486, %swap3A_487] {strides = array<i32>} : memref<2x2x128x16xf32, #tpu.memory_space<vmem>>, vector<1x1x1x16xf32>,
              %swap3A_489 = vector.shape_cast %swap3A_488 : vector<1x1x1x16xf32> to vector<16xf32>
              %swap3A_490 = vector.shape_cast %mul3A_483 : vector<16xf32> to vector<1x1x1x16xf32>
              tpu.vector_store %arg16[%swap3A_484, %swap3A_485, %swap3A_486, %swap3A_487], %swap3A_490 {strides = array<i32>} : memref<2x2x128x16xf32, #tpu.memory_space<vmem>>, vector<1x1x1x16xf32>,
              %mul3A_491 = arith.constant 16 : i32
              %mul3A_492 = arith.muli %scan3A_422, %mul3A_491 : i32
              %add3A_493 = arith.constant 3 : i32
              %add3A_494 = arith.addi %mul3A_492, %add3A_493 : i32
              %get3A_495 = arith.index_cast %sub3A_360 : i32 to index
              %get3A_496 = arith.index_cast %scan3A_400 : i32 to index
              %get3A_497 = arith.index_cast %add3A_494 : i32 to index
              %get3A_498 = arith.constant 0 : index
              %get3A_499 = tpu.vector_load %arg16[%get3A_495, %get3A_496, %get3A_497, %get3A_498] {strides = array<i32>} : memref<2x2x128x16xf32, #tpu.memory_space<vmem>>, vector<1x1x1x16xf32>,
              %get3A_500 = vector.shape_cast %get3A_499 : vector<1x1x1x16xf32> to vector<16xf32>
              %slice3A_501 = vector.extract_strided_slice %get3A_429 {offsets = [3], sizes = [1], strides = [1]} : vector<16xf32> to vector<1xf32>
              %squeeze3A_502 = vector.extract %slice3A_501[0] : f32 from vector<1xf32>
              %mul3A_503 = vector.broadcast %squeeze3A_502 : f32 to vector<16xf32>
              %mul3A_504 = arith.mulf %get3A_500, %mul3A_503 : vector<16xf32>
              %swap3A_505 = arith.index_cast %sub3A_360 : i32 to index
              %swap3A_506 = arith.index_cast %scan3A_400 : i32 to index
              %swap3A_507 = arith.index_cast %add3A_494 : i32 to index
              %swap3A_508 = arith.constant 0 : index
              %swap3A_509 = tpu.vector_load %arg16[%swap3A_505, %swap3A_506, %swap3A_507, %swap3A_508] {strides = array<i32>} : memref<2x2x128x16xf32, #tpu.memory_space<vmem>>, vector<1x1x1x16xf32>,
              %swap3A_510 = vector.shape_cast %swap3A_509 : vector<1x1x1x16xf32> to vector<16xf32>
              %swap3A_511 = vector.shape_cast %mul3A_504 : vector<16xf32> to vector<1x1x1x16xf32>
              tpu.vector_store %arg16[%swap3A_505, %swap3A_506, %swap3A_507, %swap3A_508], %swap3A_511 {strides = array<i32>} : memref<2x2x128x16xf32, #tpu.memory_space<vmem>>, vector<1x1x1x16xf32>,
              %mul3A_512 = arith.constant 16 : i32
              %mul3A_513 = arith.muli %scan3A_422, %mul3A_512 : i32
              %add3A_514 = arith.constant 4 : i32
              %add3A_515 = arith.addi %mul3A_513, %add3A_514 : i32
              %get3A_516 = arith.index_cast %sub3A_360 : i32 to index
              %get3A_517 = arith.index_cast %scan3A_400 : i32 to index
              %get3A_518 = arith.index_cast %add3A_515 : i32 to index
              %get3A_519 = arith.constant 0 : index
              %get3A_520 = tpu.vector_load %arg16[%get3A_516, %get3A_517, %get3A_518, %get3A_519] {strides = array<i32>} : memref<2x2x128x16xf32, #tpu.memory_space<vmem>>, vector<1x1x1x16xf32>,
              %get3A_521 = vector.shape_cast %get3A_520 : vector<1x1x1x16xf32> to vector<16xf32>
              %slice3A_522 = vector.extract_strided_slice %get3A_429 {offsets = [4], sizes = [1], strides = [1]} : vector<16xf32> to vector<1xf32>
              %squeeze3A_523 = vector.extract %slice3A_522[0] : f32 from vector<1xf32>
              %mul3A_524 = vector.broadcast %squeeze3A_523 : f32 to vector<16xf32>
              %mul3A_525 = arith.mulf %get3A_521, %mul3A_524 : vector<16xf32>
              %swap3A_526 = arith.index_cast %sub3A_360 : i32 to index
              %swap3A_527 = arith.index_cast %scan3A_400 : i32 to index
              %swap3A_528 = arith.index_cast %add3A_515 : i32 to index
              %swap3A_529 = arith.constant 0 : index
              %swap3A_530 = tpu.vector_load %arg16[%swap3A_526, %swap3A_527, %swap3A_528, %swap3A_529] {strides = array<i32>} : memref<2x2x128x16xf32, #tpu.memory_space<vmem>>, vector<1x1x1x16xf32>,
              %swap3A_531 = vector.shape_cast %swap3A_530 : vector<1x1x1x16xf32> to vector<16xf32>
              %swap3A_532 = vector.shape_cast %mul3A_525 : vector<16xf32> to vector<1x1x1x16xf32>
              tpu.vector_store %arg16[%swap3A_526, %swap3A_527, %swap3A_528, %swap3A_529], %swap3A_532 {strides = array<i32>} : memref<2x2x128x16xf32, #tpu.memory_space<vmem>>, vector<1x1x1x16xf32>,
              %mul3A_533 = arith.constant 16 : i32
              %mul3A_534 = arith.muli %scan3A_422, %mul3A_533 : i32
              %add3A_535 = arith.constant 5 : i32
              %add3A_536 = arith.addi %mul3A_534, %add3A_535 : i32
              %get3A_537 = arith.index_cast %sub3A_360 : i32 to index
              %get3A_538 = arith.index_cast %scan3A_400 : i32 to index
              %get3A_539 = arith.index_cast %add3A_536 : i32 to index
              %get3A_540 = arith.constant 0 : index
              %get3A_541 = tpu.vector_load %arg16[%get3A_537, %get3A_538, %get3A_539, %get3A_540] {strides = array<i32>} : memref<2x2x128x16xf32, #tpu.memory_space<vmem>>, vector<1x1x1x16xf32>,
              %get3A_542 = vector.shape_cast %get3A_541 : vector<1x1x1x16xf32> to vector<16xf32>
              %slice3A_543 = vector.extract_strided_slice %get3A_429 {offsets = [5], sizes = [1], strides = [1]} : vector<16xf32> to vector<1xf32>
              %squeeze3A_544 = vector.extract %slice3A_543[0] : f32 from vector<1xf32>
              %mul3A_545 = vector.broadcast %squeeze3A_544 : f32 to vector<16xf32>
              %mul3A_546 = arith.mulf %get3A_542, %mul3A_545 : vector<16xf32>
              %swap3A_547 = arith.index_cast %sub3A_360 : i32 to index
              %swap3A_548 = arith.index_cast %scan3A_400 : i32 to index
              %swap3A_549 = arith.index_cast %add3A_536 : i32 to index
              %swap3A_550 = arith.constant 0 : index
              %swap3A_551 = tpu.vector_load %arg16[%swap3A_547, %swap3A_548, %swap3A_549, %swap3A_550] {strides = array<i32>} : memref<2x2x128x16xf32, #tpu.memory_space<vmem>>, vector<1x1x1x16xf32>,
              %swap3A_552 = vector.shape_cast %swap3A_551 : vector<1x1x1x16xf32> to vector<16xf32>
              %swap3A_553 = vector.shape_cast %mul3A_546 : vector<16xf32> to vector<1x1x1x16xf32>
              tpu.vector_store %arg16[%swap3A_547, %swap3A_548, %swap3A_549, %swap3A_550], %swap3A_553 {strides = array<i32>} : memref<2x2x128x16xf32, #tpu.memory_space<vmem>>, vector<1x1x1x16xf32>,
              %mul3A_554 = arith.constant 16 : i32
              %mul3A_555 = arith.muli %scan3A_422, %mul3A_554 : i32
              %add3A_556 = arith.constant 6 : i32
              %add3A_557 = arith.addi %mul3A_555, %add3A_556 : i32
              %get3A_558 = arith.index_cast %sub3A_360 : i32 to index
              %get3A_559 = arith.index_cast %scan3A_400 : i32 to index
              %get3A_560 = arith.index_cast %add3A_557 : i32 to index
              %get3A_561 = arith.constant 0 : index
              %get3A_562 = tpu.vector_load %arg16[%get3A_558, %get3A_559, %get3A_560, %get3A_561] {strides = array<i32>} : memref<2x2x128x16xf32, #tpu.memory_space<vmem>>, vector<1x1x1x16xf32>,
              %get3A_563 = vector.shape_cast %get3A_562 : vector<1x1x1x16xf32> to vector<16xf32>
              %slice3A_564 = vector.extract_strided_slice %get3A_429 {offsets = [6], sizes = [1], strides = [1]} : vector<16xf32> to vector<1xf32>
              %squeeze3A_565 = vector.extract %slice3A_564[0] : f32 from vector<1xf32>
              %mul3A_566 = vector.broadcast %squeeze3A_565 : f32 to vector<16xf32>
              %mul3A_567 = arith.mulf %get3A_563, %mul3A_566 : vector<16xf32>
              %swap3A_568 = arith.index_cast %sub3A_360 : i32 to index
              %swap3A_569 = arith.index_cast %scan3A_400 : i32 to index
              %swap3A_570 = arith.index_cast %add3A_557 : i32 to index
              %swap3A_571 = arith.constant 0 : index
              %swap3A_572 = tpu.vector_load %arg16[%swap3A_568, %swap3A_569, %swap3A_570, %swap3A_571] {strides = array<i32>} : memref<2x2x128x16xf32, #tpu.memory_space<vmem>>, vector<1x1x1x16xf32>,
              %swap3A_573 = vector.shape_cast %swap3A_572 : vector<1x1x1x16xf32> to vector<16xf32>
              %swap3A_574 = vector.shape_cast %mul3A_567 : vector<16xf32> to vector<1x1x1x16xf32>
              tpu.vector_store %arg16[%swap3A_568, %swap3A_569, %swap3A_570, %swap3A_571], %swap3A_574 {strides = array<i32>} : memref<2x2x128x16xf32, #tpu.memory_space<vmem>>, vector<1x1x1x16xf32>,
              %mul3A_575 = arith.constant 16 : i32
              %mul3A_576 = arith.muli %scan3A_422, %mul3A_575 : i32
              %add3A_577 = arith.constant 7 : i32
              %add3A_578 = arith.addi %mul3A_576, %add3A_577 : i32
              %get3A_579 = arith.index_cast %sub3A_360 : i32 to index
              %get3A_580 = arith.index_cast %scan3A_400 : i32 to index
              %get3A_581 = arith.index_cast %add3A_578 : i32 to index
              %get3A_582 = arith.constant 0 : index
              %get3A_583 = tpu.vector_load %arg16[%get3A_579, %get3A_580, %get3A_581, %get3A_582] {strides = array<i32>} : memref<2x2x128x16xf32, #tpu.memory_space<vmem>>, vector<1x1x1x16xf32>,
              %get3A_584 = vector.shape_cast %get3A_583 : vector<1x1x1x16xf32> to vector<16xf32>
              %slice3A_585 = vector.extract_strided_slice %get3A_429 {offsets = [7], sizes = [1], strides = [1]} : vector<16xf32> to vector<1xf32>
              %squeeze3A_586 = vector.extract %slice3A_585[0] : f32 from vector<1xf32>
              %mul3A_587 = vector.broadcast %squeeze3A_586 : f32 to vector<16xf32>
              %mul3A_588 = arith.mulf %get3A_584, %mul3A_587 : vector<16xf32>
              %swap3A_589 = arith.index_cast %sub3A_360 : i32 to index
              %swap3A_590 = arith.index_cast %scan3A_400 : i32 to index
              %swap3A_591 = arith.index_cast %add3A_578 : i32 to index
              %swap3A_592 = arith.constant 0 : index
              %swap3A_593 = tpu.vector_load %arg16[%swap3A_589, %swap3A_590, %swap3A_591, %swap3A_592] {strides = array<i32>} : memref<2x2x128x16xf32, #tpu.memory_space<vmem>>, vector<1x1x1x16xf32>,
              %swap3A_594 = vector.shape_cast %swap3A_593 : vector<1x1x1x16xf32> to vector<16xf32>
              %swap3A_595 = vector.shape_cast %mul3A_588 : vector<16xf32> to vector<1x1x1x16xf32>
              tpu.vector_store %arg16[%swap3A_589, %swap3A_590, %swap3A_591, %swap3A_592], %swap3A_595 {strides = array<i32>} : memref<2x2x128x16xf32, #tpu.memory_space<vmem>>, vector<1x1x1x16xf32>,
              %mul3A_596 = arith.constant 16 : i32
              %mul3A_597 = arith.muli %scan3A_422, %mul3A_596 : i32
              %add3A_598 = arith.constant 8 : i32
              %add3A_599 = arith.addi %mul3A_597, %add3A_598 : i32
              %get3A_600 = arith.index_cast %sub3A_360 : i32 to index
              %get3A_601 = arith.index_cast %scan3A_400 : i32 to index
              %get3A_602 = arith.index_cast %add3A_599 : i32 to index
              %get3A_603 = arith.constant 0 : index
              %get3A_604 = tpu.vector_load %arg16[%get3A_600, %get3A_601, %get3A_602, %get3A_603] {strides = array<i32>} : memref<2x2x128x16xf32, #tpu.memory_space<vmem>>, vector<1x1x1x16xf32>,
              %get3A_605 = vector.shape_cast %get3A_604 : vector<1x1x1x16xf32> to vector<16xf32>
              %slice3A_606 = vector.extract_strided_slice %get3A_429 {offsets = [8], sizes = [1], strides = [1]} : vector<16xf32> to vector<1xf32>
              %squeeze3A_607 = vector.extract %slice3A_606[0] : f32 from vector<1xf32>
              %mul3A_608 = vector.broadcast %squeeze3A_607 : f32 to vector<16xf32>
              %mul3A_609 = arith.mulf %get3A_605, %mul3A_608 : vector<16xf32>
              %swap3A_610 = arith.index_cast %sub3A_360 : i32 to index
              %swap3A_611 = arith.index_cast %scan3A_400 : i32 to index
              %swap3A_612 = arith.index_cast %add3A_599 : i32 to index
              %swap3A_613 = arith.constant 0 : index
              %swap3A_614 = tpu.vector_load %arg16[%swap3A_610, %swap3A_611, %swap3A_612, %swap3A_613] {strides = array<i32>} : memref<2x2x128x16xf32, #tpu.memory_space<vmem>>, vector<1x1x1x16xf32>,
              %swap3A_615 = vector.shape_cast %swap3A_614 : vector<1x1x1x16xf32> to vector<16xf32>
              %swap3A_616 = vector.shape_cast %mul3A_609 : vector<16xf32> to vector<1x1x1x16xf32>
              tpu.vector_store %arg16[%swap3A_610, %swap3A_611, %swap3A_612, %swap3A_613], %swap3A_616 {strides = array<i32>} : memref<2x2x128x16xf32, #tpu.memory_space<vmem>>, vector<1x1x1x16xf32>,
              %mul3A_617 = arith.constant 16 : i32
              %mul3A_618 = arith.muli %scan3A_422, %mul3A_617 : i32
              %add3A_619 = arith.constant 9 : i32
              %add3A_620 = arith.addi %mul3A_618, %add3A_619 : i32
              %get3A_621 = arith.index_cast %sub3A_360 : i32 to index
              %get3A_622 = arith.index_cast %scan3A_400 : i32 to index
              %get3A_623 = arith.index_cast %add3A_620 : i32 to index
              %get3A_624 = arith.constant 0 : index
              %get3A_625 = tpu.vector_load %arg16[%get3A_621, %get3A_622, %get3A_623, %get3A_624] {strides = array<i32>} : memref<2x2x128x16xf32, #tpu.memory_space<vmem>>, vector<1x1x1x16xf32>,
              %get3A_626 = vector.shape_cast %get3A_625 : vector<1x1x1x16xf32> to vector<16xf32>
              %slice3A_627 = vector.extract_strided_slice %get3A_429 {offsets = [9], sizes = [1], strides = [1]} : vector<16xf32> to vector<1xf32>
              %squeeze3A_628 = vector.extract %slice3A_627[0] : f32 from vector<1xf32>
              %mul3A_629 = vector.broadcast %squeeze3A_628 : f32 to vector<16xf32>
              %mul3A_630 = arith.mulf %get3A_626, %mul3A_629 : vector<16xf32>
              %swap3A_631 = arith.index_cast %sub3A_360 : i32 to index
              %swap3A_632 = arith.index_cast %scan3A_400 : i32 to index
              %swap3A_633 = arith.index_cast %add3A_620 : i32 to index
              %swap3A_634 = arith.constant 0 : index
              %swap3A_635 = tpu.vector_load %arg16[%swap3A_631, %swap3A_632, %swap3A_633, %swap3A_634] {strides = array<i32>} : memref<2x2x128x16xf32, #tpu.memory_space<vmem>>, vector<1x1x1x16xf32>,
              %swap3A_636 = vector.shape_cast %swap3A_635 : vector<1x1x1x16xf32> to vector<16xf32>
              %swap3A_637 = vector.shape_cast %mul3A_630 : vector<16xf32> to vector<1x1x1x16xf32>
              tpu.vector_store %arg16[%swap3A_631, %swap3A_632, %swap3A_633, %swap3A_634], %swap3A_637 {strides = array<i32>} : memref<2x2x128x16xf32, #tpu.memory_space<vmem>>, vector<1x1x1x16xf32>,
              %mul3A_638 = arith.constant 16 : i32
              %mul3A_639 = arith.muli %scan3A_422, %mul3A_638 : i32
              %add3A_640 = arith.constant 10 : i32
              %add3A_641 = arith.addi %mul3A_639, %add3A_640 : i32
              %get3A_642 = arith.index_cast %sub3A_360 : i32 to index
              %get3A_643 = arith.index_cast %scan3A_400 : i32 to index
              %get3A_644 = arith.index_cast %add3A_641 : i32 to index
              %get3A_645 = arith.constant 0 : index
              %get3A_646 = tpu.vector_load %arg16[%get3A_642, %get3A_643, %get3A_644, %get3A_645] {strides = array<i32>} : memref<2x2x128x16xf32, #tpu.memory_space<vmem>>, vector<1x1x1x16xf32>,
              %get3A_647 = vector.shape_cast %get3A_646 : vector<1x1x1x16xf32> to vector<16xf32>
              %slice3A_648 = vector.extract_strided_slice %get3A_429 {offsets = [10], sizes = [1], strides = [1]} : vector<16xf32> to vector<1xf32>
              %squeeze3A_649 = vector.extract %slice3A_648[0] : f32 from vector<1xf32>
              %mul3A_650 = vector.broadcast %squeeze3A_649 : f32 to vector<16xf32>
              %mul3A_651 = arith.mulf %get3A_647, %mul3A_650 : vector<16xf32>
              %swap3A_652 = arith.index_cast %sub3A_360 : i32 to index
              %swap3A_653 = arith.index_cast %scan3A_400 : i32 to index
              %swap3A_654 = arith.index_cast %add3A_641 : i32 to index
              %swap3A_655 = arith.constant 0 : index
              %swap3A_656 = tpu.vector_load %arg16[%swap3A_652, %swap3A_653, %swap3A_654, %swap3A_655] {strides = array<i32>} : memref<2x2x128x16xf32, #tpu.memory_space<vmem>>, vector<1x1x1x16xf32>,
              %swap3A_657 = vector.shape_cast %swap3A_656 : vector<1x1x1x16xf32> to vector<16xf32>
              %swap3A_658 = vector.shape_cast %mul3A_651 : vector<16xf32> to vector<1x1x1x16xf32>
              tpu.vector_store %arg16[%swap3A_652, %swap3A_653, %swap3A_654, %swap3A_655], %swap3A_658 {strides = array<i32>} : memref<2x2x128x16xf32, #tpu.memory_space<vmem>>, vector<1x1x1x16xf32>,
              %mul3A_659 = arith.constant 16 : i32
              %mul3A_660 = arith.muli %scan3A_422, %mul3A_659 : i32
              %add3A_661 = arith.constant 11 : i32
              %add3A_662 = arith.addi %mul3A_660, %add3A_661 : i32
              %get3A_663 = arith.index_cast %sub3A_360 : i32 to index
              %get3A_664 = arith.index_cast %scan3A_400 : i32 to index
              %get3A_665 = arith.index_cast %add3A_662 : i32 to index
              %get3A_666 = arith.constant 0 : index
              %get3A_667 = tpu.vector_load %arg16[%get3A_663, %get3A_664, %get3A_665, %get3A_666] {strides = array<i32>} : memref<2x2x128x16xf32, #tpu.memory_space<vmem>>, vector<1x1x1x16xf32>,
              %get3A_668 = vector.shape_cast %get3A_667 : vector<1x1x1x16xf32> to vector<16xf32>
              %slice3A_669 = vector.extract_strided_slice %get3A_429 {offsets = [11], sizes = [1], strides = [1]} : vector<16xf32> to vector<1xf32>
              %squeeze3A_670 = vector.extract %slice3A_669[0] : f32 from vector<1xf32>
              %mul3A_671 = vector.broadcast %squeeze3A_670 : f32 to vector<16xf32>
              %mul3A_672 = arith.mulf %get3A_668, %mul3A_671 : vector<16xf32>
              %swap3A_673 = arith.index_cast %sub3A_360 : i32 to index
              %swap3A_674 = arith.index_cast %scan3A_400 : i32 to index
              %swap3A_675 = arith.index_cast %add3A_662 : i32 to index
              %swap3A_676 = arith.constant 0 : index
              %swap3A_677 = tpu.vector_load %arg16[%swap3A_673, %swap3A_674, %swap3A_675, %swap3A_676] {strides = array<i32>} : memref<2x2x128x16xf32, #tpu.memory_space<vmem>>, vector<1x1x1x16xf32>,
              %swap3A_678 = vector.shape_cast %swap3A_677 : vector<1x1x1x16xf32> to vector<16xf32>
              %swap3A_679 = vector.shape_cast %mul3A_672 : vector<16xf32> to vector<1x1x1x16xf32>
              tpu.vector_store %arg16[%swap3A_673, %swap3A_674, %swap3A_675, %swap3A_676], %swap3A_679 {strides = array<i32>} : memref<2x2x128x16xf32, #tpu.memory_space<vmem>>, vector<1x1x1x16xf32>,
              %mul3A_680 = arith.constant 16 : i32
              %mul3A_681 = arith.muli %scan3A_422, %mul3A_680 : i32
              %add3A_682 = arith.constant 12 : i32
              %add3A_683 = arith.addi %mul3A_681, %add3A_682 : i32
              %get3A_684 = arith.index_cast %sub3A_360 : i32 to index
              %get3A_685 = arith.index_cast %scan3A_400 : i32 to index
              %get3A_686 = arith.index_cast %add3A_683 : i32 to index
              %get3A_687 = arith.constant 0 : index
              %get3A_688 = tpu.vector_load %arg16[%get3A_684, %get3A_685, %get3A_686, %get3A_687] {strides = array<i32>} : memref<2x2x128x16xf32, #tpu.memory_space<vmem>>, vector<1x1x1x16xf32>,
              %get3A_689 = vector.shape_cast %get3A_688 : vector<1x1x1x16xf32> to vector<16xf32>
              %slice3A_690 = vector.extract_strided_slice %get3A_429 {offsets = [12], sizes = [1], strides = [1]} : vector<16xf32> to vector<1xf32>
              %squeeze3A_691 = vector.extract %slice3A_690[0] : f32 from vector<1xf32>
              %mul3A_692 = vector.broadcast %squeeze3A_691 : f32 to vector<16xf32>
              %mul3A_693 = arith.mulf %get3A_689, %mul3A_692 : vector<16xf32>
              %swap3A_694 = arith.index_cast %sub3A_360 : i32 to index
              %swap3A_695 = arith.index_cast %scan3A_400 : i32 to index
              %swap3A_696 = arith.index_cast %add3A_683 : i32 to index
              %swap3A_697 = arith.constant 0 : index
              %swap3A_698 = tpu.vector_load %arg16[%swap3A_694, %swap3A_695, %swap3A_696, %swap3A_697] {strides = array<i32>} : memref<2x2x128x16xf32, #tpu.memory_space<vmem>>, vector<1x1x1x16xf32>,
              %swap3A_699 = vector.shape_cast %swap3A_698 : vector<1x1x1x16xf32> to vector<16xf32>
              %swap3A_700 = vector.shape_cast %mul3A_693 : vector<16xf32> to vector<1x1x1x16xf32>
              tpu.vector_store %arg16[%swap3A_694, %swap3A_695, %swap3A_696, %swap3A_697], %swap3A_700 {strides = array<i32>} : memref<2x2x128x16xf32, #tpu.memory_space<vmem>>, vector<1x1x1x16xf32>,
              %mul3A_701 = arith.constant 16 : i32
              %mul3A_702 = arith.muli %scan3A_422, %mul3A_701 : i32
              %add3A_703 = arith.constant 13 : i32
              %add3A_704 = arith.addi %mul3A_702, %add3A_703 : i32
              %get3A_705 = arith.index_cast %sub3A_360 : i32 to index
              %get3A_706 = arith.index_cast %scan3A_400 : i32 to index
              %get3A_707 = arith.index_cast %add3A_704 : i32 to index
              %get3A_708 = arith.constant 0 : index
              %get3A_709 = tpu.vector_load %arg16[%get3A_705, %get3A_706, %get3A_707, %get3A_708] {strides = array<i32>} : memref<2x2x128x16xf32, #tpu.memory_space<vmem>>, vector<1x1x1x16xf32>,
              %get3A_710 = vector.shape_cast %get3A_709 : vector<1x1x1x16xf32> to vector<16xf32>
              %slice3A_711 = vector.extract_strided_slice %get3A_429 {offsets = [13], sizes = [1], strides = [1]} : vector<16xf32> to vector<1xf32>
              %squeeze3A_712 = vector.extract %slice3A_711[0] : f32 from vector<1xf32>
              %mul3A_713 = vector.broadcast %squeeze3A_712 : f32 to vector<16xf32>
              %mul3A_714 = arith.mulf %get3A_710, %mul3A_713 : vector<16xf32>
              %swap3A_715 = arith.index_cast %sub3A_360 : i32 to index
              %swap3A_716 = arith.index_cast %scan3A_400 : i32 to index
              %swap3A_717 = arith.index_cast %add3A_704 : i32 to index
              %swap3A_718 = arith.constant 0 : index
              %swap3A_719 = tpu.vector_load %arg16[%swap3A_715, %swap3A_716, %swap3A_717, %swap3A_718] {strides = array<i32>} : memref<2x2x128x16xf32, #tpu.memory_space<vmem>>, vector<1x1x1x16xf32>,
              %swap3A_720 = vector.shape_cast %swap3A_719 : vector<1x1x1x16xf32> to vector<16xf32>
              %swap3A_721 = vector.shape_cast %mul3A_714 : vector<16xf32> to vector<1x1x1x16xf32>
              tpu.vector_store %arg16[%swap3A_715, %swap3A_716, %swap3A_717, %swap3A_718], %swap3A_721 {strides = array<i32>} : memref<2x2x128x16xf32, #tpu.memory_space<vmem>>, vector<1x1x1x16xf32>,
              %mul3A_722 = arith.constant 16 : i32
              %mul3A_723 = arith.muli %scan3A_422, %mul3A_722 : i32
              %add3A_724 = arith.constant 14 : i32
              %add3A_725 = arith.addi %mul3A_723, %add3A_724 : i32
              %get3A_726 = arith.index_cast %sub3A_360 : i32 to index
              %get3A_727 = arith.index_cast %scan3A_400 : i32 to index
              %get3A_728 = arith.index_cast %add3A_725 : i32 to index
              %get3A_729 = arith.constant 0 : index
              %get3A_730 = tpu.vector_load %arg16[%get3A_726, %get3A_727, %get3A_728, %get3A_729] {strides = array<i32>} : memref<2x2x128x16xf32, #tpu.memory_space<vmem>>, vector<1x1x1x16xf32>,
              %get3A_731 = vector.shape_cast %get3A_730 : vector<1x1x1x16xf32> to vector<16xf32>
              %slice3A_732 = vector.extract_strided_slice %get3A_429 {offsets = [14], sizes = [1], strides = [1]} : vector<16xf32> to vector<1xf32>
              %squeeze3A_733 = vector.extract %slice3A_732[0] : f32 from vector<1xf32>
              %mul3A_734 = vector.broadcast %squeeze3A_733 : f32 to vector<16xf32>
              %mul3A_735 = arith.mulf %get3A_731, %mul3A_734 : vector<16xf32>
              %swap3A_736 = arith.index_cast %sub3A_360 : i32 to index
              %swap3A_737 = arith.index_cast %scan3A_400 : i32 to index
              %swap3A_738 = arith.index_cast %add3A_725 : i32 to index
              %swap3A_739 = arith.constant 0 : index
              %swap3A_740 = tpu.vector_load %arg16[%swap3A_736, %swap3A_737, %swap3A_738, %swap3A_739] {strides = array<i32>} : memref<2x2x128x16xf32, #tpu.memory_space<vmem>>, vector<1x1x1x16xf32>,
              %swap3A_741 = vector.shape_cast %swap3A_740 : vector<1x1x1x16xf32> to vector<16xf32>
              %swap3A_742 = vector.shape_cast %mul3A_735 : vector<16xf32> to vector<1x1x1x16xf32>
              tpu.vector_store %arg16[%swap3A_736, %swap3A_737, %swap3A_738, %swap3A_739], %swap3A_742 {strides = array<i32>} : memref<2x2x128x16xf32, #tpu.memory_space<vmem>>, vector<1x1x1x16xf32>,
              %mul3A_743 = arith.constant 16 : i32
              %mul3A_744 = arith.muli %scan3A_422, %mul3A_743 : i32
              %add3A_745 = arith.constant 15 : i32
              %add3A_746 = arith.addi %mul3A_744, %add3A_745 : i32
              %get3A_747 = arith.index_cast %sub3A_360 : i32 to index
              %get3A_748 = arith.index_cast %scan3A_400 : i32 to index
              %get3A_749 = arith.index_cast %add3A_746 : i32 to index
              %get3A_750 = arith.constant 0 : index
              %get3A_751 = tpu.vector_load %arg16[%get3A_747, %get3A_748, %get3A_749, %get3A_750] {strides = array<i32>} : memref<2x2x128x16xf32, #tpu.memory_space<vmem>>, vector<1x1x1x16xf32>,
              %get3A_752 = vector.shape_cast %get3A_751 : vector<1x1x1x16xf32> to vector<16xf32>
              %slice3A_753 = vector.extract_strided_slice %get3A_429 {offsets = [15], sizes = [1], strides = [1]} : vector<16xf32> to vector<1xf32>
              %squeeze3A_754 = vector.extract %slice3A_753[0] : f32 from vector<1xf32>
              %mul3A_755 = vector.broadcast %squeeze3A_754 : f32 to vector<16xf32>
              %mul3A_756 = arith.mulf %get3A_752, %mul3A_755 : vector<16xf32>
              %swap3A_757 = arith.index_cast %sub3A_360 : i32 to index
              %swap3A_758 = arith.index_cast %scan3A_400 : i32 to index
              %swap3A_759 = arith.index_cast %add3A_746 : i32 to index
              %swap3A_760 = arith.constant 0 : index
              %swap3A_761 = tpu.vector_load %arg16[%swap3A_757, %swap3A_758, %swap3A_759, %swap3A_760] {strides = array<i32>} : memref<2x2x128x16xf32, #tpu.memory_space<vmem>>, vector<1x1x1x16xf32>,
              %swap3A_762 = vector.shape_cast %swap3A_761 : vector<1x1x1x16xf32> to vector<16xf32>
              %swap3A_763 = vector.shape_cast %mul3A_756 : vector<16xf32> to vector<1x1x1x16xf32>
              tpu.vector_store %arg16[%swap3A_757, %swap3A_758, %swap3A_759, %swap3A_760], %swap3A_763 {strides = array<i32>} : memref<2x2x128x16xf32, #tpu.memory_space<vmem>>, vector<1x1x1x16xf32>,
              %scan3A_764 = arith.constant 0 : i32
              scf.yield %scan3A_764 : i32
            }
            %scan3A_408 = arith.constant 8 : i32
            %dma_start3A_409 = arith.constant 0 : i32
            %dma_start3A_410 = arith.constant 0 : i32
            %dma_start3A_411 = tpu.memref_slice %arg16[%sub3A_360, %scan3A_400, %dma_start3A_409, %dma_start3A_410] : memref<2x2x128x16xf32, #tpu.memory_space<vmem>> -> memref<1x1x128x16xf32, #tpu.memory_space<vmem>>
            %dma_start3A_412 = tpu.memref_squeeze %dma_start3A_411 : memref<1x1x128x16xf32, #tpu.memory_space<vmem>> -> memref<128x16xf32, #tpu.memory_space<vmem>>
            %dma_start3A_413 = arith.constant 0 : i32
            %dma_start3A_414 = tpu.memref_slice %arg14[%sub3A_360, %scan3A_400, %dma_start3A_413] : memref<2x2x128xi32, #tpu.memory_space<vmem>> -> memref<1x1x128xi32, #tpu.memory_space<vmem>>
            %dma_start3A_415 = tpu.memref_squeeze %dma_start3A_414 : memref<1x1x128xi32, #tpu.memory_space<vmem>> -> memref<128xi32, #tpu.memory_space<vmem>>
            %dma_start3A_416 = arith.constant 0 : i32
            %dma_start3A_417 = arith.constant 0 : i32
            %dma_start3A_418 = tpu.memref_slice %arg8[%dma_start3A_416, %dma_start3A_417] : memref<100352x16xf32, #tpu.memory_space<vmem_shared>> -> memref<100352x16xf32, #tpu.memory_space<vmem_shared>>
            %dma_start3A_419 = tpu.memref_slice %arg22[%sub3A_360] : memref<2x!tpu.dma_semaphore, #tpu.memory_space<semaphore_mem>> -> memref<1x!tpu.dma_semaphore, #tpu.memory_space<semaphore_mem>>
            %dma_start3A_420 = tpu.memref_squeeze %dma_start3A_419 : memref<1x!tpu.dma_semaphore, #tpu.memory_space<semaphore_mem>> -> memref<!tpu.dma_semaphore, #tpu.memory_space<semaphore_mem>>
            tpu.enqueue_indirect_dma source(%dma_start3A_412 : memref<128x16xf32, #tpu.memory_space<vmem>>) target(%dma_start3A_418 : memref<100352x16xf32, #tpu.memory_space<vmem_shared>>) offsets(%dma_start3A_415 : memref<128xi32, #tpu.memory_space<vmem>>) semaphore(%dma_start3A_420 : memref<!tpu.dma_semaphore, #tpu.memory_space<semaphore_mem>>) {add = true}
            %scan3A_421 = arith.constant 0 : i32
            scf.yield %scan3A_421 : i32
          }
          %scan3A_399 = arith.constant 2 : i32
        } else {
        }
        %scan3A_359 = arith.constant 0 : i32
        scf.yield %scan3A_359 : i32
      }
      %scan3A_232 = arith.constant 393 : i32
      %dma_wait3A_233 = arith.constant 0 : i32
      %dma_wait3A_234 = arith.constant 0 : i32
      %dma_wait3A_235 = arith.constant 0 : i32
      %dma_wait3A_236 = arith.constant 0 : i32
      %dma_wait3A_237 = arith.constant 0 : i32
      %dma_wait3A_238 = arith.constant 0 : i32
      %dma_wait3A_239 = arith.constant 0 : i32
      %dma_wait3A_240 = tpu.memref_slice %arg16[%dma_wait3A_233, %dma_wait3A_234, %dma_wait3A_238, %dma_wait3A_239] : memref<2x2x128x16xf32, #tpu.memory_space<vmem>> -> memref<1x1x128x16xf32, #tpu.memory_space<vmem>>
      %dma_wait3A_241 = tpu.memref_squeeze %dma_wait3A_240 : memref<1x1x128x16xf32, #tpu.memory_space<vmem>> -> memref<128x16xf32, #tpu.memory_space<vmem>>
      %dma_wait3A_242 = arith.constant 0 : i32
      %dma_wait3A_243 = tpu.memref_slice %arg14[%dma_wait3A_235, %dma_wait3A_236, %dma_wait3A_242] : memref<2x2x128xi32, #tpu.memory_space<vmem>> -> memref<1x1x128xi32, #tpu.memory_space<vmem>>
      %dma_wait3A_244 = tpu.memref_squeeze %dma_wait3A_243 : memref<1x1x128xi32, #tpu.memory_space<vmem>> -> memref<128xi32, #tpu.memory_space<vmem>>
      %dma_wait3A_245 = arith.constant 0 : i32
      %dma_wait3A_246 = arith.constant 0 : i32
      %dma_wait3A_247 = tpu.memref_slice %arg8[%dma_wait3A_245, %dma_wait3A_246] : memref<100352x16xf32, #tpu.memory_space<vmem_shared>> -> memref<100352x16xf32, #tpu.memory_space<vmem_shared>>
      %dma_wait3A_248 = tpu.memref_slice %arg22[%dma_wait3A_237] : memref<2x!tpu.dma_semaphore, #tpu.memory_space<semaphore_mem>> -> memref<1x!tpu.dma_semaphore, #tpu.memory_space<semaphore_mem>>
      %dma_wait3A_249 = tpu.memref_squeeze %dma_wait3A_248 : memref<1x!tpu.dma_semaphore, #tpu.memory_space<semaphore_mem>> -> memref<!tpu.dma_semaphore, #tpu.memory_space<semaphore_mem>>
      tpu.wait_indirect_dma semaphore(%dma_wait3A_249 : memref<!tpu.dma_semaphore, #tpu.memory_space<semaphore_mem>>) src(%dma_wait3A_241 : memref<128x16xf32, #tpu.memory_space<vmem>>) dst(%dma_wait3A_247 : memref<100352x16xf32, #tpu.memory_space<vmem_shared>>)
      %dma_wait3A_250 = arith.constant 0 : i32
      %dma_wait3A_251 = arith.constant 0 : i32
      %dma_wait3A_252 = arith.constant 0 : i32
      %dma_wait3A_253 = arith.constant 0 : i32
      %dma_wait3A_254 = arith.constant 0 : i32
      %dma_wait3A_255 = arith.constant 0 : i32
      %dma_wait3A_256 = arith.constant 0 : i32
      %dma_wait3A_257 = tpu.memref_slice %arg16[%dma_wait3A_250, %dma_wait3A_251, %dma_wait3A_255, %dma_wait3A_256] : memref<2x2x128x16xf32, #tpu.memory_space<vmem>> -> memref<1x1x128x16xf32, #tpu.memory_space<vmem>>
      %dma_wait3A_258 = tpu.memref_squeeze %dma_wait3A_257 : memref<1x1x128x16xf32, #tpu.memory_space<vmem>> -> memref<128x16xf32, #tpu.memory_space<vmem>>
      %dma_wait3A_259 = arith.constant 0 : i32
      %dma_wait3A_260 = tpu.memref_slice %arg14[%dma_wait3A_252, %dma_wait3A_253, %dma_wait3A_259] : memref<2x2x128xi32, #tpu.memory_space<vmem>> -> memref<1x1x128xi32, #tpu.memory_space<vmem>>
      %dma_wait3A_261 = tpu.memref_squeeze %dma_wait3A_260 : memref<1x1x128xi32, #tpu.memory_space<vmem>> -> memref<128xi32, #tpu.memory_space<vmem>>
      %dma_wait3A_262 = arith.constant 0 : i32
      %dma_wait3A_263 = arith.constant 0 : i32
      %dma_wait3A_264 = tpu.memref_slice %arg8[%dma_wait3A_262, %dma_wait3A_263] : memref<100352x16xf32, #tpu.memory_space<vmem_shared>> -> memref<100352x16xf32, #tpu.memory_space<vmem_shared>>
      %dma_wait3A_265 = tpu.memref_slice %arg22[%dma_wait3A_254] : memref<2x!tpu.dma_semaphore, #tpu.memory_space<semaphore_mem>> -> memref<1x!tpu.dma_semaphore, #tpu.memory_space<semaphore_mem>>
      %dma_wait3A_266 = tpu.memref_squeeze %dma_wait3A_265 : memref<1x!tpu.dma_semaphore, #tpu.memory_space<semaphore_mem>> -> memref<!tpu.dma_semaphore, #tpu.memory_space<semaphore_mem>>
      tpu.wait_indirect_dma semaphore(%dma_wait3A_266 : memref<!tpu.dma_semaphore, #tpu.memory_space<semaphore_mem>>) src(%dma_wait3A_258 : memref<128x16xf32, #tpu.memory_space<vmem>>) dst(%dma_wait3A_264 : memref<100352x16xf32, #tpu.memory_space<vmem_shared>>)
      %dma_wait3A_267 = arith.constant 0 : i32
      %dma_wait3A_268 = arith.constant 0 : i32
      %dma_wait3A_269 = arith.constant 0 : i32
      %dma_wait3A_270 = arith.constant 0 : i32
      %dma_wait3A_271 = arith.constant 1 : i32
      %dma_wait3A_272 = arith.constant 0 : i32
      %dma_wait3A_273 = arith.constant 0 : i32
      %dma_wait3A_274 = tpu.memref_slice %arg16[%dma_wait3A_267, %dma_wait3A_268, %dma_wait3A_272, %dma_wait3A_273] : memref<2x2x128x16xf32, #tpu.memory_space<vmem>> -> memref<1x1x128x16xf32, #tpu.memory_space<vmem>>
      %dma_wait3A_275 = tpu.memref_squeeze %dma_wait3A_274 : memref<1x1x128x16xf32, #tpu.memory_space<vmem>> -> memref<128x16xf32, #tpu.memory_space<vmem>>
      %dma_wait3A_276 = arith.constant 0 : i32
      %dma_wait3A_277 = tpu.memref_slice %arg14[%dma_wait3A_269, %dma_wait3A_270, %dma_wait3A_276] : memref<2x2x128xi32, #tpu.memory_space<vmem>> -> memref<1x1x128xi32, #tpu.memory_space<vmem>>
      %dma_wait3A_278 = tpu.memref_squeeze %dma_wait3A_277 : memref<1x1x128xi32, #tpu.memory_space<vmem>> -> memref<128xi32, #tpu.memory_space<vmem>>
      %dma_wait3A_279 = arith.constant 0 : i32
      %dma_wait3A_280 = arith.constant 0 : i32
      %dma_wait3A_281 = tpu.memref_slice %arg8[%dma_wait3A_279, %dma_wait3A_280] : memref<100352x16xf32, #tpu.memory_space<vmem_shared>> -> memref<100352x16xf32, #tpu.memory_space<vmem_shared>>
      %dma_wait3A_282 = tpu.memref_slice %arg22[%dma_wait3A_271] : memref<2x!tpu.dma_semaphore, #tpu.memory_space<semaphore_mem>> -> memref<1x!tpu.dma_semaphore, #tpu.memory_space<semaphore_mem>>
      %dma_wait3A_283 = tpu.memref_squeeze %dma_wait3A_282 : memref<1x!tpu.dma_semaphore, #tpu.memory_space<semaphore_mem>> -> memref<!tpu.dma_semaphore, #tpu.memory_space<semaphore_mem>>
      tpu.wait_indirect_dma semaphore(%dma_wait3A_283 : memref<!tpu.dma_semaphore, #tpu.memory_space<semaphore_mem>>) src(%dma_wait3A_275 : memref<128x16xf32, #tpu.memory_space<vmem>>) dst(%dma_wait3A_281 : memref<100352x16xf32, #tpu.memory_space<vmem_shared>>)
      %dma_wait3A_284 = arith.constant 0 : i32
      %dma_wait3A_285 = arith.constant 0 : i32
      %dma_wait3A_286 = arith.constant 0 : i32
      %dma_wait3A_287 = arith.constant 0 : i32
      %dma_wait3A_288 = arith.constant 1 : i32
      %dma_wait3A_289 = arith.constant 0 : i32
      %dma_wait3A_290 = arith.constant 0 : i32
      %dma_wait3A_291 = tpu.memref_slice %arg16[%dma_wait3A_284, %dma_wait3A_285, %dma_wait3A_289, %dma_wait3A_290] : memref<2x2x128x16xf32, #tpu.memory_space<vmem>> -> memref<1x1x128x16xf32, #tpu.memory_space<vmem>>
      %dma_wait3A_292 = tpu.memref_squeeze %dma_wait3A_291 : memref<1x1x128x16xf32, #tpu.memory_space<vmem>> -> memref<128x16xf32, #tpu.memory_space<vmem>>
      %dma_wait3A_293 = arith.constant 0 : i32
      %dma_wait3A_294 = tpu.memref_slice %arg14[%dma_wait3A_286, %dma_wait3A_287, %dma_wait3A_293] : memref<2x2x128xi32, #tpu.memory_space<vmem>> -> memref<1x1x128xi32, #tpu.memory_space<vmem>>
      %dma_wait3A_295 = tpu.memref_squeeze %dma_wait3A_294 : memref<1x1x128xi32, #tpu.memory_space<vmem>> -> memref<128xi32, #tpu.memory_space<vmem>>
      %dma_wait3A_296 = arith.constant 0 : i32
      %dma_wait3A_297 = arith.constant 0 : i32
      %dma_wait3A_298 = tpu.memref_slice %arg8[%dma_wait3A_296, %dma_wait3A_297] : memref<100352x16xf32, #tpu.memory_space<vmem_shared>> -> memref<100352x16xf32, #tpu.memory_space<vmem_shared>>
      %dma_wait3A_299 = tpu.memref_slice %arg22[%dma_wait3A_288] : memref<2x!tpu.dma_semaphore, #tpu.memory_space<semaphore_mem>> -> memref<1x!tpu.dma_semaphore, #tpu.memory_space<semaphore_mem>>
      %dma_wait3A_300 = tpu.memref_squeeze %dma_wait3A_299 : memref<1x!tpu.dma_semaphore, #tpu.memory_space<semaphore_mem>> -> memref<!tpu.dma_semaphore, #tpu.memory_space<semaphore_mem>>
      tpu.wait_indirect_dma semaphore(%dma_wait3A_300 : memref<!tpu.dma_semaphore, #tpu.memory_space<semaphore_mem>>) src(%dma_wait3A_292 : memref<128x16xf32, #tpu.memory_space<vmem>>) dst(%dma_wait3A_298 : memref<100352x16xf32, #tpu.memory_space<vmem_shared>>)
      %barrier3A_301 = arith.constant 0 : index
      tpu.barrier barrier_id(%barrier3A_301)
      %scan3A_302 = arith.constant 0 : i32
      %scan3A_303 = arith.constant 0 : i32
      %scan3A_304 = arith.constant 49 : i32
      %scan3A_305 = arith.addi %scan3A_303, %scan3A_304 : i32
      %scan3A_306 = arith.constant 1 : i32
      %scan3A_307 = scf.for %scan3A_341 = %scan3A_303 to %scan3A_305 step %scan3A_306 iter_args(%scan3A_342 = %scan3A_302) -> (i32)  : i32 {
        %jit3A = arith.constant 2 : i32
        %eq3A = arith.constant 0 : i32
        %eq3A_343 = arith.cmpi eq, %jit3A, %eq3A : i32
        %jit3A_344 = arith.constant 1 : i32
        %select_n3A = arith.select %eq3A_343, %jit3A_344, %jit3A : i32
        %rem3A = arith.remsi %scan3A_341, %select_n3A : i32
        %ne3A = arith.constant 0 : i32
        %ne3A_345 = arith.cmpi ne, %rem3A, %ne3A : i32
        %lt3A = arith.constant 0 : i32
        %lt3A_346 = arith.cmpi slt, %rem3A, %lt3A : i32
        %lt3A_347 = arith.constant 0 : i32
        %lt3A_348 = arith.cmpi slt, %select_n3A, %lt3A_347 : i32
        %ne3A_349 = arith.xori %lt3A_346, %lt3A_348 : i1
        %and3A = arith.andi %ne3A_349, %ne3A_345 : i1
        %add3A_350 = arith.addi %rem3A, %select_n3A : i32
        %select_n3A_351 = arith.select %and3A, %add3A_350, %rem3A : i32
        %mul3A_352 = arith.constant 128 : i32
        %mul3A_353 = arith.muli %scan3A_341, %mul3A_352 : i32
        %add3A_354 = arith.addi %mul3A_0, %mul3A_353 : i32
        %ge3A = arith.constant 2 : i32
        %ge3A_355 = arith.cmpi sge, %scan3A_341, %ge3A : i32
        %convert_element_type3A = arith.extui %ge3A_355 : i1 to i32
        %cond3A = arith.constant 0 : i32
        %cond3A_356 = arith.cmpi ne, %convert_element_type3A, %cond3A : i32
        scf.if %cond3A_356 {
          %dma_wait3A_380 = arith.constant 0 : i32
          %dma_wait3A_381 = arith.constant 0 : i32
          %dma_wait3A_382 = arith.constant 0 : i32
          %dma_wait3A_383 = tpu.memref_slice %arg17[%dma_wait3A_380, %dma_wait3A_381, %dma_wait3A_382] : memref<2x128x16xf32, #tpu.memory_space<vmem>> -> memref<1x128x16xf32, #tpu.memory_space<vmem>>
          %dma_wait3A_384 = tpu.memref_squeeze %dma_wait3A_383 : memref<1x128x16xf32, #tpu.memory_space<vmem>> -> memref<128x16xf32, #tpu.memory_space<vmem>>
          %dma_wait3A_385 = arith.constant 0 : i32
          %dma_wait3A_386 = arith.constant 0 : i32
          %dma_wait3A_387 = tpu.memref_slice %arg6[%dma_wait3A_385, %dma_wait3A_386] : memref<100352x96xf32, #tpu.memory_space<hbm>> -> memref<128x16xf32, #tpu.memory_space<hbm>>
          %dma_wait3A_388 = arith.constant 0 : i32
          %dma_wait3A_389 = arith.constant 0 : i32
          %dma_wait3A_390 = tpu.memref_slice %arg6[%dma_wait3A_388, %dma_wait3A_389] : memref<100352x96xf32, #tpu.memory_space<hbm>> -> memref<128x16xf32, #tpu.memory_space<hbm>>
          %dma_wait3A_391 = arith.constant 0 : i32
          %dma_wait3A_392 = arith.constant 0 : i32
          %dma_wait3A_393 = tpu.memref_slice %arg17[%dma_wait3A_380, %dma_wait3A_391, %dma_wait3A_392] : memref<2x128x16xf32, #tpu.memory_space<vmem>> -> memref<1x128x16xf32, #tpu.memory_space<vmem>>
          %dma_wait3A_394 = tpu.memref_squeeze %dma_wait3A_393 : memref<1x128x16xf32, #tpu.memory_space<vmem>> -> memref<128x16xf32, #tpu.memory_space<vmem>>
          tpu.wait_dma2 semaphore(%arg25 : memref<!tpu.dma_semaphore, #tpu.memory_space<semaphore_mem>>) src(%dma_wait3A_394 : memref<128x16xf32, #tpu.memory_space<vmem>>) dst(%dma_wait3A_390 : memref<128x16xf32, #tpu.memory_space<hbm>>)
        } else {
        }
        "tpu.region"() ({
          %run_scoped3A = tpu.sem_alloc : memref<!tpu.dma_semaphore, #tpu.memory_space<semaphore_mem>>
          %dma_start3A_380 = arith.constant 0 : i32
          %dma_start3A_381 = arith.constant 0 : i32
          %dma_start3A_382 = tpu.memref_slice %arg17[%select_n3A_351, %dma_start3A_380, %dma_start3A_381] : memref<2x128x16xf32, #tpu.memory_space<vmem>> -> memref<1x128x16xf32, #tpu.memory_space<vmem>>
          %dma_start3A_383 = tpu.memref_squeeze %dma_start3A_382 : memref<1x128x16xf32, #tpu.memory_space<vmem>> -> memref<128x16xf32, #tpu.memory_space<vmem>>
          %dma_start3A_384 = arith.constant 0 : i32
          %dma_start3A_385 = tpu.memref_slice %arg8[%add3A_354, %dma_start3A_384] : memref<100352x16xf32, #tpu.memory_space<vmem_shared>> -> memref<128x16xf32, #tpu.memory_space<vmem_shared>>
          %dma_start3A_386 = arith.constant 0 : i32
          %dma_start3A_387 = arith.constant 0 : i32
          %dma_start3A_388 = tpu.memref_slice %arg17[%select_n3A_351, %dma_start3A_386, %dma_start3A_387] : memref<2x128x16xf32, #tpu.memory_space<vmem>> -> memref<1x128x16xf32, #tpu.memory_space<vmem>>
          %dma_start3A_389 = tpu.memref_squeeze %dma_start3A_388 : memref<1x128x16xf32, #tpu.memory_space<vmem>> -> memref<128x16xf32, #tpu.memory_space<vmem>>
          %dma_start3A_390 = arith.constant 0 : i32
          %dma_start3A_391 = tpu.memref_slice %arg8[%add3A_354, %dma_start3A_390] : memref<100352x16xf32, #tpu.memory_space<vmem_shared>> -> memref<128x16xf32, #tpu.memory_space<vmem_shared>>
          tpu.enqueue_dma source(%dma_start3A_391 : memref<128x16xf32, #tpu.memory_space<vmem_shared>>) target(%dma_start3A_389 : memref<128x16xf32, #tpu.memory_space<vmem>>) target_semaphore(%run_scoped3A : memref<!tpu.dma_semaphore, #tpu.memory_space<semaphore_mem>>)
          %dma_wait3A_392 = arith.constant 0 : i32
          %dma_wait3A_393 = arith.constant 0 : i32
          %dma_wait3A_394 = tpu.memref_slice %arg17[%select_n3A_351, %dma_wait3A_392, %dma_wait3A_393] : memref<2x128x16xf32, #tpu.memory_space<vmem>> -> memref<1x128x16xf32, #tpu.memory_space<vmem>>
          %dma_wait3A_395 = tpu.memref_squeeze %dma_wait3A_394 : memref<1x128x16xf32, #tpu.memory_space<vmem>> -> memref<128x16xf32, #tpu.memory_space<vmem>>
          %dma_wait3A_396 = arith.constant 0 : i32
          %dma_wait3A_397 = tpu.memref_slice %arg8[%add3A_354, %dma_wait3A_396] : memref<100352x16xf32, #tpu.memory_space<vmem_shared>> -> memref<128x16xf32, #tpu.memory_space<vmem_shared>>
          %dma_wait3A_398 = arith.constant 0 : i32
          %dma_wait3A_399 = arith.constant 0 : i32
          %dma_wait3A_400 = tpu.memref_slice %arg17[%select_n3A_351, %dma_wait3A_398, %dma_wait3A_399] : memref<2x128x16xf32, #tpu.memory_space<vmem>> -> memref<1x128x16xf32, #tpu.memory_space<vmem>>
          %dma_wait3A_401 = tpu.memref_squeeze %dma_wait3A_400 : memref<1x128x16xf32, #tpu.memory_space<vmem>> -> memref<128x16xf32, #tpu.memory_space<vmem>>
          %dma_wait3A_402 = arith.constant 0 : i32
          %dma_wait3A_403 = tpu.memref_slice %arg8[%add3A_354, %dma_wait3A_402] : memref<100352x16xf32, #tpu.memory_space<vmem_shared>> -> memref<128x16xf32, #tpu.memory_space<vmem_shared>>
          tpu.wait_dma2 semaphore(%run_scoped3A : memref<!tpu.dma_semaphore, #tpu.memory_space<semaphore_mem>>) src(%dma_wait3A_403 : memref<128x16xf32, #tpu.memory_space<vmem_shared>>) dst(%dma_wait3A_401 : memref<128x16xf32, #tpu.memory_space<vmem>>)
          tpu.yield
        }) : () -> ()
        "tpu.region"() ({
          %run_scoped3A = tpu.sem_alloc : memref<!tpu.dma_semaphore, #tpu.memory_space<semaphore_mem>>
          %dma_start3A_380 = arith.constant 0 : i32
          %dma_start3A_381 = tpu.memref_slice %arg18[%select_n3A_351, %dma_start3A_380] : memref<2x128xf32, #tpu.memory_space<vmem>> -> memref<1x128xf32, #tpu.memory_space<vmem>>
          %dma_start3A_382 = tpu.memref_squeeze %dma_start3A_381 : memref<1x128xf32, #tpu.memory_space<vmem>> -> memref<128xf32, #tpu.memory_space<vmem>>
          %dma_start3A_383 = tpu.memref_slice %arg9[%add3A_354] : memref<100352xf32, #tpu.memory_space<vmem_shared>> -> memref<128xf32, #tpu.memory_space<vmem_shared>>
          %dma_start3A_384 = arith.constant 0 : i32
          %dma_start3A_385 = tpu.memref_slice %arg18[%select_n3A_351, %dma_start3A_384] : memref<2x128xf32, #tpu.memory_space<vmem>> -> memref<1x128xf32, #tpu.memory_space<vmem>>
          %dma_start3A_386 = tpu.memref_squeeze %dma_start3A_385 : memref<1x128xf32, #tpu.memory_space<vmem>> -> memref<128xf32, #tpu.memory_space<vmem>>
          %dma_start3A_387 = tpu.memref_slice %arg9[%add3A_354] : memref<100352xf32, #tpu.memory_space<vmem_shared>> -> memref<128xf32, #tpu.memory_space<vmem_shared>>
          tpu.enqueue_dma source(%dma_start3A_387 : memref<128xf32, #tpu.memory_space<vmem_shared>>) target(%dma_start3A_386 : memref<128xf32, #tpu.memory_space<vmem>>) target_semaphore(%run_scoped3A : memref<!tpu.dma_semaphore, #tpu.memory_space<semaphore_mem>>)
          %dma_wait3A_388 = arith.constant 0 : i32
          %dma_wait3A_389 = tpu.memref_slice %arg18[%select_n3A_351, %dma_wait3A_388] : memref<2x128xf32, #tpu.memory_space<vmem>> -> memref<1x128xf32, #tpu.memory_space<vmem>>
          %dma_wait3A_390 = tpu.memref_squeeze %dma_wait3A_389 : memref<1x128xf32, #tpu.memory_space<vmem>> -> memref<128xf32, #tpu.memory_space<vmem>>
          %dma_wait3A_391 = tpu.memref_slice %arg9[%add3A_354] : memref<100352xf32, #tpu.memory_space<vmem_shared>> -> memref<128xf32, #tpu.memory_space<vmem_shared>>
          %dma_wait3A_392 = arith.constant 0 : i32
          %dma_wait3A_393 = tpu.memref_slice %arg18[%select_n3A_351, %dma_wait3A_392] : memref<2x128xf32, #tpu.memory_space<vmem>> -> memref<1x128xf32, #tpu.memory_space<vmem>>
          %dma_wait3A_394 = tpu.memref_squeeze %dma_wait3A_393 : memref<1x128xf32, #tpu.memory_space<vmem>> -> memref<128xf32, #tpu.memory_space<vmem>>
          %dma_wait3A_395 = tpu.memref_slice %arg9[%add3A_354] : memref<100352xf32, #tpu.memory_space<vmem_shared>> -> memref<128xf32, #tpu.memory_space<vmem_shared>>
          tpu.wait_dma2 semaphore(%run_scoped3A : memref<!tpu.dma_semaphore, #tpu.memory_space<semaphore_mem>>) src(%dma_wait3A_395 : memref<128xf32, #tpu.memory_space<vmem_shared>>) dst(%dma_wait3A_394 : memref<128xf32, #tpu.memory_space<vmem>>)
          tpu.yield
        }) : () -> ()
        %scan3A_357 = arith.constant 0 : i32
        %scan3A_358 = arith.constant 0 : i32
        %scan3A_359 = arith.constant 8 : i32
        %scan3A_360 = arith.addi %scan3A_358, %scan3A_359 : i32
        %scan3A_361 = arith.constant 1 : i32
        %scan3A_362 = scf.for %scan3A_380 = %scan3A_358 to %scan3A_360 step %scan3A_361 iter_args(%scan3A_381 = %scan3A_357) -> (i32)  : i32 {
          %mul3A_382 = arith.constant 16 : i32
          %mul3A_383 = arith.muli %scan3A_380, %mul3A_382 : i32
          %get3A = arith.index_cast %select_n3A_351 : i32 to index
          %get3A_384 = arith.index_cast %mul3A_383 : i32 to index
          %get3A_385 = tpu.vector_load %arg18[%get3A, %get3A_384] {strides = array<i32>} : memref<2x128xf32, #tpu.memory_space<vmem>>, vector<1x16xf32>,
          %get3A_386 = vector.shape_cast %get3A_385 : vector<1x16xf32> to vector<16xf32>
          %mul3A_387 = arith.constant 16 : i32
          %mul3A_388 = arith.muli %scan3A_380, %mul3A_387 : i32
          %add3A_389 = arith.constant 0 : i32
          %add3A_390 = arith.addi %mul3A_388, %add3A_389 : i32
          %get3A_391 = arith.index_cast %select_n3A_351 : i32 to index
          %get3A_392 = arith.index_cast %add3A_390 : i32 to index
          %get3A_393 = arith.constant 0 : index
          %get3A_394 = tpu.vector_load %arg17[%get3A_391, %get3A_392, %get3A_393] {strides = array<i32>} : memref<2x128x16xf32, #tpu.memory_space<vmem>>, vector<1x1x16xf32>,
          %get3A_395 = vector.shape_cast %get3A_394 : vector<1x1x16xf32> to vector<16xf32>
          %slice3A = vector.extract_strided_slice %get3A_386 {offsets = [0], sizes = [1], strides = [1]} : vector<16xf32> to vector<1xf32>
          %squeeze3A = vector.extract %slice3A[0] : f32 from vector<1xf32>
          %mul3A_396 = vector.broadcast %squeeze3A : f32 to vector<16xf32>
          %mul3A_397 = arith.mulf %get3A_395, %mul3A_396 : vector<16xf32>
          %swap3A_398 = arith.index_cast %select_n3A_351 : i32 to index
          %swap3A_399 = arith.index_cast %add3A_390 : i32 to index
          %swap3A_400 = arith.constant 0 : index
          %swap3A_401 = tpu.vector_load %arg17[%swap3A_398, %swap3A_399, %swap3A_400] {strides = array<i32>} : memref<2x128x16xf32, #tpu.memory_space<vmem>>, vector<1x1x16xf32>,
          %swap3A_402 = vector.shape_cast %swap3A_401 : vector<1x1x16xf32> to vector<16xf32>
          %swap3A_403 = vector.shape_cast %mul3A_397 : vector<16xf32> to vector<1x1x16xf32>
          tpu.vector_store %arg17[%swap3A_398, %swap3A_399, %swap3A_400], %swap3A_403 {strides = array<i32>} : memref<2x128x16xf32, #tpu.memory_space<vmem>>, vector<1x1x16xf32>,
          %mul3A_404 = arith.constant 16 : i32
          %mul3A_405 = arith.muli %scan3A_380, %mul3A_404 : i32
          %add3A_406 = arith.constant 1 : i32
          %add3A_407 = arith.addi %mul3A_405, %add3A_406 : i32
          %get3A_408 = arith.index_cast %select_n3A_351 : i32 to index
          %get3A_409 = arith.index_cast %add3A_407 : i32 to index
          %get3A_410 = arith.constant 0 : index
          %get3A_411 = tpu.vector_load %arg17[%get3A_408, %get3A_409, %get3A_410] {strides = array<i32>} : memref<2x128x16xf32, #tpu.memory_space<vmem>>, vector<1x1x16xf32>,
          %get3A_412 = vector.shape_cast %get3A_411 : vector<1x1x16xf32> to vector<16xf32>
          %slice3A_413 = vector.extract_strided_slice %get3A_386 {offsets = [1], sizes = [1], strides = [1]} : vector<16xf32> to vector<1xf32>
          %squeeze3A_414 = vector.extract %slice3A_413[0] : f32 from vector<1xf32>
          %mul3A_415 = vector.broadcast %squeeze3A_414 : f32 to vector<16xf32>
          %mul3A_416 = arith.mulf %get3A_412, %mul3A_415 : vector<16xf32>
          %swap3A_417 = arith.index_cast %select_n3A_351 : i32 to index
          %swap3A_418 = arith.index_cast %add3A_407 : i32 to index
          %swap3A_419 = arith.constant 0 : index
          %swap3A_420 = tpu.vector_load %arg17[%swap3A_417, %swap3A_418, %swap3A_419] {strides = array<i32>} : memref<2x128x16xf32, #tpu.memory_space<vmem>>, vector<1x1x16xf32>,
          %swap3A_421 = vector.shape_cast %swap3A_420 : vector<1x1x16xf32> to vector<16xf32>
          %swap3A_422 = vector.shape_cast %mul3A_416 : vector<16xf32> to vector<1x1x16xf32>
          tpu.vector_store %arg17[%swap3A_417, %swap3A_418, %swap3A_419], %swap3A_422 {strides = array<i32>} : memref<2x128x16xf32, #tpu.memory_space<vmem>>, vector<1x1x16xf32>,
          %mul3A_423 = arith.constant 16 : i32
          %mul3A_424 = arith.muli %scan3A_380, %mul3A_423 : i32
          %add3A_425 = arith.constant 2 : i32
          %add3A_426 = arith.addi %mul3A_424, %add3A_425 : i32
          %get3A_427 = arith.index_cast %select_n3A_351 : i32 to index
          %get3A_428 = arith.index_cast %add3A_426 : i32 to index
          %get3A_429 = arith.constant 0 : index
          %get3A_430 = tpu.vector_load %arg17[%get3A_427, %get3A_428, %get3A_429] {strides = array<i32>} : memref<2x128x16xf32, #tpu.memory_space<vmem>>, vector<1x1x16xf32>,
          %get3A_431 = vector.shape_cast %get3A_430 : vector<1x1x16xf32> to vector<16xf32>
          %slice3A_432 = vector.extract_strided_slice %get3A_386 {offsets = [2], sizes = [1], strides = [1]} : vector<16xf32> to vector<1xf32>
          %squeeze3A_433 = vector.extract %slice3A_432[0] : f32 from vector<1xf32>
          %mul3A_434 = vector.broadcast %squeeze3A_433 : f32 to vector<16xf32>
          %mul3A_435 = arith.mulf %get3A_431, %mul3A_434 : vector<16xf32>
          %swap3A_436 = arith.index_cast %select_n3A_351 : i32 to index
          %swap3A_437 = arith.index_cast %add3A_426 : i32 to index
          %swap3A_438 = arith.constant 0 : index
          %swap3A_439 = tpu.vector_load %arg17[%swap3A_436, %swap3A_437, %swap3A_438] {strides = array<i32>} : memref<2x128x16xf32, #tpu.memory_space<vmem>>, vector<1x1x16xf32>,
          %swap3A_440 = vector.shape_cast %swap3A_439 : vector<1x1x16xf32> to vector<16xf32>
          %swap3A_441 = vector.shape_cast %mul3A_435 : vector<16xf32> to vector<1x1x16xf32>
          tpu.vector_store %arg17[%swap3A_436, %swap3A_437, %swap3A_438], %swap3A_441 {strides = array<i32>} : memref<2x128x16xf32, #tpu.memory_space<vmem>>, vector<1x1x16xf32>,
          %mul3A_442 = arith.constant 16 : i32
          %mul3A_443 = arith.muli %scan3A_380, %mul3A_442 : i32
          %add3A_444 = arith.constant 3 : i32
          %add3A_445 = arith.addi %mul3A_443, %add3A_444 : i32
          %get3A_446 = arith.index_cast %select_n3A_351 : i32 to index
          %get3A_447 = arith.index_cast %add3A_445 : i32 to index
          %get3A_448 = arith.constant 0 : index
          %get3A_449 = tpu.vector_load %arg17[%get3A_446, %get3A_447, %get3A_448] {strides = array<i32>} : memref<2x128x16xf32, #tpu.memory_space<vmem>>, vector<1x1x16xf32>,
          %get3A_450 = vector.shape_cast %get3A_449 : vector<1x1x16xf32> to vector<16xf32>
          %slice3A_451 = vector.extract_strided_slice %get3A_386 {offsets = [3], sizes = [1], strides = [1]} : vector<16xf32> to vector<1xf32>
          %squeeze3A_452 = vector.extract %slice3A_451[0] : f32 from vector<1xf32>
          %mul3A_453 = vector.broadcast %squeeze3A_452 : f32 to vector<16xf32>
          %mul3A_454 = arith.mulf %get3A_450, %mul3A_453 : vector<16xf32>
          %swap3A_455 = arith.index_cast %select_n3A_351 : i32 to index
          %swap3A_456 = arith.index_cast %add3A_445 : i32 to index
          %swap3A_457 = arith.constant 0 : index
          %swap3A_458 = tpu.vector_load %arg17[%swap3A_455, %swap3A_456, %swap3A_457] {strides = array<i32>} : memref<2x128x16xf32, #tpu.memory_space<vmem>>, vector<1x1x16xf32>,
          %swap3A_459 = vector.shape_cast %swap3A_458 : vector<1x1x16xf32> to vector<16xf32>
          %swap3A_460 = vector.shape_cast %mul3A_454 : vector<16xf32> to vector<1x1x16xf32>
          tpu.vector_store %arg17[%swap3A_455, %swap3A_456, %swap3A_457], %swap3A_460 {strides = array<i32>} : memref<2x128x16xf32, #tpu.memory_space<vmem>>, vector<1x1x16xf32>,
          %mul3A_461 = arith.constant 16 : i32
          %mul3A_462 = arith.muli %scan3A_380, %mul3A_461 : i32
          %add3A_463 = arith.constant 4 : i32
          %add3A_464 = arith.addi %mul3A_462, %add3A_463 : i32
          %get3A_465 = arith.index_cast %select_n3A_351 : i32 to index
          %get3A_466 = arith.index_cast %add3A_464 : i32 to index
          %get3A_467 = arith.constant 0 : index
          %get3A_468 = tpu.vector_load %arg17[%get3A_465, %get3A_466, %get3A_467] {strides = array<i32>} : memref<2x128x16xf32, #tpu.memory_space<vmem>>, vector<1x1x16xf32>,
          %get3A_469 = vector.shape_cast %get3A_468 : vector<1x1x16xf32> to vector<16xf32>
          %slice3A_470 = vector.extract_strided_slice %get3A_386 {offsets = [4], sizes = [1], strides = [1]} : vector<16xf32> to vector<1xf32>
          %squeeze3A_471 = vector.extract %slice3A_470[0] : f32 from vector<1xf32>
          %mul3A_472 = vector.broadcast %squeeze3A_471 : f32 to vector<16xf32>
          %mul3A_473 = arith.mulf %get3A_469, %mul3A_472 : vector<16xf32>
          %swap3A_474 = arith.index_cast %select_n3A_351 : i32 to index
          %swap3A_475 = arith.index_cast %add3A_464 : i32 to index
          %swap3A_476 = arith.constant 0 : index
          %swap3A_477 = tpu.vector_load %arg17[%swap3A_474, %swap3A_475, %swap3A_476] {strides = array<i32>} : memref<2x128x16xf32, #tpu.memory_space<vmem>>, vector<1x1x16xf32>,
          %swap3A_478 = vector.shape_cast %swap3A_477 : vector<1x1x16xf32> to vector<16xf32>
          %swap3A_479 = vector.shape_cast %mul3A_473 : vector<16xf32> to vector<1x1x16xf32>
          tpu.vector_store %arg17[%swap3A_474, %swap3A_475, %swap3A_476], %swap3A_479 {strides = array<i32>} : memref<2x128x16xf32, #tpu.memory_space<vmem>>, vector<1x1x16xf32>,
          %mul3A_480 = arith.constant 16 : i32
          %mul3A_481 = arith.muli %scan3A_380, %mul3A_480 : i32
          %add3A_482 = arith.constant 5 : i32
          %add3A_483 = arith.addi %mul3A_481, %add3A_482 : i32
          %get3A_484 = arith.index_cast %select_n3A_351 : i32 to index
          %get3A_485 = arith.index_cast %add3A_483 : i32 to index
          %get3A_486 = arith.constant 0 : index
          %get3A_487 = tpu.vector_load %arg17[%get3A_484, %get3A_485, %get3A_486] {strides = array<i32>} : memref<2x128x16xf32, #tpu.memory_space<vmem>>, vector<1x1x16xf32>,
          %get3A_488 = vector.shape_cast %get3A_487 : vector<1x1x16xf32> to vector<16xf32>
          %slice3A_489 = vector.extract_strided_slice %get3A_386 {offsets = [5], sizes = [1], strides = [1]} : vector<16xf32> to vector<1xf32>
          %squeeze3A_490 = vector.extract %slice3A_489[0] : f32 from vector<1xf32>
          %mul3A_491 = vector.broadcast %squeeze3A_490 : f32 to vector<16xf32>
          %mul3A_492 = arith.mulf %get3A_488, %mul3A_491 : vector<16xf32>
          %swap3A_493 = arith.index_cast %select_n3A_351 : i32 to index
          %swap3A_494 = arith.index_cast %add3A_483 : i32 to index
          %swap3A_495 = arith.constant 0 : index
          %swap3A_496 = tpu.vector_load %arg17[%swap3A_493, %swap3A_494, %swap3A_495] {strides = array<i32>} : memref<2x128x16xf32, #tpu.memory_space<vmem>>, vector<1x1x16xf32>,
          %swap3A_497 = vector.shape_cast %swap3A_496 : vector<1x1x16xf32> to vector<16xf32>
          %swap3A_498 = vector.shape_cast %mul3A_492 : vector<16xf32> to vector<1x1x16xf32>
          tpu.vector_store %arg17[%swap3A_493, %swap3A_494, %swap3A_495], %swap3A_498 {strides = array<i32>} : memref<2x128x16xf32, #tpu.memory_space<vmem>>, vector<1x1x16xf32>,
          %mul3A_499 = arith.constant 16 : i32
          %mul3A_500 = arith.muli %scan3A_380, %mul3A_499 : i32
          %add3A_501 = arith.constant 6 : i32
          %add3A_502 = arith.addi %mul3A_500, %add3A_501 : i32
          %get3A_503 = arith.index_cast %select_n3A_351 : i32 to index
          %get3A_504 = arith.index_cast %add3A_502 : i32 to index
          %get3A_505 = arith.constant 0 : index
          %get3A_506 = tpu.vector_load %arg17[%get3A_503, %get3A_504, %get3A_505] {strides = array<i32>} : memref<2x128x16xf32, #tpu.memory_space<vmem>>, vector<1x1x16xf32>,
          %get3A_507 = vector.shape_cast %get3A_506 : vector<1x1x16xf32> to vector<16xf32>
          %slice3A_508 = vector.extract_strided_slice %get3A_386 {offsets = [6], sizes = [1], strides = [1]} : vector<16xf32> to vector<1xf32>
          %squeeze3A_509 = vector.extract %slice3A_508[0] : f32 from vector<1xf32>
          %mul3A_510 = vector.broadcast %squeeze3A_509 : f32 to vector<16xf32>
          %mul3A_511 = arith.mulf %get3A_507, %mul3A_510 : vector<16xf32>
          %swap3A_512 = arith.index_cast %select_n3A_351 : i32 to index
          %swap3A_513 = arith.index_cast %add3A_502 : i32 to index
          %swap3A_514 = arith.constant 0 : index
          %swap3A_515 = tpu.vector_load %arg17[%swap3A_512, %swap3A_513, %swap3A_514] {strides = array<i32>} : memref<2x128x16xf32, #tpu.memory_space<vmem>>, vector<1x1x16xf32>,
          %swap3A_516 = vector.shape_cast %swap3A_515 : vector<1x1x16xf32> to vector<16xf32>
          %swap3A_517 = vector.shape_cast %mul3A_511 : vector<16xf32> to vector<1x1x16xf32>
          tpu.vector_store %arg17[%swap3A_512, %swap3A_513, %swap3A_514], %swap3A_517 {strides = array<i32>} : memref<2x128x16xf32, #tpu.memory_space<vmem>>, vector<1x1x16xf32>,
          %mul3A_518 = arith.constant 16 : i32
          %mul3A_519 = arith.muli %scan3A_380, %mul3A_518 : i32
          %add3A_520 = arith.constant 7 : i32
          %add3A_521 = arith.addi %mul3A_519, %add3A_520 : i32
          %get3A_522 = arith.index_cast %select_n3A_351 : i32 to index
          %get3A_523 = arith.index_cast %add3A_521 : i32 to index
          %get3A_524 = arith.constant 0 : index
          %get3A_525 = tpu.vector_load %arg17[%get3A_522, %get3A_523, %get3A_524] {strides = array<i32>} : memref<2x128x16xf32, #tpu.memory_space<vmem>>, vector<1x1x16xf32>,
          %get3A_526 = vector.shape_cast %get3A_525 : vector<1x1x16xf32> to vector<16xf32>
          %slice3A_527 = vector.extract_strided_slice %get3A_386 {offsets = [7], sizes = [1], strides = [1]} : vector<16xf32> to vector<1xf32>
          %squeeze3A_528 = vector.extract %slice3A_527[0] : f32 from vector<1xf32>
          %mul3A_529 = vector.broadcast %squeeze3A_528 : f32 to vector<16xf32>
          %mul3A_530 = arith.mulf %get3A_526, %mul3A_529 : vector<16xf32>
          %swap3A_531 = arith.index_cast %select_n3A_351 : i32 to index
          %swap3A_532 = arith.index_cast %add3A_521 : i32 to index
          %swap3A_533 = arith.constant 0 : index
          %swap3A_534 = tpu.vector_load %arg17[%swap3A_531, %swap3A_532, %swap3A_533] {strides = array<i32>} : memref<2x128x16xf32, #tpu.memory_space<vmem>>, vector<1x1x16xf32>,
          %swap3A_535 = vector.shape_cast %swap3A_534 : vector<1x1x16xf32> to vector<16xf32>
          %swap3A_536 = vector.shape_cast %mul3A_530 : vector<16xf32> to vector<1x1x16xf32>
          tpu.vector_store %arg17[%swap3A_531, %swap3A_532, %swap3A_533], %swap3A_536 {strides = array<i32>} : memref<2x128x16xf32, #tpu.memory_space<vmem>>, vector<1x1x16xf32>,
          %mul3A_537 = arith.constant 16 : i32
          %mul3A_538 = arith.muli %scan3A_380, %mul3A_537 : i32
          %add3A_539 = arith.constant 8 : i32
          %add3A_540 = arith.addi %mul3A_538, %add3A_539 : i32
          %get3A_541 = arith.index_cast %select_n3A_351 : i32 to index
          %get3A_542 = arith.index_cast %add3A_540 : i32 to index
          %get3A_543 = arith.constant 0 : index
          %get3A_544 = tpu.vector_load %arg17[%get3A_541, %get3A_542, %get3A_543] {strides = array<i32>} : memref<2x128x16xf32, #tpu.memory_space<vmem>>, vector<1x1x16xf32>,
          %get3A_545 = vector.shape_cast %get3A_544 : vector<1x1x16xf32> to vector<16xf32>
          %slice3A_546 = vector.extract_strided_slice %get3A_386 {offsets = [8], sizes = [1], strides = [1]} : vector<16xf32> to vector<1xf32>
          %squeeze3A_547 = vector.extract %slice3A_546[0] : f32 from vector<1xf32>
          %mul3A_548 = vector.broadcast %squeeze3A_547 : f32 to vector<16xf32>
          %mul3A_549 = arith.mulf %get3A_545, %mul3A_548 : vector<16xf32>
          %swap3A_550 = arith.index_cast %select_n3A_351 : i32 to index
          %swap3A_551 = arith.index_cast %add3A_540 : i32 to index
          %swap3A_552 = arith.constant 0 : index
          %swap3A_553 = tpu.vector_load %arg17[%swap3A_550, %swap3A_551, %swap3A_552] {strides = array<i32>} : memref<2x128x16xf32, #tpu.memory_space<vmem>>, vector<1x1x16xf32>,
          %swap3A_554 = vector.shape_cast %swap3A_553 : vector<1x1x16xf32> to vector<16xf32>
          %swap3A_555 = vector.shape_cast %mul3A_549 : vector<16xf32> to vector<1x1x16xf32>
          tpu.vector_store %arg17[%swap3A_550, %swap3A_551, %swap3A_552], %swap3A_555 {strides = array<i32>} : memref<2x128x16xf32, #tpu.memory_space<vmem>>, vector<1x1x16xf32>,
          %mul3A_556 = arith.constant 16 : i32
          %mul3A_557 = arith.muli %scan3A_380, %mul3A_556 : i32
          %add3A_558 = arith.constant 9 : i32
          %add3A_559 = arith.addi %mul3A_557, %add3A_558 : i32
          %get3A_560 = arith.index_cast %select_n3A_351 : i32 to index
          %get3A_561 = arith.index_cast %add3A_559 : i32 to index
          %get3A_562 = arith.constant 0 : index
          %get3A_563 = tpu.vector_load %arg17[%get3A_560, %get3A_561, %get3A_562] {strides = array<i32>} : memref<2x128x16xf32, #tpu.memory_space<vmem>>, vector<1x1x16xf32>,
          %get3A_564 = vector.shape_cast %get3A_563 : vector<1x1x16xf32> to vector<16xf32>
          %slice3A_565 = vector.extract_strided_slice %get3A_386 {offsets = [9], sizes = [1], strides = [1]} : vector<16xf32> to vector<1xf32>
          %squeeze3A_566 = vector.extract %slice3A_565[0] : f32 from vector<1xf32>
          %mul3A_567 = vector.broadcast %squeeze3A_566 : f32 to vector<16xf32>
          %mul3A_568 = arith.mulf %get3A_564, %mul3A_567 : vector<16xf32>
          %swap3A_569 = arith.index_cast %select_n3A_351 : i32 to index
          %swap3A_570 = arith.index_cast %add3A_559 : i32 to index
          %swap3A_571 = arith.constant 0 : index
          %swap3A_572 = tpu.vector_load %arg17[%swap3A_569, %swap3A_570, %swap3A_571] {strides = array<i32>} : memref<2x128x16xf32, #tpu.memory_space<vmem>>, vector<1x1x16xf32>,
          %swap3A_573 = vector.shape_cast %swap3A_572 : vector<1x1x16xf32> to vector<16xf32>
          %swap3A_574 = vector.shape_cast %mul3A_568 : vector<16xf32> to vector<1x1x16xf32>
          tpu.vector_store %arg17[%swap3A_569, %swap3A_570, %swap3A_571], %swap3A_574 {strides = array<i32>} : memref<2x128x16xf32, #tpu.memory_space<vmem>>, vector<1x1x16xf32>,
          %mul3A_575 = arith.constant 16 : i32
          %mul3A_576 = arith.muli %scan3A_380, %mul3A_575 : i32
          %add3A_577 = arith.constant 10 : i32
          %add3A_578 = arith.addi %mul3A_576, %add3A_577 : i32
          %get3A_579 = arith.index_cast %select_n3A_351 : i32 to index
          %get3A_580 = arith.index_cast %add3A_578 : i32 to index
          %get3A_581 = arith.constant 0 : index
          %get3A_582 = tpu.vector_load %arg17[%get3A_579, %get3A_580, %get3A_581] {strides = array<i32>} : memref<2x128x16xf32, #tpu.memory_space<vmem>>, vector<1x1x16xf32>,
          %get3A_583 = vector.shape_cast %get3A_582 : vector<1x1x16xf32> to vector<16xf32>
          %slice3A_584 = vector.extract_strided_slice %get3A_386 {offsets = [10], sizes = [1], strides = [1]} : vector<16xf32> to vector<1xf32>
          %squeeze3A_585 = vector.extract %slice3A_584[0] : f32 from vector<1xf32>
          %mul3A_586 = vector.broadcast %squeeze3A_585 : f32 to vector<16xf32>
          %mul3A_587 = arith.mulf %get3A_583, %mul3A_586 : vector<16xf32>
          %swap3A_588 = arith.index_cast %select_n3A_351 : i32 to index
          %swap3A_589 = arith.index_cast %add3A_578 : i32 to index
          %swap3A_590 = arith.constant 0 : index
          %swap3A_591 = tpu.vector_load %arg17[%swap3A_588, %swap3A_589, %swap3A_590] {strides = array<i32>} : memref<2x128x16xf32, #tpu.memory_space<vmem>>, vector<1x1x16xf32>,
          %swap3A_592 = vector.shape_cast %swap3A_591 : vector<1x1x16xf32> to vector<16xf32>
          %swap3A_593 = vector.shape_cast %mul3A_587 : vector<16xf32> to vector<1x1x16xf32>
          tpu.vector_store %arg17[%swap3A_588, %swap3A_589, %swap3A_590], %swap3A_593 {strides = array<i32>} : memref<2x128x16xf32, #tpu.memory_space<vmem>>, vector<1x1x16xf32>,
          %mul3A_594 = arith.constant 16 : i32
          %mul3A_595 = arith.muli %scan3A_380, %mul3A_594 : i32
          %add3A_596 = arith.constant 11 : i32
          %add3A_597 = arith.addi %mul3A_595, %add3A_596 : i32
          %get3A_598 = arith.index_cast %select_n3A_351 : i32 to index
          %get3A_599 = arith.index_cast %add3A_597 : i32 to index
          %get3A_600 = arith.constant 0 : index
          %get3A_601 = tpu.vector_load %arg17[%get3A_598, %get3A_599, %get3A_600] {strides = array<i32>} : memref<2x128x16xf32, #tpu.memory_space<vmem>>, vector<1x1x16xf32>,
          %get3A_602 = vector.shape_cast %get3A_601 : vector<1x1x16xf32> to vector<16xf32>
          %slice3A_603 = vector.extract_strided_slice %get3A_386 {offsets = [11], sizes = [1], strides = [1]} : vector<16xf32> to vector<1xf32>
          %squeeze3A_604 = vector.extract %slice3A_603[0] : f32 from vector<1xf32>
          %mul3A_605 = vector.broadcast %squeeze3A_604 : f32 to vector<16xf32>
          %mul3A_606 = arith.mulf %get3A_602, %mul3A_605 : vector<16xf32>
          %swap3A_607 = arith.index_cast %select_n3A_351 : i32 to index
          %swap3A_608 = arith.index_cast %add3A_597 : i32 to index
          %swap3A_609 = arith.constant 0 : index
          %swap3A_610 = tpu.vector_load %arg17[%swap3A_607, %swap3A_608, %swap3A_609] {strides = array<i32>} : memref<2x128x16xf32, #tpu.memory_space<vmem>>, vector<1x1x16xf32>,
          %swap3A_611 = vector.shape_cast %swap3A_610 : vector<1x1x16xf32> to vector<16xf32>
          %swap3A_612 = vector.shape_cast %mul3A_606 : vector<16xf32> to vector<1x1x16xf32>
          tpu.vector_store %arg17[%swap3A_607, %swap3A_608, %swap3A_609], %swap3A_612 {strides = array<i32>} : memref<2x128x16xf32, #tpu.memory_space<vmem>>, vector<1x1x16xf32>,
          %mul3A_613 = arith.constant 16 : i32
          %mul3A_614 = arith.muli %scan3A_380, %mul3A_613 : i32
          %add3A_615 = arith.constant 12 : i32
          %add3A_616 = arith.addi %mul3A_614, %add3A_615 : i32
          %get3A_617 = arith.index_cast %select_n3A_351 : i32 to index
          %get3A_618 = arith.index_cast %add3A_616 : i32 to index
          %get3A_619 = arith.constant 0 : index
          %get3A_620 = tpu.vector_load %arg17[%get3A_617, %get3A_618, %get3A_619] {strides = array<i32>} : memref<2x128x16xf32, #tpu.memory_space<vmem>>, vector<1x1x16xf32>,
          %get3A_621 = vector.shape_cast %get3A_620 : vector<1x1x16xf32> to vector<16xf32>
          %slice3A_622 = vector.extract_strided_slice %get3A_386 {offsets = [12], sizes = [1], strides = [1]} : vector<16xf32> to vector<1xf32>
          %squeeze3A_623 = vector.extract %slice3A_622[0] : f32 from vector<1xf32>
          %mul3A_624 = vector.broadcast %squeeze3A_623 : f32 to vector<16xf32>
          %mul3A_625 = arith.mulf %get3A_621, %mul3A_624 : vector<16xf32>
          %swap3A_626 = arith.index_cast %select_n3A_351 : i32 to index
          %swap3A_627 = arith.index_cast %add3A_616 : i32 to index
          %swap3A_628 = arith.constant 0 : index
          %swap3A_629 = tpu.vector_load %arg17[%swap3A_626, %swap3A_627, %swap3A_628] {strides = array<i32>} : memref<2x128x16xf32, #tpu.memory_space<vmem>>, vector<1x1x16xf32>,
          %swap3A_630 = vector.shape_cast %swap3A_629 : vector<1x1x16xf32> to vector<16xf32>
          %swap3A_631 = vector.shape_cast %mul3A_625 : vector<16xf32> to vector<1x1x16xf32>
          tpu.vector_store %arg17[%swap3A_626, %swap3A_627, %swap3A_628], %swap3A_631 {strides = array<i32>} : memref<2x128x16xf32, #tpu.memory_space<vmem>>, vector<1x1x16xf32>,
          %mul3A_632 = arith.constant 16 : i32
          %mul3A_633 = arith.muli %scan3A_380, %mul3A_632 : i32
          %add3A_634 = arith.constant 13 : i32
          %add3A_635 = arith.addi %mul3A_633, %add3A_634 : i32
          %get3A_636 = arith.index_cast %select_n3A_351 : i32 to index
          %get3A_637 = arith.index_cast %add3A_635 : i32 to index
          %get3A_638 = arith.constant 0 : index
          %get3A_639 = tpu.vector_load %arg17[%get3A_636, %get3A_637, %get3A_638] {strides = array<i32>} : memref<2x128x16xf32, #tpu.memory_space<vmem>>, vector<1x1x16xf32>,
          %get3A_640 = vector.shape_cast %get3A_639 : vector<1x1x16xf32> to vector<16xf32>
          %slice3A_641 = vector.extract_strided_slice %get3A_386 {offsets = [13], sizes = [1], strides = [1]} : vector<16xf32> to vector<1xf32>
          %squeeze3A_642 = vector.extract %slice3A_641[0] : f32 from vector<1xf32>
          %mul3A_643 = vector.broadcast %squeeze3A_642 : f32 to vector<16xf32>
          %mul3A_644 = arith.mulf %get3A_640, %mul3A_643 : vector<16xf32>
          %swap3A_645 = arith.index_cast %select_n3A_351 : i32 to index
          %swap3A_646 = arith.index_cast %add3A_635 : i32 to index
          %swap3A_647 = arith.constant 0 : index
          %swap3A_648 = tpu.vector_load %arg17[%swap3A_645, %swap3A_646, %swap3A_647] {strides = array<i32>} : memref<2x128x16xf32, #tpu.memory_space<vmem>>, vector<1x1x16xf32>,
          %swap3A_649 = vector.shape_cast %swap3A_648 : vector<1x1x16xf32> to vector<16xf32>
          %swap3A_650 = vector.shape_cast %mul3A_644 : vector<16xf32> to vector<1x1x16xf32>
          tpu.vector_store %arg17[%swap3A_645, %swap3A_646, %swap3A_647], %swap3A_650 {strides = array<i32>} : memref<2x128x16xf32, #tpu.memory_space<vmem>>, vector<1x1x16xf32>,
          %mul3A_651 = arith.constant 16 : i32
          %mul3A_652 = arith.muli %scan3A_380, %mul3A_651 : i32
          %add3A_653 = arith.constant 14 : i32
          %add3A_654 = arith.addi %mul3A_652, %add3A_653 : i32
          %get3A_655 = arith.index_cast %select_n3A_351 : i32 to index
          %get3A_656 = arith.index_cast %add3A_654 : i32 to index
          %get3A_657 = arith.constant 0 : index
          %get3A_658 = tpu.vector_load %arg17[%get3A_655, %get3A_656, %get3A_657] {strides = array<i32>} : memref<2x128x16xf32, #tpu.memory_space<vmem>>, vector<1x1x16xf32>,
          %get3A_659 = vector.shape_cast %get3A_658 : vector<1x1x16xf32> to vector<16xf32>
          %slice3A_660 = vector.extract_strided_slice %get3A_386 {offsets = [14], sizes = [1], strides = [1]} : vector<16xf32> to vector<1xf32>
          %squeeze3A_661 = vector.extract %slice3A_660[0] : f32 from vector<1xf32>
          %mul3A_662 = vector.broadcast %squeeze3A_661 : f32 to vector<16xf32>
          %mul3A_663 = arith.mulf %get3A_659, %mul3A_662 : vector<16xf32>
          %swap3A_664 = arith.index_cast %select_n3A_351 : i32 to index
          %swap3A_665 = arith.index_cast %add3A_654 : i32 to index
          %swap3A_666 = arith.constant 0 : index
          %swap3A_667 = tpu.vector_load %arg17[%swap3A_664, %swap3A_665, %swap3A_666] {strides = array<i32>} : memref<2x128x16xf32, #tpu.memory_space<vmem>>, vector<1x1x16xf32>,
          %swap3A_668 = vector.shape_cast %swap3A_667 : vector<1x1x16xf32> to vector<16xf32>
          %swap3A_669 = vector.shape_cast %mul3A_663 : vector<16xf32> to vector<1x1x16xf32>
          tpu.vector_store %arg17[%swap3A_664, %swap3A_665, %swap3A_666], %swap3A_669 {strides = array<i32>} : memref<2x128x16xf32, #tpu.memory_space<vmem>>, vector<1x1x16xf32>,
          %mul3A_670 = arith.constant 16 : i32
          %mul3A_671 = arith.muli %scan3A_380, %mul3A_670 : i32
          %add3A_672 = arith.constant 15 : i32
          %add3A_673 = arith.addi %mul3A_671, %add3A_672 : i32
          %get3A_674 = arith.index_cast %select_n3A_351 : i32 to index
          %get3A_675 = arith.index_cast %add3A_673 : i32 to index
          %get3A_676 = arith.constant 0 : index
          %get3A_677 = tpu.vector_load %arg17[%get3A_674, %get3A_675, %get3A_676] {strides = array<i32>} : memref<2x128x16xf32, #tpu.memory_space<vmem>>, vector<1x1x16xf32>,
          %get3A_678 = vector.shape_cast %get3A_677 : vector<1x1x16xf32> to vector<16xf32>
          %slice3A_679 = vector.extract_strided_slice %get3A_386 {offsets = [15], sizes = [1], strides = [1]} : vector<16xf32> to vector<1xf32>
          %squeeze3A_680 = vector.extract %slice3A_679[0] : f32 from vector<1xf32>
          %mul3A_681 = vector.broadcast %squeeze3A_680 : f32 to vector<16xf32>
          %mul3A_682 = arith.mulf %get3A_678, %mul3A_681 : vector<16xf32>
          %swap3A_683 = arith.index_cast %select_n3A_351 : i32 to index
          %swap3A_684 = arith.index_cast %add3A_673 : i32 to index
          %swap3A_685 = arith.constant 0 : index
          %swap3A_686 = tpu.vector_load %arg17[%swap3A_683, %swap3A_684, %swap3A_685] {strides = array<i32>} : memref<2x128x16xf32, #tpu.memory_space<vmem>>, vector<1x1x16xf32>,
          %swap3A_687 = vector.shape_cast %swap3A_686 : vector<1x1x16xf32> to vector<16xf32>
          %swap3A_688 = vector.shape_cast %mul3A_682 : vector<16xf32> to vector<1x1x16xf32>
          tpu.vector_store %arg17[%swap3A_683, %swap3A_684, %swap3A_685], %swap3A_688 {strides = array<i32>} : memref<2x128x16xf32, #tpu.memory_space<vmem>>, vector<1x1x16xf32>,
          %scan3A_689 = arith.constant 0 : i32
          scf.yield %scan3A_689 : i32
        }
        %scan3A_363 = arith.constant 8 : i32
        %mul3A_364 = arith.constant 32 : i32
        %mul3A_365 = arith.muli %scan3A_55, %mul3A_364 : i32
        %mul3A_366 = arith.constant 16 : i32
        %mul3A_367 = arith.muli %arg0, %mul3A_366 : i32
        %add3A_368 = arith.addi %mul3A_365, %mul3A_367 : i32
        %dma_start3A_369 = arith.constant 0 : i32
        %dma_start3A_370 = arith.constant 0 : i32
        %dma_start3A_371 = tpu.memref_slice %arg17[%select_n3A_351, %dma_start3A_369, %dma_start3A_370] : memref<2x128x16xf32, #tpu.memory_space<vmem>> -> memref<1x128x16xf32, #tpu.memory_space<vmem>>
        %dma_start3A_372 = tpu.memref_squeeze %dma_start3A_371 : memref<1x128x16xf32, #tpu.memory_space<vmem>> -> memref<128x16xf32, #tpu.memory_space<vmem>>
        %dma_start3A_373 = tpu.memref_slice %arg6[%add3A_354, %add3A_368] : memref<100352x96xf32, #tpu.memory_space<hbm>> -> memref<128x16xf32, #tpu.memory_space<hbm>>
        %dma_start3A_374 = tpu.memref_slice %arg6[%add3A_354, %add3A_368] : memref<100352x96xf32, #tpu.memory_space<hbm>> -> memref<128x16xf32, #tpu.memory_space<hbm>>
        %dma_start3A_375 = arith.constant 0 : i32
        %dma_start3A_376 = arith.constant 0 : i32
        %dma_start3A_377 = tpu.memref_slice %arg17[%select_n3A_351, %dma_start3A_375, %dma_start3A_376] : memref<2x128x16xf32, #tpu.memory_space<vmem>> -> memref<1x128x16xf32, #tpu.memory_space<vmem>>
        %dma_start3A_378 = tpu.memref_squeeze %dma_start3A_377 : memref<1x128x16xf32, #tpu.memory_space<vmem>> -> memref<128x16xf32, #tpu.memory_space<vmem>>
        tpu.enqueue_dma source(%dma_start3A_378 : memref<128x16xf32, #tpu.memory_space<vmem>>) target(%dma_start3A_374 : memref<128x16xf32, #tpu.memory_space<hbm>>) target_semaphore(%arg25 : memref<!tpu.dma_semaphore, #tpu.memory_space<semaphore_mem>>)
        %scan3A_379 = arith.constant 0 : i32
        scf.yield %scan3A_379 : i32
      }
      %scan3A_308 = arith.constant 49 : i32
      %dma_wait3A_309 = arith.constant 0 : i32
      %dma_wait3A_310 = arith.constant 0 : i32
      %dma_wait3A_311 = arith.constant 0 : i32
      %dma_wait3A_312 = tpu.memref_slice %arg17[%dma_wait3A_309, %dma_wait3A_310, %dma_wait3A_311] : memref<2x128x16xf32, #tpu.memory_space<vmem>> -> memref<1x128x16xf32, #tpu.memory_space<vmem>>
      %dma_wait3A_313 = tpu.memref_squeeze %dma_wait3A_312 : memref<1x128x16xf32, #tpu.memory_space<vmem>> -> memref<128x16xf32, #tpu.memory_space<vmem>>
      %dma_wait3A_314 = arith.constant 0 : i32
      %dma_wait3A_315 = arith.constant 0 : i32
      %dma_wait3A_316 = tpu.memref_slice %arg6[%dma_wait3A_314, %dma_wait3A_315] : memref<100352x96xf32, #tpu.memory_space<hbm>> -> memref<128x16xf32, #tpu.memory_space<hbm>>
      %dma_wait3A_317 = arith.constant 0 : i32
      %dma_wait3A_318 = arith.constant 0 : i32
      %dma_wait3A_319 = tpu.memref_slice %arg6[%dma_wait3A_317, %dma_wait3A_318] : memref<100352x96xf32, #tpu.memory_space<hbm>> -> memref<128x16xf32, #tpu.memory_space<hbm>>
      %dma_wait3A_320 = arith.constant 0 : i32
      %dma_wait3A_321 = arith.constant 0 : i32
      %dma_wait3A_322 = tpu.memref_slice %arg17[%dma_wait3A_309, %dma_wait3A_320, %dma_wait3A_321] : memref<2x128x16xf32, #tpu.memory_space<vmem>> -> memref<1x128x16xf32, #tpu.memory_space<vmem>>
      %dma_wait3A_323 = tpu.memref_squeeze %dma_wait3A_322 : memref<1x128x16xf32, #tpu.memory_space<vmem>> -> memref<128x16xf32, #tpu.memory_space<vmem>>
      tpu.wait_dma2 semaphore(%arg25 : memref<!tpu.dma_semaphore, #tpu.memory_space<semaphore_mem>>) src(%dma_wait3A_323 : memref<128x16xf32, #tpu.memory_space<vmem>>) dst(%dma_wait3A_319 : memref<128x16xf32, #tpu.memory_space<hbm>>)
      %dma_wait3A_324 = arith.constant 0 : i32
      %dma_wait3A_325 = arith.constant 0 : i32
      %dma_wait3A_326 = arith.constant 0 : i32
      %dma_wait3A_327 = tpu.memref_slice %arg17[%dma_wait3A_324, %dma_wait3A_325, %dma_wait3A_326] : memref<2x128x16xf32, #tpu.memory_space<vmem>> -> memref<1x128x16xf32, #tpu.memory_space<vmem>>
      %dma_wait3A_328 = tpu.memref_squeeze %dma_wait3A_327 : memref<1x128x16xf32, #tpu.memory_space<vmem>> -> memref<128x16xf32, #tpu.memory_space<vmem>>
      %dma_wait3A_329 = arith.constant 0 : i32
      %dma_wait3A_330 = arith.constant 0 : i32
      %dma_wait3A_331 = tpu.memref_slice %arg6[%dma_wait3A_329, %dma_wait3A_330] : memref<100352x96xf32, #tpu.memory_space<hbm>> -> memref<128x16xf32, #tpu.memory_space<hbm>>
      %dma_wait3A_332 = arith.constant 0 : i32
      %dma_wait3A_333 = arith.constant 0 : i32
      %dma_wait3A_334 = tpu.memref_slice %arg6[%dma_wait3A_332, %dma_wait3A_333] : memref<100352x96xf32, #tpu.memory_space<hbm>> -> memref<128x16xf32, #tpu.memory_space<hbm>>
      %dma_wait3A_335 = arith.constant 0 : i32
      %dma_wait3A_336 = arith.constant 0 : i32
      %dma_wait3A_337 = tpu.memref_slice %arg17[%dma_wait3A_324, %dma_wait3A_335, %dma_wait3A_336] : memref<2x128x16xf32, #tpu.memory_space<vmem>> -> memref<1x128x16xf32, #tpu.memory_space<vmem>>
      %dma_wait3A_338 = tpu.memref_squeeze %dma_wait3A_337 : memref<1x128x16xf32, #tpu.memory_space<vmem>> -> memref<128x16xf32, #tpu.memory_space<vmem>>
      tpu.wait_dma2 semaphore(%arg25 : memref<!tpu.dma_semaphore, #tpu.memory_space<semaphore_mem>>) src(%dma_wait3A_338 : memref<128x16xf32, #tpu.memory_space<vmem>>) dst(%dma_wait3A_334 : memref<128x16xf32, #tpu.memory_space<hbm>>)
      %barrier3A_339 = arith.constant 0 : index
      tpu.barrier barrier_id(%barrier3A_339)
      %scan3A_340 = arith.constant 0 : i32
      scf.yield %scan3A_340 : i32
    }
    %scan3A_54 = arith.constant 3 : i32
    return
  }
}

module attributes {stable_mosaic.version = 14 : i64} {
  func.func @_mm1_body(%arg0: i32, %arg1: memref<2048x128xf32, #tpu.memory_space<vmem>>, %arg2: memref<2x128x16xf32, #tpu.memory_space<vmem>>, %arg3: memref<2x2048x16xf32, #tpu.memory_space<vmem>>) attributes {dimension_semantics = [#tpu.dimension_semantics<arbitrary>], iteration_bounds = array<i64: 49>, scalar_prefetch = 0 : i64, scratch_operands = 0 : i64, tpu.core_type = #tpu.core_type<tc>, window_params = [{transform_indices = @transform_0, window_bounds = array<i64: 2048, 128>}, {pipeline_mode = #tpu.pipeline_mode<synchronous>, transform_indices = @transform_1, window_bounds = array<i64: 2, 128, 16>}, {transform_indices = @transform_2, window_bounds = array<i64: 2, 2048, 16>}]} {
    %get3A = arith.constant 0 : index
    %get3A_0 = arith.constant 0 : index
    %get3A_1 = vector.load %arg1[%get3A, %get3A_0] : memref<2048x128xf32, #tpu.memory_space<vmem>>, vector<2048x128xf32>
    %get3A_2 = arith.constant 0 : index
    %get3A_3 = arith.constant 0 : index
    %get3A_4 = arith.constant 0 : index
    %get3A_5 = vector.load %arg2[%get3A_2, %get3A_3, %get3A_4] : memref<2x128x16xf32, #tpu.memory_space<vmem>>, vector<1x128x16xf32>
    %get3A_6 = vector.shape_cast %get3A_5 : vector<1x128x16xf32> to vector<128x16xf32>
    %dot_general3A = arith.constant dense<0.000000e+00> : vector<2048x16xf32>
    %dot_general3A_7 = tpu.matmul %get3A_1, %get3A_6, %dot_general3A {dimension_numbers = #tpu.dot_dimension_numbers<[1], [0], [0], [1], [0, 0, 1, 1], [], []>, transpose_lhs_hint = false} : vector<2048x128xf32>, vector<128x16xf32>, vector<2048x16xf32> -> vector<2048x16xf32>
    %swap3A = arith.constant 0 : index
    %swap3A_8 = arith.constant 0 : index
    %swap3A_9 = arith.constant 0 : index
    %swap3A_10 = vector.load %arg3[%swap3A, %swap3A_8, %swap3A_9] : memref<2x2048x16xf32, #tpu.memory_space<vmem>>, vector<1x2048x16xf32>
    %swap3A_11 = vector.shape_cast %swap3A_10 : vector<1x2048x16xf32> to vector<2048x16xf32>
    %swap3A_12 = vector.shape_cast %dot_general3A_7 : vector<2048x16xf32> to vector<1x2048x16xf32>
    tpu.vector_store %arg3[%swap3A, %swap3A_8, %swap3A_9], %swap3A_12 {strides = array<i32>} : memref<2x2048x16xf32, #tpu.memory_space<vmem>>, vector<1x2048x16xf32>,
    %get3A_13 = arith.constant 1 : index
    %get3A_14 = arith.constant 0 : index
    %get3A_15 = arith.constant 0 : index
    %get3A_16 = vector.load %arg2[%get3A_13, %get3A_14, %get3A_15] : memref<2x128x16xf32, #tpu.memory_space<vmem>>, vector<1x128x16xf32>
    %get3A_17 = vector.shape_cast %get3A_16 : vector<1x128x16xf32> to vector<128x16xf32>
    %dot_general3A_18 = arith.constant dense<0.000000e+00> : vector<2048x16xf32>
    %dot_general3A_19 = tpu.matmul %get3A_1, %get3A_17, %dot_general3A_18 {dimension_numbers = #tpu.dot_dimension_numbers<[1], [0], [0], [1], [0, 0, 1, 1], [], []>, transpose_lhs_hint = false} : vector<2048x128xf32>, vector<128x16xf32>, vector<2048x16xf32> -> vector<2048x16xf32>
    %swap3A_20 = arith.constant 1 : index
    %swap3A_21 = arith.constant 0 : index
    %swap3A_22 = arith.constant 0 : index
    %swap3A_23 = vector.load %arg3[%swap3A_20, %swap3A_21, %swap3A_22] : memref<2x2048x16xf32, #tpu.memory_space<vmem>>, vector<1x2048x16xf32>
    %swap3A_24 = vector.shape_cast %swap3A_23 : vector<1x2048x16xf32> to vector<2048x16xf32>
    %swap3A_25 = vector.shape_cast %dot_general3A_19 : vector<2048x16xf32> to vector<1x2048x16xf32>
    tpu.vector_store %arg3[%swap3A_20, %swap3A_21, %swap3A_22], %swap3A_25 {strides = array<i32>} : memref<2x2048x16xf32, #tpu.memory_space<vmem>>, vector<1x2048x16xf32>,
    return
  }
  func.func @transform_0(%arg0: i32) -> (i32, i32) {
    %c0_i32 = arith.constant 0 : i32
    %c0_i32_0 = arith.constant 0 : i32
    return %arg0, %c0_i32 : i32, i32
  }
  func.func @transform_1(%arg0: i32) -> (i32, i32, i32) {
    %c0_i32 = arith.constant 0 : i32
    %c0_i32_0 = arith.constant 0 : i32
    %c0_i32_1 = arith.constant 0 : i32
    %c0_i32_2 = arith.constant 0 : i32
    return %c0_i32, %c0_i32_0, %c0_i32_1 : i32, i32, i32
  }
  func.func @transform_2(%arg0: i32) -> (i32, i32, i32) {
    %c0_i32 = arith.constant 0 : i32
    %c0_i32_0 = arith.constant 0 : i32
    %c0_i32_1 = arith.constant 0 : i32
    return %c0_i32, %arg0, %c0_i32_0 : i32, i32, i32
  }
}

module attributes {stable_mosaic.version = 14 : i64} {
  func.func @_fin_body(%arg0: i32, %arg1: memref<2048x96xf32, #tpu.memory_space<vmem>>, %arg2: memref<96x32xf32, #tpu.memory_space<vmem>>, %arg3: memref<1x32xf32, #tpu.memory_space<vmem>>, %arg4: memref<2048x32xf32, #tpu.memory_space<vmem>>) attributes {dimension_semantics = [#tpu.dimension_semantics<arbitrary>], iteration_bounds = array<i64: 49>, scalar_prefetch = 0 : i64, scratch_operands = 0 : i64, tpu.core_type = #tpu.core_type<tc>, window_params = [{transform_indices = @transform_0, window_bounds = array<i64: 2048, 96>}, {pipeline_mode = #tpu.pipeline_mode<synchronous>, transform_indices = @transform_1, window_bounds = array<i64: 96, 32>}, {pipeline_mode = #tpu.pipeline_mode<synchronous>, transform_indices = @transform_2, window_bounds = array<i64: 1, 32>}, {transform_indices = @transform_3, window_bounds = array<i64: 2048, 32>}]} {
    %get3A = arith.constant 0 : index
    %get3A_0 = arith.constant 0 : index
    %get3A_1 = vector.load %arg1[%get3A, %get3A_0] : memref<2048x96xf32, #tpu.memory_space<vmem>>, vector<2048x96xf32>
    %get3A_2 = arith.constant 0 : index
    %get3A_3 = arith.constant 0 : index
    %get3A_4 = vector.load %arg2[%get3A_2, %get3A_3] : memref<96x32xf32, #tpu.memory_space<vmem>>, vector<96x32xf32>
    %dot_general3A = arith.constant dense<0.000000e+00> : vector<2048x32xf32>
    %dot_general3A_5 = tpu.matmul %get3A_1, %get3A_4, %dot_general3A {dimension_numbers = #tpu.dot_dimension_numbers<[1], [0], [0], [1], [0, 0, 1, 1], [], []>, transpose_lhs_hint = false} : vector<2048x96xf32>, vector<96x32xf32>, vector<2048x32xf32> -> vector<2048x32xf32>
    %get3A_6 = arith.constant 0 : index
    %get3A_7 = arith.constant 0 : index
    %get3A_8 = vector.load %arg3[%get3A_6, %get3A_7] : memref<1x32xf32, #tpu.memory_space<vmem>>, vector<1x32xf32>
    %add3A = vector.broadcast %get3A_8 : vector<1x32xf32> to vector<2048x32xf32>
    %add3A_9 = arith.addf %dot_general3A_5, %add3A : vector<2048x32xf32>
    %swap3A = arith.constant 0 : index
    %swap3A_10 = arith.constant 0 : index
    %swap3A_11 = vector.load %arg4[%swap3A, %swap3A_10] : memref<2048x32xf32, #tpu.memory_space<vmem>>, vector<2048x32xf32>
    tpu.vector_store %arg4[%swap3A, %swap3A_10], %add3A_9 {strides = array<i32>} : memref<2048x32xf32, #tpu.memory_space<vmem>>, vector<2048x32xf32>,
    return
  }
  func.func @transform_0(%arg0: i32) -> (i32, i32) {
    %c0_i32 = arith.constant 0 : i32
    %c0_i32_0 = arith.constant 0 : i32
    return %arg0, %c0_i32 : i32, i32
  }
  func.func @transform_1(%arg0: i32) -> (i32, i32) {
    %c0_i32 = arith.constant 0 : i32
    %c0_i32_0 = arith.constant 0 : i32
    %c0_i32_1 = arith.constant 0 : i32
    return %c0_i32, %c0_i32_0 : i32, i32
  }
  func.func @transform_2(%arg0: i32) -> (i32, i32) {
    %c0_i32 = arith.constant 0 : i32
    %c0_i32_0 = arith.constant 0 : i32
    %c0_i32_1 = arith.constant 0 : i32
    return %c0_i32, %c0_i32_0 : i32, i32
  }
  func.func @transform_3(%arg0: i32) -> (i32, i32) {
    %c0_i32 = arith.constant 0 : i32
    %c0_i32_0 = arith.constant 0 : i32
    return %arg0, %c0_i32 : i32, i32
  }
}

</mosaic_0001>

<sc_bundles>
// kernel: kernel.5.cloned.1.call-start
scs
__scs_entry_jumppad:
0x0: {  	(pc) =	sbr.rel $0x88, $3  }
0x1: {  	(tag) =	ssettag $0x0;
	lr =	simm.s32 $0x1  }
0x2: {  	[smem:$0x3F97] =	sst lr;
	_ =	strace $0xD0000000  }
0x3: {  	_ = 	snop  }
0x4: {  	_ = 	snop  }
0x5: {  	_ = 	snop  }
0x6: {  	_ = 	snop  }
0x7: {  	_ = 	snop  }
__scs_overlays_trampoline_lowered:
0x8: {  	[smem:$0x3FA6] =	sst s0  }
0x9: {  	[smem:$0x3FA7] =	sst s1  }
0xa: {  	[smem:$0x3FA8] =	sst s2  }
0xb: {  	[smem:$0x3FA9] =	sst s3  }
0xc: {  	[smem:$0x3FAA] =	sst s4  }
0xd: {  	[smem:$0x3FAB] =	sst s5  }
0xe: {  	[smem:$0x3FAC] =	sst s6  }
0xf: {  	[smem:$0x3FAD] =	sst s7  }
0x10: {  	[smem:$0x3FAE] =	sst s8  }
0x11: {  	[smem:$0x3FAF] =	sst s9;
	s0 =	simm.s32 @!p0 $0x0  }
0x12: {  	s1 =	sld [smem:$0x3F95];
	s0 =	simm.s32 @p0 $0x1  }
0x13: {  	[smem:$0x3FB0] =	sst s0;
	s0 =	simm.s32 @!p1 $0x0  }
0x14: {  	s2 =	sld [smem:$0x3F94];
	s0 =	simm.s32 @p1 $0x1  }
0x15: {  	[smem:$0x3FB1] =	sst s0;
	s0 =	simm.s32 @!p2 $0x0  }
0x16: {  	s3 =	sld [smem:$0x3FDB];
	s0 =	simm.s32 @p2 $0x1  }
0x17: {  	s4 =	simm.s32 $0x1BF5;
	[smem:$0x3FB3] =	sst s0  }
0x18: {  	s0 =	sld [smem:$0x3F96];
	_ =	swait.ge [sflag:s4], $0x0  }
0x19: {  	s7 =	sld [smem:$0x3F97]  }
0x1a: {  	s8 =	sadd.s32 $0xFFFFE003, lr  }
0x1b: {  	s9 =	sadd.s32 $0xFFFFFEF7, lr;
	s5 =	simm.s32 $0xFFFFFFFF;
	p2 =	slt.u32 s8, $0xFFFFF086  }
0x1c: {  	p1 =	slt.u32 s9, $0xF7A;
	s5 =	simm.s32 @!p2 $0x0  }
0x1d: {  	s5 =	simm.s32 @p1 $0x1;
	p0 =	seq.s32 s7, s2  }
0x1e: {  	s7 =	smul.u32 @!p0 $0xF7A, s2;
	p2 =	seq.s32 @!p0 s5, $0x0  }
0x1f: {  	s9 =	smul.u32 $0xF7A, s1;
	s8 =	simm.s32 @!p0 $0x1BF5;
	p2 =	por !p2, p0  }
0x20: {  	[sflag:s8] =	ssyncset.s32 @!p0 $0xFFFFF086;
	s6 =	sadd.s32 @!p0 s3, s7;
	s7 =	simm.s32 @!p0 $0x108  }
0x21: {  	s3 =	sadd.s32 s3, s9;
	s6 =	sadd.s32 @!p0 $0x88, s6;
	s7 =	simm.s32 @p2 $0x1082  }
0x22: {  	[simem:s7], [sflag:s8] =	dma.local @!p0 [hbm:s6], $0xF7A  }
0x23: {  	s9 =	sor.u32 $0xD0000000, s2;
	s6 =	simm.s32 $0x108;
	_ =	swait.ge @!p0 [sflag:s8], $0x0  }
0x24: {  	s3 =	sadd.s32 $0x88, s3;
	s6 =	simm.s32 @!p1 $0x1082;
	[sflag:s4] =	ssyncset.s32 $0xFFFFF086  }
0x25: {  	[simem:s6], [sflag:s4] =	dma.local [hbm:s3], $0xF7A  }
0x26: {  	[smem:$0x3F97] =	sst s1;
	(tag) =	ssettag s2;
	_ =	strace s9  }
0x27: {  	s1 =	sld [smem:$0x3FA7]  }
0x28: {  	s2 =	sld [smem:$0x3FA8]  }
0x29: {  	s4 =	sld [smem:$0x3FAA]  }
0x2a: {  	p0 =	seq.s32 s5, $0x0;
	s5 =	sld [smem:$0x3FAB]  }
0x2b: {  	s6 =	sld [smem:$0x3FAC]  }
0x2c: {  	s7 =	sld [smem:$0x3FAD]  }
0x2d: {  	s3 =	simm.s32 $0x108;
	s8 =	sld [smem:$0x3FAE]  }
0x2e: {  	s3 =	simm.s32 @!p0 $0x1082;
	s9 =	sld [smem:$0x3FAF]  }
0x2f: {  	lr =	sadd.s32 s0, s3;
	s0 =	sld [smem:$0x3FA6]  }
0x30: {  	s3 =	sld [smem:$0x3FA9]  }
0x31: {  	[smem:$0x3FB2] =	sst s10  }
0x32: {  	s10 =	sld [smem:$0x3FB0];
	_ =	sdelay $0x3  }
0x33: {  	p0 =	seq.s32 s10, $0x1;
	s10 =	sld [smem:$0x3FB2];
	_ =	sdelay $0x3  }
0x34: {  	[smem:$0x3FB2] =	sst s10  }
0x35: {  	s10 =	sld [smem:$0x3FB1];
	_ =	sdelay $0x3  }
0x36: {  	p1 =	seq.s32 s10, $0x1;
	s10 =	sld [smem:$0x3FB2];
	_ =	sdelay $0x3  }
0x37: {  	[smem:$0x3FB2] =	sst s10  }
0x38: {  	s10 =	sld [smem:$0x3FB3]  }
0x39: {  	_ = 	snop;
	(pc) =	sbr.ind lr, $3  }
0x3a: {  	_ = 	snop  }
0x3b: {  	_ = 	snop  }
0x3c: {  	p2 =	seq.s32 s10, $0x1;
	s10 =	sld [smem:$0x3FB2]  }
0x3d: {  	_ =	shalt  }
0x3e: {  	_ =	shalt  }
0x3f: {  	_ =	shalt  }
0x40: {  	_ =	shalt  }
0x41: {  	_ =	shalt  }
0x42: {  	_ =	shalt  }
0x43: {  	_ =	shalt  }
0x44: {  	_ =	shalt  }
0x45: {  	_ =	shalt  }
0x46: {  	_ =	shalt  }
0x47: {  	_ =	shalt  }
0x48: {  	_ =	shalt  }
0x49: {  	_ =	shalt  }
0x4a: {  	_ =	shalt  }
0x4b: {  	_ =	shalt  }
0x4c: {  	_ =	shalt  }
0x4d: {  	_ =	shalt  }
0x4e: {  	_ =	shalt  }
0x4f: {  	_ =	shalt  }
0x50: {  	_ =	shalt  }
0x51: {  	_ =	shalt  }
0x52: {  	_ =	shalt  }
0x53: {  	_ =	shalt  }
0x54: {  	_ =	shalt  }
0x55: {  	_ =	shalt  }
0x56: {  	_ =	shalt  }
0x57: {  	_ =	shalt  }
0x58: {  	_ =	shalt  }
0x59: {  	_ =	shalt  }
0x5a: {  	_ =	shalt  }
0x5b: {  	_ =	shalt  }
0x5c: {  	_ =	shalt  }
0x5d: {  	_ =	shalt  }
0x5e: {  	_ =	shalt  }
0x5f: {  	_ =	shalt  }
0x60: {  	_ =	shalt  }
0x61: {  	_ =	shalt  }
0x62: {  	_ =	shalt  }
0x63: {  	_ =	shalt  }
0x64: {  	_ =	shalt  }
0x65: {  	_ =	shalt  }
0x66: {  	_ =	shalt  }
0x67: {  	_ =	shalt  }
0x68: {  	_ =	shalt  }
0x69: {  	_ =	shalt  }
0x6a: {  	_ =	shalt  }
0x6b: {  	_ =	shalt  }
0x6c: {  	_ =	shalt  }
0x6d: {  	_ =	shalt  }
0x6e: {  	_ =	shalt  }
0x6f: {  	_ =	shalt  }
0x70: {  	_ =	shalt  }
0x71: {  	_ =	shalt  }
0x72: {  	_ =	shalt  }
0x73: {  	_ =	shalt  }
0x74: {  	_ =	shalt  }
0x75: {  	_ =	shalt  }
0x76: {  	_ =	shalt  }
0x77: {  	_ =	shalt  }
0x78: {  	_ =	shalt  }
0x79: {  	_ =	shalt  }
0x7a: {  	_ =	shalt  }
0x7b: {  	_ =	shalt  }
0x7c: {  	_ =	shalt  }
0x7d: {  	_ =	shalt  }
0x7e: {  	_ =	shalt  }
0x7f: {  	_ =	shalt  }
0x80: {  	_ =	shalt  }
0x81: {  	_ =	shalt  }
0x82: {  	_ =	shalt  }
0x83: {  	_ =	shalt  }
0x84: {  	_ =	shalt  }
0x85: {  	_ =	shalt  }
0x86: {  	_ =	shalt  }
0x87: {  	_ =	shalt  }
.Lfunc_end0:
.L_simem_size_0:
called_computation_lowered:
.L_overlay_start_0:
0x88: {  	s2 =	sld [smem:$0x3FD9]  }
0x89: {  	s3 =	sld [smem:$0x3FFE];
	_ =	sdelay $0x1  }
0x8a: {  	s1 =	srdreg.scid  }
0x8b: {  	s0 =	sand.u32 $0x1, s1  }
0x8c: {  	s16 =	sshll.u32 s0, $0xA;
	s2 =	sadd.s32 s3, s2  }
0x8d: {  	s2 =	sadd.s32 s2, s16  }
0x8e: {  	[smem:$0x3FBE] =	sst s2  }
0x8f: {  	_ = 	snop  }
0x90: {  	(tm) =	ssettm $0x1  }
0x91: {  	s17 =	sld [smem:$0x3FFB];
	_ =	sdelay $0x3  }
0x92: {  	_ =	strace s17  }
0x93: {  	s2 =	sld [smem:$0x3FFC];
	_ =	sdelay $0x3  }
0x94: {  	_ =	strace s2  }
0x95: {  	s2 =	sld [smem:$0x3FFD];
	_ =	sdelay $0x3  }
0x96: {  	_ =	strace s2  }
0x97: {  	_ =	strace $0x8FFFFFFF  }
0x98: {  	s18 =	sld [smem:$0x3FDB];
	_ =	sdelay $0x1  }
0x99: {  	s19 =	simm.s32 $_scs_section_size  }
0x9a: {  	s4 =	simm.s32 $_size__tile_overlayer_lowered;
	s5 =	simm.s32 $_tile_overlayer_lowered  }
0x9b: {  	s22 =	simm.s32 $0x1BFF;
	s21 =	sshll.u32 s5, $0x1;
	s2 =	sadd.s32 s19, s18  }
0x9c: {  	s6 =	simm.s32 $0x0;
	s20 =	sshll.u32 s4, $0x1;
	s4 =	sadd.s32 s21, s2  }
0x9d: {  	[timem:s6], [sflag:s22] =	dma.local [hbm:s4], s20  }
0x9e: {  	_ =	swait.ge [sflag:s22], s20  }
0x9f: {  	s3 =	ssub.s32 $0x0, s20;
	[sflag:s22] =	ssyncset.done $0x0  }
0xa0: {  	[sflag:s22] =	ssyncadd.s32 s3;
	_ =	sdelay $0x1  }
0xa1: {  	s23 =	simm.s32 $0x1B8B  }
0xa2: {  	_ =	swait.ge [sflag:s23], $0x1  }
0xa3: {  	[sflag:s23] =	ssyncset.done $0x0  }
0xa4: {  	s25 =	simm.s32 $0x1B8E;
	s24 =	sld [smem:$0x3FFE];
	[sflag:s23] =	ssyncadd.s32 $0xFFFFFFFF  }
0xa5: {  	s26 =	simm.s32 $execute0_lowered;
	[smem:$0x3FD2] =	sst s25  }
0xa6: {  	s4 =	sshll.u32 s26, $0x1;
	_ =	strace $0x80000046;
	[dreg:$0x1] =	wrdreg $0xFFFFFFFF  }
0xa7: {  	s28 =	simm.s32 $_size_execute0_lowered;
	s2 =	sadd.s32 s2, s4;
	[dreg:$0x0] =	wrdreg $0x0  }
0xa8: {  	s4 =	sshll.u32 s28, $0x1;
	[dreg:$0x2] =	wrdreg s2  }
0xa9: {  	[dreg:$0x3] =	wrdreg s4  }
0xaa: {  	[dreg:$0x4] =	wrdreg $0xC0  }
0xab: {  	_ =	task [dreg:s6], $0x5FFFF  }
0xac: {  	[dreg:$0x1] =	wrdreg $0xFFFFFFFF  }
0xad: {  	[dreg:$0x0] =	wrdreg $0x60  }
0xae: {  	[dreg:$0x2] =	wrdreg s24  }
0xaf: {  	[dreg:$0x3] =	wrdreg $0x188000  }
0xb0: {  	[dreg:$0x4] =	wrdreg $0x0  }
0xb1: {  	[dreg:$0x5] =	wrdreg $0x9  }
0xb2: {  	_ =	task.clear_ibuf [dreg:s6], $0x6FFFF;
	_ =	strace $0x90000046  }
0xb3: {  	s29 =	simm.s32 $0x9;
	_ =	strace $0x80000048  }
0xb4: {  	_ =	swait.ge [sflag:s29], $0x1  }
0xb5: {  	[sflag:s29] =	ssyncadd.s32 $0xFFFFFFFF  }
0xb6: {  	_ =	strace $0x90000048  }
0xb7: {  	_ =	sfence  }
0xb8: {  	s30 =	sld [smem:$0x0];
	_ =	sdelay $0x2  }
0xb9: {  	s31 =	sshll.u32 s1, $0xD;
	s1 =	sshrl.u32 s1, $0x2  }
0xba: {  	s3 =	sand.u32 $0x4000, s31;
	s1 =	sadd.s32 s1, s30  }
0xbb: {  	s0 =	sor.u32 s3, s0;
	s1 =	sshll.u32 s1, $0x11  }
0xbc: {  	s0 =	sor.u32 s1, s0  }
0xbd: {  	s0 =	sadd.s32 $0x8F2B, s0  }
0xbe: {  	[sflag:s0] =	ssyncadd.remote.s32 $0x1  }
0xbf: {  	_ =	sfence.sel $0xFFFF  }
0xc0: {  	[dreg:$0x0] =	wrdreg $0xFFFFFFFF;
	(pc) =	sbr.abs _section_cstart, $3  }
0xc1: {  	[dreg:$0x1] =	wrdreg $0xFFFFFFFF  }
0xc2: {  	_ =	task.clear_ibuf [dreg:s6], $0x2FFFF;
	_ =	strace $0x9FFFFFFF  }
0xc3: {  	(tm) =	ssettm $0x7FFFFFFF  }
tec
execute0_lowered:
.L_overlay_start_1:
0x0: {  	(tag) =	ssettag $0x1  }
0x1: {  	s1 =	rddreg [dreg:$0x0]  }
0x2: {  	s2 =	rddreg [dreg:$0x1]  }
0x3: {  	s3 =	rddreg [dreg:$0x2];
	s10 =	simm.s32 $0x0  }
0x4: {  	s0 =	srdreg.scid;
	s7 =	stileid.u32;
	s19 =	simm.s32 $0x1DD80  }
0x5: {  	s20 =	simm.s32 $0xA;
	s24 =	simm.s32 $0x1;
	s29 =	simm.s32 $0x8  }
0x6: {  	s31 =	simm.s32 $0x80;
	[smem:$0x7FF] =	sst s10;
	s13 =	sadd.s32 $0x126000, s1  }
0x7: {  	s0 =	sand.u32 $0x1, s0;
	s14 =	smul.u32 $0x18800, s7;
	s8 =	sadd.s32 $0x93000, s1  }
0x8: {  	s9 =	sadd.s32 $0x188000, s1;
	s18 =	sadd.s32 $0x27D000, s1;
	_ =	strace $0x80000047  }
0x9: {  	s4 =	smul.u32 $0x188000, s0;
	s5 =	ssub.s32 $0x2, s0;
	[dreg:$0x4] =	wrdreg s13  }
0xa: {  	s12 =	smul.u32 $0x1880, s7;
	[dreg:$0x6] =	wrdreg s18;
	s6 =	sshrl.u32 s5, $0x1  }
0xb: {  	[dreg:$0x5] =	wrdreg s14;
	s25 =	sadd.s32 s14, s4;
	s26 =	ssub.s32 s5, s6  }
0xc: {  	s14 =	smul.u32 $0x18800, s0;
	s0 =	sshll.u32 s0, $0x4;
	[dreg:$0x7] =	wrdreg s25  }
0xd: {  	s28 =	sshrl.u32 s25, $0x3;
	[dreg:$0x9] =	wrdreg s0;
	s30 =	smax.u32 s26, $0x1  }
0xe: {  	s11 =	sadd.s32 $0x21B000, s1;
	s5 =	sadd.s32 s13, s28;
	[dreg:$0xa] =	wrdreg s30  }
0xf: {  	v1 =	vimm.f32 $1.000000000e+00;
	s15 =	sadd.s32 s12, s2;
	s4 =	simm.s32 $0x0;
	v0 =	vmov s14;
	[dreg:$0x8] =	wrdreg s5  }
.LBB2_1:
0x10: {  	[tilespmem:$0x1DD80] =	vst v1  }
0x11: {  	[tilespmem:$0x1DD90] =	vst v1  }
0x12: {  	[tilespmem:$0x1DDA0] =	vst v1  }
0x13: {  	[tilespmem:$0x1DDB0] =	vst v1  }
0x14: {  	[tilespmem:$0x1DDC0] =	vst v1  }
0x15: {  	[tilespmem:$0x1DDD0] =	vst v1  }
0x16: {  	[tilespmem:$0x1DDE0] =	vst v1  }
0x17: {  	[dreg:$0xb] =	wrdreg s4;
	[tilespmem:$0x1DDF0] =	vst v1;
	s25 =	simm.s32 $0x0  }
.LBB2_2:
0x18: {  	s0 =	sadd.s32 $0x0, s15  }
0x19: {  	[spmem:s0] =	stream.linear.scatter [tilespmem:s19], [sflag:$0xA], $0x80, $0x38;
	[tilespmem:$0x1DE00] =	vst v63  }
0x1a: {  	s0 =	simm.s32 $0x200;
	_ =	swait.ge [sflag:s20], $0x80  }
.LBB2_3:
0x1b: {  	s4 =	sshra.s32 s0, $0x2;
	[sflag:s20] =	ssyncset.done $0x0;
	p0 =	sne.s32 s0, $0x6000  }
.Ltmp0:
0x1c: {  	s4 =	sadd.s32 s4, s15;
	[sflag:s20] =	ssyncadd.s32 $0xFFFFFF80;
	(pc) =	sbr.rel @p0 .LBB2_3-.Ltmp0, $3  }
0x1d: {  	[spmem:s4] =	stream.linear.scatter [tilespmem:s19], [sflag:$0xA], $0x80, $0x38;
	[tilespmem:$0x1DE00] =	vst v63  }
0x1e: {  	s0 =	sadd.s32 $0x200, s0;
	_ =	sdelay $0x1  }
0x1f: {  	_ =	swait.ge [sflag:s20], $0x80  }
0x20: {  	s0 =	smul.u32 $0x188000, s25  }
0x21: {  	s4 =	rddreg [dreg:$0x5]  }
0x22: {  	[dreg:$0xc] =	wrdreg s25;
	[sflag:s20] =	ssyncset.done $0x0;
	s16 =	sadd.s32 s4, s0  }
0x23: {  	s5 =	simm.s32 $0x1A080;
	[sflag:s20] =	ssyncadd.s32 $0xFFFFFF80;
	s4 =	sshrl.u32 s16, $0x3  }
0x24: {  	[bflag:$0x0] =	sbarrier.arrive $0xFFFF;
	s0 =	simm.s32 $0x0;
	s6 =	sadd.s32 s1, s4  }
0x25: {  	[tilespmem:s5], [sflag:$0x1] =	stream.linear.gather [hbm4b:s6+s0], $0x100, $0x38;
	[tilespmem:$0x1DE00] =	vst v63  }
0x26: {  	s28 =	simm.s32 $0x1A280;
	s26 =	sadd.s32 s8, s4;
	[dreg:$0xd] =	wrdreg s6  }
0x27: {  	[tilespmem:s28], [sflag:$0x1] =	stream.linear.gather [hbm4b:s26+s0], $0x100, $0x38;
	[tilespmem:$0x1DE00] =	vst v63  }
0x28: {  	s30 =	simm.s32 $0x1A480;
	s22 =	sadd.s32 s9, s4;
	[dreg:$0xe] =	wrdreg s26  }
0x29: {  	[tilespmem:s30], [sflag:$0x1] =	stream.linear.gather [hbm4b:s22+s0], $0x100, $0x38;
	[tilespmem:$0x1DE00] =	vst v63  }
.LBB2_6:
0x2a: {  	_ =	swait.ge [sflag:s24], $0x100  }
0x2b: {  	[sflag:s24] =	ssyncset.done $0x0  }
0x2c: {  	s5 =	smov.u32 s0;
	s0 =	sadd.s32 $0x1, s0;
	[sflag:s24] =	ssyncadd.s32 $0xFFFFFF00  }
0x2d: {  	p0 =	seq.s32 s5, $0x187;
	s6 =	sand.u32 $0x1, s5;
	_ =	swait.ge [sflag:s24], $0x100  }
0x2e: {  	s7 =	sshll.u32 @!p0 s0, $0x8;
	s4 =	sshll.u32 @!p0 s6, $0x8;
	[sflag:s24] =	ssyncset.done $0x0  }
0x2f: {  	s25 =	simm.s32 @!p0 $0x0;
	p1 =	slt.u32 @!p0 s5, $0x2;
	[sflag:s24] =	ssyncadd.s32 $0xFFFFFF00  }
0x30: {  	s7 =	sadd.s32 @!p0 s16, s7;
	s13 =	sxor.u32 @!p0 $0x100, s4;
	_ =	swait.ge [sflag:s24], $0x100  }
0x31: {  	p1 =	por p0, !p1;
	s7 =	sshrl.u32 @!p0 s7, $0x3;
	[sflag:s24] =	ssyncset.done $0x0  }
0x32: {  	s18 =	sor.u32 @!p0 $0x1A080, s13;
	s23 =	sadd.s32 @!p0 s1, s7;
	[sflag:s24] =	ssyncadd.s32 $0xFFFFFF00  }
0x33: {  	[tilespmem:s18], [sflag:$0x1] =	stream.linear.gather @!p0 [hbm4b:s23+s25], $0x100, $0x38;
	[tilespmem:$0x1DE00] =	vst v63  }
.Ltmp1:
0x34: {  	_ = 	snop;
	(pc) =	sbr.rel @!p1 .LBB2_8-.Ltmp1, $4  }
0x35: {  	s18 =	sor.u32 @!p0 $0x1A280, s13;
	s23 =	sadd.s32 @!p0 s8, s7  }
0x36: {  	[tilespmem:s18], [sflag:$0x1] =	stream.linear.gather @!p0 [hbm4b:s23+s25], $0x100, $0x38;
	[tilespmem:$0x1DE00] =	vst v63  }
0x37: {  	s6 =	sor.u32 $0x6, s6;
	s13 =	sor.u32 @!p0 $0x1A480, s13;
	s7 =	sadd.s32 @!p0 s9, s7  }
0x38: {  	[tilespmem:s13], [sflag:$0x1] =	stream.linear.gather @!p0 [hbm4b:s7+s25], $0x100, $0x38;
	[tilespmem:$0x1DE00] =	vst v63  }
0x39: {  	_ =	swait.ge [sflag:s6], $0x80  }
0x3a: {  	[sflag:s6] =	ssyncset.done $0x0  }
0x3b: {  	[sflag:s6] =	ssyncadd.s32 $0xFFFFFF80  }
0x3c: {  	_ =	swait.ge [sflag:s6], $0x80  }
0x3d: {  	[sflag:s6] =	ssyncset.done $0x0  }
0x3e: {  	s4 =	simm.s32 @p0 $0x100;
	[sflag:s6] =	ssyncadd.s32 $0xFFFFFF80  }
.LBB2_8:
0x3f: {  	s7 =	sor.u32 $0x10, s4;
	s13 =	sor.u32 $0x20, s4;
	s18 =	sor.u32 $0x30, s4  }
0x40: {  	s23 =	sor.u32 $0x40, s4;
	s25 =	sor.u32 $0x50, s4;
	s26 =	sor.u32 $0x60, s4  }
0x41: {  	s28 =	sor.u32 $0x70, s4;
	s30 =	simm.s32 $0x0;
	p0 =	por $0x1, $0x1  }
.LBB2_9:
0x42: {  	s5 =	sor.u32 s4, s30  }
0x43: {  	v2 =	vld [tilespmem:s5+$0x1A080]  }
0x44: {  	v3 =	vld [tilespmem:s5+$0x1A280]  }
0x45: {  	v4 =	vld [tilespmem:s5+$0x1A480];
	_ =	sdelay $0x3  }
0x46: {  	vm0 =	veq.s32 v2, v3  }
0x47: {  	[tilespmem:s5+$0x1A880] =	vst v3;
	v2 =	vsel vm0, $0x0, v4  }
0x48: {  	s17 =	sor.u32 s7, s30;
	[tilespmem:s5+$0x1AA80] =	vst v2  }
0x49: {  	v2 =	vld [tilespmem:s17+$0x1A080]  }
0x4a: {  	v3 =	vld [tilespmem:s17+$0x1A280]  }
0x4b: {  	v57 =	vld [tilespmem:s17+$0x1A480];
	_ =	sdelay $0x3  }
0x4c: {  	vm9 =	veq.s32 v2, v3  }
0x4d: {  	[tilespmem:s5+$0x1A890] =	vst v3;
	v2 =	vsel vm9, $0x0, v57  }
0x4e: {  	s21 =	sor.u32 s13, s30;
	[tilespmem:s5+$0x1AA90] =	vst v2  }
0x4f: {  	v2 =	vld [tilespmem:s21+$0x1A080]  }
0x50: {  	v3 =	vld [tilespmem:s21+$0x1A280]  }
0x51: {  	v58 =	vld [tilespmem:s21+$0x1A480];
	_ =	sdelay $0x3  }
0x52: {  	vm10 =	veq.s32 v2, v3  }
0x53: {  	[tilespmem:s5+$0x1A8A0] =	vst v3;
	v2 =	vsel vm10, $0x0, v58  }
0x54: {  	s21 =	sor.u32 s18, s30;
	[tilespmem:s5+$0x1AAA0] =	vst v2  }
0x55: {  	v2 =	vld [tilespmem:s21+$0x1A080]  }
0x56: {  	v3 =	vld [tilespmem:s21+$0x1A280]  }
0x57: {  	v59 =	vld [tilespmem:s21+$0x1A480];
	_ =	sdelay $0x3  }
0x58: {  	vm11 =	veq.s32 v2, v3  }
0x59: {  	[tilespmem:s5+$0x1A8B0] =	vst v3;
	v2 =	vsel vm11, $0x0, v59  }
0x5a: {  	s21 =	sor.u32 s23, s30;
	[tilespmem:s5+$0x1AAB0] =	vst v2  }
0x5b: {  	v2 =	vld [tilespmem:s21+$0x1A080]  }
0x5c: {  	v3 =	vld [tilespmem:s21+$0x1A280]  }
0x5d: {  	v60 =	vld [tilespmem:s21+$0x1A480];
	_ =	sdelay $0x3  }
0x5e: {  	vm12 =	veq.s32 v2, v3  }
0x5f: {  	[tilespmem:s5+$0x1A8C0] =	vst v3;
	v2 =	vsel vm12, $0x0, v60  }
0x60: {  	s21 =	sor.u32 s25, s30;
	[tilespmem:s5+$0x1AAC0] =	vst v2  }
0x61: {  	v2 =	vld [tilespmem:s21+$0x1A080]  }
0x62: {  	v3 =	vld [tilespmem:s21+$0x1A280]  }
0x63: {  	v61 =	vld [tilespmem:s21+$0x1A480];
	_ =	sdelay $0x3  }
0x64: {  	vm13 =	veq.s32 v2, v3  }
0x65: {  	[tilespmem:s5+$0x1A8D0] =	vst v3;
	v2 =	vsel vm13, $0x0, v61  }
0x66: {  	s21 =	sor.u32 s26, s30;
	[tilespmem:s5+$0x1AAD0] =	vst v2  }
0x67: {  	v2 =	vld [tilespmem:s21+$0x1A080]  }
0x68: {  	v3 =	vld [tilespmem:s21+$0x1A280]  }
0x69: {  	v62 =	vld [tilespmem:s21+$0x1A480];
	_ =	sdelay $0x3  }
0x6a: {  	vm14 =	veq.s32 v2, v3  }
0x6b: {  	[tilespmem:s5+$0x1A8E0] =	vst v3;
	v2 =	vsel vm14, $0x0, v62  }
0x6c: {  	s21 =	sor.u32 s28, s30;
	[tilespmem:s5+$0x1AAE0] =	vst v2  }
0x6d: {  	v2 =	vld [tilespmem:s21+$0x1A080]  }
0x6e: {  	v3 =	vld [tilespmem:s21+$0x1A280]  }
0x6f: {  	v63 =	vld [tilespmem:s21+$0x1A480];
	_ =	sdelay $0x1  }
0x70: {  	p1 =	por p0, p0  }
.Ltmp2:
0x71: {  	_ = 	snop;
	(pc) =	sbr.rel @p1 .LBB2_9-.Ltmp2, $4  }
0x72: {  	vm15 =	veq.s32 v2, v3  }
0x73: {  	p0 =	por $0x0, $0x0;
	[tilespmem:s5+$0x1A8F0] =	vst v3;
	v2 =	vsel vm15, $0x0, v63  }
0x74: {  	s17 =	sadd.s32 $0x1AA80, s5;
	s30 =	simm.s32 $0x80;
	s21 =	sadd.s32 $0x1A880, s5;
	[tilespmem:s5+$0x1AAF0] =	vst v2  }
0x75: {  	[spmem:s2] =	stream.indirect.scatter.add.f32 [tilespmem:s17], [sflag:s6], $0x1, s21, s30, $0xb8;
	[tilespmem:$0x1DE00] =	vst v63  }
0x76: {  	p0 =	seq.s32 s0, $0x188  }
.Ltmp3:
0x77: {  	_ = 	snop;
	(pc) =	sbr.rel @!p0 .LBB2_6-.Ltmp3, $1  }
0x78: {  	_ =	sdelay $0x3  }
0x79: {  	s0 =	simm.s32 $0x6  }
0x7a: {  	_ =	swait.ge [sflag:s0], $0x80  }
0x7b: {  	[sflag:s0] =	ssyncset.done $0x0  }
0x7c: {  	[sflag:s0] =	ssyncadd.s32 $0xFFFFFF80  }
0x7d: {  	_ =	swait.ge [sflag:s0], $0x80  }
0x7e: {  	[sflag:s0] =	ssyncset.done $0x0  }
0x7f: {  	s30 =	simm.s32 $0x7;
	[sflag:s0] =	ssyncadd.s32 $0xFFFFFF80  }
0x80: {  	_ =	swait.ge [sflag:s30], $0x80  }
0x81: {  	[sflag:s30] =	ssyncset.done $0x0  }
0x82: {  	[sflag:s30] =	ssyncadd.s32 $0xFFFFFF80  }
0x83: {  	_ =	swait.ge [sflag:s30], $0x80  }
0x84: {  	[sflag:s30] =	ssyncset.done $0x0  }
0x85: {  	[sflag:s30] =	ssyncadd.s32 $0xFFFFFF80  }
0x86: {  	[bflag:$0x0] =	sbarrier.arrive $0xFFFF  }
0x87: {  	s4 =	rddreg [dreg:$0x8]  }
0x88: {  	s6 =	rddreg [dreg:$0x4]  }
0x89: {  	s5 =	simm.s32 $0x1CC80;
	s0 =	simm.s32 $0x0;
	s7 =	rddreg [dreg:$0x7]  }
0x8a: {  	[tilespmem:s5], [sflag:$0x8] =	stream.linear.gather [hbm4b:s4+s0], $0x800, $0x38;
	[tilespmem:$0x1DE00] =	vst v63  }
.LBB2_11:
0x8b: {  	p0 =	seq.s32 s0, $0x0  }
0x8c: {  	p1 =	seq.s32 @!p0 s0, $0x30  }
0x8d: {  	_ =	swait.ge [sflag:s29], $0x800;
	p1 =	por p0, !p1  }
.Ltmp4:
0x8e: {  	[sflag:s29] =	ssyncset.done $0x0;
	(pc) =	sbr.rel @!p1 .LBB2_13-.Ltmp4, $4  }
0x8f: {  	s4 =	simm.s32 @!p0 $0x9;
	[sflag:s29] =	ssyncadd.s32 $0xFFFFF800  }
0x90: {  	_ =	swait.ge @!p0 [sflag:s4], $0x800  }
0x91: {  	[sflag:s4] =	ssyncset.done @!p0 $0x0  }
0x92: {  	s26 =	sand.u32 $0x1, s0;
	s23 =	simm.s32 @!p0 $0x31;
	[sflag:s4] =	ssyncadd.s32 @!p0 $0xFFFFF800  }
0x93: {  	s23 =	sadd.s32 @!p0 $0x1, s0  }
0x94: {  	s23 =	simm.s32 @p0 $0x1  }
0x95: {  	s4 =	sshll.u32 s23, $0xB  }
0x96: {  	s5 =	sshll.u32 s26, $0xB;
	s4 =	sadd.s32 s4, s7  }
0x97: {  	s5 =	sxor.u32 $0x800, s5;
	s4 =	sshrl.u32 s4, $0x3  }
0x98: {  	s5 =	sadd.s32 $0x1CC80, s5;
	s4 =	sadd.s32 s6, s4  }
0x99: {  	[tilespmem:s5], [sflag:$0x8] =	stream.linear.gather [hbm4b:s4+s10], $0x800, $0x38;
	[tilespmem:$0x1DE00] =	vst v63  }
.LBB2_13:
0x9a: {  	s0 =	sshll.u32 s0, $0x7  }
0x9b: {  	s4 =	sshll.u32 s26, $0x7;
	s25 =	sadd.s32 s12, s0  }
0x9c: {  	s21 =	sadd.s32 $0x1DC80, s4;
	s30 =	sadd.s32 s25, s2  }
0x9d: {  	[tilespmem:s21], [sflag:$0xA] =	stream.linear.gather [spmem:s30], $0x80, $0x38;
	[tilespmem:$0x1DE00] =	vst v63  }
0x9e: {  	_ =	swait.ge [sflag:s20], $0x80  }
0x9f: {  	[sflag:s20] =	ssyncset.done $0x0  }
0xa0: {  	[sflag:s20] =	ssyncadd.s32 $0xFFFFFF80  }
0xa1: {  	v2 =	vld [tilespmem:s4+$0x1DC80];
	_ =	sdelay $0x4  }
0xa2: {  	v3 =	vmul.f32 $2.500000000e-01, v2;
	_ =	sdelay $0x1  }
0xa3: {  	v3 =	vadd.f32 $1.000000000e+00, v3;
	_ =	sdelay $0x1  }
0xa4: {  	(erf) = vrcp.f32 v3;
	_ =	sdelay $0x8  }
0xa5: {  	v4 =	vpop (erf)  }
0xa6: {  	v4 =	vmul.f32 v4, v2;
	_ =	sdelay $0x1  }
0xa7: {  	v3 =	vadd.f32 v4, v3;
	_ =	sdelay $0x1  }
0xa8: {  	v3 =	vmul.f32 $5.000000000e-01, v3;
	_ =	sdelay $0x1  }
0xa9: {  	(erf) = vrcp.f32 v3;
	_ =	sdelay $0x8  }
0xaa: {  	v17 =	vpop (erf)  }
0xab: {  	v4 =	vmul.f32 v17, v2;
	_ =	sdelay $0x1  }
0xac: {  	v3 =	vadd.f32 v4, v3;
	_ =	sdelay $0x1  }
0xad: {  	v3 =	vmul.f32 $5.000000000e-01, v3;
	_ =	sdelay $0x1  }
0xae: {  	(erf) = vrcp.f32 v3;
	_ =	sdelay $0x8  }
0xaf: {  	v18 =	vpop (erf)  }
0xb0: {  	v4 =	vmul.f32 v18, v2;
	_ =	sdelay $0x1  }
0xb1: {  	v3 =	vadd.f32 v4, v3;
	_ =	sdelay $0x1  }
0xb2: {  	v3 =	vmul.f32 $5.000000000e-01, v3;
	_ =	sdelay $0x1  }
0xb3: {  	(erf) = vrcp.f32 v3;
	_ =	sdelay $0x8  }
0xb4: {  	v19 =	vpop (erf)  }
0xb5: {  	v4 =	vmul.f32 v19, v2;
	_ =	sdelay $0x1  }
0xb6: {  	v3 =	vadd.f32 v4, v3;
	_ =	sdelay $0x1  }
0xb7: {  	v3 =	vmul.f32 $5.000000000e-01, v3;
	_ =	sdelay $0x1  }
0xb8: {  	(erf) = vrcp.f32 v3;
	_ =	sdelay $0x8  }
0xb9: {  	v20 =	vpop (erf)  }
0xba: {  	v4 =	vmul.f32 v20, v2;
	_ =	sdelay $0x1  }
0xbb: {  	v3 =	vadd.f32 v4, v3;
	_ =	sdelay $0x1  }
0xbc: {  	v3 =	vmul.f32 $5.000000000e-01, v3;
	_ =	sdelay $0x1  }
0xbd: {  	(erf) = vrcp.f32 v3;
	_ =	sdelay $0x8  }
0xbe: {  	v21 =	vpop (erf)  }
0xbf: {  	v4 =	vmul.f32 v21, v2;
	_ =	sdelay $0x1  }
0xc0: {  	v3 =	vadd.f32 v4, v3;
	_ =	sdelay $0x1  }
0xc1: {  	v3 =	vmul.f32 $5.000000000e-01, v3;
	_ =	sdelay $0x1  }
0xc2: {  	(erf) = vrcp.f32 v3;
	_ =	sdelay $0x8  }
0xc3: {  	v22 =	vpop (erf)  }
0xc4: {  	v4 =	vmul.f32 v22, v2;
	_ =	sdelay $0x1  }
0xc5: {  	v3 =	vadd.f32 v4, v3;
	_ =	sdelay $0x1  }
0xc6: {  	v3 =	vmul.f32 $5.000000000e-01, v3;
	_ =	sdelay $0x1  }
0xc7: {  	(erf) = vrcp.f32 v3;
	_ =	sdelay $0x7  }
0xc8: {  	v23 =	vld [tilespmem:s4+$0x1DC90]  }
0xc9: {  	v5 =	vpop (erf)  }
0xca: {  	v2 =	vmul.f32 v5, v2;
	_ =	sdelay $0x1  }
0xcb: {  	v2 =	vadd.f32 v2, v3  }
0xcc: {  	v3 =	vmul.f32 $2.500000000e-01, v23  }
0xcd: {  	v2 =	vmul.f32 $5.000000000e-01, v2  }
0xce: {  	v3 =	vadd.f32 $1.000000000e+00, v3  }
0xcf: {  	(erf) = vrcp.f32 v2  }
0xd0: {  	(erf) = vrcp.f32 v3;
	_ =	sdelay $0x7  }
0xd1: {  	v2 =	vpop (erf)  }
0xd2: {  	v24 =	vpop (erf)  }
0xd3: {  	v5 =	vmul.f32 v24, v23;
	_ =	sdelay $0x1  }
0xd4: {  	v3 =	vadd.f32 v5, v3;
	_ =	sdelay $0x1  }
0xd5: {  	v3 =	vmul.f32 $5.000000000e-01, v3;
	_ =	sdelay $0x1  }
0xd6: {  	(erf) = vrcp.f32 v3;
	_ =	sdelay $0x8  }
0xd7: {  	v25 =	vpop (erf)  }
0xd8: {  	v5 =	vmul.f32 v25, v23;
	_ =	sdelay $0x1  }
0xd9: {  	v3 =	vadd.f32 v5, v3;
	_ =	sdelay $0x1  }
0xda: {  	v3 =	vmul.f32 $5.000000000e-01, v3;
	_ =	sdelay $0x1  }
0xdb: {  	(erf) = vrcp.f32 v3;
	_ =	sdelay $0x8  }
0xdc: {  	v26 =	vpop (erf)  }
0xdd: {  	v5 =	vmul.f32 v26, v23;
	_ =	sdelay $0x1  }
0xde: {  	v3 =	vadd.f32 v5, v3;
	_ =	sdelay $0x1  }
0xdf: {  	v3 =	vmul.f32 $5.000000000e-01, v3;
	_ =	sdelay $0x1  }
0xe0: {  	(erf) = vrcp.f32 v3;
	_ =	sdelay $0x8  }
0xe1: {  	v27 =	vpop (erf)  }
0xe2: {  	v5 =	vmul.f32 v27, v23;
	_ =	sdelay $0x1  }
0xe3: {  	v3 =	vadd.f32 v5, v3;
	_ =	sdelay $0x1  }
0xe4: {  	v3 =	vmul.f32 $5.000000000e-01, v3;
	_ =	sdelay $0x1  }
0xe5: {  	(erf) = vrcp.f32 v3;
	_ =	sdelay $0x8  }
0xe6: {  	v28 =	vpop (erf)  }
0xe7: {  	v5 =	vmul.f32 v28, v23;
	_ =	sdelay $0x1  }
0xe8: {  	v3 =	vadd.f32 v5, v3;
	_ =	sdelay $0x1  }
0xe9: {  	v3 =	vmul.f32 $5.000000000e-01, v3;
	_ =	sdelay $0x1  }
0xea: {  	(erf) = vrcp.f32 v3;
	_ =	sdelay $0x8  }
0xeb: {  	v29 =	vpop (erf)  }
0xec: {  	v5 =	vmul.f32 v29, v23;
	_ =	sdelay $0x1  }
0xed: {  	v3 =	vadd.f32 v5, v3;
	_ =	sdelay $0x1  }
0xee: {  	v3 =	vmul.f32 $5.000000000e-01, v3;
	_ =	sdelay $0x1  }
0xef: {  	(erf) = vrcp.f32 v3;
	_ =	sdelay $0x8  }
0xf0: {  	v30 =	vpop (erf)  }
0xf1: {  	v5 =	vmul.f32 v30, v23;
	_ =	sdelay $0x1  }
0xf2: {  	v3 =	vadd.f32 v5, v3;
	_ =	sdelay $0x1  }
0xf3: {  	v3 =	vmul.f32 $5.000000000e-01, v3;
	_ =	sdelay $0x1  }
0xf4: {  	(erf) = vrcp.f32 v3;
	_ =	sdelay $0x7  }
0xf5: {  	v31 =	vld [tilespmem:s4+$0x1DCA0]  }
0xf6: {  	v6 =	vpop (erf)  }
0xf7: {  	v4 =	vmul.f32 v6, v23;
	_ =	sdelay $0x1  }
0xf8: {  	v3 =	vadd.f32 v4, v3  }
0xf9: {  	v32 =	vmul.f32 $2.500000000e-01, v31  }
0xfa: {  	v3 =	vmul.f32 $5.000000000e-01, v3  }
0xfb: {  	v4 =	vadd.f32 $1.000000000e+00, v32  }
0xfc: {  	(erf) = vrcp.f32 v3  }
0xfd: {  	(erf) = vrcp.f32 v4;
	_ =	sdelay $0x7  }
0xfe: {  	v3 =	vpop (erf)  }
0xff: {  	v33 =	vpop (erf)  }
0x100: {  	v6 =	vmul.f32 v33, v31;
	_ =	sdelay $0x1  }
0x101: {  	v4 =	vadd.f32 v6, v4;
	_ =	sdelay $0x1  }
0x102: {  	v4 =	vmul.f32 $5.000000000e-01, v4;
	_ =	sdelay $0x1  }
0x103: {  	(erf) = vrcp.f32 v4;
	_ =	sdelay $0x8  }
0x104: {  	v34 =	vpop (erf)  }
0x105: {  	v6 =	vmul.f32 v34, v31;
	_ =	sdelay $0x1  }
0x106: {  	v4 =	vadd.f32 v6, v4;
	_ =	sdelay $0x1  }
0x107: {  	v4 =	vmul.f32 $5.000000000e-01, v4;
	_ =	sdelay $0x1  }
0x108: {  	(erf) = vrcp.f32 v4;
	_ =	sdelay $0x8  }
0x109: {  	v35 =	vpop (erf)  }
0x10a: {  	v6 =	vmul.f32 v35, v31;
	_ =	sdelay $0x1  }
0x10b: {  	v4 =	vadd.f32 v6, v4;
	_ =	sdelay $0x1  }
0x10c: {  	v4 =	vmul.f32 $5.000000000e-01, v4;
	_ =	sdelay $0x1  }
0x10d: {  	(erf) = vrcp.f32 v4;
	_ =	sdelay $0x8  }
0x10e: {  	v36 =	vpop (erf)  }
0x10f: {  	v6 =	vmul.f32 v36, v31;
	_ =	sdelay $0x1  }
0x110: {  	v4 =	vadd.f32 v6, v4;
	_ =	sdelay $0x1  }
0x111: {  	v4 =	vmul.f32 $5.000000000e-01, v4;
	_ =	sdelay $0x1  }
0x112: {  	(erf) = vrcp.f32 v4;
	_ =	sdelay $0x8  }
0x113: {  	v37 =	vpop (erf)  }
0x114: {  	v6 =	vmul.f32 v37, v31;
	_ =	sdelay $0x1  }
0x115: {  	v4 =	vadd.f32 v6, v4;
	_ =	sdelay $0x1  }
0x116: {  	v4 =	vmul.f32 $5.000000000e-01, v4;
	_ =	sdelay $0x1  }
0x117: {  	(erf) = vrcp.f32 v4;
	_ =	sdelay $0x8  }
0x118: {  	v38 =	vpop (erf)  }
0x119: {  	v6 =	vmul.f32 v38, v31;
	_ =	sdelay $0x1  }
0x11a: {  	v4 =	vadd.f32 v6, v4;
	_ =	sdelay $0x1  }
0x11b: {  	v4 =	vmul.f32 $5.000000000e-01, v4;
	_ =	sdelay $0x1  }
0x11c: {  	(erf) = vrcp.f32 v4;
	_ =	sdelay $0x8  }
0x11d: {  	v39 =	vpop (erf)  }
0x11e: {  	v6 =	vmul.f32 v39, v31;
	_ =	sdelay $0x1  }
0x11f: {  	v4 =	vadd.f32 v6, v4;
	_ =	sdelay $0x1  }
0x120: {  	v4 =	vmul.f32 $5.000000000e-01, v4;
	_ =	sdelay $0x1  }
0x121: {  	(erf) = vrcp.f32 v4;
	_ =	sdelay $0x7  }
0x122: {  	v40 =	vld [tilespmem:s4+$0x1DCB0]  }
0x123: {  	v7 =	vpop (erf)  }
0x124: {  	v5 =	vmul.f32 v7, v31;
	_ =	sdelay $0x1  }
0x125: {  	v4 =	vadd.f32 v5, v4  }
0x126: {  	v41 =	vmul.f32 $2.500000000e-01, v40  }
0x127: {  	v4 =	vmul.f32 $5.000000000e-01, v4  }
0x128: {  	v5 =	vadd.f32 $1.000000000e+00, v41  }
0x129: {  	(erf) = vrcp.f32 v4  }
0x12a: {  	(erf) = vrcp.f32 v5;
	_ =	sdelay $0x7  }
0x12b: {  	v4 =	vpop (erf)  }
0x12c: {  	v42 =	vpop (erf)  }
0x12d: {  	v7 =	vmul.f32 v42, v40;
	_ =	sdelay $0x1  }
0x12e: {  	v5 =	vadd.f32 v7, v5;
	_ =	sdelay $0x1  }
0x12f: {  	v5 =	vmul.f32 $5.000000000e-01, v5;
	_ =	sdelay $0x1  }
0x130: {  	(erf) = vrcp.f32 v5;
	_ =	sdelay $0x8  }
0x131: {  	v43 =	vpop (erf)  }
0x132: {  	v7 =	vmul.f32 v43, v40;
	_ =	sdelay $0x1  }
0x133: {  	v5 =	vadd.f32 v7, v5;
	_ =	sdelay $0x1  }
0x134: {  	v5 =	vmul.f32 $5.000000000e-01, v5;
	_ =	sdelay $0x1  }
0x135: {  	(erf) = vrcp.f32 v5;
	_ =	sdelay $0x8  }
0x136: {  	v44 =	vpop (erf)  }
0x137: {  	v7 =	vmul.f32 v44, v40;
	_ =	sdelay $0x1  }
0x138: {  	v5 =	vadd.f32 v7, v5;
	_ =	sdelay $0x1  }
0x139: {  	v5 =	vmul.f32 $5.000000000e-01, v5;
	_ =	sdelay $0x1  }
0x13a: {  	(erf) = vrcp.f32 v5;
	_ =	sdelay $0x8  }
0x13b: {  	v45 =	vpop (erf)  }
0x13c: {  	v7 =	vmul.f32 v45, v40;
	_ =	sdelay $0x1  }
0x13d: {  	v5 =	vadd.f32 v7, v5;
	_ =	sdelay $0x1  }
0x13e: {  	v5 =	vmul.f32 $5.000000000e-01, v5;
	_ =	sdelay $0x1  }
0x13f: {  	(erf) = vrcp.f32 v5;
	_ =	sdelay $0x8  }
0x140: {  	v46 =	vpop (erf)  }
0x141: {  	v7 =	vmul.f32 v46, v40;
	_ =	sdelay $0x1  }
0x142: {  	v5 =	vadd.f32 v7, v5;
	_ =	sdelay $0x1  }
0x143: {  	v5 =	vmul.f32 $5.000000000e-01, v5;
	_ =	sdelay $0x1  }
0x144: {  	(erf) = vrcp.f32 v5;
	_ =	sdelay $0x8  }
0x145: {  	v47 =	vpop (erf)  }
0x146: {  	v7 =	vmul.f32 v47, v40;
	_ =	sdelay $0x1  }
0x147: {  	v5 =	vadd.f32 v7, v5;
	_ =	sdelay $0x1  }
0x148: {  	v5 =	vmul.f32 $5.000000000e-01, v5;
	_ =	sdelay $0x1  }
0x149: {  	(erf) = vrcp.f32 v5;
	_ =	sdelay $0x8  }
0x14a: {  	v48 =	vpop (erf)  }
0x14b: {  	v7 =	vmul.f32 v48, v40;
	_ =	sdelay $0x1  }
0x14c: {  	v5 =	vadd.f32 v7, v5;
	_ =	sdelay $0x1  }
0x14d: {  	v5 =	vmul.f32 $5.000000000e-01, v5;
	_ =	sdelay $0x1  }
0x14e: {  	(erf) = vrcp.f32 v5;
	_ =	sdelay $0x7  }
0x14f: {  	v49 =	vld [tilespmem:s4+$0x1DCC0]  }
0x150: {  	v8 =	vpop (erf)  }
0x151: {  	v6 =	vmul.f32 v8, v40;
	_ =	sdelay $0x1  }
0x152: {  	v5 =	vadd.f32 v6, v5  }
0x153: {  	v50 =	vmul.f32 $2.500000000e-01, v49  }
0x154: {  	v5 =	vmul.f32 $5.000000000e-01, v5  }
0x155: {  	v6 =	vadd.f32 $1.000000000e+00, v50  }
0x156: {  	(erf) = vrcp.f32 v5  }
0x157: {  	(erf) = vrcp.f32 v6;
	_ =	sdelay $0x7  }
0x158: {  	v5 =	vpop (erf)  }
0x159: {  	v51 =	vpop (erf)  }
0x15a: {  	v8 =	vmul.f32 v51, v49;
	_ =	sdelay $0x1  }
0x15b: {  	v6 =	vadd.f32 v8, v6;
	_ =	sdelay $0x1  }
0x15c: {  	v6 =	vmul.f32 $5.000000000e-01, v6;
	_ =	sdelay $0x1  }
0x15d: {  	(erf) = vrcp.f32 v6;
	_ =	sdelay $0x8  }
0x15e: {  	v52 =	vpop (erf)  }
0x15f: {  	v8 =	vmul.f32 v52, v49;
	_ =	sdelay $0x1  }
0x160: {  	v6 =	vadd.f32 v8, v6;
	_ =	sdelay $0x1  }
0x161: {  	v6 =	vmul.f32 $5.000000000e-01, v6;
	_ =	sdelay $0x1  }
0x162: {  	(erf) = vrcp.f32 v6;
	_ =	sdelay $0x8  }
0x163: {  	v53 =	vpop (erf)  }
0x164: {  	v8 =	vmul.f32 v53, v49;
	_ =	sdelay $0x1  }
0x165: {  	v6 =	vadd.f32 v8, v6;
	_ =	sdelay $0x1  }
0x166: {  	v6 =	vmul.f32 $5.000000000e-01, v6;
	_ =	sdelay $0x1  }
0x167: {  	(erf) = vrcp.f32 v6;
	_ =	sdelay $0x8  }
0x168: {  	v54 =	vpop (erf)  }
0x169: {  	v8 =	vmul.f32 v54, v49;
	_ =	sdelay $0x1  }
0x16a: {  	v6 =	vadd.f32 v8, v6;
	_ =	sdelay $0x1  }
0x16b: {  	v6 =	vmul.f32 $5.000000000e-01, v6;
	_ =	sdelay $0x1  }
0x16c: {  	(erf) = vrcp.f32 v6;
	_ =	sdelay $0x8  }
0x16d: {  	v55 =	vpop (erf)  }
0x16e: {  	v8 =	vmul.f32 v55, v49;
	_ =	sdelay $0x1  }
0x16f: {  	v6 =	vadd.f32 v8, v6;
	_ =	sdelay $0x1  }
0x170: {  	v6 =	vmul.f32 $5.000000000e-01, v6;
	_ =	sdelay $0x1  }
0x171: {  	(erf) = vrcp.f32 v6;
	_ =	sdelay $0x8  }
0x172: {  	v56 =	vpop (erf)  }
0x173: {  	v8 =	vmul.f32 v56, v49;
	_ =	sdelay $0x1  }
0x174: {  	v6 =	vadd.f32 v8, v6;
	_ =	sdelay $0x1  }
0x175: {  	v6 =	vmul.f32 $5.000000000e-01, v6;
	_ =	sdelay $0x1  }
0x176: {  	(erf) = vrcp.f32 v6;
	_ =	sdelay $0x8  }
0x177: {  	v57 =	vpop (erf)  }
0x178: {  	v8 =	vmul.f32 v57, v49;
	_ =	sdelay $0x1  }
0x179: {  	v6 =	vadd.f32 v8, v6;
	_ =	sdelay $0x1  }
0x17a: {  	v6 =	vmul.f32 $5.000000000e-01, v6;
	_ =	sdelay $0x1  }
0x17b: {  	(erf) = vrcp.f32 v6;
	_ =	sdelay $0x7  }
0x17c: {  	v58 =	vld [tilespmem:s4+$0x1DCD0]  }
0x17d: {  	v9 =	vpop (erf)  }
0x17e: {  	v7 =	vmul.f32 v9, v49;
	_ =	sdelay $0x1  }
0x17f: {  	v6 =	vadd.f32 v7, v6  }
0x180: {  	v59 =	vmul.f32 $2.500000000e-01, v58  }
0x181: {  	v6 =	vmul.f32 $5.000000000e-01, v6  }
0x182: {  	v7 =	vadd.f32 $1.000000000e+00, v59  }
0x183: {  	(erf) = vrcp.f32 v6  }
0x184: {  	(erf) = vrcp.f32 v7;
	_ =	sdelay $0x7  }
0x185: {  	v6 =	vpop (erf)  }
0x186: {  	v60 =	vpop (erf)  }
0x187: {  	v9 =	vmul.f32 v60, v58;
	_ =	sdelay $0x1  }
0x188: {  	v7 =	vadd.f32 v9, v7;
	_ =	sdelay $0x1  }
0x189: {  	v7 =	vmul.f32 $5.000000000e-01, v7;
	_ =	sdelay $0x1  }
0x18a: {  	(erf) = vrcp.f32 v7;
	_ =	sdelay $0x8  }
0x18b: {  	v61 =	vpop (erf)  }
0x18c: {  	v9 =	vmul.f32 v61, v58;
	_ =	sdelay $0x1  }
0x18d: {  	v7 =	vadd.f32 v9, v7;
	_ =	sdelay $0x1  }
0x18e: {  	v7 =	vmul.f32 $5.000000000e-01, v7;
	_ =	sdelay $0x1  }
0x18f: {  	(erf) = vrcp.f32 v7;
	_ =	sdelay $0x8  }
0x190: {  	v62 =	vpop (erf)  }
0x191: {  	v9 =	vmul.f32 v62, v58;
	_ =	sdelay $0x1  }
0x192: {  	v7 =	vadd.f32 v9, v7;
	_ =	sdelay $0x1  }
0x193: {  	v7 =	vmul.f32 $5.000000000e-01, v7;
	_ =	sdelay $0x1  }
0x194: {  	(erf) = vrcp.f32 v7;
	_ =	sdelay $0x8  }
0x195: {  	v63 =	vpop (erf)  }
0x196: {  	v9 =	vmul.f32 v63, v58;
	_ =	sdelay $0x1  }
0x197: {  	v7 =	vadd.f32 v9, v7;
	_ =	sdelay $0x1  }
0x198: {  	v7 =	vmul.f32 $5.000000000e-01, v7;
	_ =	sdelay $0x1  }
0x199: {  	(erf) = vrcp.f32 v7;
	_ =	sdelay $0x8  }
0x19a: {  	v12 =	vpop (erf)  }
0x19b: {  	v9 =	vmul.f32 v12, v58;
	_ =	sdelay $0x1  }
0x19c: {  	v7 =	vadd.f32 v9, v7;
	_ =	sdelay $0x1  }
0x19d: {  	v7 =	vmul.f32 $5.000000000e-01, v7;
	_ =	sdelay $0x1  }
0x19e: {  	(erf) = vrcp.f32 v7;
	_ =	sdelay $0x8  }
0x19f: {  	v13 =	vpop (erf)  }
0x1a0: {  	v9 =	vmul.f32 v13, v58;
	_ =	sdelay $0x1  }
0x1a1: {  	v7 =	vadd.f32 v9, v7;
	_ =	sdelay $0x1  }
0x1a2: {  	v7 =	vmul.f32 $5.000000000e-01, v7;
	_ =	sdelay $0x1  }
0x1a3: {  	(erf) = vrcp.f32 v7;
	_ =	sdelay $0x8  }
0x1a4: {  	v14 =	vpop (erf)  }
0x1a5: {  	v9 =	vmul.f32 v14, v58;
	_ =	sdelay $0x1  }
0x1a6: {  	v7 =	vadd.f32 v9, v7;
	_ =	sdelay $0x1  }
0x1a7: {  	v7 =	vmul.f32 $5.000000000e-01, v7;
	_ =	sdelay $0x1  }
0x1a8: {  	(erf) = vrcp.f32 v7;
	_ =	sdelay $0x7  }
0x1a9: {  	v15 =	vld [tilespmem:s4+$0x1DCE0]  }
0x1aa: {  	v10 =	vpop (erf)  }
0x1ab: {  	v8 =	vmul.f32 v10, v58;
	_ =	sdelay $0x1  }
0x1ac: {  	v7 =	vadd.f32 v8, v7  }
0x1ad: {  	v16 =	vmul.f32 $2.500000000e-01, v15  }
0x1ae: {  	v7 =	vmul.f32 $5.000000000e-01, v7  }
0x1af: {  	v8 =	vadd.f32 $1.000000000e+00, v16  }
0x1b0: {  	(erf) = vrcp.f32 v7  }
0x1b1: {  	(erf) = vrcp.f32 v8;
	_ =	sdelay $0x7  }
0x1b2: {  	v7 =	vpop (erf)  }
0x1b3: {  	v17 =	vpop (erf)  }
0x1b4: {  	v10 =	vmul.f32 v17, v15;
	_ =	sdelay $0x1  }
0x1b5: {  	v8 =	vadd.f32 v10, v8;
	_ =	sdelay $0x1  }
0x1b6: {  	v8 =	vmul.f32 $5.000000000e-01, v8;
	_ =	sdelay $0x1  }
0x1b7: {  	(erf) = vrcp.f32 v8;
	_ =	sdelay $0x8  }
0x1b8: {  	v18 =	vpop (erf)  }
0x1b9: {  	v10 =	vmul.f32 v18, v15;
	_ =	sdelay $0x1  }
0x1ba: {  	v8 =	vadd.f32 v10, v8;
	_ =	sdelay $0x1  }
0x1bb: {  	v8 =	vmul.f32 $5.000000000e-01, v8;
	_ =	sdelay $0x1  }
0x1bc: {  	(erf) = vrcp.f32 v8;
	_ =	sdelay $0x8  }
0x1bd: {  	v19 =	vpop (erf)  }
0x1be: {  	v10 =	vmul.f32 v19, v15;
	_ =	sdelay $0x1  }
0x1bf: {  	v8 =	vadd.f32 v10, v8;
	_ =	sdelay $0x1  }
0x1c0: {  	v8 =	vmul.f32 $5.000000000e-01, v8;
	_ =	sdelay $0x1  }
0x1c1: {  	(erf) = vrcp.f32 v8;
	_ =	sdelay $0x8  }
0x1c2: {  	v20 =	vpop (erf)  }
0x1c3: {  	v10 =	vmul.f32 v20, v15;
	_ =	sdelay $0x1  }
0x1c4: {  	v8 =	vadd.f32 v10, v8;
	_ =	sdelay $0x1  }
0x1c5: {  	v8 =	vmul.f32 $5.000000000e-01, v8;
	_ =	sdelay $0x1  }
0x1c6: {  	(erf) = vrcp.f32 v8;
	_ =	sdelay $0x8  }
0x1c7: {  	v21 =	vpop (erf)  }
0x1c8: {  	v10 =	vmul.f32 v21, v15;
	_ =	sdelay $0x1  }
0x1c9: {  	v8 =	vadd.f32 v10, v8;
	_ =	sdelay $0x1  }
0x1ca: {  	v8 =	vmul.f32 $5.000000000e-01, v8;
	_ =	sdelay $0x1  }
0x1cb: {  	(erf) = vrcp.f32 v8;
	_ =	sdelay $0x8  }
0x1cc: {  	v22 =	vpop (erf)  }
0x1cd: {  	v10 =	vmul.f32 v22, v15;
	_ =	sdelay $0x1  }
0x1ce: {  	v8 =	vadd.f32 v10, v8;
	_ =	sdelay $0x1  }
0x1cf: {  	v8 =	vmul.f32 $5.000000000e-01, v8;
	_ =	sdelay $0x1  }
0x1d0: {  	(erf) = vrcp.f32 v8;
	_ =	sdelay $0x8  }
0x1d1: {  	v23 =	vpop (erf)  }
0x1d2: {  	v10 =	vmul.f32 v23, v15;
	_ =	sdelay $0x1  }
0x1d3: {  	v8 =	vadd.f32 v10, v8;
	_ =	sdelay $0x1  }
0x1d4: {  	v8 =	vmul.f32 $5.000000000e-01, v8;
	_ =	sdelay $0x1  }
0x1d5: {  	(erf) = vrcp.f32 v8;
	_ =	sdelay $0x7  }
0x1d6: {  	v24 =	vld [tilespmem:s4+$0x1DCF0]  }
0x1d7: {  	v11 =	vpop (erf)  }
0x1d8: {  	v9 =	vmul.f32 v11, v15;
	_ =	sdelay $0x1  }
0x1d9: {  	v8 =	vadd.f32 v9, v8  }
0x1da: {  	v25 =	vmul.f32 $2.500000000e-01, v24  }
0x1db: {  	v8 =	vmul.f32 $5.000000000e-01, v8  }
0x1dc: {  	v9 =	vadd.f32 $1.000000000e+00, v25  }
0x1dd: {  	(erf) = vrcp.f32 v8  }
0x1de: {  	(erf) = vrcp.f32 v9;
	_ =	sdelay $0x7  }
0x1df: {  	v8 =	vpop (erf)  }
0x1e0: {  	v26 =	vpop (erf)  }
0x1e1: {  	v11 =	vmul.f32 v26, v24;
	_ =	sdelay $0x1  }
0x1e2: {  	v9 =	vadd.f32 v11, v9;
	_ =	sdelay $0x1  }
0x1e3: {  	v9 =	vmul.f32 $5.000000000e-01, v9;
	_ =	sdelay $0x1  }
0x1e4: {  	(erf) = vrcp.f32 v9;
	_ =	sdelay $0x8  }
0x1e5: {  	v27 =	vpop (erf)  }
0x1e6: {  	v11 =	vmul.f32 v27, v24;
	_ =	sdelay $0x1  }
0x1e7: {  	v9 =	vadd.f32 v11, v9;
	_ =	sdelay $0x1  }
0x1e8: {  	v9 =	vmul.f32 $5.000000000e-01, v9;
	_ =	sdelay $0x1  }
0x1e9: {  	(erf) = vrcp.f32 v9;
	_ =	sdelay $0x8  }
0x1ea: {  	v28 =	vpop (erf)  }
0x1eb: {  	v11 =	vmul.f32 v28, v24;
	_ =	sdelay $0x1  }
0x1ec: {  	v9 =	vadd.f32 v11, v9;
	_ =	sdelay $0x1  }
0x1ed: {  	v9 =	vmul.f32 $5.000000000e-01, v9;
	_ =	sdelay $0x1  }
0x1ee: {  	(erf) = vrcp.f32 v9;
	_ =	sdelay $0x8  }
0x1ef: {  	v29 =	vpop (erf)  }
0x1f0: {  	v11 =	vmul.f32 v29, v24;
	_ =	sdelay $0x1  }
0x1f1: {  	v9 =	vadd.f32 v11, v9;
	_ =	sdelay $0x1  }
0x1f2: {  	v9 =	vmul.f32 $5.000000000e-01, v9;
	_ =	sdelay $0x1  }
0x1f3: {  	(erf) = vrcp.f32 v9;
	_ =	sdelay $0x8  }
0x1f4: {  	v30 =	vpop (erf)  }
0x1f5: {  	v11 =	vmul.f32 v30, v24;
	_ =	sdelay $0x1  }
0x1f6: {  	v9 =	vadd.f32 v11, v9;
	_ =	sdelay $0x1  }
0x1f7: {  	v9 =	vmul.f32 $5.000000000e-01, v9;
	_ =	sdelay $0x1  }
0x1f8: {  	(erf) = vrcp.f32 v9;
	_ =	sdelay $0x8  }
0x1f9: {  	v31 =	vpop (erf)  }
0x1fa: {  	v11 =	vmul.f32 v31, v24;
	_ =	sdelay $0x1  }
0x1fb: {  	v9 =	vadd.f32 v11, v9;
	_ =	sdelay $0x1  }
0x1fc: {  	v9 =	vmul.f32 $5.000000000e-01, v9;
	_ =	sdelay $0x1  }
0x1fd: {  	(erf) = vrcp.f32 v9;
	_ =	sdelay $0x8  }
0x1fe: {  	v32 =	vpop (erf)  }
0x1ff: {  	v11 =	vmul.f32 v32, v24;
	_ =	sdelay $0x1  }
0x200: {  	v9 =	vadd.f32 v11, v9;
	_ =	sdelay $0x1  }
0x201: {  	v9 =	vmul.f32 $5.000000000e-01, v9;
	_ =	sdelay $0x1  }
0x202: {  	(erf) = vrcp.f32 v9;
	_ =	sdelay $0x8  }
0x203: {  	v33 =	vpop (erf)  }
0x204: {  	v10 =	vmul.f32 v33, v24;
	_ =	sdelay $0x1  }
0x205: {  	v9 =	vadd.f32 v10, v9;
	_ =	sdelay $0x1  }
0x206: {  	v9 =	vmul.f32 $5.000000000e-01, v9;
	_ =	sdelay $0x1  }
0x207: {  	(erf) = vrcp.f32 v9;
	_ =	sdelay $0x2  }
0x208: {  	[tilespmem:s4+$0x1DC80] =	vst v2  }
0x209: {  	[tilespmem:s4+$0x1DC90] =	vst v3  }
0x20a: {  	[tilespmem:s4+$0x1DCA0] =	vst v4  }
0x20b: {  	[tilespmem:s4+$0x1DCB0] =	vst v5  }
0x20c: {  	[tilespmem:s4+$0x1DCC0] =	vst v6  }
0x20d: {  	[tilespmem:s4+$0x1DCD0] =	vst v7  }
0x20e: {  	[tilespmem:s4+$0x1DCE0] =	vst v8;
	v2 =	vpop (erf)  }
0x20f: {  	[tilespmem:s4+$0x1DCF0] =	vst v2;
	v2 =	vmov s21  }
0x210: {  	[spmem:s30] =	stream.linear.scatter [tilespmem:s21], [sflag:$0xA], $0x80, $0x38;
	[tilespmem:$0x1DE00] =	vst v63  }
0x211: {  	_ =	swait.ge [sflag:s20], $0x80  }
0x212: {  	[sflag:s20] =	ssyncset.done $0x0  }
0x213: {  	s28 =	simm.s32 $0x0;
	[sflag:s20] =	ssyncadd.s32 $0xFFFFFF80  }
0x214: {  	v3 =	vld.idx.msk [tilespmem:v2+s28+$0x0 ss:$0x1], $0xffff;
	_ =	sdelay $0x1  }
0x215: {  	s30 =	sshll.u32 s26, $0xB  }
0x216: {  	s4 =	sadd.s32 $0x1CD00, s30  }
0x217: {  	v34 =	vld [tilespmem:s4+$0xFFFFFF80]  }
0x218: {  	v35 =	vld [tilespmem:s4+$0xFFFFFF90];
	v38 =	vbroadcast v3, $0x0;
	v39 =	vbroadcast v3, $0x1  }
0x219: {  	v36 =	vld [tilespmem:s4+$0xFFFFFFA0];
	v12 =	vbroadcast v3, $0x2;
	v42 =	vbroadcast v3, $0x3  }
0x21a: {  	v37 =	vld [tilespmem:s4+$0xFFFFFFB0];
	v44 =	vbroadcast v3, $0x4;
	v45 =	vbroadcast v3, $0x5  }
0x21b: {  	v41 =	vld [tilespmem:s4+$0xFFFFFFD0];
	v14 =	vbroadcast v3, $0x6;
	v48 =	vbroadcast v3, $0x7  }
0x21c: {  	v43 =	vld [tilespmem:s4+$0xFFFFFFE0];
	v51 =	vbroadcast v3, $0x8;
	v4 =	vmul.f32 v38, v34  }
0x21d: {  	v47 =	vld [tilespmem:s4+$0x10];
	v52 =	vbroadcast v3, $0x9;
	v5 =	vmul.f32 v35, v39  }
0x21e: {  	v49 =	vld [tilespmem:s4+$0x20];
	v55 =	vbroadcast v3, $0xA;
	v6 =	vmul.f32 v36, v12;
	[tilespmem:s4+$0xFFFFFF80] =	vst v4  }
0x21f: {  	v58 =	vld [tilespmem:s4+$0x60];
	v56 =	vbroadcast v3, $0xB;
	v7 =	vmul.f32 v37, v42;
	[tilespmem:s4+$0xFFFFFF90] =	vst v5  }
0x220: {  	v59 =	vld [tilespmem:s4+$0x70];
	v60 =	vbroadcast v3, $0xC;
	v8 =	vmul.f32 v41, v45;
	[tilespmem:s4+$0xFFFFFFA0] =	vst v6  }
0x221: {  	v40 =	vld [tilespmem:s4+$0xFFFFFFC0];
	v61 =	vbroadcast v3, $0xD;
	v9 =	vmul.f32 v43, v14;
	[tilespmem:s4+$0xFFFFFFB0] =	vst v7  }
0x222: {  	v13 =	vld [tilespmem:s4+$0xFFFFFFF0];
	v62 =	vbroadcast v3, $0xE;
	v57 =	vmul.f32 v47, v52;
	[tilespmem:s4+$0xFFFFFFD0] =	vst v8  }
0x223: {  	v50 =	vld [tilespmem:s4+$0x30];
	v3 =	vbroadcast v3, $0xF;
	v10 =	vmul.f32 v49, v55;
	[tilespmem:s4+$0xFFFFFFE0] =	vst v9  }
0x224: {  	v46 =	vld [tilespmem:s4+$0x0];
	v63 =	vmul.f32 v58, v62;
	[tilespmem:s4+$0x10] =	vst v57  }
0x225: {  	v54 =	vld [tilespmem:s4+$0x50];
	v3 =	vmul.f32 v59, v3;
	[tilespmem:s4+$0x20] =	vst v10  }
0x226: {  	v53 =	vld [tilespmem:s4+$0x40];
	v4 =	vmul.f32 v40, v44;
	[tilespmem:s4+$0x60] =	vst v63  }
0x227: {  	v6 =	vmul.f32 v13, v48;
	[tilespmem:s4+$0x70] =	vst v3  }
0x228: {  	v5 =	vmul.f32 v50, v56;
	[tilespmem:s4+$0xFFFFFFC0] =	vst v4  }
0x229: {  	v4 =	vmul.f32 v46, v51;
	[tilespmem:s4+$0xFFFFFFF0] =	vst v6  }
0x22a: {  	v7 =	vmul.f32 v54, v61;
	[tilespmem:s4+$0x30] =	vst v5  }
0x22b: {  	[tilespmem:s4+$0x0] =	vst v4;
	v4 =	vmul.f32 v53, v60  }
0x22c: {  	[tilespmem:s4+$0x50] =	vst v7  }
0x22d: {  	s5 =	simm.s32 $0x10;
	s26 =	simm.s32 $0x80;
	s0 =	sadd.s32 $0x1CC80, s30;
	[tilespmem:s4+$0x40] =	vst v4  }
.LBB2_14:
0x22e: {  	p0 =	sne.s32 s26, $0x1C0;
	v3 =	vld.idx.msk [tilespmem:v2+s5+$0x0 ss:$0x1], $0xffff;
	s4 =	sadd.s32 $0x100, s4  }
0x22f: {  	v4 =	vld [tilespmem:s4+$0xFFFFFFB0]  }
0x230: {  	v5 =	vld [tilespmem:s4+$0xFFFFFF90]  }
0x231: {  	v6 =	vld [tilespmem:s4+$0xFFFFFF80]  }
0x232: {  	v7 =	vld [tilespmem:s4+$0xFFFFFFA0]  }
0x233: {  	v8 =	vld [tilespmem:s4+$0xFFFFFFF0]  }
0x234: {  	v9 =	vbroadcast v3, $0x0;
	v10 =	vbroadcast v3, $0x1;
	v11 =	vld [tilespmem:s4+$0xFFFFFFD0]  }
0x235: {  	v12 =	vbroadcast v3, $0x2;
	v13 =	vbroadcast v3, $0x3;
	v14 =	vld [tilespmem:s4+$0xFFFFFFC0]  }
0x236: {  	v5 =	vmul.f32 v5, v10;
	v6 =	vmul.f32 v9, v6;
	v9 =	vld [tilespmem:s4+$0xFFFFFFE0]  }
0x237: {  	v4 =	vmul.f32 v4, v13;
	v7 =	vmul.f32 v7, v12;
	v10 =	vld [tilespmem:s4+$0x30]  }
0x238: {  	v12 =	vbroadcast v3, $0x5;
	[tilespmem:s4+$0xFFFFFF80] =	vst v6;
	v6 =	vbroadcast v3, $0x4;
	v13 =	vld [tilespmem:s4+$0x10]  }
0x239: {  	v15 =	vbroadcast v3, $0x7;
	[tilespmem:s4+$0xFFFFFF90] =	vst v5;
	v5 =	vbroadcast v3, $0x6;
	v16 =	vld [tilespmem:s4+$0x0]  }
0x23a: {  	[tilespmem:s4+$0xFFFFFFA0] =	vst v7;
	v6 =	vmul.f32 v14, v6;
	v7 =	vmul.f32 v11, v12;
	v11 =	vld [tilespmem:s4+$0x20]  }
0x23b: {  	[tilespmem:s4+$0xFFFFFFB0] =	vst v4;
	v4 =	vmul.f32 v9, v5;
	v5 =	vmul.f32 v8, v15;
	v8 =	vld [tilespmem:s4+$0x70]  }
0x23c: {  	v9 =	vbroadcast v3, $0x9;
	[tilespmem:s4+$0xFFFFFFC0] =	vst v6;
	v6 =	vbroadcast v3, $0x8;
	v12 =	vld [tilespmem:s4+$0x50]  }
0x23d: {  	v14 =	vbroadcast v3, $0xB;
	[tilespmem:s4+$0xFFFFFFD0] =	vst v7;
	v7 =	vbroadcast v3, $0xA;
	v15 =	vld [tilespmem:s4+$0x40]  }
0x23e: {  	[tilespmem:s4+$0xFFFFFFE0] =	vst v4;
	v4 =	vmul.f32 v16, v6;
	v6 =	vmul.f32 v13, v9;
	v9 =	vld [tilespmem:s4+$0x60]  }
0x23f: {  	[tilespmem:s4+$0xFFFFFFF0] =	vst v5;
	v5 =	vmul.f32 v11, v7;
	v7 =	vmul.f32 v10, v14  }
0x240: {  	v10 =	vbroadcast v3, $0xD;
	[tilespmem:s4+$0x0] =	vst v4;
	v4 =	vbroadcast v3, $0xC  }
0x241: {  	[tilespmem:s4+$0x10] =	vst v6;
	v6 =	vbroadcast v3, $0xE;
	v3 =	vbroadcast v3, $0xF  }
0x242: {  	[tilespmem:s4+$0x20] =	vst v5;
	v4 =	vmul.f32 v15, v4;
	v5 =	vmul.f32 v12, v10  }
.Ltmp5:
0x243: {  	[tilespmem:s4+$0x30] =	vst v7;
	v6 =	vmul.f32 v9, v6;
	v3 =	vmul.f32 v8, v3;
	(pc) =	sbr.rel @p0 .LBB2_14-.Ltmp5, $4  }
0x244: {  	[tilespmem:s4+$0x40] =	vst v4  }
0x245: {  	[tilespmem:s4+$0x50] =	vst v5  }
0x246: {  	[tilespmem:s4+$0x60] =	vst v6  }
0x247: {  	s5 =	sshra.s32 s26, $0x2;
	s26 =	sadd.s32 $0x40, s26;
	[tilespmem:s4+$0x70] =	vst v3  }
0x248: {  	_ =	sdelay $0x3  }
0x249: {  	v2 =	vld.idx.msk [tilespmem:v2+s5+$0x0 ss:$0x1], $0xffff  }
0x24a: {  	s4 =	sadd.s32 $0x100, s4  }
0x24b: {  	v3 =	vld [tilespmem:s4+$0xFFFFFF80]  }
0x24c: {  	v4 =	vld [tilespmem:s4+$0xFFFFFF90]  }
0x24d: {  	v5 =	vld [tilespmem:s4+$0xFFFFFFA0]  }
0x24e: {  	v6 =	vld [tilespmem:s4+$0xFFFFFFB0];
	v7 =	vbroadcast v2, $0x0  }
0x24f: {  	v10 =	vld [tilespmem:s4+$0xFFFFFFD0];
	v8 =	vbroadcast v2, $0x1  }
0x250: {  	v46 =	vld [tilespmem:s4+$0xFFFFFFE0];
	v11 =	vbroadcast v2, $0x2;
	v3 =	vmul.f32 v7, v3  }
0x251: {  	v9 =	vld [tilespmem:s4+$0xFFFFFFC0];
	v45 =	vbroadcast v2, $0x3;
	v4 =	vmul.f32 v4, v8  }
0x252: {  	v49 =	vld [tilespmem:s4+$0x10];
	v47 =	vbroadcast v2, $0x5;
	v5 =	vmul.f32 v5, v11;
	[tilespmem:s4+$0xFFFFFF80] =	vst v3  }
0x253: {  	v59 =	vld [tilespmem:s4+$0x60];
	v13 =	vbroadcast v2, $0x6;
	v6 =	vmul.f32 v6, v45;
	[tilespmem:s4+$0xFFFFFF90] =	vst v4  }
0x254: {  	v12 =	vld [tilespmem:s4+$0xFFFFFFF0];
	v7 =	vmul.f32 v10, v47;
	v3 =	vbroadcast v2, $0x4;
	[tilespmem:s4+$0xFFFFFFA0] =	vst v5  }
0x255: {  	v48 =	vld [tilespmem:s4+$0x0];
	v53 =	vbroadcast v2, $0x9;
	v8 =	vmul.f32 v46, v13;
	[tilespmem:s4+$0xFFFFFFB0] =	vst v6  }
0x256: {  	v52 =	vld [tilespmem:s4+$0x30];
	v62 =	vbroadcast v2, $0xE;
	[tilespmem:s4+$0xFFFFFFD0] =	vst v7;
	v3 =	vmul.f32 v9, v3  }
0x257: {  	v55 =	vld [tilespmem:s4+$0x50];
	v50 =	vbroadcast v2, $0x7;
	v58 =	vmul.f32 v49, v53;
	[tilespmem:s4+$0xFFFFFFE0] =	vst v8  }
0x258: {  	v51 =	vld [tilespmem:s4+$0x20];
	v63 =	vmul.f32 v59, v62;
	[tilespmem:s4+$0xFFFFFFC0] =	vst v3;
	v3 =	vbroadcast v2, $0x8  }
0x259: {  	v54 =	vld [tilespmem:s4+$0x40];
	v57 =	vbroadcast v2, $0xB;
	v5 =	vmul.f32 v12, v50;
	[tilespmem:s4+$0x10] =	vst v58  }
0x25a: {  	v60 =	vld [tilespmem:s4+$0x70];
	v61 =	vbroadcast v2, $0xD;
	[tilespmem:s4+$0x60] =	vst v63;
	v3 =	vmul.f32 v48, v3  }
0x25b: {  	v56 =	vbroadcast v2, $0xA;
	v4 =	vmul.f32 v52, v57;
	[tilespmem:s4+$0xFFFFFFF0] =	vst v5  }
0x25c: {  	v6 =	vmul.f32 v55, v61;
	[tilespmem:s4+$0x0] =	vst v3;
	v3 =	vbroadcast v2, $0xC  }
0x25d: {  	v9 =	vmul.f32 v51, v56;
	[tilespmem:s4+$0x30] =	vst v4;
	v2 =	vbroadcast v2, $0xF  }
0x25e: {  	[tilespmem:s4+$0x50] =	vst v6;
	v3 =	vmul.f32 v54, v3  }
0x25f: {  	s26 =	sadd.s32 s14, s25;
	[tilespmem:s4+$0x20] =	vst v9;
	v2 =	vmul.f32 v60, v2  }
0x260: {  	s30 =	sshll.u32 s25, $0x4;
	s5 =	sshll.u32 s26, $0x1;
	[tilespmem:s4+$0x40] =	vst v3  }
0x261: {  	p0 =	slt.u32 s23, $0x31;
	s28 =	sadd.s32 s11, s5;
	[tilespmem:s4+$0x70] =	vst v2;
	s4 =	sand.u32 $0x3FFFFFF0, s30  }
0x262: {  	[hbm4b:s28+s10] =	stream.linear.scatter [tilespmem:s0], [sflag:$0x9], $0x800, $0x38;
	[tilespmem:$0x1DE00] =	vst v63  }
.Ltmp6:
0x263: {  	s4 =	sadd.s32 s4, s3;
	(pc) =	sbr.rel @p0 .LBB2_11-.Ltmp6, $4  }
0x264: {  	[spmem:s4] =	stream.linear.scatter [tilespmem:s0], [sflag:$0xA], $0x800, $0x38;
	[tilespmem:$0x1DE00] =	vst v63  }
0x265: {  	_ =	swait.ge [sflag:s20], $0x800  }
0x266: {  	[sflag:s20] =	ssyncset.done $0x0  }
0x267: {  	s0 =	smov.u32 s23;
	[sflag:s20] =	ssyncadd.s32 $0xFFFFF800  }
0x268: {  	s0 =	simm.s32 $0x9  }
0x269: {  	_ =	swait.ge [sflag:s0], $0x800  }
0x26a: {  	[sflag:s0] =	ssyncset.done $0x0  }
0x26b: {  	[sflag:s0] =	ssyncadd.s32 $0xFFFFF800  }
0x26c: {  	[bflag:$0x0] =	sbarrier.arrive $0xFFFF  }
0x26d: {  	s23 =	simm.s32 $0x0;
	s21 =	simm.s32 $0x1A080;
	s25 =	rddreg [dreg:$0xd]  }
0x26e: {  	[tilespmem:s21], [sflag:$0x1] =	stream.linear.gather [hbm4b:s25+s23], $0x100, $0x38;
	[tilespmem:$0x1DE00] =	vst v63  }
.Ltmp7:
0x26f: {  	_ = 	snop;
	(pc) =	sbr.rel .LBB2_17-.Ltmp7, $4  }
0x270: {  	s10 =	smov.u32 s1;
	s26 =	simm.s32 $0x1A280;
	s28 =	rddreg [dreg:$0xe]  }
0x271: {  	[tilespmem:s26], [sflag:$0x1] =	stream.linear.gather [hbm4b:s28+s23], $0x100, $0x38;
	[tilespmem:$0x1DE00] =	vst v63  }
0x272: {  	s30 =	simm.s32 $0x1A480;
	s16 =	sor.u32 $0x100, s16;
	p0 =	por $0x1, $0x1  }
0x273: {  	[tilespmem:s30], [sflag:$0x1] =	stream.linear.gather [hbm4b:s22+s23], $0x100, $0x38;
	[tilespmem:$0x1DE00] =	vst v63  }
.LBB2_25:
0x274: {  	s23 =	sadd.s32 $0x1, s23  }
0x275: {  	p1 =	sne.s32 s23, $0x189  }
.Ltmp8:
0x276: {  	_ = 	snop;
	(pc) =	sbr.rel @!p1 .LBB2_26-.Ltmp8, $2  }
0x277: {  	_ =	sdelay $0x2  }
0x278: {  	p0 =	por !p0, !p0  }
.LBB2_17:
0x279: {  	p1 =	seq.s32 s23, $0x188  }
.Ltmp9:
0x27a: {  	_ = 	snop;
	(pc) =	sbr.rel @p1 .LBB2_21-.Ltmp9, $2  }
0x27b: {  	_ =	sdelay $0x2  }
0x27c: {  	s0 =	sand.u32 $0x1, s23  }
0x27d: {  	_ =	swait.ge [sflag:s24], $0x100  }
0x27e: {  	[sflag:s24] =	ssyncset.done $0x0  }
0x27f: {  	[sflag:s24] =	ssyncadd.s32 $0xFFFFFF00  }
0x280: {  	_ =	swait.ge [sflag:s24], $0x100  }
0x281: {  	p1 =	sgt.u32 s23, $0x186;
	[sflag:s24] =	ssyncset.done $0x0  }
0x282: {  	s4 =	sshll.u32 s0, $0x8;
	s5 =	sshll.u32 @!p1 s23, $0x8;
	[sflag:s24] =	ssyncadd.s32 $0xFFFFFF00  }
0x283: {  	s6 =	sxor.u32 @!p1 $0x100, s4;
	s5 =	sadd.s32 @!p1 s5, s16;
	_ =	swait.ge [sflag:s24], $0x100  }
0x284: {  	s17 =	simm.s32 @!p1 $0x0;
	s5 =	sshrl.u32 @!p1 s5, $0x3;
	[sflag:s24] =	ssyncset.done $0x0  }
0x285: {  	s7 =	sadd.s32 @!p1 $0x1A080, s6;
	s13 =	sadd.s32 @!p1 s10, s5;
	[sflag:s24] =	ssyncadd.s32 $0xFFFFFF00  }
0x286: {  	[tilespmem:s7], [sflag:$0x1] =	stream.linear.gather @!p1 [hbm4b:s13+s17], $0x100, $0x38;
	[tilespmem:$0x1DE00] =	vst v63  }
0x287: {  	s7 =	sadd.s32 @!p1 $0x1A280, s6;
	s13 =	sadd.s32 @!p1 s8, s5  }
0x288: {  	[tilespmem:s7], [sflag:$0x1] =	stream.linear.gather @!p1 [hbm4b:s13+s17], $0x100, $0x38;
	[tilespmem:$0x1DE00] =	vst v63  }
0x289: {  	p2 =	slt.u32 @!p1 s23, $0x2;
	s6 =	sadd.s32 @!p1 $0x1A480, s6;
	s5 =	sadd.s32 @!p1 s9, s5  }
0x28a: {  	[tilespmem:s6], [sflag:$0x1] =	stream.linear.gather @!p1 [hbm4b:s5+s17], $0x100, $0x38;
	[tilespmem:$0x1DE00] =	vst v63  }
0x28b: {  	p1 =	por p1, !p2  }
0x28c: {  	s5 =	sor.u32 @p1 $0x4, s0  }
0x28d: {  	s28 =	sshll.u32 s0, $0xC;
	s18 =	simm.s32 $0x0;
	_ =	swait.ge @p1 [sflag:s5], $0x800  }
0x28e: {  	s21 =	sor.u32 $0x20, s4;
	s22 =	sor.u32 $0x30, s4;
	[sflag:s5] =	ssyncset.done @p1 $0x0  }
0x28f: {  	s25 =	sor.u32 $0x40, s4;
	s26 =	sor.u32 $0x50, s4;
	[sflag:s5] =	ssyncadd.s32 @p1 $0xFFFFF800  }
0x290: {  	s30 =	sor.u32 $0x70, s4;
	s7 =	sor.u32 $0x60, s4;
	_ =	swait.ge @p1 [sflag:s5], $0x800  }
0x291: {  	s13 =	sor.u32 $0x2, s0;
	s17 =	sor.u32 $0x10, s4;
	[sflag:s5] =	ssyncset.done @p1 $0x0  }
0x292: {  	s6 =	sor.u32 $0x1AC80, s28;
	[sflag:s5] =	ssyncadd.s32 @p1 $0xFFFFF800;
	p1 =	por $0x1, $0x1  }
.LBB2_19:
0x293: {  	s5 =	sshll.u32 s18, $0x7  }
0x294: {  	s28 =	sor.u32 s4, s5  }
0x295: {  	v2 =	vld [tilespmem:s28+$0x1A080]  }
0x296: {  	v3 =	vld [tilespmem:s28+$0x1A280]  }
0x297: {  	v4 =	vld [tilespmem:s28+$0x1A480];
	_ =	sdelay $0x3  }
0x298: {  	vm0 =	veq.s32 v2, v3;
	[tilespmem:s28+$0x1A880] =	vst v3;
	v2 =	vadd.s32 v0, v2  }
0x299: {  	v4 =	vsel vm0, $0x0, v4;
	[tilespmem:s28+$0x1A680] =	vst v2  }
0x29a: {  	s1 =	sor.u32 s17, s5;
	[tilespmem:s28+$0x1AA80] =	vst v4  }
0x29b: {  	v2 =	vld [tilespmem:s1+$0x1A080]  }
0x29c: {  	v3 =	vld [tilespmem:s1+$0x1A280]  }
0x29d: {  	v4 =	vld [tilespmem:s1+$0x1A480];
	_ =	sdelay $0x3  }
0x29e: {  	vm9 =	veq.s32 v2, v3;
	[tilespmem:s28+$0x1A890] =	vst v3;
	v2 =	vadd.s32 v0, v2  }
0x29f: {  	v4 =	vsel vm9, $0x0, v4;
	[tilespmem:s28+$0x1A690] =	vst v2  }
0x2a0: {  	s1 =	sor.u32 s21, s5;
	[tilespmem:s28+$0x1AA90] =	vst v4  }
0x2a1: {  	v2 =	vld [tilespmem:s1+$0x1A080]  }
0x2a2: {  	v3 =	vld [tilespmem:s1+$0x1A280]  }
0x2a3: {  	v4 =	vld [tilespmem:s1+$0x1A480];
	_ =	sdelay $0x3  }
0x2a4: {  	vm10 =	veq.s32 v2, v3;
	[tilespmem:s28+$0x1A8A0] =	vst v3;
	v2 =	vadd.s32 v0, v2  }
0x2a5: {  	v4 =	vsel vm10, $0x0, v4;
	[tilespmem:s28+$0x1A6A0] =	vst v2  }
0x2a6: {  	s1 =	sor.u32 s22, s5;
	[tilespmem:s28+$0x1AAA0] =	vst v4  }
0x2a7: {  	v2 =	vld [tilespmem:s1+$0x1A080]  }
0x2a8: {  	v3 =	vld [tilespmem:s1+$0x1A280]  }
0x2a9: {  	v4 =	vld [tilespmem:s1+$0x1A480];
	_ =	sdelay $0x3  }
0x2aa: {  	vm11 =	veq.s32 v2, v3;
	[tilespmem:s28+$0x1A8B0] =	vst v3;
	v2 =	vadd.s32 v0, v2  }
0x2ab: {  	v4 =	vsel vm11, $0x0, v4;
	[tilespmem:s28+$0x1A6B0] =	vst v2  }
0x2ac: {  	s1 =	sor.u32 s25, s5;
	[tilespmem:s28+$0x1AAB0] =	vst v4  }
0x2ad: {  	v2 =	vld [tilespmem:s1+$0x1A080]  }
0x2ae: {  	v3 =	vld [tilespmem:s1+$0x1A280]  }
0x2af: {  	v4 =	vld [tilespmem:s1+$0x1A480];
	_ =	sdelay $0x3  }
0x2b0: {  	vm12 =	veq.s32 v2, v3;
	[tilespmem:s28+$0x1A8C0] =	vst v3;
	v2 =	vadd.s32 v0, v2  }
0x2b1: {  	v4 =	vsel vm12, $0x0, v4;
	[tilespmem:s28+$0x1A6C0] =	vst v2  }
0x2b2: {  	s1 =	sor.u32 s26, s5;
	[tilespmem:s28+$0x1AAC0] =	vst v4  }
0x2b3: {  	v2 =	vld [tilespmem:s1+$0x1A080]  }
0x2b4: {  	v3 =	vld [tilespmem:s1+$0x1A280]  }
0x2b5: {  	v4 =	vld [tilespmem:s1+$0x1A480];
	_ =	sdelay $0x3  }
0x2b6: {  	vm13 =	veq.s32 v2, v3;
	[tilespmem:s28+$0x1A8D0] =	vst v3;
	v2 =	vadd.s32 v0, v2  }
0x2b7: {  	v4 =	vsel vm13, $0x0, v4;
	[tilespmem:s28+$0x1A6D0] =	vst v2  }
0x2b8: {  	s1 =	sor.u32 s7, s5;
	[tilespmem:s28+$0x1AAD0] =	vst v4  }
0x2b9: {  	v2 =	vld [tilespmem:s1+$0x1A080]  }
0x2ba: {  	v3 =	vld [tilespmem:s1+$0x1A280]  }
0x2bb: {  	v4 =	vld [tilespmem:s1+$0x1A480];
	_ =	sdelay $0x3  }
0x2bc: {  	vm14 =	veq.s32 v2, v3;
	[tilespmem:s28+$0x1A8E0] =	vst v3;
	v2 =	vadd.s32 v0, v2  }
0x2bd: {  	v4 =	vsel vm14, $0x0, v4;
	[tilespmem:s28+$0x1A6E0] =	vst v2  }
0x2be: {  	s5 =	sor.u32 s30, s5;
	[tilespmem:s28+$0x1AAE0] =	vst v4  }
0x2bf: {  	v2 =	vld [tilespmem:s5+$0x1A080]  }
0x2c0: {  	v3 =	vld [tilespmem:s5+$0x1A280]  }
0x2c1: {  	v4 =	vld [tilespmem:s5+$0x1A480];
	_ =	sdelay $0x2  }
0x2c2: {  	p2 =	por p1, p1  }
.Ltmp10:
0x2c3: {  	s5 =	sshll.u32 s18, $0xB;
	vm15 =	veq.s32 v2, v3;
	[tilespmem:s28+$0x1A8F0] =	vst v3;
	v2 =	vadd.s32 v0, v2;
	(pc) =	sbr.rel @p2 .LBB2_19-.Ltmp10, $4  }
0x2c4: {  	s1 =	sand.u32 $0x3FFFF800, s5;
	v4 =	vsel vm15, $0x0, v4;
	[tilespmem:s28+$0x1A6F0] =	vst v2  }
0x2c5: {  	s18 =	sadd.s32 $0x1A680, s28;
	s1 =	sadd.s32 s1, s6;
	[tilespmem:s28+$0x1AAF0] =	vst v4  }
0x2c6: {  	[tilespmem:s1], [sflag:s13] =	stream.indirect.gather [hbm4b:s11+s31], $0x10, s18, s31, $0xb8;
	[tilespmem:$0x1DE00] =	vst v63  }
0x2c7: {  	p1 =	por $0x0, $0x0;
	s18 =	simm.s32 $0x1  }
0x2c8: {  	p1 =	seq.s32 s23, $0x0  }
.Ltmp11:
0x2c9: {  	_ = 	snop;
	(pc) =	sbr.rel @p1 .LBB2_25-.Ltmp11, $1  }
0x2ca: {  	_ =	sdelay $0x3  }
.LBB2_21:
0x2cb: {  	s1 =	sxor.u32 $0x1, s0;
	s4 =	simm.s32 $0x1  }
0x2cc: {  	p2 =	por $0x1, $0x1;
	s0 =	sor.u32 $0x2, s1;
	s4 =	simm.s32 @!p0 $0x0  }
0x2cd: {  	s26 =	sshll.u32 s1, $0xC;
	s28 =	sshll.u32 s1, $0x8;
	_ =	swait.ge [sflag:s0], $0x800  }
0x2ce: {  	s17 =	sor.u32 $0x4, s1;
	s5 =	sshll.u32 s4, $0xA;
	[sflag:s0] =	ssyncset.done $0x0  }
0x2cf: {  	s6 =	sshll.u32 s4, $0xE;
	s4 =	sor.u32 $0x1A880, s28;
	[sflag:s0] =	ssyncadd.s32 $0xFFFFF800  }
0x2d0: {  	s5 =	sshrl.u32 s5, $0x2;
	s30 =	sshrl.u32 s6, $0x2;
	_ =	swait.ge [sflag:s0], $0x800  }
0x2d1: {  	s21 =	sadd.s32 $0x1AA80, s5;
	s22 =	sadd.s32 $0x1AD00, s30;
	[sflag:s0] =	ssyncset.done $0x0  }
0x2d2: {  	s5 =	simm.s32 $0x0;
	[sflag:s0] =	ssyncadd.s32 $0xFFFFF800;
	s0 =	sor.u32 $0x1AC80, s26  }
.LBB2_22:
0x2d3: {  	s1 =	sshll.u32 s5, $0x9  }
0x2d4: {  	s25 =	sshrl.u32 s1, $0x2  }
0x2d5: {  	s1 =	sadd.s32 s25, s21  }
0x2d6: {  	v2 =	vmov s1;
	_ =	sdelay $0x3  }
0x2d7: {  	s6 =	simm.s32 $0x0  }
0x2d8: {  	v3 =	vld.idx.msk [tilespmem:v2+s6+$0x0 ss:$0x1], $0xffff;
	_ =	sdelay $0x1  }
0x2d9: {  	s28 =	sshll.u32 s5, $0xB  }
0x2da: {  	s5 =	sand.u32 $0x3FFFF800, s28  }
0x2db: {  	s30 =	sadd.s32 s5, s22  }
0x2dc: {  	v4 =	vld [tilespmem:s30+$0xFFFFFF80];
	v8 =	vbroadcast v3, $0x0  }
0x2dd: {  	v5 =	vld [tilespmem:s30+$0xFFFFFF90];
	v9 =	vbroadcast v3, $0x1;
	v12 =	vbroadcast v3, $0x2  }
0x2de: {  	v6 =	vld [tilespmem:s30+$0xFFFFFFA0];
	v42 =	vbroadcast v3, $0x3;
	v44 =	vbroadcast v3, $0x4  }
0x2df: {  	v7 =	vld [tilespmem:s30+$0xFFFFFFB0];
	v45 =	vbroadcast v3, $0x5;
	v14 =	vbroadcast v3, $0x6  }
0x2e0: {  	v11 =	vld [tilespmem:s30+$0xFFFFFFD0];
	v48 =	vbroadcast v3, $0x7;
	v51 =	vbroadcast v3, $0x8  }
0x2e1: {  	v43 =	vld [tilespmem:s30+$0xFFFFFFE0];
	v52 =	vbroadcast v3, $0x9;
	v4 =	vmul.f32 v8, v4  }
0x2e2: {  	v47 =	vld [tilespmem:s30+$0x10];
	v55 =	vbroadcast v3, $0xA;
	v5 =	vmul.f32 v5, v9  }
0x2e3: {  	v58 =	vld [tilespmem:s30+$0x60];
	v56 =	vbroadcast v3, $0xB;
	v6 =	vmul.f32 v6, v12;
	[tilespmem:s30+$0xFFFFFF80] =	vst v4  }
0x2e4: {  	v59 =	vld [tilespmem:s30+$0x70];
	v60 =	vbroadcast v3, $0xC;
	v7 =	vmul.f32 v7, v42;
	[tilespmem:s30+$0xFFFFFF90] =	vst v5  }
0x2e5: {  	v10 =	vld [tilespmem:s30+$0xFFFFFFC0];
	v61 =	vbroadcast v3, $0xD;
	v8 =	vmul.f32 v11, v45;
	[tilespmem:s30+$0xFFFFFFA0] =	vst v6  }
0x2e6: {  	v13 =	vld [tilespmem:s30+$0xFFFFFFF0];
	v62 =	vbroadcast v3, $0xE;
	v9 =	vmul.f32 v43, v14;
	[tilespmem:s30+$0xFFFFFFB0] =	vst v7  }
0x2e7: {  	v49 =	vld [tilespmem:s30+$0x20];
	v3 =	vbroadcast v3, $0xF;
	v57 =	vmul.f32 v47, v52;
	[tilespmem:s30+$0xFFFFFFD0] =	vst v8  }
0x2e8: {  	v50 =	vld [tilespmem:s30+$0x30];
	v63 =	vmul.f32 v58, v62;
	[tilespmem:s30+$0xFFFFFFE0] =	vst v9  }
0x2e9: {  	v46 =	vld [tilespmem:s30+$0x0];
	v3 =	vmul.f32 v59, v3;
	[tilespmem:s30+$0x10] =	vst v57  }
0x2ea: {  	v54 =	vld [tilespmem:s30+$0x50];
	v4 =	vmul.f32 v10, v44;
	[tilespmem:s30+$0x60] =	vst v63  }
0x2eb: {  	v53 =	vld [tilespmem:s30+$0x40];
	v6 =	vmul.f32 v13, v48;
	[tilespmem:s30+$0x70] =	vst v3  }
0x2ec: {  	v10 =	vmul.f32 v49, v55;
	[tilespmem:s30+$0xFFFFFFC0] =	vst v4  }
0x2ed: {  	v5 =	vmul.f32 v50, v56;
	[tilespmem:s30+$0xFFFFFFF0] =	vst v6  }
0x2ee: {  	v4 =	vmul.f32 v46, v51;
	[tilespmem:s30+$0x20] =	vst v10  }
0x2ef: {  	v7 =	vmul.f32 v54, v61;
	[tilespmem:s30+$0x30] =	vst v5  }
0x2f0: {  	[tilespmem:s30+$0x0] =	vst v4;
	v4 =	vmul.f32 v53, v60  }
0x2f1: {  	p1 =	por p2, p2;
	[tilespmem:s30+$0x50] =	vst v7  }
0x2f2: {  	s7 =	simm.s32 $0x80;
	s26 =	sadd.s32 s5, s0;
	s5 =	simm.s32 $0x10;
	[tilespmem:s30+$0x40] =	vst v4  }
.LBB2_23:
0x2f3: {  	p2 =	sne.s32 s7, $0x1C0;
	v3 =	vld.idx.msk [tilespmem:v2+s5+$0x0 ss:$0x1], $0xffff;
	s30 =	sadd.s32 $0x100, s30  }
0x2f4: {  	v4 =	vld [tilespmem:s30+$0xFFFFFFB0]  }
0x2f5: {  	v5 =	vld [tilespmem:s30+$0xFFFFFF90]  }
0x2f6: {  	v6 =	vld [tilespmem:s30+$0xFFFFFF80]  }
0x2f7: {  	v7 =	vld [tilespmem:s30+$0xFFFFFFA0]  }
0x2f8: {  	v8 =	vld [tilespmem:s30+$0xFFFFFFF0]  }
0x2f9: {  	v9 =	vbroadcast v3, $0x0;
	v10 =	vbroadcast v3, $0x1;
	v11 =	vld [tilespmem:s30+$0xFFFFFFD0]  }
0x2fa: {  	v12 =	vbroadcast v3, $0x2;
	v13 =	vbroadcast v3, $0x3;
	v14 =	vld [tilespmem:s30+$0xFFFFFFC0]  }
0x2fb: {  	v5 =	vmul.f32 v5, v10;
	v6 =	vmul.f32 v9, v6;
	v9 =	vld [tilespmem:s30+$0xFFFFFFE0]  }
0x2fc: {  	v4 =	vmul.f32 v4, v13;
	v7 =	vmul.f32 v7, v12;
	v10 =	vld [tilespmem:s30+$0x30]  }
0x2fd: {  	v12 =	vbroadcast v3, $0x5;
	[tilespmem:s30+$0xFFFFFF80] =	vst v6;
	v6 =	vbroadcast v3, $0x4;
	v13 =	vld [tilespmem:s30+$0x10]  }
0x2fe: {  	v15 =	vbroadcast v3, $0x7;
	[tilespmem:s30+$0xFFFFFF90] =	vst v5;
	v5 =	vbroadcast v3, $0x6;
	v16 =	vld [tilespmem:s30+$0x0]  }
0x2ff: {  	[tilespmem:s30+$0xFFFFFFA0] =	vst v7;
	v6 =	vmul.f32 v14, v6;
	v7 =	vmul.f32 v11, v12;
	v11 =	vld [tilespmem:s30+$0x20]  }
0x300: {  	[tilespmem:s30+$0xFFFFFFB0] =	vst v4;
	v4 =	vmul.f32 v9, v5;
	v5 =	vmul.f32 v8, v15;
	v8 =	vld [tilespmem:s30+$0x70]  }
0x301: {  	v9 =	vbroadcast v3, $0x9;
	[tilespmem:s30+$0xFFFFFFC0] =	vst v6;
	v6 =	vbroadcast v3, $0x8;
	v12 =	vld [tilespmem:s30+$0x50]  }
0x302: {  	v14 =	vbroadcast v3, $0xB;
	[tilespmem:s30+$0xFFFFFFD0] =	vst v7;
	v7 =	vbroadcast v3, $0xA;
	v15 =	vld [tilespmem:s30+$0x40]  }
0x303: {  	[tilespmem:s30+$0xFFFFFFE0] =	vst v4;
	v4 =	vmul.f32 v16, v6;
	v6 =	vmul.f32 v13, v9;
	v9 =	vld [tilespmem:s30+$0x60]  }
0x304: {  	[tilespmem:s30+$0xFFFFFFF0] =	vst v5;
	v5 =	vmul.f32 v11, v7;
	v7 =	vmul.f32 v10, v14  }
0x305: {  	v10 =	vbroadcast v3, $0xD;
	[tilespmem:s30+$0x0] =	vst v4;
	v4 =	vbroadcast v3, $0xC  }
0x306: {  	[tilespmem:s30+$0x10] =	vst v6;
	v6 =	vbroadcast v3, $0xE;
	v3 =	vbroadcast v3, $0xF  }
0x307: {  	[tilespmem:s30+$0x20] =	vst v5;
	v4 =	vmul.f32 v15, v4;
	v5 =	vmul.f32 v12, v10  }
.Ltmp12:
0x308: {  	[tilespmem:s30+$0x30] =	vst v7;
	v6 =	vmul.f32 v9, v6;
	v3 =	vmul.f32 v8, v3;
	(pc) =	sbr.rel @p2 .LBB2_23-.Ltmp12, $4  }
0x309: {  	[tilespmem:s30+$0x40] =	vst v4  }
0x30a: {  	[tilespmem:s30+$0x50] =	vst v5  }
0x30b: {  	[tilespmem:s30+$0x60] =	vst v6  }
0x30c: {  	s5 =	sshra.s32 s7, $0x2;
	s7 =	sadd.s32 $0x40, s7;
	[tilespmem:s30+$0x70] =	vst v3  }
0x30d: {  	_ =	sdelay $0x3  }
0x30e: {  	v2 =	vld.idx.msk [tilespmem:v2+s5+$0x0 ss:$0x1], $0xffff  }
0x30f: {  	s30 =	sadd.s32 $0x100, s30  }
0x310: {  	v3 =	vld [tilespmem:s30+$0xFFFFFF80]  }
0x311: {  	v4 =	vld [tilespmem:s30+$0xFFFFFF90]  }
0x312: {  	v5 =	vld [tilespmem:s30+$0xFFFFFFA0]  }
0x313: {  	v6 =	vld [tilespmem:s30+$0xFFFFFFB0];
	v7 =	vbroadcast v2, $0x0  }
0x314: {  	v10 =	vld [tilespmem:s30+$0xFFFFFFD0];
	v8 =	vbroadcast v2, $0x1  }
0x315: {  	v46 =	vld [tilespmem:s30+$0xFFFFFFE0];
	v11 =	vbroadcast v2, $0x2;
	v3 =	vmul.f32 v7, v3  }
0x316: {  	v9 =	vld [tilespmem:s30+$0xFFFFFFC0];
	v45 =	vbroadcast v2, $0x3;
	v4 =	vmul.f32 v4, v8  }
0x317: {  	v49 =	vld [tilespmem:s30+$0x10];
	v47 =	vbroadcast v2, $0x5;
	v5 =	vmul.f32 v5, v11;
	[tilespmem:s30+$0xFFFFFF80] =	vst v3  }
0x318: {  	v59 =	vld [tilespmem:s30+$0x60];
	v13 =	vbroadcast v2, $0x6;
	v6 =	vmul.f32 v6, v45;
	[tilespmem:s30+$0xFFFFFF90] =	vst v4  }
0x319: {  	v12 =	vld [tilespmem:s30+$0xFFFFFFF0];
	v7 =	vmul.f32 v10, v47;
	v3 =	vbroadcast v2, $0x4;
	[tilespmem:s30+$0xFFFFFFA0] =	vst v5  }
0x31a: {  	v48 =	vld [tilespmem:s30+$0x0];
	v53 =	vbroadcast v2, $0x9;
	v8 =	vmul.f32 v46, v13;
	[tilespmem:s30+$0xFFFFFFB0] =	vst v6  }
0x31b: {  	v52 =	vld [tilespmem:s30+$0x30];
	v62 =	vbroadcast v2, $0xE;
	[tilespmem:s30+$0xFFFFFFD0] =	vst v7;
	v3 =	vmul.f32 v9, v3  }
0x31c: {  	v55 =	vld [tilespmem:s30+$0x50];
	v50 =	vbroadcast v2, $0x7;
	v58 =	vmul.f32 v49, v53;
	[tilespmem:s30+$0xFFFFFFE0] =	vst v8  }
0x31d: {  	v51 =	vld [tilespmem:s30+$0x20];
	v63 =	vmul.f32 v59, v62;
	[tilespmem:s30+$0xFFFFFFC0] =	vst v3;
	v3 =	vbroadcast v2, $0x8  }
0x31e: {  	v54 =	vld [tilespmem:s30+$0x40];
	v57 =	vbroadcast v2, $0xB;
	v5 =	vmul.f32 v12, v50;
	[tilespmem:s30+$0x10] =	vst v58  }
0x31f: {  	v60 =	vld [tilespmem:s30+$0x70];
	v61 =	vbroadcast v2, $0xD;
	[tilespmem:s30+$0x60] =	vst v63;
	v3 =	vmul.f32 v48, v3  }
0x320: {  	v56 =	vbroadcast v2, $0xA;
	v4 =	vmul.f32 v52, v57;
	[tilespmem:s30+$0xFFFFFFF0] =	vst v5  }
0x321: {  	v6 =	vmul.f32 v55, v61;
	[tilespmem:s30+$0x0] =	vst v3;
	v3 =	vbroadcast v2, $0xC  }
0x322: {  	v9 =	vmul.f32 v51, v56;
	[tilespmem:s30+$0x30] =	vst v4;
	v2 =	vbroadcast v2, $0xF  }
.Ltmp13:
0x323: {  	[tilespmem:s30+$0x50] =	vst v6;
	v3 =	vmul.f32 v54, v3;
	(pc) =	sbr.rel @p1 .LBB2_22-.Ltmp13, $4  }
.Ltmp14:
0x324: {  	[tilespmem:s30+$0x20] =	vst v9;
	v2 =	vmul.f32 v60, v2;
	(pc) =	sbr.rel @!p1 .LBB2_25-.Ltmp14, $4  }
0x325: {  	[tilespmem:s30+$0x40] =	vst v3  }
0x326: {  	s1 =	sadd.s32 s25, s4;
	s5 =	simm.s32 $0x1;
	p2 =	por $0x0, $0x0;
	[tilespmem:s30+$0x70] =	vst v2  }
0x327: {  	[spmem:s3] =	stream.indirect.scatter.add.f32 [tilespmem:s26], [sflag:s17], $0x10, s1, s31, $0xb8;
	[tilespmem:$0x1DE00] =	vst v63  }
0x328: {  	_ = 	snop  }
.LBB2_26:
0x329: {  	s0 =	simm.s32 $0x4  }
0x32a: {  	_ =	swait.ge [sflag:s0], $0x800  }
0x32b: {  	[sflag:s0] =	ssyncset.done $0x0  }
0x32c: {  	[sflag:s0] =	ssyncadd.s32 $0xFFFFF800  }
0x32d: {  	_ =	swait.ge [sflag:s0], $0x800  }
0x32e: {  	[sflag:s0] =	ssyncset.done $0x0  }
0x32f: {  	s28 =	simm.s32 $0x5;
	[sflag:s0] =	ssyncadd.s32 $0xFFFFF800  }
0x330: {  	_ =	swait.ge [sflag:s28], $0x800  }
0x331: {  	[sflag:s28] =	ssyncset.done $0x0  }
0x332: {  	[sflag:s28] =	ssyncadd.s32 $0xFFFFF800  }
0x333: {  	_ =	swait.ge [sflag:s28], $0x800  }
0x334: {  	[sflag:s28] =	ssyncset.done $0x0  }
0x335: {  	[sflag:s28] =	ssyncadd.s32 $0xFFFFF800  }
0x336: {  	[bflag:$0x0] =	sbarrier.arrive $0xFFFF  }
0x337: {  	s4 =	simm.s32 $0x0;
	p0 =	por $0x0, $0x0;
	s25 =	rddreg [dreg:$0xc]  }
0x338: {  	s22 =	simm.s32 $0x10;
	s1 =	rddreg [dreg:$0x9];
	s30 =	sshll.u32 s25, $0x5  }
0x339: {  	s23 =	simm.s32 $0x60;
	s18 =	rddreg [dreg:$0x6];
	s0 =	sor.u32 s1, s30  }
.LBB2_27:
0x33a: {  	s1 =	simm.s32 $0x1;
	s5 =	sshll.u32 s4, $0x7;
	p1 =	slt.u32 s4, $0x2  }
0x33b: {  	s6 =	sand.u32 $0x1, s4;
	s17 =	sadd.s32 s12, s5;
	s5 =	simm.s32 @!p1 $0x9  }
0x33c: {  	s1 =	simm.s32 @!p0 $0x0;
	_ =	swait.ge @!p1 [sflag:s5], $0x800;
	s7 =	sshll.u32 s17, $0x4  }
0x33d: {  	s13 =	sshll.u32 s6, $0xB;
	[sflag:s5] =	ssyncset.done @!p1 $0x0;
	s7 =	sand.u32 $0x3FFFFFF0, s7  }
0x33e: {  	s16 =	sadd.s32 $0x1CC80, s13;
	[sflag:s5] =	ssyncadd.s32 @!p1 $0xFFFFF800;
	s21 =	sadd.s32 s7, s3  }
0x33f: {  	[tilespmem:s16], [sflag:$0xA] =	stream.linear.gather [spmem:s21], $0x800, $0x38;
	[tilespmem:$0x1DE00] =	vst v63  }
0x340: {  	s26 =	sshll.u32 s1, $0x7;
	_ =	swait.ge [sflag:s20], $0x800  }
0x341: {  	s6 =	sshll.u32 s6, $0x7;
	s5 =	sadd.s32 $0x1DC80, s26;
	[sflag:s20] =	ssyncset.done $0x0  }
0x342: {  	s6 =	sadd.s32 $0x1DC80, s6;
	s28 =	sadd.s32 s17, s2;
	v2 =	vmov s5;
	[sflag:s20] =	ssyncadd.s32 $0xFFFFF800  }
0x343: {  	[tilespmem:s6], [sflag:$0xA] =	stream.linear.gather [spmem:s28], $0x80, $0x38;
	[tilespmem:$0x1DE00] =	vst v63  }
0x344: {  	_ =	swait.ge [sflag:s20], $0x80  }
0x345: {  	[sflag:s20] =	ssyncset.done $0x0  }
0x346: {  	s30 =	simm.s32 $0x0;
	[sflag:s20] =	ssyncadd.s32 $0xFFFFFF80  }
0x347: {  	v3 =	vld.idx.msk [tilespmem:v2+s30+$0x0 ss:$0x1], $0xffff;
	_ =	sdelay $0x2  }
0x348: {  	s1 =	sshll.u32 s1, $0xB  }
0x349: {  	s21 =	sadd.s32 $0x1CD00, s1  }
0x34a: {  	v4 =	vld [tilespmem:s21+$0xFFFFFF80];
	v8 =	vbroadcast v3, $0x0  }
0x34b: {  	v5 =	vld [tilespmem:s21+$0xFFFFFF90];
	v9 =	vbroadcast v3, $0x1;
	v12 =	vbroadcast v3, $0x2  }
0x34c: {  	v6 =	vld [tilespmem:s21+$0xFFFFFFA0];
	v42 =	vbroadcast v3, $0x3;
	v44 =	vbroadcast v3, $0x4  }
0x34d: {  	v7 =	vld [tilespmem:s21+$0xFFFFFFB0];
	v45 =	vbroadcast v3, $0x5;
	v14 =	vbroadcast v3, $0x6  }
0x34e: {  	v11 =	vld [tilespmem:s21+$0xFFFFFFD0];
	v48 =	vbroadcast v3, $0x7;
	v51 =	vbroadcast v3, $0x8  }
0x34f: {  	v43 =	vld [tilespmem:s21+$0xFFFFFFE0];
	v52 =	vbroadcast v3, $0x9;
	v4 =	vmul.f32 v8, v4  }
0x350: {  	v47 =	vld [tilespmem:s21+$0x10];
	v55 =	vbroadcast v3, $0xA;
	v5 =	vmul.f32 v5, v9  }
0x351: {  	v58 =	vld [tilespmem:s21+$0x60];
	v56 =	vbroadcast v3, $0xB;
	v6 =	vmul.f32 v6, v12;
	[tilespmem:s21+$0xFFFFFF80] =	vst v4  }
0x352: {  	v59 =	vld [tilespmem:s21+$0x70];
	v60 =	vbroadcast v3, $0xC;
	v7 =	vmul.f32 v7, v42;
	[tilespmem:s21+$0xFFFFFF90] =	vst v5  }
0x353: {  	v10 =	vld [tilespmem:s21+$0xFFFFFFC0];
	v61 =	vbroadcast v3, $0xD;
	v8 =	vmul.f32 v11, v45;
	[tilespmem:s21+$0xFFFFFFA0] =	vst v6  }
0x354: {  	v13 =	vld [tilespmem:s21+$0xFFFFFFF0];
	v62 =	vbroadcast v3, $0xE;
	v9 =	vmul.f32 v43, v14;
	[tilespmem:s21+$0xFFFFFFB0] =	vst v7  }
0x355: {  	v49 =	vld [tilespmem:s21+$0x20];
	v3 =	vbroadcast v3, $0xF;
	v57 =	vmul.f32 v47, v52;
	[tilespmem:s21+$0xFFFFFFD0] =	vst v8  }
0x356: {  	v50 =	vld [tilespmem:s21+$0x30];
	v63 =	vmul.f32 v58, v62;
	[tilespmem:s21+$0xFFFFFFE0] =	vst v9  }
0x357: {  	v46 =	vld [tilespmem:s21+$0x0];
	v3 =	vmul.f32 v59, v3;
	[tilespmem:s21+$0x10] =	vst v57  }
0x358: {  	v54 =	vld [tilespmem:s21+$0x50];
	v4 =	vmul.f32 v10, v44;
	[tilespmem:s21+$0x60] =	vst v63  }
0x359: {  	v53 =	vld [tilespmem:s21+$0x40];
	v6 =	vmul.f32 v13, v48;
	[tilespmem:s21+$0x70] =	vst v3  }
0x35a: {  	v10 =	vmul.f32 v49, v55;
	[tilespmem:s21+$0xFFFFFFC0] =	vst v4  }
0x35b: {  	v5 =	vmul.f32 v50, v56;
	[tilespmem:s21+$0xFFFFFFF0] =	vst v6  }
0x35c: {  	v4 =	vmul.f32 v46, v51;
	[tilespmem:s21+$0x20] =	vst v10  }
0x35d: {  	v7 =	vmul.f32 v54, v61;
	[tilespmem:s21+$0x30] =	vst v5  }
0x35e: {  	[tilespmem:s21+$0x0] =	vst v4;
	v4 =	vmul.f32 v53, v60  }
0x35f: {  	[tilespmem:s21+$0x50] =	vst v7  }
0x360: {  	s7 =	simm.s32 $0x80;
	s5 =	simm.s32 $0x10;
	[tilespmem:s21+$0x40] =	vst v4  }
.LBB2_28:
0x361: {  	p1 =	sne.s32 s7, $0x1C0;
	v3 =	vld.idx.msk [tilespmem:v2+s5+$0x0 ss:$0x1], $0xffff;
	s21 =	sadd.s32 $0x100, s21  }
0x362: {  	v4 =	vld [tilespmem:s21+$0xFFFFFFB0]  }
0x363: {  	v5 =	vld [tilespmem:s21+$0xFFFFFF90]  }
0x364: {  	v6 =	vld [tilespmem:s21+$0xFFFFFF80]  }
0x365: {  	v7 =	vld [tilespmem:s21+$0xFFFFFFA0]  }
0x366: {  	v8 =	vld [tilespmem:s21+$0xFFFFFFF0]  }
0x367: {  	v9 =	vbroadcast v3, $0x0;
	v10 =	vbroadcast v3, $0x1;
	v11 =	vld [tilespmem:s21+$0xFFFFFFD0]  }
0x368: {  	v12 =	vbroadcast v3, $0x2;
	v13 =	vbroadcast v3, $0x3;
	v14 =	vld [tilespmem:s21+$0xFFFFFFC0]  }
0x369: {  	v5 =	vmul.f32 v5, v10;
	v6 =	vmul.f32 v9, v6;
	v9 =	vld [tilespmem:s21+$0xFFFFFFE0]  }
0x36a: {  	v4 =	vmul.f32 v4, v13;
	v7 =	vmul.f32 v7, v12;
	v10 =	vld [tilespmem:s21+$0x30]  }
0x36b: {  	v12 =	vbroadcast v3, $0x5;
	[tilespmem:s21+$0xFFFFFF80] =	vst v6;
	v6 =	vbroadcast v3, $0x4;
	v13 =	vld [tilespmem:s21+$0x10]  }
0x36c: {  	v15 =	vbroadcast v3, $0x7;
	[tilespmem:s21+$0xFFFFFF90] =	vst v5;
	v5 =	vbroadcast v3, $0x6;
	v16 =	vld [tilespmem:s21+$0x0]  }
0x36d: {  	[tilespmem:s21+$0xFFFFFFA0] =	vst v7;
	v6 =	vmul.f32 v14, v6;
	v7 =	vmul.f32 v11, v12;
	v11 =	vld [tilespmem:s21+$0x20]  }
0x36e: {  	[tilespmem:s21+$0xFFFFFFB0] =	vst v4;
	v4 =	vmul.f32 v9, v5;
	v5 =	vmul.f32 v8, v15;
	v8 =	vld [tilespmem:s21+$0x70]  }
0x36f: {  	v9 =	vbroadcast v3, $0x9;
	[tilespmem:s21+$0xFFFFFFC0] =	vst v6;
	v6 =	vbroadcast v3, $0x8;
	v12 =	vld [tilespmem:s21+$0x50]  }
0x370: {  	v14 =	vbroadcast v3, $0xB;
	[tilespmem:s21+$0xFFFFFFD0] =	vst v7;
	v7 =	vbroadcast v3, $0xA;
	v15 =	vld [tilespmem:s21+$0x40]  }
0x371: {  	[tilespmem:s21+$0xFFFFFFE0] =	vst v4;
	v4 =	vmul.f32 v16, v6;
	v6 =	vmul.f32 v13, v9;
	v9 =	vld [tilespmem:s21+$0x60]  }
0x372: {  	[tilespmem:s21+$0xFFFFFFF0] =	vst v5;
	v5 =	vmul.f32 v11, v7;
	v7 =	vmul.f32 v10, v14  }
0x373: {  	v10 =	vbroadcast v3, $0xD;
	[tilespmem:s21+$0x0] =	vst v4;
	v4 =	vbroadcast v3, $0xC  }
0x374: {  	[tilespmem:s21+$0x10] =	vst v6;
	v6 =	vbroadcast v3, $0xE;
	v3 =	vbroadcast v3, $0xF  }
0x375: {  	[tilespmem:s21+$0x20] =	vst v5;
	v4 =	vmul.f32 v15, v4;
	v5 =	vmul.f32 v12, v10  }
.Ltmp15:
0x376: {  	[tilespmem:s21+$0x30] =	vst v7;
	v6 =	vmul.f32 v9, v6;
	v3 =	vmul.f32 v8, v3;
	(pc) =	sbr.rel @p1 .LBB2_28-.Ltmp15, $4  }
0x377: {  	[tilespmem:s21+$0x40] =	vst v4  }
0x378: {  	[tilespmem:s21+$0x50] =	vst v5  }
0x379: {  	[tilespmem:s21+$0x60] =	vst v6  }
0x37a: {  	s5 =	sshra.s32 s7, $0x2;
	s7 =	sadd.s32 $0x40, s7;
	[tilespmem:s21+$0x70] =	vst v3  }
0x37b: {  	_ =	sdelay $0x3  }
0x37c: {  	v2 =	vld.idx.msk [tilespmem:v2+s5+$0x0 ss:$0x1], $0xffff  }
0x37d: {  	s30 =	sadd.s32 $0x100, s21  }
0x37e: {  	v3 =	vld [tilespmem:s30+$0xFFFFFF80]  }
0x37f: {  	v4 =	vld [tilespmem:s30+$0xFFFFFF90]  }
0x380: {  	v5 =	vld [tilespmem:s30+$0xFFFFFFA0]  }
0x381: {  	v6 =	vld [tilespmem:s30+$0xFFFFFFB0];
	v7 =	vbroadcast v2, $0x0  }
0x382: {  	v10 =	vld [tilespmem:s30+$0xFFFFFFD0];
	v8 =	vbroadcast v2, $0x1  }
0x383: {  	v46 =	vld [tilespmem:s30+$0xFFFFFFE0];
	v11 =	vbroadcast v2, $0x2;
	v3 =	vmul.f32 v7, v3  }
0x384: {  	v9 =	vld [tilespmem:s30+$0xFFFFFFC0];
	v45 =	vbroadcast v2, $0x3;
	v4 =	vmul.f32 v4, v8  }
0x385: {  	v49 =	vld [tilespmem:s30+$0x10];
	v47 =	vbroadcast v2, $0x5;
	v5 =	vmul.f32 v5, v11;
	[tilespmem:s30+$0xFFFFFF80] =	vst v3  }
0x386: {  	v59 =	vld [tilespmem:s30+$0x60];
	v13 =	vbroadcast v2, $0x6;
	v6 =	vmul.f32 v6, v45;
	[tilespmem:s30+$0xFFFFFF90] =	vst v4  }
0x387: {  	v12 =	vld [tilespmem:s30+$0xFFFFFFF0];
	v7 =	vmul.f32 v10, v47;
	v3 =	vbroadcast v2, $0x4;
	[tilespmem:s30+$0xFFFFFFA0] =	vst v5  }
0x388: {  	v48 =	vld [tilespmem:s30+$0x0];
	v53 =	vbroadcast v2, $0x9;
	v8 =	vmul.f32 v46, v13;
	[tilespmem:s30+$0xFFFFFFB0] =	vst v6  }
0x389: {  	v52 =	vld [tilespmem:s30+$0x30];
	v62 =	vbroadcast v2, $0xE;
	[tilespmem:s30+$0xFFFFFFD0] =	vst v7;
	v3 =	vmul.f32 v9, v3  }
0x38a: {  	v55 =	vld [tilespmem:s30+$0x50];
	v50 =	vbroadcast v2, $0x7;
	v58 =	vmul.f32 v49, v53;
	[tilespmem:s30+$0xFFFFFFE0] =	vst v8  }
0x38b: {  	v51 =	vld [tilespmem:s30+$0x20];
	v63 =	vmul.f32 v59, v62;
	[tilespmem:s30+$0xFFFFFFC0] =	vst v3;
	v3 =	vbroadcast v2, $0x8  }
0x38c: {  	v54 =	vld [tilespmem:s30+$0x40];
	v57 =	vbroadcast v2, $0xB;
	v5 =	vmul.f32 v12, v50;
	[tilespmem:s30+$0x10] =	vst v58  }
0x38d: {  	v60 =	vld [tilespmem:s30+$0x70];
	v61 =	vbroadcast v2, $0xD;
	[tilespmem:s30+$0x60] =	vst v63;
	v3 =	vmul.f32 v48, v3  }
0x38e: {  	v56 =	vbroadcast v2, $0xA;
	v4 =	vmul.f32 v52, v57;
	[tilespmem:s30+$0xFFFFFFF0] =	vst v5  }
0x38f: {  	s4 =	sadd.s32 $0x1, s4;
	v6 =	vmul.f32 v55, v61;
	[tilespmem:s30+$0x0] =	vst v3;
	v3 =	vbroadcast v2, $0xC  }
0x390: {  	s1 =	smul.u32 $0x60, s17;
	p1 =	sne.s32 s4, $0x31;
	v9 =	vmul.f32 v51, v56;
	[tilespmem:s30+$0x30] =	vst v4;
	v2 =	vbroadcast v2, $0xF  }
.Ltmp16:
0x391: {  	[tilespmem:s30+$0x50] =	vst v6;
	v3 =	vmul.f32 v54, v3;
	(pc) =	sbr.rel @p1 .LBB2_27-.Ltmp16, $4  }
0x392: {  	s1 =	sadd.s32 s0, s1;
	[tilespmem:s30+$0x20] =	vst v9;
	v2 =	vmul.f32 v60, v2  }
0x393: {  	s1 =	sshrl.u32 s1, $0x3;
	[tilespmem:s30+$0x40] =	vst v3  }
0x394: {  	p0 =	por !p0, !p0;
	s1 =	sadd.s32 s18, s1;
	[tilespmem:s30+$0x70] =	vst v2  }
0x395: {  	[hbm4b:s1+s22] =	stream.strided.scatter [tilespmem:s16], [sflag:$0x9], $0x800, s23, s22, $0x38;
	[tilespmem:$0x1DE00] =	vst v63  }
0x396: {  	s0 =	simm.s32 $0x9  }
0x397: {  	_ =	swait.ge [sflag:s0], $0x800  }
0x398: {  	s25 =	sadd.s32 $0x1, s25;
	[sflag:s0] =	ssyncset.done $0x0  }
0x399: {  	p0 =	sne.s32 s25, $0x3;
	[sflag:s0] =	ssyncadd.s32 $0xFFFFF800  }
.Ltmp17:
0x39a: {  	_ =	swait.ge [sflag:s0], $0x800;
	(pc) =	sbr.rel @p0 .LBB2_2-.Ltmp17, $4  }
0x39b: {  	[sflag:s0] =	ssyncset.done $0x0  }
0x39c: {  	[sflag:s0] =	ssyncadd.s32 $0xFFFFF800  }
0x39d: {  	[bflag:$0x0] =	sbarrier.arrive $0xFFFF  }
0x39e: {  	s1 =	smov.u32 s10;
	s10 =	simm.s32 $0x0  }
0x39f: {  	s4 =	rddreg [dreg:$0xb]  }
0x3a0: {  	s0 =	rddreg [dreg:$0xa];
	s4 =	sadd.s32 $0x1, s4  }
0x3a1: {  	p0 =	sne.s32 s4, s0  }
.Ltmp18:
0x3a2: {  	_ = 	snop;
	(pc) =	sbr.rel @p0 .LBB2_1-.Ltmp18, $1  }
0x3a3: {  	_ =	sdelay $0x3  }
0x3a4: {  	_ =	sfence.sel $0x180000  }
0x3a5: {  	[bflag:$0x0] =	sbarrier.arrive $0xFFFF  }
0x3a6: {  	_ =	strace $0x90000047  }
0x3a7: {  	s0 =	stileid.u32;
	[bflag:$0x2] =	sbarrier.arrive $0xFFFF  }
0x3a8: {  	p0 =	sne.s32 s0, $0x0;
	s0 =	rddreg [dreg:$0x3]  }
0x3a9: {  	s0 =	sadd.s32 @!p0 $0x100000, s0  }
0x3aa: {  	[sflag:s0] =	ssyncadd.tile.s32 @!p0 $0x1;
	_ =	shalt  }
.Lfunc_end2:
_tile_overlayer_lowered:
.L_overlay_start_2:
0x3ab: {  	(tag) =	ssettag $0x2  }
0x3ac: {  	s0 =	rddreg [dreg:$0x0];
	s2 =	stileid.u32  }
0x3ad: {  	s1 =	rddreg [dreg:$0x1];
	p0 =	sne.s32 s2, $0x0  }
0x3ae: {  	s3 =	rddreg [dreg:$0x2];
	[bflag:$0x3] =	sbarrier.arrive $0xFFFF;
	s2 =	simm.s32 @!p0 $0x1C0A  }
0x3af: {  	[timem:s3], [sflag:s2] =	dma.local @!p0 [hbm:s0], s1  }
0x3b0: {  	s0 =	simm.s32 @!p0 $0xA  }
0x3b1: {  	_ =	swait.ge @!p0 [sflag:s0], s1  }
0x3b2: {  	s1 =	ssub.s32 @!p0 $0x0, s1;
	[sflag:s0] =	ssyncset.done @!p0 $0x0  }
0x3b3: {  	[sflag:s0] =	ssyncadd.s32 @!p0 s1  }
0x3b4: {  	[bflag:$0x3] =	sbarrier.arrive $0xFFFF  }
0x3b5: {  	_ =	shalt  }

</sc_bundles>
